<compile_context>
chip_gen: v7x
topology: tpu7x:2x2x1
jax: 0.10.2.dev20260603
libtpu: 0.0.44.dev20260713+nightly
codegen_flags: <defaults>
</compile_context>

<pallas_src>
import functools

import jax
import jax.numpy as jnp
from jax import lax
from jax.experimental import pallas as pl
from jax.experimental.pallas import tpu as pltpu
from jax.experimental.pallas import tpu_sc as plsc

N = 10000
NPAD = 10240
E = 320000
NFEAT = 128
NHID = 128
NCLASS = 47
CPAD = 48
BN_EPS = 1e-5

NC = 2
NS = 16
NW = NC * NS
K = 80
RPT = NPAD // NS
ZB = 40
NB_A = 5
NB_B = 5
PF_A = 4
PF_B = 4

CPT_A = E // NS // K
CPT_B = E // NW // K


def _fill(ref, rows, width, value):
  v = jnp.full((16,), value, ref.dtype)
  for r in range(rows):
    for j in range(width // 16):
      ref[r, pl.ds(j * 16, 16)] = v


def _segsum_feat_kernel():
  mesh = plsc.VectorSubcoreMesh(core_axis_name="c", subcore_axis_name="s")
  out_type = (jax.ShapeDtypeStruct((NPAD, NFEAT), jnp.float32),
              jax.ShapeDtypeStruct((NPAD, 16), jnp.float32))
  scratch = [
      pltpu.VMEM((CPT_A, K), jnp.int32),
      pltpu.VMEM((CPT_A, K), jnp.int32),
      pltpu.VMEM((NB_A, K, 64), jnp.float32),
      pltpu.VMEM((ZB, 64), jnp.float32),
      pltpu.VMEM((K, 16), jnp.float32),
      pltpu.VMEM((ZB, 16), jnp.float32),
      pltpu.VMEM_SHARED((NPAD, 64), jnp.float32),
      pltpu.VMEM_SHARED((NPAD, 16), jnp.float32),
  ] + [pltpu.SemaphoreType.DMA] * (2 * NB_A + 1)

  def body(feat2, src, dst, out, deg_out, sidx, didx, rows, zbuf, ones,
           dzbuf, acc, dacc, *sems):
    gsem = sems[:NB_A]
    ssem = sems[NB_A:2 * NB_A]
    dsem = sems[2 * NB_A]
    c = lax.axis_index("c")
    s = lax.axis_index("s")
    on_c0 = c == 0

    _fill(zbuf, ZB, 64, 0.0)
    _fill(ones, K, 16, 1.0)
    _fill(dzbuf, ZB, 16, 0.0)

    pltpu.sync_copy(src.at[pl.ds(s * CPT_A, CPT_A)], sidx)
    pltpu.sync_copy(dst.at[pl.ds(s * CPT_A, CPT_A)], didx)

    def xform(r, _):
      for j in range(K // 16):
        sl = pl.ds(j * 16, 16)
        sidx[r, sl] = sidx[r, sl] * 2 + c
      return 0

    lax.fori_loop(0, CPT_A, xform, 0)

    r0 = s * RPT

    def zero_loop(i, _):
      pltpu.sync_copy(zbuf, acc.at[pl.ds(r0 + i * ZB, ZB)])

      @pl.when(on_c0)
      def _():
        pltpu.sync_copy(dzbuf, dacc.at[pl.ds(r0 + i * ZB, ZB)])
      return 0

    lax.fori_loop(0, RPT // ZB, zero_loop, 0)
    plsc.subcore_barrier()

    for b in range(PF_A):
      pltpu.async_copy(feat2.at[sidx.at[b]], rows.at[b], gsem[b])

    def outer(g, _):
      for b in range(NB_A):
        cs = g * NB_A + b
        bg = (b + PF_A) % NB_A

        @pl.when(jnp.logical_and(cs >= NB_A - PF_A, cs < CPT_A - PF_A))
        def _():
          pltpu.make_async_copy(rows.at[bg], acc.at[didx.at[0]],
                                ssem[bg]).wait()

        @pl.when(cs < CPT_A - PF_A)
        def _():
          pltpu.async_copy(feat2.at[sidx.at[cs + PF_A]], rows.at[bg],
                           gsem[bg])

        pltpu.make_async_copy(feat2.at[sidx.at[cs]], rows.at[b],
                              gsem[b]).wait()
        pltpu.async_copy(rows.at[b], acc.at[didx.at[cs]], ssem[b], add=True)

        @pl.when(on_c0)
        def _():
          pltpu.async_copy(ones, dacc.at[didx.at[cs]], dsem, add=True)
      return 0

    lax.fori_loop(0, CPT_A // NB_A, outer, 0)

    for b in range(NB_A):
      pltpu.make_async_copy(rows.at[b], acc.at[didx.at[0]], ssem[b]).wait()

    @pl.when(on_c0)
    def _():
      def dloop(i, _):
        pltpu.make_async_copy(ones, dacc.at[didx.at[0]], dsem).wait()
        return 0
      lax.fori_loop(0, CPT_A, dloop, 0)

    plsc.subcore_barrier()

    pltpu.sync_copy(acc.at[pl.ds(r0, RPT)],
                    out.at[pl.ds(r0, RPT), pl.ds(c * 64, 64)])

    @pl.when(on_c0)
    def _():
      pltpu.sync_copy(dacc.at[pl.ds(r0, RPT)], deg_out.at[pl.ds(r0, RPT)])

  return pl.kernel(body, out_type=out_type, mesh=mesh,
                   scratch_types=tuple(scratch),
                   compiler_params=pltpu.CompilerParams(
                       use_tc_tiling_on_sc=False))


def _segsum_cls_kernel():
  mesh = plsc.VectorSubcoreMesh(core_axis_name="c", subcore_axis_name="s")
  out_type = jax.ShapeDtypeStruct((NC, NPAD, CPAD), jnp.float32)
  scratch = [
      pltpu.VMEM((CPT_B, K), jnp.int32),
      pltpu.VMEM((CPT_B, K), jnp.int32),
      pltpu.VMEM((NB_B, K, CPAD), jnp.float32),
      pltpu.VMEM((ZB, CPAD), jnp.float32),
      pltpu.VMEM_SHARED((NPAD, CPAD), jnp.float32),
  ] + [pltpu.SemaphoreType.DMA] * (2 * NB_B)

  def body(feat, src, dst, out, sidx, didx, rows, zbuf, acc, *sems):
    gsem = sems[:NB_B]
    ssem = sems[NB_B:2 * NB_B]
    c = lax.axis_index("c")
    s = lax.axis_index("s")
    w = c * NS + s

    _fill(zbuf, ZB, CPAD, 0.0)

    pltpu.sync_copy(src.at[pl.ds(w * CPT_B, CPT_B)], sidx)
    pltpu.sync_copy(dst.at[pl.ds(w * CPT_B, CPT_B)], didx)

    r0 = s * RPT

    def zero_loop(i, _):
      pltpu.sync_copy(zbuf, acc.at[pl.ds(r0 + i * ZB, ZB)])
      return 0

    lax.fori_loop(0, RPT // ZB, zero_loop, 0)
    plsc.subcore_barrier()

    for b in range(PF_B):
      pltpu.async_copy(feat.at[sidx.at[b]], rows.at[b], gsem[b])

    def outer(g, _):
      for b in range(NB_B):
        cs = g * NB_B + b
        bg = (b + PF_B) % NB_B

        @pl.when(jnp.logical_and(cs >= NB_B - PF_B, cs < CPT_B - PF_B))
        def _():
          pltpu.make_async_copy(rows.at[bg], acc.at[didx.at[0]],
                                ssem[bg]).wait()

        @pl.when(cs < CPT_B - PF_B)
        def _():
          pltpu.async_copy(feat.at[sidx.at[cs + PF_B]], rows.at[bg],
                           gsem[bg])

        pltpu.make_async_copy(feat.at[sidx.at[cs]], rows.at[b],
                              gsem[b]).wait()
        pltpu.async_copy(rows.at[b], acc.at[didx.at[cs]], ssem[b], add=True)
      return 0

    lax.fori_loop(0, CPT_B // NB_B, outer, 0)

    for b in range(NB_B):
      pltpu.make_async_copy(rows.at[b], acc.at[didx.at[0]], ssem[b]).wait()
    plsc.subcore_barrier()

    pltpu.sync_copy(acc.at[pl.ds(r0, RPT)], out.at[c, pl.ds(r0, RPT)])

  return pl.kernel(body, out_type=out_type, mesh=mesh,
                   scratch_types=tuple(scratch),
                   compiler_params=pltpu.CompilerParams(
                       use_tc_tiling_on_sc=False))


_segsum_feat = _segsum_feat_kernel()
_segsum_cls = _segsum_cls_kernel()

BR = 5120


def _bdot(a, b):
  return jax.lax.dot(a.astype(jnp.bfloat16), b.astype(jnp.bfloat16),
                     preferred_element_type=jnp.float32)


def _dense0_body(s0, degp, x, wl0, bl0, wr0, scale, shift, wl1, h_out, q_out):
  deg = degp[:, 0:1]
  mean = s0[...] / jnp.maximum(deg, 1.0)
  z = _bdot(mean, wl0[...]) + bl0[...] + _bdot(x[...], wr0[...])
  h = jnp.maximum(z * scale[...] + shift[...], 0.0)
  h_out[...] = h
  q_out[...] = _bdot(h, wl1[...])


def _dense0(s0, degp, x, wl0, bl0, wr0, scale, shift, wl1):
  grid = (NPAD // BR,)
  return pl.pallas_call(
      _dense0_body,
      grid=grid,
      in_specs=[
          pl.BlockSpec((BR, NFEAT), lambda i: (i, 0)),
          pl.BlockSpec((BR, 16), lambda i: (i, 0)),
          pl.BlockSpec((BR, NFEAT), lambda i: (i, 0)),
          pl.BlockSpec((NFEAT, NHID), lambda i: (0, 0)),
          pl.BlockSpec((1, NHID), lambda i: (0, 0)),
          pl.BlockSpec((NFEAT, NHID), lambda i: (0, 0)),
          pl.BlockSpec((1, NHID), lambda i: (0, 0)),
          pl.BlockSpec((1, NHID), lambda i: (0, 0)),
          pl.BlockSpec((NHID, CPAD), lambda i: (0, 0)),
      ],
      out_specs=[
          pl.BlockSpec((BR, NHID), lambda i: (i, 0)),
          pl.BlockSpec((BR, CPAD), lambda i: (i, 0)),
      ],
      out_shape=[
          jax.ShapeDtypeStruct((NPAD, NHID), jnp.float32),
          jax.ShapeDtypeStruct((NPAD, CPAD), jnp.float32),
      ],
  )(s0, degp, x, wl0, bl0, wr0, scale, shift, wl1)


def _dense1_body(s1p, degp, h, wr1, bl1, out):
  ssum = s1p[0] + s1p[1]
  deg = degp[:, 0:1]
  z = ssum / jnp.maximum(deg, 1.0) + bl1[...] + _bdot(h[...], wr1[...])
  mask = lax.broadcasted_iota(jnp.int32, (1, CPAD), 1) < NCLASS
  z = jnp.where(mask, z, -1e30)
  m = jnp.max(z, axis=1, keepdims=True)
  ez = jnp.exp(z - m)
  lse = jnp.log(jnp.sum(ez, axis=1, keepdims=True))
  out[...] = (z - m - lse)[:, :NCLASS]


def _dense1(s1p, degp, h, wr1, bl1):
  grid = (NPAD // BR,)
  return pl.pallas_call(
      _dense1_body,
      grid=grid,
      in_specs=[
          pl.BlockSpec((NC, BR, CPAD), lambda i: (0, i, 0)),
          pl.BlockSpec((BR, 16), lambda i: (i, 0)),
          pl.BlockSpec((BR, NHID), lambda i: (i, 0)),
          pl.BlockSpec((NHID, CPAD), lambda i: (0, 0)),
          pl.BlockSpec((1, CPAD), lambda i: (0, 0)),
      ],
      out_specs=pl.BlockSpec((BR, NCLASS), lambda i: (i, 0)),
      out_shape=jax.ShapeDtypeStruct((N, NCLASS), jnp.float32),
  )(s1p, degp, h, wr1, bl1)


def kernel(x, edge_index, W_l0, b_l0, W_r0, gamma0, beta0, W_l1, b_l1, W_r1):
  src = edge_index[0].reshape(E // K, K)
  dst = edge_index[1].reshape(E // K, K)
  x2 = x.reshape(2 * N, 64)
  s0, degp = _segsum_feat(x2, src, dst)

  scale = (gamma0 / jnp.sqrt(1.0 + BN_EPS)).reshape(1, NHID)
  shift = beta0.reshape(1, NHID)
  wl1 = jnp.pad(W_l1, ((0, 0), (0, CPAD - NCLASS)))
  xpad = jnp.pad(x, ((0, NPAD - N), (0, 0)))
  h, q = _dense0(s0, degp, xpad, W_l0, b_l0.reshape(1, NHID), W_r0,
                 scale, shift, wl1)

  s1p = _segsum_cls(q, src, dst)

  wr1 = jnp.pad(W_r1, ((0, 0), (0, CPAD - NCLASS)))
  bl1 = jnp.pad(b_l1, (0, CPAD - NCLASS)).reshape(1, CPAD)
  return _dense1(s1p, degp, h, wr1, bl1)

# --- scband reference (transcript-rebuilt; emitter-appended) ---
"""Pipeline reference for scband-sage-products-5257039970572 (READ-ONLY COPY).

The authoritative reference and input builder live on the scoring server;
editing this copy changes nothing except your own understanding.
"""

import jax, jax.numpy as jnp
import numpy as np

N = 10000
E = 320000
NFEAT = 128
NHID = 128
NCLASS = 47
BN_EPS = 1e-5


def setup_inputs(seed: int = 0) -> dict:
    key = jax.random.key(seed)
    ks = jax.random.split(key, 10)
    x = jax.random.normal(ks[0], (N, NFEAT), dtype=jnp.float32)
    edge_index = jax.random.randint(ks[1], (2, E), 0, N, dtype=jnp.int32)
    # SAGEConv layer 0 (nfeat -> nhid): lin_l (with bias) applied to aggregated, lin_r (no bias) to root
    W_l0 = jax.random.normal(ks[2], (NFEAT, NHID), dtype=jnp.float32) * (1.0 / np.sqrt(NFEAT))
    b_l0 = jnp.zeros((NHID,), dtype=jnp.float32)
    W_r0 = jax.random.normal(ks[3], (NFEAT, NHID), dtype=jnp.float32) * (1.0 / np.sqrt(NFEAT))
    # BatchNorm params (eval mode: running_mean=0, running_var=1)
    gamma0 = jnp.ones((NHID,), dtype=jnp.float32)
    beta0 = jnp.zeros((NHID,), dtype=jnp.float32)
    # conv_out (nhid -> nclass)
    W_l1 = jax.random.normal(ks[4], (NHID, NCLASS), dtype=jnp.float32) * (1.0 / np.sqrt(NHID))
    b_l1 = jnp.zeros((NCLASS,), dtype=jnp.float32)
    W_r1 = jax.random.normal(ks[5], (NHID, NCLASS), dtype=jnp.float32) * (1.0 / np.sqrt(NHID))
    return {"x": x, "edge_index": edge_index, "W_l0": W_l0, "b_l0": b_l0, "W_r0": W_r0,
            "gamma0": gamma0, "beta0": beta0, "W_l1": W_l1, "b_l1": b_l1, "W_r1": W_r1}


def _sage_conv(h, src, dst, W_l, b_l, W_r):
    # mean aggregation of source features onto destination nodes (PyG SAGEConv default)
    msg = h[src]
    summed = jax.ops.segment_sum(msg, dst, num_segments=N)
    deg = jax.ops.segment_sum(jnp.ones((E,), dtype=h.dtype), dst, num_segments=N)
    mean = summed / jnp.clip(deg, 1.0, None)[:, None]
    return mean @ W_l + b_l + h @ W_r


def reference(x, edge_index, W_l0, b_l0, W_r0, gamma0, beta0, W_l1, b_l1, W_r1):
    src = edge_index[0]
    dst = edge_index[1]
    h = _sage_conv(x, src, dst, W_l0, b_l0, W_r0)
    # BatchNorm1d in eval mode: running_mean=0, running_var=1
    h = (h / jnp.sqrt(1.0 + BN_EPS)) * gamma0 + beta0
    h = jax.nn.relu(h)
    # dropout is identity in eval mode
    h = _sage_conv(h, src, dst, W_l1, b_l1, W_r1)
    return jax.nn.log_softmax(h, axis=1)

if __name__ == "__main__":
    import jax
    _d = setup_inputs()
    print(jax.jit(kernel)(*tuple(_d.values())))

</pallas_src>

<mosaic_0001>
#map = affine_map<(d0, d1) -> (0, 0)>
#map1 = affine_map<(d0, d1) -> (0, 0, 0)>
module attributes {stable_mosaic.version = 14 : i64} {
  func.func @body(%arg0: i32, %arg1: i32, %arg2: memref<10240x48xf32, #tpu.memory_space<hbm>>, %arg3: memref<4000x80xi32, #tpu.memory_space<hbm>>, %arg4: memref<4000x80xi32, #tpu.memory_space<hbm>>, %arg5: memref<2x10240x48xf32, #tpu.memory_space<hbm>>, %arg6: memref<125x80xi32, #tpu.memory_space<vmem>>, %arg7: memref<125x80xi32, #tpu.memory_space<vmem>>, %arg8: memref<5x80x48xf32, #tpu.memory_space<vmem>>, %arg9: memref<40x48xf32, #tpu.memory_space<vmem>>, %arg10: memref<10240x48xf32, #tpu.memory_space<vmem_shared>>, %arg11: memref<!tpu.dma_semaphore, #tpu.memory_space<semaphore_mem>>, %arg12: memref<!tpu.dma_semaphore, #tpu.memory_space<semaphore_mem>>, %arg13: memref<!tpu.dma_semaphore, #tpu.memory_space<semaphore_mem>>, %arg14: memref<!tpu.dma_semaphore, #tpu.memory_space<semaphore_mem>>, %arg15: memref<!tpu.dma_semaphore, #tpu.memory_space<semaphore_mem>>, %arg16: memref<!tpu.dma_semaphore, #tpu.memory_space<semaphore_mem>>, %arg17: memref<!tpu.dma_semaphore, #tpu.memory_space<semaphore_mem>>, %arg18: memref<!tpu.dma_semaphore, #tpu.memory_space<semaphore_mem>>, %arg19: memref<!tpu.dma_semaphore, #tpu.memory_space<semaphore_mem>>, %arg20: memref<!tpu.dma_semaphore, #tpu.memory_space<semaphore_mem>>) attributes {dimension_semantics = [#tpu.dimension_semantics<core_parallel>, #tpu.dimension_semantics<subcore_parallel>], iteration_bounds = array<i64: 2, 16>, scalar_prefetch = 0 : i64, scratch_operands = 15 : i64, tpu.core_type = #tpu.core_type<sc_vector_subcore>, window_params = [{transform_indices = #map}, {transform_indices = #map}, {transform_indices = #map}, {transform_indices = #map1}]} {
    %mul3A = arith.constant 16 : i32
    %mul3A_0 = arith.muli %arg0, %mul3A : i32
    %add3A = arith.addi %mul3A_0, %arg1 : i32
    %broadcast_in_dim3A = arith.constant 0.000000e+00 : f32
    %broadcast_in_dim3A_1 = vector.broadcast %broadcast_in_dim3A : f32 to vector<16xf32>
    %swap3A = arith.constant 0 : i32
    %swap3A_2 = arith.index_cast %swap3A : i32 to index
    %swap3A_3 = arith.constant 0 : index
    %swap3A_4 = tpu.vector_load %arg9[%swap3A_2, %swap3A_3] {strides = array<i32>} : memref<40x48xf32, #tpu.memory_space<vmem>>, vector<1x16xf32>,
    %swap3A_5 = vector.shape_cast %swap3A_4 : vector<1x16xf32> to vector<16xf32>
    %swap3A_6 = vector.shape_cast %broadcast_in_dim3A_1 : vector<16xf32> to vector<1x16xf32>
    tpu.vector_store %arg9[%swap3A_2, %swap3A_3], %swap3A_6 {strides = array<i32>} : memref<40x48xf32, #tpu.memory_space<vmem>>, vector<1x16xf32>,
    %swap3A_7 = arith.constant 0 : i32
    %swap3A_8 = arith.index_cast %swap3A_7 : i32 to index
    %swap3A_9 = arith.constant 16 : index
    %swap3A_10 = tpu.vector_load %arg9[%swap3A_8, %swap3A_9] {strides = array<i32>} : memref<40x48xf32, #tpu.memory_space<vmem>>, vector<1x16xf32>,
    %swap3A_11 = vector.shape_cast %swap3A_10 : vector<1x16xf32> to vector<16xf32>
    %swap3A_12 = vector.shape_cast %broadcast_in_dim3A_1 : vector<16xf32> to vector<1x16xf32>
    tpu.vector_store %arg9[%swap3A_8, %swap3A_9], %swap3A_12 {strides = array<i32>} : memref<40x48xf32, #tpu.memory_space<vmem>>, vector<1x16xf32>,
    %swap3A_13 = arith.constant 0 : i32
    %swap3A_14 = arith.index_cast %swap3A_13 : i32 to index
    %swap3A_15 = arith.constant 32 : index
    %swap3A_16 = tpu.vector_load %arg9[%swap3A_14, %swap3A_15] {strides = array<i32>} : memref<40x48xf32, #tpu.memory_space<vmem>>, vector<1x16xf32>,
    %swap3A_17 = vector.shape_cast %swap3A_16 : vector<1x16xf32> to vector<16xf32>
    %swap3A_18 = vector.shape_cast %broadcast_in_dim3A_1 : vector<16xf32> to vector<1x16xf32>
    tpu.vector_store %arg9[%swap3A_14, %swap3A_15], %swap3A_18 {strides = array<i32>} : memref<40x48xf32, #tpu.memory_space<vmem>>, vector<1x16xf32>,
    %swap3A_19 = arith.constant 1 : i32
    %swap3A_20 = arith.index_cast %swap3A_19 : i32 to index
    %swap3A_21 = arith.constant 0 : index
    %swap3A_22 = tpu.vector_load %arg9[%swap3A_20, %swap3A_21] {strides = array<i32>} : memref<40x48xf32, #tpu.memory_space<vmem>>, vector<1x16xf32>,
    %swap3A_23 = vector.shape_cast %swap3A_22 : vector<1x16xf32> to vector<16xf32>
    %swap3A_24 = vector.shape_cast %broadcast_in_dim3A_1 : vector<16xf32> to vector<1x16xf32>
    tpu.vector_store %arg9[%swap3A_20, %swap3A_21], %swap3A_24 {strides = array<i32>} : memref<40x48xf32, #tpu.memory_space<vmem>>, vector<1x16xf32>,
    %swap3A_25 = arith.constant 1 : i32
    %swap3A_26 = arith.index_cast %swap3A_25 : i32 to index
    %swap3A_27 = arith.constant 16 : index
    %swap3A_28 = tpu.vector_load %arg9[%swap3A_26, %swap3A_27] {strides = array<i32>} : memref<40x48xf32, #tpu.memory_space<vmem>>, vector<1x16xf32>,
    %swap3A_29 = vector.shape_cast %swap3A_28 : vector<1x16xf32> to vector<16xf32>
    %swap3A_30 = vector.shape_cast %broadcast_in_dim3A_1 : vector<16xf32> to vector<1x16xf32>
    tpu.vector_store %arg9[%swap3A_26, %swap3A_27], %swap3A_30 {strides = array<i32>} : memref<40x48xf32, #tpu.memory_space<vmem>>, vector<1x16xf32>,
    %swap3A_31 = arith.constant 1 : i32
    %swap3A_32 = arith.index_cast %swap3A_31 : i32 to index
    %swap3A_33 = arith.constant 32 : index
    %swap3A_34 = tpu.vector_load %arg9[%swap3A_32, %swap3A_33] {strides = array<i32>} : memref<40x48xf32, #tpu.memory_space<vmem>>, vector<1x16xf32>,
    %swap3A_35 = vector.shape_cast %swap3A_34 : vector<1x16xf32> to vector<16xf32>
    %swap3A_36 = vector.shape_cast %broadcast_in_dim3A_1 : vector<16xf32> to vector<1x16xf32>
    tpu.vector_store %arg9[%swap3A_32, %swap3A_33], %swap3A_36 {strides = array<i32>} : memref<40x48xf32, #tpu.memory_space<vmem>>, vector<1x16xf32>,
    %swap3A_37 = arith.constant 2 : i32
    %swap3A_38 = arith.index_cast %swap3A_37 : i32 to index
    %swap3A_39 = arith.constant 0 : index
    %swap3A_40 = tpu.vector_load %arg9[%swap3A_38, %swap3A_39] {strides = array<i32>} : memref<40x48xf32, #tpu.memory_space<vmem>>, vector<1x16xf32>,
    %swap3A_41 = vector.shape_cast %swap3A_40 : vector<1x16xf32> to vector<16xf32>
    %swap3A_42 = vector.shape_cast %broadcast_in_dim3A_1 : vector<16xf32> to vector<1x16xf32>
    tpu.vector_store %arg9[%swap3A_38, %swap3A_39], %swap3A_42 {strides = array<i32>} : memref<40x48xf32, #tpu.memory_space<vmem>>, vector<1x16xf32>,
    %swap3A_43 = arith.constant 2 : i32
    %swap3A_44 = arith.index_cast %swap3A_43 : i32 to index
    %swap3A_45 = arith.constant 16 : index
    %swap3A_46 = tpu.vector_load %arg9[%swap3A_44, %swap3A_45] {strides = array<i32>} : memref<40x48xf32, #tpu.memory_space<vmem>>, vector<1x16xf32>,
    %swap3A_47 = vector.shape_cast %swap3A_46 : vector<1x16xf32> to vector<16xf32>
    %swap3A_48 = vector.shape_cast %broadcast_in_dim3A_1 : vector<16xf32> to vector<1x16xf32>
    tpu.vector_store %arg9[%swap3A_44, %swap3A_45], %swap3A_48 {strides = array<i32>} : memref<40x48xf32, #tpu.memory_space<vmem>>, vector<1x16xf32>,
    %swap3A_49 = arith.constant 2 : i32
    %swap3A_50 = arith.index_cast %swap3A_49 : i32 to index
    %swap3A_51 = arith.constant 32 : index
    %swap3A_52 = tpu.vector_load %arg9[%swap3A_50, %swap3A_51] {strides = array<i32>} : memref<40x48xf32, #tpu.memory_space<vmem>>, vector<1x16xf32>,
    %swap3A_53 = vector.shape_cast %swap3A_52 : vector<1x16xf32> to vector<16xf32>
    %swap3A_54 = vector.shape_cast %broadcast_in_dim3A_1 : vector<16xf32> to vector<1x16xf32>
    tpu.vector_store %arg9[%swap3A_50, %swap3A_51], %swap3A_54 {strides = array<i32>} : memref<40x48xf32, #tpu.memory_space<vmem>>, vector<1x16xf32>,
    %swap3A_55 = arith.constant 3 : i32
    %swap3A_56 = arith.index_cast %swap3A_55 : i32 to index
    %swap3A_57 = arith.constant 0 : index
    %swap3A_58 = tpu.vector_load %arg9[%swap3A_56, %swap3A_57] {strides = array<i32>} : memref<40x48xf32, #tpu.memory_space<vmem>>, vector<1x16xf32>,
    %swap3A_59 = vector.shape_cast %swap3A_58 : vector<1x16xf32> to vector<16xf32>
    %swap3A_60 = vector.shape_cast %broadcast_in_dim3A_1 : vector<16xf32> to vector<1x16xf32>
    tpu.vector_store %arg9[%swap3A_56, %swap3A_57], %swap3A_60 {strides = array<i32>} : memref<40x48xf32, #tpu.memory_space<vmem>>, vector<1x16xf32>,
    %swap3A_61 = arith.constant 3 : i32
    %swap3A_62 = arith.index_cast %swap3A_61 : i32 to index
    %swap3A_63 = arith.constant 16 : index
    %swap3A_64 = tpu.vector_load %arg9[%swap3A_62, %swap3A_63] {strides = array<i32>} : memref<40x48xf32, #tpu.memory_space<vmem>>, vector<1x16xf32>,
    %swap3A_65 = vector.shape_cast %swap3A_64 : vector<1x16xf32> to vector<16xf32>
    %swap3A_66 = vector.shape_cast %broadcast_in_dim3A_1 : vector<16xf32> to vector<1x16xf32>
    tpu.vector_store %arg9[%swap3A_62, %swap3A_63], %swap3A_66 {strides = array<i32>} : memref<40x48xf32, #tpu.memory_space<vmem>>, vector<1x16xf32>,
    %swap3A_67 = arith.constant 3 : i32
    %swap3A_68 = arith.index_cast %swap3A_67 : i32 to index
    %swap3A_69 = arith.constant 32 : index
    %swap3A_70 = tpu.vector_load %arg9[%swap3A_68, %swap3A_69] {strides = array<i32>} : memref<40x48xf32, #tpu.memory_space<vmem>>, vector<1x16xf32>,
    %swap3A_71 = vector.shape_cast %swap3A_70 : vector<1x16xf32> to vector<16xf32>
    %swap3A_72 = vector.shape_cast %broadcast_in_dim3A_1 : vector<16xf32> to vector<1x16xf32>
    tpu.vector_store %arg9[%swap3A_68, %swap3A_69], %swap3A_72 {strides = array<i32>} : memref<40x48xf32, #tpu.memory_space<vmem>>, vector<1x16xf32>,
    %swap3A_73 = arith.constant 4 : i32
    %swap3A_74 = arith.index_cast %swap3A_73 : i32 to index
    %swap3A_75 = arith.constant 0 : index
    %swap3A_76 = tpu.vector_load %arg9[%swap3A_74, %swap3A_75] {strides = array<i32>} : memref<40x48xf32, #tpu.memory_space<vmem>>, vector<1x16xf32>,
    %swap3A_77 = vector.shape_cast %swap3A_76 : vector<1x16xf32> to vector<16xf32>
    %swap3A_78 = vector.shape_cast %broadcast_in_dim3A_1 : vector<16xf32> to vector<1x16xf32>
    tpu.vector_store %arg9[%swap3A_74, %swap3A_75], %swap3A_78 {strides = array<i32>} : memref<40x48xf32, #tpu.memory_space<vmem>>, vector<1x16xf32>,
    %swap3A_79 = arith.constant 4 : i32
    %swap3A_80 = arith.index_cast %swap3A_79 : i32 to index
    %swap3A_81 = arith.constant 16 : index
    %swap3A_82 = tpu.vector_load %arg9[%swap3A_80, %swap3A_81] {strides = array<i32>} : memref<40x48xf32, #tpu.memory_space<vmem>>, vector<1x16xf32>,
    %swap3A_83 = vector.shape_cast %swap3A_82 : vector<1x16xf32> to vector<16xf32>
    %swap3A_84 = vector.shape_cast %broadcast_in_dim3A_1 : vector<16xf32> to vector<1x16xf32>
    tpu.vector_store %arg9[%swap3A_80, %swap3A_81], %swap3A_84 {strides = array<i32>} : memref<40x48xf32, #tpu.memory_space<vmem>>, vector<1x16xf32>,
    %swap3A_85 = arith.constant 4 : i32
    %swap3A_86 = arith.index_cast %swap3A_85 : i32 to index
    %swap3A_87 = arith.constant 32 : index
    %swap3A_88 = tpu.vector_load %arg9[%swap3A_86, %swap3A_87] {strides = array<i32>} : memref<40x48xf32, #tpu.memory_space<vmem>>, vector<1x16xf32>,
    %swap3A_89 = vector.shape_cast %swap3A_88 : vector<1x16xf32> to vector<16xf32>
    %swap3A_90 = vector.shape_cast %broadcast_in_dim3A_1 : vector<16xf32> to vector<1x16xf32>
    tpu.vector_store %arg9[%swap3A_86, %swap3A_87], %swap3A_90 {strides = array<i32>} : memref<40x48xf32, #tpu.memory_space<vmem>>, vector<1x16xf32>,
    %swap3A_91 = arith.constant 5 : i32
    %swap3A_92 = arith.index_cast %swap3A_91 : i32 to index
    %swap3A_93 = arith.constant 0 : index
    %swap3A_94 = tpu.vector_load %arg9[%swap3A_92, %swap3A_93] {strides = array<i32>} : memref<40x48xf32, #tpu.memory_space<vmem>>, vector<1x16xf32>,
    %swap3A_95 = vector.shape_cast %swap3A_94 : vector<1x16xf32> to vector<16xf32>
    %swap3A_96 = vector.shape_cast %broadcast_in_dim3A_1 : vector<16xf32> to vector<1x16xf32>
    tpu.vector_store %arg9[%swap3A_92, %swap3A_93], %swap3A_96 {strides = array<i32>} : memref<40x48xf32, #tpu.memory_space<vmem>>, vector<1x16xf32>,
    %swap3A_97 = arith.constant 5 : i32
    %swap3A_98 = arith.index_cast %swap3A_97 : i32 to index
    %swap3A_99 = arith.constant 16 : index
    %swap3A_100 = tpu.vector_load %arg9[%swap3A_98, %swap3A_99] {strides = array<i32>} : memref<40x48xf32, #tpu.memory_space<vmem>>, vector<1x16xf32>,
    %swap3A_101 = vector.shape_cast %swap3A_100 : vector<1x16xf32> to vector<16xf32>
    %swap3A_102 = vector.shape_cast %broadcast_in_dim3A_1 : vector<16xf32> to vector<1x16xf32>
    tpu.vector_store %arg9[%swap3A_98, %swap3A_99], %swap3A_102 {strides = array<i32>} : memref<40x48xf32, #tpu.memory_space<vmem>>, vector<1x16xf32>,
    %swap3A_103 = arith.constant 5 : i32
    %swap3A_104 = arith.index_cast %swap3A_103 : i32 to index
    %swap3A_105 = arith.constant 32 : index
    %swap3A_106 = tpu.vector_load %arg9[%swap3A_104, %swap3A_105] {strides = array<i32>} : memref<40x48xf32, #tpu.memory_space<vmem>>, vector<1x16xf32>,
    %swap3A_107 = vector.shape_cast %swap3A_106 : vector<1x16xf32> to vector<16xf32>
    %swap3A_108 = vector.shape_cast %broadcast_in_dim3A_1 : vector<16xf32> to vector<1x16xf32>
    tpu.vector_store %arg9[%swap3A_104, %swap3A_105], %swap3A_108 {strides = array<i32>} : memref<40x48xf32, #tpu.memory_space<vmem>>, vector<1x16xf32>,
    %swap3A_109 = arith.constant 6 : i32
    %swap3A_110 = arith.index_cast %swap3A_109 : i32 to index
    %swap3A_111 = arith.constant 0 : index
    %swap3A_112 = tpu.vector_load %arg9[%swap3A_110, %swap3A_111] {strides = array<i32>} : memref<40x48xf32, #tpu.memory_space<vmem>>, vector<1x16xf32>,
    %swap3A_113 = vector.shape_cast %swap3A_112 : vector<1x16xf32> to vector<16xf32>
    %swap3A_114 = vector.shape_cast %broadcast_in_dim3A_1 : vector<16xf32> to vector<1x16xf32>
    tpu.vector_store %arg9[%swap3A_110, %swap3A_111], %swap3A_114 {strides = array<i32>} : memref<40x48xf32, #tpu.memory_space<vmem>>, vector<1x16xf32>,
    %swap3A_115 = arith.constant 6 : i32
    %swap3A_116 = arith.index_cast %swap3A_115 : i32 to index
    %swap3A_117 = arith.constant 16 : index
    %swap3A_118 = tpu.vector_load %arg9[%swap3A_116, %swap3A_117] {strides = array<i32>} : memref<40x48xf32, #tpu.memory_space<vmem>>, vector<1x16xf32>,
    %swap3A_119 = vector.shape_cast %swap3A_118 : vector<1x16xf32> to vector<16xf32>
    %swap3A_120 = vector.shape_cast %broadcast_in_dim3A_1 : vector<16xf32> to vector<1x16xf32>
    tpu.vector_store %arg9[%swap3A_116, %swap3A_117], %swap3A_120 {strides = array<i32>} : memref<40x48xf32, #tpu.memory_space<vmem>>, vector<1x16xf32>,
    %swap3A_121 = arith.constant 6 : i32
    %swap3A_122 = arith.index_cast %swap3A_121 : i32 to index
    %swap3A_123 = arith.constant 32 : index
    %swap3A_124 = tpu.vector_load %arg9[%swap3A_122, %swap3A_123] {strides = array<i32>} : memref<40x48xf32, #tpu.memory_space<vmem>>, vector<1x16xf32>,
    %swap3A_125 = vector.shape_cast %swap3A_124 : vector<1x16xf32> to vector<16xf32>
    %swap3A_126 = vector.shape_cast %broadcast_in_dim3A_1 : vector<16xf32> to vector<1x16xf32>
    tpu.vector_store %arg9[%swap3A_122, %swap3A_123], %swap3A_126 {strides = array<i32>} : memref<40x48xf32, #tpu.memory_space<vmem>>, vector<1x16xf32>,
    %swap3A_127 = arith.constant 7 : i32
    %swap3A_128 = arith.index_cast %swap3A_127 : i32 to index
    %swap3A_129 = arith.constant 0 : index
    %swap3A_130 = tpu.vector_load %arg9[%swap3A_128, %swap3A_129] {strides = array<i32>} : memref<40x48xf32, #tpu.memory_space<vmem>>, vector<1x16xf32>,
    %swap3A_131 = vector.shape_cast %swap3A_130 : vector<1x16xf32> to vector<16xf32>
    %swap3A_132 = vector.shape_cast %broadcast_in_dim3A_1 : vector<16xf32> to vector<1x16xf32>
    tpu.vector_store %arg9[%swap3A_128, %swap3A_129], %swap3A_132 {strides = array<i32>} : memref<40x48xf32, #tpu.memory_space<vmem>>, vector<1x16xf32>,
    %swap3A_133 = arith.constant 7 : i32
    %swap3A_134 = arith.index_cast %swap3A_133 : i32 to index
    %swap3A_135 = arith.constant 16 : index
    %swap3A_136 = tpu.vector_load %arg9[%swap3A_134, %swap3A_135] {strides = array<i32>} : memref<40x48xf32, #tpu.memory_space<vmem>>, vector<1x16xf32>,
    %swap3A_137 = vector.shape_cast %swap3A_136 : vector<1x16xf32> to vector<16xf32>
    %swap3A_138 = vector.shape_cast %broadcast_in_dim3A_1 : vector<16xf32> to vector<1x16xf32>
    tpu.vector_store %arg9[%swap3A_134, %swap3A_135], %swap3A_138 {strides = array<i32>} : memref<40x48xf32, #tpu.memory_space<vmem>>, vector<1x16xf32>,
    %swap3A_139 = arith.constant 7 : i32
    %swap3A_140 = arith.index_cast %swap3A_139 : i32 to index
    %swap3A_141 = arith.constant 32 : index
    %swap3A_142 = tpu.vector_load %arg9[%swap3A_140, %swap3A_141] {strides = array<i32>} : memref<40x48xf32, #tpu.memory_space<vmem>>, vector<1x16xf32>,
    %swap3A_143 = vector.shape_cast %swap3A_142 : vector<1x16xf32> to vector<16xf32>
    %swap3A_144 = vector.shape_cast %broadcast_in_dim3A_1 : vector<16xf32> to vector<1x16xf32>
    tpu.vector_store %arg9[%swap3A_140, %swap3A_141], %swap3A_144 {strides = array<i32>} : memref<40x48xf32, #tpu.memory_space<vmem>>, vector<1x16xf32>,
    %swap3A_145 = arith.constant 8 : i32
    %swap3A_146 = arith.index_cast %swap3A_145 : i32 to index
    %swap3A_147 = arith.constant 0 : index
    %swap3A_148 = tpu.vector_load %arg9[%swap3A_146, %swap3A_147] {strides = array<i32>} : memref<40x48xf32, #tpu.memory_space<vmem>>, vector<1x16xf32>,
    %swap3A_149 = vector.shape_cast %swap3A_148 : vector<1x16xf32> to vector<16xf32>
    %swap3A_150 = vector.shape_cast %broadcast_in_dim3A_1 : vector<16xf32> to vector<1x16xf32>
    tpu.vector_store %arg9[%swap3A_146, %swap3A_147], %swap3A_150 {strides = array<i32>} : memref<40x48xf32, #tpu.memory_space<vmem>>, vector<1x16xf32>,
    %swap3A_151 = arith.constant 8 : i32
    %swap3A_152 = arith.index_cast %swap3A_151 : i32 to index
    %swap3A_153 = arith.constant 16 : index
    %swap3A_154 = tpu.vector_load %arg9[%swap3A_152, %swap3A_153] {strides = array<i32>} : memref<40x48xf32, #tpu.memory_space<vmem>>, vector<1x16xf32>,
    %swap3A_155 = vector.shape_cast %swap3A_154 : vector<1x16xf32> to vector<16xf32>
    %swap3A_156 = vector.shape_cast %broadcast_in_dim3A_1 : vector<16xf32> to vector<1x16xf32>
    tpu.vector_store %arg9[%swap3A_152, %swap3A_153], %swap3A_156 {strides = array<i32>} : memref<40x48xf32, #tpu.memory_space<vmem>>, vector<1x16xf32>,
    %swap3A_157 = arith.constant 8 : i32
    %swap3A_158 = arith.index_cast %swap3A_157 : i32 to index
    %swap3A_159 = arith.constant 32 : index
    %swap3A_160 = tpu.vector_load %arg9[%swap3A_158, %swap3A_159] {strides = array<i32>} : memref<40x48xf32, #tpu.memory_space<vmem>>, vector<1x16xf32>,
    %swap3A_161 = vector.shape_cast %swap3A_160 : vector<1x16xf32> to vector<16xf32>
    %swap3A_162 = vector.shape_cast %broadcast_in_dim3A_1 : vector<16xf32> to vector<1x16xf32>
    tpu.vector_store %arg9[%swap3A_158, %swap3A_159], %swap3A_162 {strides = array<i32>} : memref<40x48xf32, #tpu.memory_space<vmem>>, vector<1x16xf32>,
    %swap3A_163 = arith.constant 9 : i32
    %swap3A_164 = arith.index_cast %swap3A_163 : i32 to index
    %swap3A_165 = arith.constant 0 : index
    %swap3A_166 = tpu.vector_load %arg9[%swap3A_164, %swap3A_165] {strides = array<i32>} : memref<40x48xf32, #tpu.memory_space<vmem>>, vector<1x16xf32>,
    %swap3A_167 = vector.shape_cast %swap3A_166 : vector<1x16xf32> to vector<16xf32>
    %swap3A_168 = vector.shape_cast %broadcast_in_dim3A_1 : vector<16xf32> to vector<1x16xf32>
    tpu.vector_store %arg9[%swap3A_164, %swap3A_165], %swap3A_168 {strides = array<i32>} : memref<40x48xf32, #tpu.memory_space<vmem>>, vector<1x16xf32>,
    %swap3A_169 = arith.constant 9 : i32
    %swap3A_170 = arith.index_cast %swap3A_169 : i32 to index
    %swap3A_171 = arith.constant 16 : index
    %swap3A_172 = tpu.vector_load %arg9[%swap3A_170, %swap3A_171] {strides = array<i32>} : memref<40x48xf32, #tpu.memory_space<vmem>>, vector<1x16xf32>,
    %swap3A_173 = vector.shape_cast %swap3A_172 : vector<1x16xf32> to vector<16xf32>
    %swap3A_174 = vector.shape_cast %broadcast_in_dim3A_1 : vector<16xf32> to vector<1x16xf32>
    tpu.vector_store %arg9[%swap3A_170, %swap3A_171], %swap3A_174 {strides = array<i32>} : memref<40x48xf32, #tpu.memory_space<vmem>>, vector<1x16xf32>,
    %swap3A_175 = arith.constant 9 : i32
    %swap3A_176 = arith.index_cast %swap3A_175 : i32 to index
    %swap3A_177 = arith.constant 32 : index
    %swap3A_178 = tpu.vector_load %arg9[%swap3A_176, %swap3A_177] {strides = array<i32>} : memref<40x48xf32, #tpu.memory_space<vmem>>, vector<1x16xf32>,
    %swap3A_179 = vector.shape_cast %swap3A_178 : vector<1x16xf32> to vector<16xf32>
    %swap3A_180 = vector.shape_cast %broadcast_in_dim3A_1 : vector<16xf32> to vector<1x16xf32>
    tpu.vector_store %arg9[%swap3A_176, %swap3A_177], %swap3A_180 {strides = array<i32>} : memref<40x48xf32, #tpu.memory_space<vmem>>, vector<1x16xf32>,
    %swap3A_181 = arith.constant 10 : i32
    %swap3A_182 = arith.index_cast %swap3A_181 : i32 to index
    %swap3A_183 = arith.constant 0 : index
    %swap3A_184 = tpu.vector_load %arg9[%swap3A_182, %swap3A_183] {strides = array<i32>} : memref<40x48xf32, #tpu.memory_space<vmem>>, vector<1x16xf32>,
    %swap3A_185 = vector.shape_cast %swap3A_184 : vector<1x16xf32> to vector<16xf32>
    %swap3A_186 = vector.shape_cast %broadcast_in_dim3A_1 : vector<16xf32> to vector<1x16xf32>
    tpu.vector_store %arg9[%swap3A_182, %swap3A_183], %swap3A_186 {strides = array<i32>} : memref<40x48xf32, #tpu.memory_space<vmem>>, vector<1x16xf32>,
    %swap3A_187 = arith.constant 10 : i32
    %swap3A_188 = arith.index_cast %swap3A_187 : i32 to index
    %swap3A_189 = arith.constant 16 : index
    %swap3A_190 = tpu.vector_load %arg9[%swap3A_188, %swap3A_189] {strides = array<i32>} : memref<40x48xf32, #tpu.memory_space<vmem>>, vector<1x16xf32>,
    %swap3A_191 = vector.shape_cast %swap3A_190 : vector<1x16xf32> to vector<16xf32>
    %swap3A_192 = vector.shape_cast %broadcast_in_dim3A_1 : vector<16xf32> to vector<1x16xf32>
    tpu.vector_store %arg9[%swap3A_188, %swap3A_189], %swap3A_192 {strides = array<i32>} : memref<40x48xf32, #tpu.memory_space<vmem>>, vector<1x16xf32>,
    %swap3A_193 = arith.constant 10 : i32
    %swap3A_194 = arith.index_cast %swap3A_193 : i32 to index
    %swap3A_195 = arith.constant 32 : index
    %swap3A_196 = tpu.vector_load %arg9[%swap3A_194, %swap3A_195] {strides = array<i32>} : memref<40x48xf32, #tpu.memory_space<vmem>>, vector<1x16xf32>,
    %swap3A_197 = vector.shape_cast %swap3A_196 : vector<1x16xf32> to vector<16xf32>
    %swap3A_198 = vector.shape_cast %broadcast_in_dim3A_1 : vector<16xf32> to vector<1x16xf32>
    tpu.vector_store %arg9[%swap3A_194, %swap3A_195], %swap3A_198 {strides = array<i32>} : memref<40x48xf32, #tpu.memory_space<vmem>>, vector<1x16xf32>,
    %swap3A_199 = arith.constant 11 : i32
    %swap3A_200 = arith.index_cast %swap3A_199 : i32 to index
    %swap3A_201 = arith.constant 0 : index
    %swap3A_202 = tpu.vector_load %arg9[%swap3A_200, %swap3A_201] {strides = array<i32>} : memref<40x48xf32, #tpu.memory_space<vmem>>, vector<1x16xf32>,
    %swap3A_203 = vector.shape_cast %swap3A_202 : vector<1x16xf32> to vector<16xf32>
    %swap3A_204 = vector.shape_cast %broadcast_in_dim3A_1 : vector<16xf32> to vector<1x16xf32>
    tpu.vector_store %arg9[%swap3A_200, %swap3A_201], %swap3A_204 {strides = array<i32>} : memref<40x48xf32, #tpu.memory_space<vmem>>, vector<1x16xf32>,
    %swap3A_205 = arith.constant 11 : i32
    %swap3A_206 = arith.index_cast %swap3A_205 : i32 to index
    %swap3A_207 = arith.constant 16 : index
    %swap3A_208 = tpu.vector_load %arg9[%swap3A_206, %swap3A_207] {strides = array<i32>} : memref<40x48xf32, #tpu.memory_space<vmem>>, vector<1x16xf32>,
    %swap3A_209 = vector.shape_cast %swap3A_208 : vector<1x16xf32> to vector<16xf32>
    %swap3A_210 = vector.shape_cast %broadcast_in_dim3A_1 : vector<16xf32> to vector<1x16xf32>
    tpu.vector_store %arg9[%swap3A_206, %swap3A_207], %swap3A_210 {strides = array<i32>} : memref<40x48xf32, #tpu.memory_space<vmem>>, vector<1x16xf32>,
    %swap3A_211 = arith.constant 11 : i32
    %swap3A_212 = arith.index_cast %swap3A_211 : i32 to index
    %swap3A_213 = arith.constant 32 : index
    %swap3A_214 = tpu.vector_load %arg9[%swap3A_212, %swap3A_213] {strides = array<i32>} : memref<40x48xf32, #tpu.memory_space<vmem>>, vector<1x16xf32>,
    %swap3A_215 = vector.shape_cast %swap3A_214 : vector<1x16xf32> to vector<16xf32>
    %swap3A_216 = vector.shape_cast %broadcast_in_dim3A_1 : vector<16xf32> to vector<1x16xf32>
    tpu.vector_store %arg9[%swap3A_212, %swap3A_213], %swap3A_216 {strides = array<i32>} : memref<40x48xf32, #tpu.memory_space<vmem>>, vector<1x16xf32>,
    %swap3A_217 = arith.constant 12 : i32
    %swap3A_218 = arith.index_cast %swap3A_217 : i32 to index
    %swap3A_219 = arith.constant 0 : index
    %swap3A_220 = tpu.vector_load %arg9[%swap3A_218, %swap3A_219] {strides = array<i32>} : memref<40x48xf32, #tpu.memory_space<vmem>>, vector<1x16xf32>,
    %swap3A_221 = vector.shape_cast %swap3A_220 : vector<1x16xf32> to vector<16xf32>
    %swap3A_222 = vector.shape_cast %broadcast_in_dim3A_1 : vector<16xf32> to vector<1x16xf32>
    tpu.vector_store %arg9[%swap3A_218, %swap3A_219], %swap3A_222 {strides = array<i32>} : memref<40x48xf32, #tpu.memory_space<vmem>>, vector<1x16xf32>,
    %swap3A_223 = arith.constant 12 : i32
    %swap3A_224 = arith.index_cast %swap3A_223 : i32 to index
    %swap3A_225 = arith.constant 16 : index
    %swap3A_226 = tpu.vector_load %arg9[%swap3A_224, %swap3A_225] {strides = array<i32>} : memref<40x48xf32, #tpu.memory_space<vmem>>, vector<1x16xf32>,
    %swap3A_227 = vector.shape_cast %swap3A_226 : vector<1x16xf32> to vector<16xf32>
    %swap3A_228 = vector.shape_cast %broadcast_in_dim3A_1 : vector<16xf32> to vector<1x16xf32>
    tpu.vector_store %arg9[%swap3A_224, %swap3A_225], %swap3A_228 {strides = array<i32>} : memref<40x48xf32, #tpu.memory_space<vmem>>, vector<1x16xf32>,
    %swap3A_229 = arith.constant 12 : i32
    %swap3A_230 = arith.index_cast %swap3A_229 : i32 to index
    %swap3A_231 = arith.constant 32 : index
    %swap3A_232 = tpu.vector_load %arg9[%swap3A_230, %swap3A_231] {strides = array<i32>} : memref<40x48xf32, #tpu.memory_space<vmem>>, vector<1x16xf32>,
    %swap3A_233 = vector.shape_cast %swap3A_232 : vector<1x16xf32> to vector<16xf32>
    %swap3A_234 = vector.shape_cast %broadcast_in_dim3A_1 : vector<16xf32> to vector<1x16xf32>
    tpu.vector_store %arg9[%swap3A_230, %swap3A_231], %swap3A_234 {strides = array<i32>} : memref<40x48xf32, #tpu.memory_space<vmem>>, vector<1x16xf32>,
    %swap3A_235 = arith.constant 13 : i32
    %swap3A_236 = arith.index_cast %swap3A_235 : i32 to index
    %swap3A_237 = arith.constant 0 : index
    %swap3A_238 = tpu.vector_load %arg9[%swap3A_236, %swap3A_237] {strides = array<i32>} : memref<40x48xf32, #tpu.memory_space<vmem>>, vector<1x16xf32>,
    %swap3A_239 = vector.shape_cast %swap3A_238 : vector<1x16xf32> to vector<16xf32>
    %swap3A_240 = vector.shape_cast %broadcast_in_dim3A_1 : vector<16xf32> to vector<1x16xf32>
    tpu.vector_store %arg9[%swap3A_236, %swap3A_237], %swap3A_240 {strides = array<i32>} : memref<40x48xf32, #tpu.memory_space<vmem>>, vector<1x16xf32>,
    %swap3A_241 = arith.constant 13 : i32
    %swap3A_242 = arith.index_cast %swap3A_241 : i32 to index
    %swap3A_243 = arith.constant 16 : index
    %swap3A_244 = tpu.vector_load %arg9[%swap3A_242, %swap3A_243] {strides = array<i32>} : memref<40x48xf32, #tpu.memory_space<vmem>>, vector<1x16xf32>,
    %swap3A_245 = vector.shape_cast %swap3A_244 : vector<1x16xf32> to vector<16xf32>
    %swap3A_246 = vector.shape_cast %broadcast_in_dim3A_1 : vector<16xf32> to vector<1x16xf32>
    tpu.vector_store %arg9[%swap3A_242, %swap3A_243], %swap3A_246 {strides = array<i32>} : memref<40x48xf32, #tpu.memory_space<vmem>>, vector<1x16xf32>,
    %swap3A_247 = arith.constant 13 : i32
    %swap3A_248 = arith.index_cast %swap3A_247 : i32 to index
    %swap3A_249 = arith.constant 32 : index
    %swap3A_250 = tpu.vector_load %arg9[%swap3A_248, %swap3A_249] {strides = array<i32>} : memref<40x48xf32, #tpu.memory_space<vmem>>, vector<1x16xf32>,
    %swap3A_251 = vector.shape_cast %swap3A_250 : vector<1x16xf32> to vector<16xf32>
    %swap3A_252 = vector.shape_cast %broadcast_in_dim3A_1 : vector<16xf32> to vector<1x16xf32>
    tpu.vector_store %arg9[%swap3A_248, %swap3A_249], %swap3A_252 {strides = array<i32>} : memref<40x48xf32, #tpu.memory_space<vmem>>, vector<1x16xf32>,
    %swap3A_253 = arith.constant 14 : i32
    %swap3A_254 = arith.index_cast %swap3A_253 : i32 to index
    %swap3A_255 = arith.constant 0 : index
    %swap3A_256 = tpu.vector_load %arg9[%swap3A_254, %swap3A_255] {strides = array<i32>} : memref<40x48xf32, #tpu.memory_space<vmem>>, vector<1x16xf32>,
    %swap3A_257 = vector.shape_cast %swap3A_256 : vector<1x16xf32> to vector<16xf32>
    %swap3A_258 = vector.shape_cast %broadcast_in_dim3A_1 : vector<16xf32> to vector<1x16xf32>
    tpu.vector_store %arg9[%swap3A_254, %swap3A_255], %swap3A_258 {strides = array<i32>} : memref<40x48xf32, #tpu.memory_space<vmem>>, vector<1x16xf32>,
    %swap3A_259 = arith.constant 14 : i32
    %swap3A_260 = arith.index_cast %swap3A_259 : i32 to index
    %swap3A_261 = arith.constant 16 : index
    %swap3A_262 = tpu.vector_load %arg9[%swap3A_260, %swap3A_261] {strides = array<i32>} : memref<40x48xf32, #tpu.memory_space<vmem>>, vector<1x16xf32>,
    %swap3A_263 = vector.shape_cast %swap3A_262 : vector<1x16xf32> to vector<16xf32>
    %swap3A_264 = vector.shape_cast %broadcast_in_dim3A_1 : vector<16xf32> to vector<1x16xf32>
    tpu.vector_store %arg9[%swap3A_260, %swap3A_261], %swap3A_264 {strides = array<i32>} : memref<40x48xf32, #tpu.memory_space<vmem>>, vector<1x16xf32>,
    %swap3A_265 = arith.constant 14 : i32
    %swap3A_266 = arith.index_cast %swap3A_265 : i32 to index
    %swap3A_267 = arith.constant 32 : index
    %swap3A_268 = tpu.vector_load %arg9[%swap3A_266, %swap3A_267] {strides = array<i32>} : memref<40x48xf32, #tpu.memory_space<vmem>>, vector<1x16xf32>,
    %swap3A_269 = vector.shape_cast %swap3A_268 : vector<1x16xf32> to vector<16xf32>
    %swap3A_270 = vector.shape_cast %broadcast_in_dim3A_1 : vector<16xf32> to vector<1x16xf32>
    tpu.vector_store %arg9[%swap3A_266, %swap3A_267], %swap3A_270 {strides = array<i32>} : memref<40x48xf32, #tpu.memory_space<vmem>>, vector<1x16xf32>,
    %swap3A_271 = arith.constant 15 : i32
    %swap3A_272 = arith.index_cast %swap3A_271 : i32 to index
    %swap3A_273 = arith.constant 0 : index
    %swap3A_274 = tpu.vector_load %arg9[%swap3A_272, %swap3A_273] {strides = array<i32>} : memref<40x48xf32, #tpu.memory_space<vmem>>, vector<1x16xf32>,
    %swap3A_275 = vector.shape_cast %swap3A_274 : vector<1x16xf32> to vector<16xf32>
    %swap3A_276 = vector.shape_cast %broadcast_in_dim3A_1 : vector<16xf32> to vector<1x16xf32>
    tpu.vector_store %arg9[%swap3A_272, %swap3A_273], %swap3A_276 {strides = array<i32>} : memref<40x48xf32, #tpu.memory_space<vmem>>, vector<1x16xf32>,
    %swap3A_277 = arith.constant 15 : i32
    %swap3A_278 = arith.index_cast %swap3A_277 : i32 to index
    %swap3A_279 = arith.constant 16 : index
    %swap3A_280 = tpu.vector_load %arg9[%swap3A_278, %swap3A_279] {strides = array<i32>} : memref<40x48xf32, #tpu.memory_space<vmem>>, vector<1x16xf32>,
    %swap3A_281 = vector.shape_cast %swap3A_280 : vector<1x16xf32> to vector<16xf32>
    %swap3A_282 = vector.shape_cast %broadcast_in_dim3A_1 : vector<16xf32> to vector<1x16xf32>
    tpu.vector_store %arg9[%swap3A_278, %swap3A_279], %swap3A_282 {strides = array<i32>} : memref<40x48xf32, #tpu.memory_space<vmem>>, vector<1x16xf32>,
    %swap3A_283 = arith.constant 15 : i32
    %swap3A_284 = arith.index_cast %swap3A_283 : i32 to index
    %swap3A_285 = arith.constant 32 : index
    %swap3A_286 = tpu.vector_load %arg9[%swap3A_284, %swap3A_285] {strides = array<i32>} : memref<40x48xf32, #tpu.memory_space<vmem>>, vector<1x16xf32>,
    %swap3A_287 = vector.shape_cast %swap3A_286 : vector<1x16xf32> to vector<16xf32>
    %swap3A_288 = vector.shape_cast %broadcast_in_dim3A_1 : vector<16xf32> to vector<1x16xf32>
    tpu.vector_store %arg9[%swap3A_284, %swap3A_285], %swap3A_288 {strides = array<i32>} : memref<40x48xf32, #tpu.memory_space<vmem>>, vector<1x16xf32>,
    %swap3A_289 = arith.constant 16 : i32
    %swap3A_290 = arith.index_cast %swap3A_289 : i32 to index
    %swap3A_291 = arith.constant 0 : index
    %swap3A_292 = tpu.vector_load %arg9[%swap3A_290, %swap3A_291] {strides = array<i32>} : memref<40x48xf32, #tpu.memory_space<vmem>>, vector<1x16xf32>,
    %swap3A_293 = vector.shape_cast %swap3A_292 : vector<1x16xf32> to vector<16xf32>
    %swap3A_294 = vector.shape_cast %broadcast_in_dim3A_1 : vector<16xf32> to vector<1x16xf32>
    tpu.vector_store %arg9[%swap3A_290, %swap3A_291], %swap3A_294 {strides = array<i32>} : memref<40x48xf32, #tpu.memory_space<vmem>>, vector<1x16xf32>,
    %swap3A_295 = arith.constant 16 : i32
    %swap3A_296 = arith.index_cast %swap3A_295 : i32 to index
    %swap3A_297 = arith.constant 16 : index
    %swap3A_298 = tpu.vector_load %arg9[%swap3A_296, %swap3A_297] {strides = array<i32>} : memref<40x48xf32, #tpu.memory_space<vmem>>, vector<1x16xf32>,
    %swap3A_299 = vector.shape_cast %swap3A_298 : vector<1x16xf32> to vector<16xf32>
    %swap3A_300 = vector.shape_cast %broadcast_in_dim3A_1 : vector<16xf32> to vector<1x16xf32>
    tpu.vector_store %arg9[%swap3A_296, %swap3A_297], %swap3A_300 {strides = array<i32>} : memref<40x48xf32, #tpu.memory_space<vmem>>, vector<1x16xf32>,
    %swap3A_301 = arith.constant 16 : i32
    %swap3A_302 = arith.index_cast %swap3A_301 : i32 to index
    %swap3A_303 = arith.constant 32 : index
    %swap3A_304 = tpu.vector_load %arg9[%swap3A_302, %swap3A_303] {strides = array<i32>} : memref<40x48xf32, #tpu.memory_space<vmem>>, vector<1x16xf32>,
    %swap3A_305 = vector.shape_cast %swap3A_304 : vector<1x16xf32> to vector<16xf32>
    %swap3A_306 = vector.shape_cast %broadcast_in_dim3A_1 : vector<16xf32> to vector<1x16xf32>
    tpu.vector_store %arg9[%swap3A_302, %swap3A_303], %swap3A_306 {strides = array<i32>} : memref<40x48xf32, #tpu.memory_space<vmem>>, vector<1x16xf32>,
    %swap3A_307 = arith.constant 17 : i32
    %swap3A_308 = arith.index_cast %swap3A_307 : i32 to index
    %swap3A_309 = arith.constant 0 : index
    %swap3A_310 = tpu.vector_load %arg9[%swap3A_308, %swap3A_309] {strides = array<i32>} : memref<40x48xf32, #tpu.memory_space<vmem>>, vector<1x16xf32>,
    %swap3A_311 = vector.shape_cast %swap3A_310 : vector<1x16xf32> to vector<16xf32>
    %swap3A_312 = vector.shape_cast %broadcast_in_dim3A_1 : vector<16xf32> to vector<1x16xf32>
    tpu.vector_store %arg9[%swap3A_308, %swap3A_309], %swap3A_312 {strides = array<i32>} : memref<40x48xf32, #tpu.memory_space<vmem>>, vector<1x16xf32>,
    %swap3A_313 = arith.constant 17 : i32
    %swap3A_314 = arith.index_cast %swap3A_313 : i32 to index
    %swap3A_315 = arith.constant 16 : index
    %swap3A_316 = tpu.vector_load %arg9[%swap3A_314, %swap3A_315] {strides = array<i32>} : memref<40x48xf32, #tpu.memory_space<vmem>>, vector<1x16xf32>,
    %swap3A_317 = vector.shape_cast %swap3A_316 : vector<1x16xf32> to vector<16xf32>
    %swap3A_318 = vector.shape_cast %broadcast_in_dim3A_1 : vector<16xf32> to vector<1x16xf32>
    tpu.vector_store %arg9[%swap3A_314, %swap3A_315], %swap3A_318 {strides = array<i32>} : memref<40x48xf32, #tpu.memory_space<vmem>>, vector<1x16xf32>,
    %swap3A_319 = arith.constant 17 : i32
    %swap3A_320 = arith.index_cast %swap3A_319 : i32 to index
    %swap3A_321 = arith.constant 32 : index
    %swap3A_322 = tpu.vector_load %arg9[%swap3A_320, %swap3A_321] {strides = array<i32>} : memref<40x48xf32, #tpu.memory_space<vmem>>, vector<1x16xf32>,
    %swap3A_323 = vector.shape_cast %swap3A_322 : vector<1x16xf32> to vector<16xf32>
    %swap3A_324 = vector.shape_cast %broadcast_in_dim3A_1 : vector<16xf32> to vector<1x16xf32>
    tpu.vector_store %arg9[%swap3A_320, %swap3A_321], %swap3A_324 {strides = array<i32>} : memref<40x48xf32, #tpu.memory_space<vmem>>, vector<1x16xf32>,
    %swap3A_325 = arith.constant 18 : i32
    %swap3A_326 = arith.index_cast %swap3A_325 : i32 to index
    %swap3A_327 = arith.constant 0 : index
    %swap3A_328 = tpu.vector_load %arg9[%swap3A_326, %swap3A_327] {strides = array<i32>} : memref<40x48xf32, #tpu.memory_space<vmem>>, vector<1x16xf32>,
    %swap3A_329 = vector.shape_cast %swap3A_328 : vector<1x16xf32> to vector<16xf32>
    %swap3A_330 = vector.shape_cast %broadcast_in_dim3A_1 : vector<16xf32> to vector<1x16xf32>
    tpu.vector_store %arg9[%swap3A_326, %swap3A_327], %swap3A_330 {strides = array<i32>} : memref<40x48xf32, #tpu.memory_space<vmem>>, vector<1x16xf32>,
    %swap3A_331 = arith.constant 18 : i32
    %swap3A_332 = arith.index_cast %swap3A_331 : i32 to index
    %swap3A_333 = arith.constant 16 : index
    %swap3A_334 = tpu.vector_load %arg9[%swap3A_332, %swap3A_333] {strides = array<i32>} : memref<40x48xf32, #tpu.memory_space<vmem>>, vector<1x16xf32>,
    %swap3A_335 = vector.shape_cast %swap3A_334 : vector<1x16xf32> to vector<16xf32>
    %swap3A_336 = vector.shape_cast %broadcast_in_dim3A_1 : vector<16xf32> to vector<1x16xf32>
    tpu.vector_store %arg9[%swap3A_332, %swap3A_333], %swap3A_336 {strides = array<i32>} : memref<40x48xf32, #tpu.memory_space<vmem>>, vector<1x16xf32>,
    %swap3A_337 = arith.constant 18 : i32
    %swap3A_338 = arith.index_cast %swap3A_337 : i32 to index
    %swap3A_339 = arith.constant 32 : index
    %swap3A_340 = tpu.vector_load %arg9[%swap3A_338, %swap3A_339] {strides = array<i32>} : memref<40x48xf32, #tpu.memory_space<vmem>>, vector<1x16xf32>,
    %swap3A_341 = vector.shape_cast %swap3A_340 : vector<1x16xf32> to vector<16xf32>
    %swap3A_342 = vector.shape_cast %broadcast_in_dim3A_1 : vector<16xf32> to vector<1x16xf32>
    tpu.vector_store %arg9[%swap3A_338, %swap3A_339], %swap3A_342 {strides = array<i32>} : memref<40x48xf32, #tpu.memory_space<vmem>>, vector<1x16xf32>,
    %swap3A_343 = arith.constant 19 : i32
    %swap3A_344 = arith.index_cast %swap3A_343 : i32 to index
    %swap3A_345 = arith.constant 0 : index
    %swap3A_346 = tpu.vector_load %arg9[%swap3A_344, %swap3A_345] {strides = array<i32>} : memref<40x48xf32, #tpu.memory_space<vmem>>, vector<1x16xf32>,
    %swap3A_347 = vector.shape_cast %swap3A_346 : vector<1x16xf32> to vector<16xf32>
    %swap3A_348 = vector.shape_cast %broadcast_in_dim3A_1 : vector<16xf32> to vector<1x16xf32>
    tpu.vector_store %arg9[%swap3A_344, %swap3A_345], %swap3A_348 {strides = array<i32>} : memref<40x48xf32, #tpu.memory_space<vmem>>, vector<1x16xf32>,
    %swap3A_349 = arith.constant 19 : i32
    %swap3A_350 = arith.index_cast %swap3A_349 : i32 to index
    %swap3A_351 = arith.constant 16 : index
    %swap3A_352 = tpu.vector_load %arg9[%swap3A_350, %swap3A_351] {strides = array<i32>} : memref<40x48xf32, #tpu.memory_space<vmem>>, vector<1x16xf32>,
    %swap3A_353 = vector.shape_cast %swap3A_352 : vector<1x16xf32> to vector<16xf32>
    %swap3A_354 = vector.shape_cast %broadcast_in_dim3A_1 : vector<16xf32> to vector<1x16xf32>
    tpu.vector_store %arg9[%swap3A_350, %swap3A_351], %swap3A_354 {strides = array<i32>} : memref<40x48xf32, #tpu.memory_space<vmem>>, vector<1x16xf32>,
    %swap3A_355 = arith.constant 19 : i32
    %swap3A_356 = arith.index_cast %swap3A_355 : i32 to index
    %swap3A_357 = arith.constant 32 : index
    %swap3A_358 = tpu.vector_load %arg9[%swap3A_356, %swap3A_357] {strides = array<i32>} : memref<40x48xf32, #tpu.memory_space<vmem>>, vector<1x16xf32>,
    %swap3A_359 = vector.shape_cast %swap3A_358 : vector<1x16xf32> to vector<16xf32>
    %swap3A_360 = vector.shape_cast %broadcast_in_dim3A_1 : vector<16xf32> to vector<1x16xf32>
    tpu.vector_store %arg9[%swap3A_356, %swap3A_357], %swap3A_360 {strides = array<i32>} : memref<40x48xf32, #tpu.memory_space<vmem>>, vector<1x16xf32>,
    %swap3A_361 = arith.constant 20 : i32
    %swap3A_362 = arith.index_cast %swap3A_361 : i32 to index
    %swap3A_363 = arith.constant 0 : index
    %swap3A_364 = tpu.vector_load %arg9[%swap3A_362, %swap3A_363] {strides = array<i32>} : memref<40x48xf32, #tpu.memory_space<vmem>>, vector<1x16xf32>,
    %swap3A_365 = vector.shape_cast %swap3A_364 : vector<1x16xf32> to vector<16xf32>
    %swap3A_366 = vector.shape_cast %broadcast_in_dim3A_1 : vector<16xf32> to vector<1x16xf32>
    tpu.vector_store %arg9[%swap3A_362, %swap3A_363], %swap3A_366 {strides = array<i32>} : memref<40x48xf32, #tpu.memory_space<vmem>>, vector<1x16xf32>,
    %swap3A_367 = arith.constant 20 : i32
    %swap3A_368 = arith.index_cast %swap3A_367 : i32 to index
    %swap3A_369 = arith.constant 16 : index
    %swap3A_370 = tpu.vector_load %arg9[%swap3A_368, %swap3A_369] {strides = array<i32>} : memref<40x48xf32, #tpu.memory_space<vmem>>, vector<1x16xf32>,
    %swap3A_371 = vector.shape_cast %swap3A_370 : vector<1x16xf32> to vector<16xf32>
    %swap3A_372 = vector.shape_cast %broadcast_in_dim3A_1 : vector<16xf32> to vector<1x16xf32>
    tpu.vector_store %arg9[%swap3A_368, %swap3A_369], %swap3A_372 {strides = array<i32>} : memref<40x48xf32, #tpu.memory_space<vmem>>, vector<1x16xf32>,
    %swap3A_373 = arith.constant 20 : i32
    %swap3A_374 = arith.index_cast %swap3A_373 : i32 to index
    %swap3A_375 = arith.constant 32 : index
    %swap3A_376 = tpu.vector_load %arg9[%swap3A_374, %swap3A_375] {strides = array<i32>} : memref<40x48xf32, #tpu.memory_space<vmem>>, vector<1x16xf32>,
    %swap3A_377 = vector.shape_cast %swap3A_376 : vector<1x16xf32> to vector<16xf32>
    %swap3A_378 = vector.shape_cast %broadcast_in_dim3A_1 : vector<16xf32> to vector<1x16xf32>
    tpu.vector_store %arg9[%swap3A_374, %swap3A_375], %swap3A_378 {strides = array<i32>} : memref<40x48xf32, #tpu.memory_space<vmem>>, vector<1x16xf32>,
    %swap3A_379 = arith.constant 21 : i32
    %swap3A_380 = arith.index_cast %swap3A_379 : i32 to index
    %swap3A_381 = arith.constant 0 : index
    %swap3A_382 = tpu.vector_load %arg9[%swap3A_380, %swap3A_381] {strides = array<i32>} : memref<40x48xf32, #tpu.memory_space<vmem>>, vector<1x16xf32>,
    %swap3A_383 = vector.shape_cast %swap3A_382 : vector<1x16xf32> to vector<16xf32>
    %swap3A_384 = vector.shape_cast %broadcast_in_dim3A_1 : vector<16xf32> to vector<1x16xf32>
    tpu.vector_store %arg9[%swap3A_380, %swap3A_381], %swap3A_384 {strides = array<i32>} : memref<40x48xf32, #tpu.memory_space<vmem>>, vector<1x16xf32>,
    %swap3A_385 = arith.constant 21 : i32
    %swap3A_386 = arith.index_cast %swap3A_385 : i32 to index
    %swap3A_387 = arith.constant 16 : index
    %swap3A_388 = tpu.vector_load %arg9[%swap3A_386, %swap3A_387] {strides = array<i32>} : memref<40x48xf32, #tpu.memory_space<vmem>>, vector<1x16xf32>,
    %swap3A_389 = vector.shape_cast %swap3A_388 : vector<1x16xf32> to vector<16xf32>
    %swap3A_390 = vector.shape_cast %broadcast_in_dim3A_1 : vector<16xf32> to vector<1x16xf32>
    tpu.vector_store %arg9[%swap3A_386, %swap3A_387], %swap3A_390 {strides = array<i32>} : memref<40x48xf32, #tpu.memory_space<vmem>>, vector<1x16xf32>,
    %swap3A_391 = arith.constant 21 : i32
    %swap3A_392 = arith.index_cast %swap3A_391 : i32 to index
    %swap3A_393 = arith.constant 32 : index
    %swap3A_394 = tpu.vector_load %arg9[%swap3A_392, %swap3A_393] {strides = array<i32>} : memref<40x48xf32, #tpu.memory_space<vmem>>, vector<1x16xf32>,
    %swap3A_395 = vector.shape_cast %swap3A_394 : vector<1x16xf32> to vector<16xf32>
    %swap3A_396 = vector.shape_cast %broadcast_in_dim3A_1 : vector<16xf32> to vector<1x16xf32>
    tpu.vector_store %arg9[%swap3A_392, %swap3A_393], %swap3A_396 {strides = array<i32>} : memref<40x48xf32, #tpu.memory_space<vmem>>, vector<1x16xf32>,
    %swap3A_397 = arith.constant 22 : i32
    %swap3A_398 = arith.index_cast %swap3A_397 : i32 to index
    %swap3A_399 = arith.constant 0 : index
    %swap3A_400 = tpu.vector_load %arg9[%swap3A_398, %swap3A_399] {strides = array<i32>} : memref<40x48xf32, #tpu.memory_space<vmem>>, vector<1x16xf32>,
    %swap3A_401 = vector.shape_cast %swap3A_400 : vector<1x16xf32> to vector<16xf32>
    %swap3A_402 = vector.shape_cast %broadcast_in_dim3A_1 : vector<16xf32> to vector<1x16xf32>
    tpu.vector_store %arg9[%swap3A_398, %swap3A_399], %swap3A_402 {strides = array<i32>} : memref<40x48xf32, #tpu.memory_space<vmem>>, vector<1x16xf32>,
    %swap3A_403 = arith.constant 22 : i32
    %swap3A_404 = arith.index_cast %swap3A_403 : i32 to index
    %swap3A_405 = arith.constant 16 : index
    %swap3A_406 = tpu.vector_load %arg9[%swap3A_404, %swap3A_405] {strides = array<i32>} : memref<40x48xf32, #tpu.memory_space<vmem>>, vector<1x16xf32>,
    %swap3A_407 = vector.shape_cast %swap3A_406 : vector<1x16xf32> to vector<16xf32>
    %swap3A_408 = vector.shape_cast %broadcast_in_dim3A_1 : vector<16xf32> to vector<1x16xf32>
    tpu.vector_store %arg9[%swap3A_404, %swap3A_405], %swap3A_408 {strides = array<i32>} : memref<40x48xf32, #tpu.memory_space<vmem>>, vector<1x16xf32>,
    %swap3A_409 = arith.constant 22 : i32
    %swap3A_410 = arith.index_cast %swap3A_409 : i32 to index
    %swap3A_411 = arith.constant 32 : index
    %swap3A_412 = tpu.vector_load %arg9[%swap3A_410, %swap3A_411] {strides = array<i32>} : memref<40x48xf32, #tpu.memory_space<vmem>>, vector<1x16xf32>,
    %swap3A_413 = vector.shape_cast %swap3A_412 : vector<1x16xf32> to vector<16xf32>
    %swap3A_414 = vector.shape_cast %broadcast_in_dim3A_1 : vector<16xf32> to vector<1x16xf32>
    tpu.vector_store %arg9[%swap3A_410, %swap3A_411], %swap3A_414 {strides = array<i32>} : memref<40x48xf32, #tpu.memory_space<vmem>>, vector<1x16xf32>,
    %swap3A_415 = arith.constant 23 : i32
    %swap3A_416 = arith.index_cast %swap3A_415 : i32 to index
    %swap3A_417 = arith.constant 0 : index
    %swap3A_418 = tpu.vector_load %arg9[%swap3A_416, %swap3A_417] {strides = array<i32>} : memref<40x48xf32, #tpu.memory_space<vmem>>, vector<1x16xf32>,
    %swap3A_419 = vector.shape_cast %swap3A_418 : vector<1x16xf32> to vector<16xf32>
    %swap3A_420 = vector.shape_cast %broadcast_in_dim3A_1 : vector<16xf32> to vector<1x16xf32>
    tpu.vector_store %arg9[%swap3A_416, %swap3A_417], %swap3A_420 {strides = array<i32>} : memref<40x48xf32, #tpu.memory_space<vmem>>, vector<1x16xf32>,
    %swap3A_421 = arith.constant 23 : i32
    %swap3A_422 = arith.index_cast %swap3A_421 : i32 to index
    %swap3A_423 = arith.constant 16 : index
    %swap3A_424 = tpu.vector_load %arg9[%swap3A_422, %swap3A_423] {strides = array<i32>} : memref<40x48xf32, #tpu.memory_space<vmem>>, vector<1x16xf32>,
    %swap3A_425 = vector.shape_cast %swap3A_424 : vector<1x16xf32> to vector<16xf32>
    %swap3A_426 = vector.shape_cast %broadcast_in_dim3A_1 : vector<16xf32> to vector<1x16xf32>
    tpu.vector_store %arg9[%swap3A_422, %swap3A_423], %swap3A_426 {strides = array<i32>} : memref<40x48xf32, #tpu.memory_space<vmem>>, vector<1x16xf32>,
    %swap3A_427 = arith.constant 23 : i32
    %swap3A_428 = arith.index_cast %swap3A_427 : i32 to index
    %swap3A_429 = arith.constant 32 : index
    %swap3A_430 = tpu.vector_load %arg9[%swap3A_428, %swap3A_429] {strides = array<i32>} : memref<40x48xf32, #tpu.memory_space<vmem>>, vector<1x16xf32>,
    %swap3A_431 = vector.shape_cast %swap3A_430 : vector<1x16xf32> to vector<16xf32>
    %swap3A_432 = vector.shape_cast %broadcast_in_dim3A_1 : vector<16xf32> to vector<1x16xf32>
    tpu.vector_store %arg9[%swap3A_428, %swap3A_429], %swap3A_432 {strides = array<i32>} : memref<40x48xf32, #tpu.memory_space<vmem>>, vector<1x16xf32>,
    %swap3A_433 = arith.constant 24 : i32
    %swap3A_434 = arith.index_cast %swap3A_433 : i32 to index
    %swap3A_435 = arith.constant 0 : index
    %swap3A_436 = tpu.vector_load %arg9[%swap3A_434, %swap3A_435] {strides = array<i32>} : memref<40x48xf32, #tpu.memory_space<vmem>>, vector<1x16xf32>,
    %swap3A_437 = vector.shape_cast %swap3A_436 : vector<1x16xf32> to vector<16xf32>
    %swap3A_438 = vector.shape_cast %broadcast_in_dim3A_1 : vector<16xf32> to vector<1x16xf32>
    tpu.vector_store %arg9[%swap3A_434, %swap3A_435], %swap3A_438 {strides = array<i32>} : memref<40x48xf32, #tpu.memory_space<vmem>>, vector<1x16xf32>,
    %swap3A_439 = arith.constant 24 : i32
    %swap3A_440 = arith.index_cast %swap3A_439 : i32 to index
    %swap3A_441 = arith.constant 16 : index
    %swap3A_442 = tpu.vector_load %arg9[%swap3A_440, %swap3A_441] {strides = array<i32>} : memref<40x48xf32, #tpu.memory_space<vmem>>, vector<1x16xf32>,
    %swap3A_443 = vector.shape_cast %swap3A_442 : vector<1x16xf32> to vector<16xf32>
    %swap3A_444 = vector.shape_cast %broadcast_in_dim3A_1 : vector<16xf32> to vector<1x16xf32>
    tpu.vector_store %arg9[%swap3A_440, %swap3A_441], %swap3A_444 {strides = array<i32>} : memref<40x48xf32, #tpu.memory_space<vmem>>, vector<1x16xf32>,
    %swap3A_445 = arith.constant 24 : i32
    %swap3A_446 = arith.index_cast %swap3A_445 : i32 to index
    %swap3A_447 = arith.constant 32 : index
    %swap3A_448 = tpu.vector_load %arg9[%swap3A_446, %swap3A_447] {strides = array<i32>} : memref<40x48xf32, #tpu.memory_space<vmem>>, vector<1x16xf32>,
    %swap3A_449 = vector.shape_cast %swap3A_448 : vector<1x16xf32> to vector<16xf32>
    %swap3A_450 = vector.shape_cast %broadcast_in_dim3A_1 : vector<16xf32> to vector<1x16xf32>
    tpu.vector_store %arg9[%swap3A_446, %swap3A_447], %swap3A_450 {strides = array<i32>} : memref<40x48xf32, #tpu.memory_space<vmem>>, vector<1x16xf32>,
    %swap3A_451 = arith.constant 25 : i32
    %swap3A_452 = arith.index_cast %swap3A_451 : i32 to index
    %swap3A_453 = arith.constant 0 : index
    %swap3A_454 = tpu.vector_load %arg9[%swap3A_452, %swap3A_453] {strides = array<i32>} : memref<40x48xf32, #tpu.memory_space<vmem>>, vector<1x16xf32>,
    %swap3A_455 = vector.shape_cast %swap3A_454 : vector<1x16xf32> to vector<16xf32>
    %swap3A_456 = vector.shape_cast %broadcast_in_dim3A_1 : vector<16xf32> to vector<1x16xf32>
    tpu.vector_store %arg9[%swap3A_452, %swap3A_453], %swap3A_456 {strides = array<i32>} : memref<40x48xf32, #tpu.memory_space<vmem>>, vector<1x16xf32>,
    %swap3A_457 = arith.constant 25 : i32
    %swap3A_458 = arith.index_cast %swap3A_457 : i32 to index
    %swap3A_459 = arith.constant 16 : index
    %swap3A_460 = tpu.vector_load %arg9[%swap3A_458, %swap3A_459] {strides = array<i32>} : memref<40x48xf32, #tpu.memory_space<vmem>>, vector<1x16xf32>,
    %swap3A_461 = vector.shape_cast %swap3A_460 : vector<1x16xf32> to vector<16xf32>
    %swap3A_462 = vector.shape_cast %broadcast_in_dim3A_1 : vector<16xf32> to vector<1x16xf32>
    tpu.vector_store %arg9[%swap3A_458, %swap3A_459], %swap3A_462 {strides = array<i32>} : memref<40x48xf32, #tpu.memory_space<vmem>>, vector<1x16xf32>,
    %swap3A_463 = arith.constant 25 : i32
    %swap3A_464 = arith.index_cast %swap3A_463 : i32 to index
    %swap3A_465 = arith.constant 32 : index
    %swap3A_466 = tpu.vector_load %arg9[%swap3A_464, %swap3A_465] {strides = array<i32>} : memref<40x48xf32, #tpu.memory_space<vmem>>, vector<1x16xf32>,
    %swap3A_467 = vector.shape_cast %swap3A_466 : vector<1x16xf32> to vector<16xf32>
    %swap3A_468 = vector.shape_cast %broadcast_in_dim3A_1 : vector<16xf32> to vector<1x16xf32>
    tpu.vector_store %arg9[%swap3A_464, %swap3A_465], %swap3A_468 {strides = array<i32>} : memref<40x48xf32, #tpu.memory_space<vmem>>, vector<1x16xf32>,
    %swap3A_469 = arith.constant 26 : i32
    %swap3A_470 = arith.index_cast %swap3A_469 : i32 to index
    %swap3A_471 = arith.constant 0 : index
    %swap3A_472 = tpu.vector_load %arg9[%swap3A_470, %swap3A_471] {strides = array<i32>} : memref<40x48xf32, #tpu.memory_space<vmem>>, vector<1x16xf32>,
    %swap3A_473 = vector.shape_cast %swap3A_472 : vector<1x16xf32> to vector<16xf32>
    %swap3A_474 = vector.shape_cast %broadcast_in_dim3A_1 : vector<16xf32> to vector<1x16xf32>
    tpu.vector_store %arg9[%swap3A_470, %swap3A_471], %swap3A_474 {strides = array<i32>} : memref<40x48xf32, #tpu.memory_space<vmem>>, vector<1x16xf32>,
    %swap3A_475 = arith.constant 26 : i32
    %swap3A_476 = arith.index_cast %swap3A_475 : i32 to index
    %swap3A_477 = arith.constant 16 : index
    %swap3A_478 = tpu.vector_load %arg9[%swap3A_476, %swap3A_477] {strides = array<i32>} : memref<40x48xf32, #tpu.memory_space<vmem>>, vector<1x16xf32>,
    %swap3A_479 = vector.shape_cast %swap3A_478 : vector<1x16xf32> to vector<16xf32>
    %swap3A_480 = vector.shape_cast %broadcast_in_dim3A_1 : vector<16xf32> to vector<1x16xf32>
    tpu.vector_store %arg9[%swap3A_476, %swap3A_477], %swap3A_480 {strides = array<i32>} : memref<40x48xf32, #tpu.memory_space<vmem>>, vector<1x16xf32>,
    %swap3A_481 = arith.constant 26 : i32
    %swap3A_482 = arith.index_cast %swap3A_481 : i32 to index
    %swap3A_483 = arith.constant 32 : index
    %swap3A_484 = tpu.vector_load %arg9[%swap3A_482, %swap3A_483] {strides = array<i32>} : memref<40x48xf32, #tpu.memory_space<vmem>>, vector<1x16xf32>,
    %swap3A_485 = vector.shape_cast %swap3A_484 : vector<1x16xf32> to vector<16xf32>
    %swap3A_486 = vector.shape_cast %broadcast_in_dim3A_1 : vector<16xf32> to vector<1x16xf32>
    tpu.vector_store %arg9[%swap3A_482, %swap3A_483], %swap3A_486 {strides = array<i32>} : memref<40x48xf32, #tpu.memory_space<vmem>>, vector<1x16xf32>,
    %swap3A_487 = arith.constant 27 : i32
    %swap3A_488 = arith.index_cast %swap3A_487 : i32 to index
    %swap3A_489 = arith.constant 0 : index
    %swap3A_490 = tpu.vector_load %arg9[%swap3A_488, %swap3A_489] {strides = array<i32>} : memref<40x48xf32, #tpu.memory_space<vmem>>, vector<1x16xf32>,
    %swap3A_491 = vector.shape_cast %swap3A_490 : vector<1x16xf32> to vector<16xf32>
    %swap3A_492 = vector.shape_cast %broadcast_in_dim3A_1 : vector<16xf32> to vector<1x16xf32>
    tpu.vector_store %arg9[%swap3A_488, %swap3A_489], %swap3A_492 {strides = array<i32>} : memref<40x48xf32, #tpu.memory_space<vmem>>, vector<1x16xf32>,
    %swap3A_493 = arith.constant 27 : i32
    %swap3A_494 = arith.index_cast %swap3A_493 : i32 to index
    %swap3A_495 = arith.constant 16 : index
    %swap3A_496 = tpu.vector_load %arg9[%swap3A_494, %swap3A_495] {strides = array<i32>} : memref<40x48xf32, #tpu.memory_space<vmem>>, vector<1x16xf32>,
    %swap3A_497 = vector.shape_cast %swap3A_496 : vector<1x16xf32> to vector<16xf32>
    %swap3A_498 = vector.shape_cast %broadcast_in_dim3A_1 : vector<16xf32> to vector<1x16xf32>
    tpu.vector_store %arg9[%swap3A_494, %swap3A_495], %swap3A_498 {strides = array<i32>} : memref<40x48xf32, #tpu.memory_space<vmem>>, vector<1x16xf32>,
    %swap3A_499 = arith.constant 27 : i32
    %swap3A_500 = arith.index_cast %swap3A_499 : i32 to index
    %swap3A_501 = arith.constant 32 : index
    %swap3A_502 = tpu.vector_load %arg9[%swap3A_500, %swap3A_501] {strides = array<i32>} : memref<40x48xf32, #tpu.memory_space<vmem>>, vector<1x16xf32>,
    %swap3A_503 = vector.shape_cast %swap3A_502 : vector<1x16xf32> to vector<16xf32>
    %swap3A_504 = vector.shape_cast %broadcast_in_dim3A_1 : vector<16xf32> to vector<1x16xf32>
    tpu.vector_store %arg9[%swap3A_500, %swap3A_501], %swap3A_504 {strides = array<i32>} : memref<40x48xf32, #tpu.memory_space<vmem>>, vector<1x16xf32>,
    %swap3A_505 = arith.constant 28 : i32
    %swap3A_506 = arith.index_cast %swap3A_505 : i32 to index
    %swap3A_507 = arith.constant 0 : index
    %swap3A_508 = tpu.vector_load %arg9[%swap3A_506, %swap3A_507] {strides = array<i32>} : memref<40x48xf32, #tpu.memory_space<vmem>>, vector<1x16xf32>,
    %swap3A_509 = vector.shape_cast %swap3A_508 : vector<1x16xf32> to vector<16xf32>
    %swap3A_510 = vector.shape_cast %broadcast_in_dim3A_1 : vector<16xf32> to vector<1x16xf32>
    tpu.vector_store %arg9[%swap3A_506, %swap3A_507], %swap3A_510 {strides = array<i32>} : memref<40x48xf32, #tpu.memory_space<vmem>>, vector<1x16xf32>,
    %swap3A_511 = arith.constant 28 : i32
    %swap3A_512 = arith.index_cast %swap3A_511 : i32 to index
    %swap3A_513 = arith.constant 16 : index
    %swap3A_514 = tpu.vector_load %arg9[%swap3A_512, %swap3A_513] {strides = array<i32>} : memref<40x48xf32, #tpu.memory_space<vmem>>, vector<1x16xf32>,
    %swap3A_515 = vector.shape_cast %swap3A_514 : vector<1x16xf32> to vector<16xf32>
    %swap3A_516 = vector.shape_cast %broadcast_in_dim3A_1 : vector<16xf32> to vector<1x16xf32>
    tpu.vector_store %arg9[%swap3A_512, %swap3A_513], %swap3A_516 {strides = array<i32>} : memref<40x48xf32, #tpu.memory_space<vmem>>, vector<1x16xf32>,
    %swap3A_517 = arith.constant 28 : i32
    %swap3A_518 = arith.index_cast %swap3A_517 : i32 to index
    %swap3A_519 = arith.constant 32 : index
    %swap3A_520 = tpu.vector_load %arg9[%swap3A_518, %swap3A_519] {strides = array<i32>} : memref<40x48xf32, #tpu.memory_space<vmem>>, vector<1x16xf32>,
    %swap3A_521 = vector.shape_cast %swap3A_520 : vector<1x16xf32> to vector<16xf32>
    %swap3A_522 = vector.shape_cast %broadcast_in_dim3A_1 : vector<16xf32> to vector<1x16xf32>
    tpu.vector_store %arg9[%swap3A_518, %swap3A_519], %swap3A_522 {strides = array<i32>} : memref<40x48xf32, #tpu.memory_space<vmem>>, vector<1x16xf32>,
    %swap3A_523 = arith.constant 29 : i32
    %swap3A_524 = arith.index_cast %swap3A_523 : i32 to index
    %swap3A_525 = arith.constant 0 : index
    %swap3A_526 = tpu.vector_load %arg9[%swap3A_524, %swap3A_525] {strides = array<i32>} : memref<40x48xf32, #tpu.memory_space<vmem>>, vector<1x16xf32>,
    %swap3A_527 = vector.shape_cast %swap3A_526 : vector<1x16xf32> to vector<16xf32>
    %swap3A_528 = vector.shape_cast %broadcast_in_dim3A_1 : vector<16xf32> to vector<1x16xf32>
    tpu.vector_store %arg9[%swap3A_524, %swap3A_525], %swap3A_528 {strides = array<i32>} : memref<40x48xf32, #tpu.memory_space<vmem>>, vector<1x16xf32>,
    %swap3A_529 = arith.constant 29 : i32
    %swap3A_530 = arith.index_cast %swap3A_529 : i32 to index
    %swap3A_531 = arith.constant 16 : index
    %swap3A_532 = tpu.vector_load %arg9[%swap3A_530, %swap3A_531] {strides = array<i32>} : memref<40x48xf32, #tpu.memory_space<vmem>>, vector<1x16xf32>,
    %swap3A_533 = vector.shape_cast %swap3A_532 : vector<1x16xf32> to vector<16xf32>
    %swap3A_534 = vector.shape_cast %broadcast_in_dim3A_1 : vector<16xf32> to vector<1x16xf32>
    tpu.vector_store %arg9[%swap3A_530, %swap3A_531], %swap3A_534 {strides = array<i32>} : memref<40x48xf32, #tpu.memory_space<vmem>>, vector<1x16xf32>,
    %swap3A_535 = arith.constant 29 : i32
    %swap3A_536 = arith.index_cast %swap3A_535 : i32 to index
    %swap3A_537 = arith.constant 32 : index
    %swap3A_538 = tpu.vector_load %arg9[%swap3A_536, %swap3A_537] {strides = array<i32>} : memref<40x48xf32, #tpu.memory_space<vmem>>, vector<1x16xf32>,
    %swap3A_539 = vector.shape_cast %swap3A_538 : vector<1x16xf32> to vector<16xf32>
    %swap3A_540 = vector.shape_cast %broadcast_in_dim3A_1 : vector<16xf32> to vector<1x16xf32>
    tpu.vector_store %arg9[%swap3A_536, %swap3A_537], %swap3A_540 {strides = array<i32>} : memref<40x48xf32, #tpu.memory_space<vmem>>, vector<1x16xf32>,
    %swap3A_541 = arith.constant 30 : i32
    %swap3A_542 = arith.index_cast %swap3A_541 : i32 to index
    %swap3A_543 = arith.constant 0 : index
    %swap3A_544 = tpu.vector_load %arg9[%swap3A_542, %swap3A_543] {strides = array<i32>} : memref<40x48xf32, #tpu.memory_space<vmem>>, vector<1x16xf32>,
    %swap3A_545 = vector.shape_cast %swap3A_544 : vector<1x16xf32> to vector<16xf32>
    %swap3A_546 = vector.shape_cast %broadcast_in_dim3A_1 : vector<16xf32> to vector<1x16xf32>
    tpu.vector_store %arg9[%swap3A_542, %swap3A_543], %swap3A_546 {strides = array<i32>} : memref<40x48xf32, #tpu.memory_space<vmem>>, vector<1x16xf32>,
    %swap3A_547 = arith.constant 30 : i32
    %swap3A_548 = arith.index_cast %swap3A_547 : i32 to index
    %swap3A_549 = arith.constant 16 : index
    %swap3A_550 = tpu.vector_load %arg9[%swap3A_548, %swap3A_549] {strides = array<i32>} : memref<40x48xf32, #tpu.memory_space<vmem>>, vector<1x16xf32>,
    %swap3A_551 = vector.shape_cast %swap3A_550 : vector<1x16xf32> to vector<16xf32>
    %swap3A_552 = vector.shape_cast %broadcast_in_dim3A_1 : vector<16xf32> to vector<1x16xf32>
    tpu.vector_store %arg9[%swap3A_548, %swap3A_549], %swap3A_552 {strides = array<i32>} : memref<40x48xf32, #tpu.memory_space<vmem>>, vector<1x16xf32>,
    %swap3A_553 = arith.constant 30 : i32
    %swap3A_554 = arith.index_cast %swap3A_553 : i32 to index
    %swap3A_555 = arith.constant 32 : index
    %swap3A_556 = tpu.vector_load %arg9[%swap3A_554, %swap3A_555] {strides = array<i32>} : memref<40x48xf32, #tpu.memory_space<vmem>>, vector<1x16xf32>,
    %swap3A_557 = vector.shape_cast %swap3A_556 : vector<1x16xf32> to vector<16xf32>
    %swap3A_558 = vector.shape_cast %broadcast_in_dim3A_1 : vector<16xf32> to vector<1x16xf32>
    tpu.vector_store %arg9[%swap3A_554, %swap3A_555], %swap3A_558 {strides = array<i32>} : memref<40x48xf32, #tpu.memory_space<vmem>>, vector<1x16xf32>,
    %swap3A_559 = arith.constant 31 : i32
    %swap3A_560 = arith.index_cast %swap3A_559 : i32 to index
    %swap3A_561 = arith.constant 0 : index
    %swap3A_562 = tpu.vector_load %arg9[%swap3A_560, %swap3A_561] {strides = array<i32>} : memref<40x48xf32, #tpu.memory_space<vmem>>, vector<1x16xf32>,
    %swap3A_563 = vector.shape_cast %swap3A_562 : vector<1x16xf32> to vector<16xf32>
    %swap3A_564 = vector.shape_cast %broadcast_in_dim3A_1 : vector<16xf32> to vector<1x16xf32>
    tpu.vector_store %arg9[%swap3A_560, %swap3A_561], %swap3A_564 {strides = array<i32>} : memref<40x48xf32, #tpu.memory_space<vmem>>, vector<1x16xf32>,
    %swap3A_565 = arith.constant 31 : i32
    %swap3A_566 = arith.index_cast %swap3A_565 : i32 to index
    %swap3A_567 = arith.constant 16 : index
    %swap3A_568 = tpu.vector_load %arg9[%swap3A_566, %swap3A_567] {strides = array<i32>} : memref<40x48xf32, #tpu.memory_space<vmem>>, vector<1x16xf32>,
    %swap3A_569 = vector.shape_cast %swap3A_568 : vector<1x16xf32> to vector<16xf32>
    %swap3A_570 = vector.shape_cast %broadcast_in_dim3A_1 : vector<16xf32> to vector<1x16xf32>
    tpu.vector_store %arg9[%swap3A_566, %swap3A_567], %swap3A_570 {strides = array<i32>} : memref<40x48xf32, #tpu.memory_space<vmem>>, vector<1x16xf32>,
    %swap3A_571 = arith.constant 31 : i32
    %swap3A_572 = arith.index_cast %swap3A_571 : i32 to index
    %swap3A_573 = arith.constant 32 : index
    %swap3A_574 = tpu.vector_load %arg9[%swap3A_572, %swap3A_573] {strides = array<i32>} : memref<40x48xf32, #tpu.memory_space<vmem>>, vector<1x16xf32>,
    %swap3A_575 = vector.shape_cast %swap3A_574 : vector<1x16xf32> to vector<16xf32>
    %swap3A_576 = vector.shape_cast %broadcast_in_dim3A_1 : vector<16xf32> to vector<1x16xf32>
    tpu.vector_store %arg9[%swap3A_572, %swap3A_573], %swap3A_576 {strides = array<i32>} : memref<40x48xf32, #tpu.memory_space<vmem>>, vector<1x16xf32>,
    %swap3A_577 = arith.constant 32 : i32
    %swap3A_578 = arith.index_cast %swap3A_577 : i32 to index
    %swap3A_579 = arith.constant 0 : index
    %swap3A_580 = tpu.vector_load %arg9[%swap3A_578, %swap3A_579] {strides = array<i32>} : memref<40x48xf32, #tpu.memory_space<vmem>>, vector<1x16xf32>,
    %swap3A_581 = vector.shape_cast %swap3A_580 : vector<1x16xf32> to vector<16xf32>
    %swap3A_582 = vector.shape_cast %broadcast_in_dim3A_1 : vector<16xf32> to vector<1x16xf32>
    tpu.vector_store %arg9[%swap3A_578, %swap3A_579], %swap3A_582 {strides = array<i32>} : memref<40x48xf32, #tpu.memory_space<vmem>>, vector<1x16xf32>,
    %swap3A_583 = arith.constant 32 : i32
    %swap3A_584 = arith.index_cast %swap3A_583 : i32 to index
    %swap3A_585 = arith.constant 16 : index
    %swap3A_586 = tpu.vector_load %arg9[%swap3A_584, %swap3A_585] {strides = array<i32>} : memref<40x48xf32, #tpu.memory_space<vmem>>, vector<1x16xf32>,
    %swap3A_587 = vector.shape_cast %swap3A_586 : vector<1x16xf32> to vector<16xf32>
    %swap3A_588 = vector.shape_cast %broadcast_in_dim3A_1 : vector<16xf32> to vector<1x16xf32>
    tpu.vector_store %arg9[%swap3A_584, %swap3A_585], %swap3A_588 {strides = array<i32>} : memref<40x48xf32, #tpu.memory_space<vmem>>, vector<1x16xf32>,
    %swap3A_589 = arith.constant 32 : i32
    %swap3A_590 = arith.index_cast %swap3A_589 : i32 to index
    %swap3A_591 = arith.constant 32 : index
    %swap3A_592 = tpu.vector_load %arg9[%swap3A_590, %swap3A_591] {strides = array<i32>} : memref<40x48xf32, #tpu.memory_space<vmem>>, vector<1x16xf32>,
    %swap3A_593 = vector.shape_cast %swap3A_592 : vector<1x16xf32> to vector<16xf32>
    %swap3A_594 = vector.shape_cast %broadcast_in_dim3A_1 : vector<16xf32> to vector<1x16xf32>
    tpu.vector_store %arg9[%swap3A_590, %swap3A_591], %swap3A_594 {strides = array<i32>} : memref<40x48xf32, #tpu.memory_space<vmem>>, vector<1x16xf32>,
    %swap3A_595 = arith.constant 33 : i32
    %swap3A_596 = arith.index_cast %swap3A_595 : i32 to index
    %swap3A_597 = arith.constant 0 : index
    %swap3A_598 = tpu.vector_load %arg9[%swap3A_596, %swap3A_597] {strides = array<i32>} : memref<40x48xf32, #tpu.memory_space<vmem>>, vector<1x16xf32>,
    %swap3A_599 = vector.shape_cast %swap3A_598 : vector<1x16xf32> to vector<16xf32>
    %swap3A_600 = vector.shape_cast %broadcast_in_dim3A_1 : vector<16xf32> to vector<1x16xf32>
    tpu.vector_store %arg9[%swap3A_596, %swap3A_597], %swap3A_600 {strides = array<i32>} : memref<40x48xf32, #tpu.memory_space<vmem>>, vector<1x16xf32>,
    %swap3A_601 = arith.constant 33 : i32
    %swap3A_602 = arith.index_cast %swap3A_601 : i32 to index
    %swap3A_603 = arith.constant 16 : index
    %swap3A_604 = tpu.vector_load %arg9[%swap3A_602, %swap3A_603] {strides = array<i32>} : memref<40x48xf32, #tpu.memory_space<vmem>>, vector<1x16xf32>,
    %swap3A_605 = vector.shape_cast %swap3A_604 : vector<1x16xf32> to vector<16xf32>
    %swap3A_606 = vector.shape_cast %broadcast_in_dim3A_1 : vector<16xf32> to vector<1x16xf32>
    tpu.vector_store %arg9[%swap3A_602, %swap3A_603], %swap3A_606 {strides = array<i32>} : memref<40x48xf32, #tpu.memory_space<vmem>>, vector<1x16xf32>,
    %swap3A_607 = arith.constant 33 : i32
    %swap3A_608 = arith.index_cast %swap3A_607 : i32 to index
    %swap3A_609 = arith.constant 32 : index
    %swap3A_610 = tpu.vector_load %arg9[%swap3A_608, %swap3A_609] {strides = array<i32>} : memref<40x48xf32, #tpu.memory_space<vmem>>, vector<1x16xf32>,
    %swap3A_611 = vector.shape_cast %swap3A_610 : vector<1x16xf32> to vector<16xf32>
    %swap3A_612 = vector.shape_cast %broadcast_in_dim3A_1 : vector<16xf32> to vector<1x16xf32>
    tpu.vector_store %arg9[%swap3A_608, %swap3A_609], %swap3A_612 {strides = array<i32>} : memref<40x48xf32, #tpu.memory_space<vmem>>, vector<1x16xf32>,
    %swap3A_613 = arith.constant 34 : i32
    %swap3A_614 = arith.index_cast %swap3A_613 : i32 to index
    %swap3A_615 = arith.constant 0 : index
    %swap3A_616 = tpu.vector_load %arg9[%swap3A_614, %swap3A_615] {strides = array<i32>} : memref<40x48xf32, #tpu.memory_space<vmem>>, vector<1x16xf32>,
    %swap3A_617 = vector.shape_cast %swap3A_616 : vector<1x16xf32> to vector<16xf32>
    %swap3A_618 = vector.shape_cast %broadcast_in_dim3A_1 : vector<16xf32> to vector<1x16xf32>
    tpu.vector_store %arg9[%swap3A_614, %swap3A_615], %swap3A_618 {strides = array<i32>} : memref<40x48xf32, #tpu.memory_space<vmem>>, vector<1x16xf32>,
    %swap3A_619 = arith.constant 34 : i32
    %swap3A_620 = arith.index_cast %swap3A_619 : i32 to index
    %swap3A_621 = arith.constant 16 : index
    %swap3A_622 = tpu.vector_load %arg9[%swap3A_620, %swap3A_621] {strides = array<i32>} : memref<40x48xf32, #tpu.memory_space<vmem>>, vector<1x16xf32>,
    %swap3A_623 = vector.shape_cast %swap3A_622 : vector<1x16xf32> to vector<16xf32>
    %swap3A_624 = vector.shape_cast %broadcast_in_dim3A_1 : vector<16xf32> to vector<1x16xf32>
    tpu.vector_store %arg9[%swap3A_620, %swap3A_621], %swap3A_624 {strides = array<i32>} : memref<40x48xf32, #tpu.memory_space<vmem>>, vector<1x16xf32>,
    %swap3A_625 = arith.constant 34 : i32
    %swap3A_626 = arith.index_cast %swap3A_625 : i32 to index
    %swap3A_627 = arith.constant 32 : index
    %swap3A_628 = tpu.vector_load %arg9[%swap3A_626, %swap3A_627] {strides = array<i32>} : memref<40x48xf32, #tpu.memory_space<vmem>>, vector<1x16xf32>,
    %swap3A_629 = vector.shape_cast %swap3A_628 : vector<1x16xf32> to vector<16xf32>
    %swap3A_630 = vector.shape_cast %broadcast_in_dim3A_1 : vector<16xf32> to vector<1x16xf32>
    tpu.vector_store %arg9[%swap3A_626, %swap3A_627], %swap3A_630 {strides = array<i32>} : memref<40x48xf32, #tpu.memory_space<vmem>>, vector<1x16xf32>,
    %swap3A_631 = arith.constant 35 : i32
    %swap3A_632 = arith.index_cast %swap3A_631 : i32 to index
    %swap3A_633 = arith.constant 0 : index
    %swap3A_634 = tpu.vector_load %arg9[%swap3A_632, %swap3A_633] {strides = array<i32>} : memref<40x48xf32, #tpu.memory_space<vmem>>, vector<1x16xf32>,
    %swap3A_635 = vector.shape_cast %swap3A_634 : vector<1x16xf32> to vector<16xf32>
    %swap3A_636 = vector.shape_cast %broadcast_in_dim3A_1 : vector<16xf32> to vector<1x16xf32>
    tpu.vector_store %arg9[%swap3A_632, %swap3A_633], %swap3A_636 {strides = array<i32>} : memref<40x48xf32, #tpu.memory_space<vmem>>, vector<1x16xf32>,
    %swap3A_637 = arith.constant 35 : i32
    %swap3A_638 = arith.index_cast %swap3A_637 : i32 to index
    %swap3A_639 = arith.constant 16 : index
    %swap3A_640 = tpu.vector_load %arg9[%swap3A_638, %swap3A_639] {strides = array<i32>} : memref<40x48xf32, #tpu.memory_space<vmem>>, vector<1x16xf32>,
    %swap3A_641 = vector.shape_cast %swap3A_640 : vector<1x16xf32> to vector<16xf32>
    %swap3A_642 = vector.shape_cast %broadcast_in_dim3A_1 : vector<16xf32> to vector<1x16xf32>
    tpu.vector_store %arg9[%swap3A_638, %swap3A_639], %swap3A_642 {strides = array<i32>} : memref<40x48xf32, #tpu.memory_space<vmem>>, vector<1x16xf32>,
    %swap3A_643 = arith.constant 35 : i32
    %swap3A_644 = arith.index_cast %swap3A_643 : i32 to index
    %swap3A_645 = arith.constant 32 : index
    %swap3A_646 = tpu.vector_load %arg9[%swap3A_644, %swap3A_645] {strides = array<i32>} : memref<40x48xf32, #tpu.memory_space<vmem>>, vector<1x16xf32>,
    %swap3A_647 = vector.shape_cast %swap3A_646 : vector<1x16xf32> to vector<16xf32>
    %swap3A_648 = vector.shape_cast %broadcast_in_dim3A_1 : vector<16xf32> to vector<1x16xf32>
    tpu.vector_store %arg9[%swap3A_644, %swap3A_645], %swap3A_648 {strides = array<i32>} : memref<40x48xf32, #tpu.memory_space<vmem>>, vector<1x16xf32>,
    %swap3A_649 = arith.constant 36 : i32
    %swap3A_650 = arith.index_cast %swap3A_649 : i32 to index
    %swap3A_651 = arith.constant 0 : index
    %swap3A_652 = tpu.vector_load %arg9[%swap3A_650, %swap3A_651] {strides = array<i32>} : memref<40x48xf32, #tpu.memory_space<vmem>>, vector<1x16xf32>,
    %swap3A_653 = vector.shape_cast %swap3A_652 : vector<1x16xf32> to vector<16xf32>
    %swap3A_654 = vector.shape_cast %broadcast_in_dim3A_1 : vector<16xf32> to vector<1x16xf32>
    tpu.vector_store %arg9[%swap3A_650, %swap3A_651], %swap3A_654 {strides = array<i32>} : memref<40x48xf32, #tpu.memory_space<vmem>>, vector<1x16xf32>,
    %swap3A_655 = arith.constant 36 : i32
    %swap3A_656 = arith.index_cast %swap3A_655 : i32 to index
    %swap3A_657 = arith.constant 16 : index
    %swap3A_658 = tpu.vector_load %arg9[%swap3A_656, %swap3A_657] {strides = array<i32>} : memref<40x48xf32, #tpu.memory_space<vmem>>, vector<1x16xf32>,
    %swap3A_659 = vector.shape_cast %swap3A_658 : vector<1x16xf32> to vector<16xf32>
    %swap3A_660 = vector.shape_cast %broadcast_in_dim3A_1 : vector<16xf32> to vector<1x16xf32>
    tpu.vector_store %arg9[%swap3A_656, %swap3A_657], %swap3A_660 {strides = array<i32>} : memref<40x48xf32, #tpu.memory_space<vmem>>, vector<1x16xf32>,
    %swap3A_661 = arith.constant 36 : i32
    %swap3A_662 = arith.index_cast %swap3A_661 : i32 to index
    %swap3A_663 = arith.constant 32 : index
    %swap3A_664 = tpu.vector_load %arg9[%swap3A_662, %swap3A_663] {strides = array<i32>} : memref<40x48xf32, #tpu.memory_space<vmem>>, vector<1x16xf32>,
    %swap3A_665 = vector.shape_cast %swap3A_664 : vector<1x16xf32> to vector<16xf32>
    %swap3A_666 = vector.shape_cast %broadcast_in_dim3A_1 : vector<16xf32> to vector<1x16xf32>
    tpu.vector_store %arg9[%swap3A_662, %swap3A_663], %swap3A_666 {strides = array<i32>} : memref<40x48xf32, #tpu.memory_space<vmem>>, vector<1x16xf32>,
    %swap3A_667 = arith.constant 37 : i32
    %swap3A_668 = arith.index_cast %swap3A_667 : i32 to index
    %swap3A_669 = arith.constant 0 : index
    %swap3A_670 = tpu.vector_load %arg9[%swap3A_668, %swap3A_669] {strides = array<i32>} : memref<40x48xf32, #tpu.memory_space<vmem>>, vector<1x16xf32>,
    %swap3A_671 = vector.shape_cast %swap3A_670 : vector<1x16xf32> to vector<16xf32>
    %swap3A_672 = vector.shape_cast %broadcast_in_dim3A_1 : vector<16xf32> to vector<1x16xf32>
    tpu.vector_store %arg9[%swap3A_668, %swap3A_669], %swap3A_672 {strides = array<i32>} : memref<40x48xf32, #tpu.memory_space<vmem>>, vector<1x16xf32>,
    %swap3A_673 = arith.constant 37 : i32
    %swap3A_674 = arith.index_cast %swap3A_673 : i32 to index
    %swap3A_675 = arith.constant 16 : index
    %swap3A_676 = tpu.vector_load %arg9[%swap3A_674, %swap3A_675] {strides = array<i32>} : memref<40x48xf32, #tpu.memory_space<vmem>>, vector<1x16xf32>,
    %swap3A_677 = vector.shape_cast %swap3A_676 : vector<1x16xf32> to vector<16xf32>
    %swap3A_678 = vector.shape_cast %broadcast_in_dim3A_1 : vector<16xf32> to vector<1x16xf32>
    tpu.vector_store %arg9[%swap3A_674, %swap3A_675], %swap3A_678 {strides = array<i32>} : memref<40x48xf32, #tpu.memory_space<vmem>>, vector<1x16xf32>,
    %swap3A_679 = arith.constant 37 : i32
    %swap3A_680 = arith.index_cast %swap3A_679 : i32 to index
    %swap3A_681 = arith.constant 32 : index
    %swap3A_682 = tpu.vector_load %arg9[%swap3A_680, %swap3A_681] {strides = array<i32>} : memref<40x48xf32, #tpu.memory_space<vmem>>, vector<1x16xf32>,
    %swap3A_683 = vector.shape_cast %swap3A_682 : vector<1x16xf32> to vector<16xf32>
    %swap3A_684 = vector.shape_cast %broadcast_in_dim3A_1 : vector<16xf32> to vector<1x16xf32>
    tpu.vector_store %arg9[%swap3A_680, %swap3A_681], %swap3A_684 {strides = array<i32>} : memref<40x48xf32, #tpu.memory_space<vmem>>, vector<1x16xf32>,
    %swap3A_685 = arith.constant 38 : i32
    %swap3A_686 = arith.index_cast %swap3A_685 : i32 to index
    %swap3A_687 = arith.constant 0 : index
    %swap3A_688 = tpu.vector_load %arg9[%swap3A_686, %swap3A_687] {strides = array<i32>} : memref<40x48xf32, #tpu.memory_space<vmem>>, vector<1x16xf32>,
    %swap3A_689 = vector.shape_cast %swap3A_688 : vector<1x16xf32> to vector<16xf32>
    %swap3A_690 = vector.shape_cast %broadcast_in_dim3A_1 : vector<16xf32> to vector<1x16xf32>
    tpu.vector_store %arg9[%swap3A_686, %swap3A_687], %swap3A_690 {strides = array<i32>} : memref<40x48xf32, #tpu.memory_space<vmem>>, vector<1x16xf32>,
    %swap3A_691 = arith.constant 38 : i32
    %swap3A_692 = arith.index_cast %swap3A_691 : i32 to index
    %swap3A_693 = arith.constant 16 : index
    %swap3A_694 = tpu.vector_load %arg9[%swap3A_692, %swap3A_693] {strides = array<i32>} : memref<40x48xf32, #tpu.memory_space<vmem>>, vector<1x16xf32>,
    %swap3A_695 = vector.shape_cast %swap3A_694 : vector<1x16xf32> to vector<16xf32>
    %swap3A_696 = vector.shape_cast %broadcast_in_dim3A_1 : vector<16xf32> to vector<1x16xf32>
    tpu.vector_store %arg9[%swap3A_692, %swap3A_693], %swap3A_696 {strides = array<i32>} : memref<40x48xf32, #tpu.memory_space<vmem>>, vector<1x16xf32>,
    %swap3A_697 = arith.constant 38 : i32
    %swap3A_698 = arith.index_cast %swap3A_697 : i32 to index
    %swap3A_699 = arith.constant 32 : index
    %swap3A_700 = tpu.vector_load %arg9[%swap3A_698, %swap3A_699] {strides = array<i32>} : memref<40x48xf32, #tpu.memory_space<vmem>>, vector<1x16xf32>,
    %swap3A_701 = vector.shape_cast %swap3A_700 : vector<1x16xf32> to vector<16xf32>
    %swap3A_702 = vector.shape_cast %broadcast_in_dim3A_1 : vector<16xf32> to vector<1x16xf32>
    tpu.vector_store %arg9[%swap3A_698, %swap3A_699], %swap3A_702 {strides = array<i32>} : memref<40x48xf32, #tpu.memory_space<vmem>>, vector<1x16xf32>,
    %swap3A_703 = arith.constant 39 : i32
    %swap3A_704 = arith.index_cast %swap3A_703 : i32 to index
    %swap3A_705 = arith.constant 0 : index
    %swap3A_706 = tpu.vector_load %arg9[%swap3A_704, %swap3A_705] {strides = array<i32>} : memref<40x48xf32, #tpu.memory_space<vmem>>, vector<1x16xf32>,
    %swap3A_707 = vector.shape_cast %swap3A_706 : vector<1x16xf32> to vector<16xf32>
    %swap3A_708 = vector.shape_cast %broadcast_in_dim3A_1 : vector<16xf32> to vector<1x16xf32>
    tpu.vector_store %arg9[%swap3A_704, %swap3A_705], %swap3A_708 {strides = array<i32>} : memref<40x48xf32, #tpu.memory_space<vmem>>, vector<1x16xf32>,
    %swap3A_709 = arith.constant 39 : i32
    %swap3A_710 = arith.index_cast %swap3A_709 : i32 to index
    %swap3A_711 = arith.constant 16 : index
    %swap3A_712 = tpu.vector_load %arg9[%swap3A_710, %swap3A_711] {strides = array<i32>} : memref<40x48xf32, #tpu.memory_space<vmem>>, vector<1x16xf32>,
    %swap3A_713 = vector.shape_cast %swap3A_712 : vector<1x16xf32> to vector<16xf32>
    %swap3A_714 = vector.shape_cast %broadcast_in_dim3A_1 : vector<16xf32> to vector<1x16xf32>
    tpu.vector_store %arg9[%swap3A_710, %swap3A_711], %swap3A_714 {strides = array<i32>} : memref<40x48xf32, #tpu.memory_space<vmem>>, vector<1x16xf32>,
    %swap3A_715 = arith.constant 39 : i32
    %swap3A_716 = arith.index_cast %swap3A_715 : i32 to index
    %swap3A_717 = arith.constant 32 : index
    %swap3A_718 = tpu.vector_load %arg9[%swap3A_716, %swap3A_717] {strides = array<i32>} : memref<40x48xf32, #tpu.memory_space<vmem>>, vector<1x16xf32>,
    %swap3A_719 = vector.shape_cast %swap3A_718 : vector<1x16xf32> to vector<16xf32>
    %swap3A_720 = vector.shape_cast %broadcast_in_dim3A_1 : vector<16xf32> to vector<1x16xf32>
    tpu.vector_store %arg9[%swap3A_716, %swap3A_717], %swap3A_720 {strides = array<i32>} : memref<40x48xf32, #tpu.memory_space<vmem>>, vector<1x16xf32>,
    %mul3A_721 = arith.constant 125 : i32
    %mul3A_722 = arith.muli %add3A, %mul3A_721 : i32
    "tpu.region"() ({
      %run_scoped3A = tpu.sem_alloc : memref<!tpu.dma_semaphore, #tpu.memory_space<semaphore_mem>>
      %dma_start3A_847 = arith.constant 0 : i32
      %dma_start3A_848 = tpu.memref_slice %arg3[%mul3A_722, %dma_start3A_847] : memref<4000x80xi32, #tpu.memory_space<hbm>> -> memref<125x80xi32, #tpu.memory_space<hbm>>
      %dma_start3A_849 = arith.constant 0 : i32
      %dma_start3A_850 = tpu.memref_slice %arg3[%mul3A_722, %dma_start3A_849] : memref<4000x80xi32, #tpu.memory_space<hbm>> -> memref<125x80xi32, #tpu.memory_space<hbm>>
      tpu.enqueue_dma source(%dma_start3A_850 : memref<125x80xi32, #tpu.memory_space<hbm>>) target(%arg6 : memref<125x80xi32, #tpu.memory_space<vmem>>) target_semaphore(%run_scoped3A : memref<!tpu.dma_semaphore, #tpu.memory_space<semaphore_mem>>)
      %dma_wait3A_851 = arith.constant 0 : i32
      %dma_wait3A_852 = tpu.memref_slice %arg3[%mul3A_722, %dma_wait3A_851] : memref<4000x80xi32, #tpu.memory_space<hbm>> -> memref<125x80xi32, #tpu.memory_space<hbm>>
      %dma_wait3A_853 = arith.constant 0 : i32
      %dma_wait3A_854 = tpu.memref_slice %arg3[%mul3A_722, %dma_wait3A_853] : memref<4000x80xi32, #tpu.memory_space<hbm>> -> memref<125x80xi32, #tpu.memory_space<hbm>>
      tpu.wait_dma2 semaphore(%run_scoped3A : memref<!tpu.dma_semaphore, #tpu.memory_space<semaphore_mem>>) src(%dma_wait3A_854 : memref<125x80xi32, #tpu.memory_space<hbm>>) dst(%arg6 : memref<125x80xi32, #tpu.memory_space<vmem>>)
      tpu.yield
    }) : () -> ()
    %mul3A_723 = arith.constant 125 : i32
    %mul3A_724 = arith.muli %add3A, %mul3A_723 : i32
    "tpu.region"() ({
      %run_scoped3A = tpu.sem_alloc : memref<!tpu.dma_semaphore, #tpu.memory_space<semaphore_mem>>
      %dma_start3A_847 = arith.constant 0 : i32
      %dma_start3A_848 = tpu.memref_slice %arg4[%mul3A_724, %dma_start3A_847] : memref<4000x80xi32, #tpu.memory_space<hbm>> -> memref<125x80xi32, #tpu.memory_space<hbm>>
      %dma_start3A_849 = arith.constant 0 : i32
      %dma_start3A_850 = tpu.memref_slice %arg4[%mul3A_724, %dma_start3A_849] : memref<4000x80xi32, #tpu.memory_space<hbm>> -> memref<125x80xi32, #tpu.memory_space<hbm>>
      tpu.enqueue_dma source(%dma_start3A_850 : memref<125x80xi32, #tpu.memory_space<hbm>>) target(%arg7 : memref<125x80xi32, #tpu.memory_space<vmem>>) target_semaphore(%run_scoped3A : memref<!tpu.dma_semaphore, #tpu.memory_space<semaphore_mem>>)
      %dma_wait3A_851 = arith.constant 0 : i32
      %dma_wait3A_852 = tpu.memref_slice %arg4[%mul3A_724, %dma_wait3A_851] : memref<4000x80xi32, #tpu.memory_space<hbm>> -> memref<125x80xi32, #tpu.memory_space<hbm>>
      %dma_wait3A_853 = arith.constant 0 : i32
      %dma_wait3A_854 = tpu.memref_slice %arg4[%mul3A_724, %dma_wait3A_853] : memref<4000x80xi32, #tpu.memory_space<hbm>> -> memref<125x80xi32, #tpu.memory_space<hbm>>
      tpu.wait_dma2 semaphore(%run_scoped3A : memref<!tpu.dma_semaphore, #tpu.memory_space<semaphore_mem>>) src(%dma_wait3A_854 : memref<125x80xi32, #tpu.memory_space<hbm>>) dst(%arg7 : memref<125x80xi32, #tpu.memory_space<vmem>>)
      tpu.yield
    }) : () -> ()
    %mul3A_725 = arith.constant 640 : i32
    %mul3A_726 = arith.muli %arg1, %mul3A_725 : i32
    %scan3A = arith.constant 0 : i32
    %scan3A_727 = arith.constant 0 : i32
    %scan3A_728 = arith.constant 16 : i32
    %scan3A_729 = arith.addi %scan3A_727, %scan3A_728 : i32
    %scan3A_730 = arith.constant 1 : i32
    %scan3A_731 = scf.for %scan3A_847 = %scan3A_727 to %scan3A_729 step %scan3A_730 iter_args(%scan3A_848 = %scan3A) -> (i32)  : i32 {
      %mul3A_849 = arith.constant 40 : i32
      %mul3A_850 = arith.muli %scan3A_847, %mul3A_849 : i32
      %add3A_851 = arith.addi %mul3A_726, %mul3A_850 : i32
      "tpu.region"() ({
        %run_scoped3A = tpu.sem_alloc : memref<!tpu.dma_semaphore, #tpu.memory_space<semaphore_mem>>
        %dma_start3A_853 = arith.constant 0 : i32
        %dma_start3A_854 = tpu.memref_slice %arg10[%add3A_851, %dma_start3A_853] : memref<10240x48xf32, #tpu.memory_space<vmem_shared>> -> memref<40x48xf32, #tpu.memory_space<vmem_shared>>
        %dma_start3A_855 = arith.constant 0 : i32
        %dma_start3A_856 = tpu.memref_slice %arg10[%add3A_851, %dma_start3A_855] : memref<10240x48xf32, #tpu.memory_space<vmem_shared>> -> memref<40x48xf32, #tpu.memory_space<vmem_shared>>
        tpu.enqueue_dma source(%arg9 : memref<40x48xf32, #tpu.memory_space<vmem>>) target(%dma_start3A_856 : memref<40x48xf32, #tpu.memory_space<vmem_shared>>) target_semaphore(%run_scoped3A : memref<!tpu.dma_semaphore, #tpu.memory_space<semaphore_mem>>)
        %dma_wait3A_857 = arith.constant 0 : i32
        %dma_wait3A_858 = tpu.memref_slice %arg10[%add3A_851, %dma_wait3A_857] : memref<10240x48xf32, #tpu.memory_space<vmem_shared>> -> memref<40x48xf32, #tpu.memory_space<vmem_shared>>
        %dma_wait3A_859 = arith.constant 0 : i32
        %dma_wait3A_860 = tpu.memref_slice %arg10[%add3A_851, %dma_wait3A_859] : memref<10240x48xf32, #tpu.memory_space<vmem_shared>> -> memref<40x48xf32, #tpu.memory_space<vmem_shared>>
        tpu.wait_dma2 semaphore(%run_scoped3A : memref<!tpu.dma_semaphore, #tpu.memory_space<semaphore_mem>>) src(%arg9 : memref<40x48xf32, #tpu.memory_space<vmem>>) dst(%dma_wait3A_860 : memref<40x48xf32, #tpu.memory_space<vmem_shared>>)
        tpu.yield
      }) : () -> ()
      %scan3A_852 = arith.constant 0 : i32
      scf.yield %scan3A_852 : i32
    }
    %scan3A_732 = arith.constant 16 : i32
    %barrier3A = arith.constant 0 : index
    tpu.barrier barrier_id(%barrier3A)
    %dma_start3A = arith.constant 0 : i32
    %dma_start3A_733 = arith.constant 0 : i32
    %dma_start3A_734 = arith.constant 0 : i32
    %dma_start3A_735 = arith.constant 0 : i32
    %dma_start3A_736 = tpu.memref_slice %arg8[%dma_start3A_733, %dma_start3A_734, %dma_start3A_735] : memref<5x80x48xf32, #tpu.memory_space<vmem>> -> memref<1x80x48xf32, #tpu.memory_space<vmem>>
    %dma_start3A_737 = tpu.memref_squeeze %dma_start3A_736 : memref<1x80x48xf32, #tpu.memory_space<vmem>> -> memref<80x48xf32, #tpu.memory_space<vmem>>
    %dma_start3A_738 = arith.constant 0 : i32
    %dma_start3A_739 = tpu.memref_slice %arg6[%dma_start3A, %dma_start3A_738] : memref<125x80xi32, #tpu.memory_space<vmem>> -> memref<1x80xi32, #tpu.memory_space<vmem>>
    %dma_start3A_740 = tpu.memref_squeeze %dma_start3A_739 : memref<1x80xi32, #tpu.memory_space<vmem>> -> memref<80xi32, #tpu.memory_space<vmem>>
    %dma_start3A_741 = arith.constant 0 : i32
    %dma_start3A_742 = arith.constant 0 : i32
    %dma_start3A_743 = tpu.memref_slice %arg2[%dma_start3A_741, %dma_start3A_742] : memref<10240x48xf32, #tpu.memory_space<hbm>> -> memref<10240x48xf32, #tpu.memory_space<hbm>>
    tpu.enqueue_indirect_dma source(%dma_start3A_743 : memref<10240x48xf32, #tpu.memory_space<hbm>>) target(%dma_start3A_737 : memref<80x48xf32, #tpu.memory_space<vmem>>) offsets(%dma_start3A_740 : memref<80xi32, #tpu.memory_space<vmem>>) semaphore(%arg11 : memref<!tpu.dma_semaphore, #tpu.memory_space<semaphore_mem>>)
    %dma_start3A_744 = arith.constant 1 : i32
    %dma_start3A_745 = arith.constant 1 : i32
    %dma_start3A_746 = arith.constant 0 : i32
    %dma_start3A_747 = arith.constant 0 : i32
    %dma_start3A_748 = tpu.memref_slice %arg8[%dma_start3A_745, %dma_start3A_746, %dma_start3A_747] : memref<5x80x48xf32, #tpu.memory_space<vmem>> -> memref<1x80x48xf32, #tpu.memory_space<vmem>>
    %dma_start3A_749 = tpu.memref_squeeze %dma_start3A_748 : memref<1x80x48xf32, #tpu.memory_space<vmem>> -> memref<80x48xf32, #tpu.memory_space<vmem>>
    %dma_start3A_750 = arith.constant 0 : i32
    %dma_start3A_751 = tpu.memref_slice %arg6[%dma_start3A_744, %dma_start3A_750] : memref<125x80xi32, #tpu.memory_space<vmem>> -> memref<1x80xi32, #tpu.memory_space<vmem>>
    %dma_start3A_752 = tpu.memref_squeeze %dma_start3A_751 : memref<1x80xi32, #tpu.memory_space<vmem>> -> memref<80xi32, #tpu.memory_space<vmem>>
    %dma_start3A_753 = arith.constant 0 : i32
    %dma_start3A_754 = arith.constant 0 : i32
    %dma_start3A_755 = tpu.memref_slice %arg2[%dma_start3A_753, %dma_start3A_754] : memref<10240x48xf32, #tpu.memory_space<hbm>> -> memref<10240x48xf32, #tpu.memory_space<hbm>>
    tpu.enqueue_indirect_dma source(%dma_start3A_755 : memref<10240x48xf32, #tpu.memory_space<hbm>>) target(%dma_start3A_749 : memref<80x48xf32, #tpu.memory_space<vmem>>) offsets(%dma_start3A_752 : memref<80xi32, #tpu.memory_space<vmem>>) semaphore(%arg12 : memref<!tpu.dma_semaphore, #tpu.memory_space<semaphore_mem>>)
    %dma_start3A_756 = arith.constant 2 : i32
    %dma_start3A_757 = arith.constant 2 : i32
    %dma_start3A_758 = arith.constant 0 : i32
    %dma_start3A_759 = arith.constant 0 : i32
    %dma_start3A_760 = tpu.memref_slice %arg8[%dma_start3A_757, %dma_start3A_758, %dma_start3A_759] : memref<5x80x48xf32, #tpu.memory_space<vmem>> -> memref<1x80x48xf32, #tpu.memory_space<vmem>>
    %dma_start3A_761 = tpu.memref_squeeze %dma_start3A_760 : memref<1x80x48xf32, #tpu.memory_space<vmem>> -> memref<80x48xf32, #tpu.memory_space<vmem>>
    %dma_start3A_762 = arith.constant 0 : i32
    %dma_start3A_763 = tpu.memref_slice %arg6[%dma_start3A_756, %dma_start3A_762] : memref<125x80xi32, #tpu.memory_space<vmem>> -> memref<1x80xi32, #tpu.memory_space<vmem>>
    %dma_start3A_764 = tpu.memref_squeeze %dma_start3A_763 : memref<1x80xi32, #tpu.memory_space<vmem>> -> memref<80xi32, #tpu.memory_space<vmem>>
    %dma_start3A_765 = arith.constant 0 : i32
    %dma_start3A_766 = arith.constant 0 : i32
    %dma_start3A_767 = tpu.memref_slice %arg2[%dma_start3A_765, %dma_start3A_766] : memref<10240x48xf32, #tpu.memory_space<hbm>> -> memref<10240x48xf32, #tpu.memory_space<hbm>>
    tpu.enqueue_indirect_dma source(%dma_start3A_767 : memref<10240x48xf32, #tpu.memory_space<hbm>>) target(%dma_start3A_761 : memref<80x48xf32, #tpu.memory_space<vmem>>) offsets(%dma_start3A_764 : memref<80xi32, #tpu.memory_space<vmem>>) semaphore(%arg13 : memref<!tpu.dma_semaphore, #tpu.memory_space<semaphore_mem>>)
    %dma_start3A_768 = arith.constant 3 : i32
    %dma_start3A_769 = arith.constant 3 : i32
    %dma_start3A_770 = arith.constant 0 : i32
    %dma_start3A_771 = arith.constant 0 : i32
    %dma_start3A_772 = tpu.memref_slice %arg8[%dma_start3A_769, %dma_start3A_770, %dma_start3A_771] : memref<5x80x48xf32, #tpu.memory_space<vmem>> -> memref<1x80x48xf32, #tpu.memory_space<vmem>>
    %dma_start3A_773 = tpu.memref_squeeze %dma_start3A_772 : memref<1x80x48xf32, #tpu.memory_space<vmem>> -> memref<80x48xf32, #tpu.memory_space<vmem>>
    %dma_start3A_774 = arith.constant 0 : i32
    %dma_start3A_775 = tpu.memref_slice %arg6[%dma_start3A_768, %dma_start3A_774] : memref<125x80xi32, #tpu.memory_space<vmem>> -> memref<1x80xi32, #tpu.memory_space<vmem>>
    %dma_start3A_776 = tpu.memref_squeeze %dma_start3A_775 : memref<1x80xi32, #tpu.memory_space<vmem>> -> memref<80xi32, #tpu.memory_space<vmem>>
    %dma_start3A_777 = arith.constant 0 : i32
    %dma_start3A_778 = arith.constant 0 : i32
    %dma_start3A_779 = tpu.memref_slice %arg2[%dma_start3A_777, %dma_start3A_778] : memref<10240x48xf32, #tpu.memory_space<hbm>> -> memref<10240x48xf32, #tpu.memory_space<hbm>>
    tpu.enqueue_indirect_dma source(%dma_start3A_779 : memref<10240x48xf32, #tpu.memory_space<hbm>>) target(%dma_start3A_773 : memref<80x48xf32, #tpu.memory_space<vmem>>) offsets(%dma_start3A_776 : memref<80xi32, #tpu.memory_space<vmem>>) semaphore(%arg14 : memref<!tpu.dma_semaphore, #tpu.memory_space<semaphore_mem>>)
    %scan3A_780 = arith.constant 0 : i32
    %scan3A_781 = arith.constant 0 : i32
    %scan3A_782 = arith.constant 25 : i32
    %scan3A_783 = arith.addi %scan3A_781, %scan3A_782 : i32
    %scan3A_784 = arith.constant 1 : i32
    %scan3A_785 = scf.for %scan3A_847 = %scan3A_781 to %scan3A_783 step %scan3A_784 iter_args(%scan3A_848 = %scan3A_780) -> (i32)  : i32 {
      %mul3A_849 = arith.constant 5 : i32
      %mul3A_850 = arith.muli %scan3A_847, %mul3A_849 : i32
      %add3A_851 = arith.constant 0 : i32
      %add3A_852 = arith.addi %mul3A_850, %add3A_851 : i32
      %ge3A = arith.constant 1 : i32
      %ge3A_853 = arith.cmpi sge, %add3A_852, %ge3A : i32
      %lt3A = arith.constant 121 : i32
      %lt3A_854 = arith.cmpi slt, %add3A_852, %lt3A : i32
      %and3A = arith.andi %ge3A_853, %lt3A_854 : i1
      %convert_element_type3A = arith.extui %and3A : i1 to i32
      %cond3A = arith.constant 0 : i32
      %cond3A_855 = arith.cmpi ne, %convert_element_type3A, %cond3A : i32
      scf.if %cond3A_855 {
        %dma_wait3A_1040 = arith.constant 4 : i32
        %dma_wait3A_1041 = arith.constant 0 : i32
        %dma_wait3A_1042 = arith.constant 0 : i32
        %dma_wait3A_1043 = arith.constant 0 : i32
        %dma_wait3A_1044 = tpu.memref_slice %arg8[%dma_wait3A_1040, %dma_wait3A_1042, %dma_wait3A_1043] : memref<5x80x48xf32, #tpu.memory_space<vmem>> -> memref<1x80x48xf32, #tpu.memory_space<vmem>>
        %dma_wait3A_1045 = tpu.memref_squeeze %dma_wait3A_1044 : memref<1x80x48xf32, #tpu.memory_space<vmem>> -> memref<80x48xf32, #tpu.memory_space<vmem>>
        %dma_wait3A_1046 = arith.constant 0 : i32
        %dma_wait3A_1047 = tpu.memref_slice %arg7[%dma_wait3A_1041, %dma_wait3A_1046] : memref<125x80xi32, #tpu.memory_space<vmem>> -> memref<1x80xi32, #tpu.memory_space<vmem>>
        %dma_wait3A_1048 = tpu.memref_squeeze %dma_wait3A_1047 : memref<1x80xi32, #tpu.memory_space<vmem>> -> memref<80xi32, #tpu.memory_space<vmem>>
        %dma_wait3A_1049 = arith.constant 0 : i32
        %dma_wait3A_1050 = arith.constant 0 : i32
        %dma_wait3A_1051 = tpu.memref_slice %arg10[%dma_wait3A_1049, %dma_wait3A_1050] : memref<10240x48xf32, #tpu.memory_space<vmem_shared>> -> memref<10240x48xf32, #tpu.memory_space<vmem_shared>>
        tpu.wait_indirect_dma semaphore(%arg20 : memref<!tpu.dma_semaphore, #tpu.memory_space<semaphore_mem>>) src(%dma_wait3A_1045 : memref<80x48xf32, #tpu.memory_space<vmem>>) dst(%dma_wait3A_1051 : memref<10240x48xf32, #tpu.memory_space<vmem_shared>>)
      } else {
      }
      %lt3A_856 = arith.constant 121 : i32
      %lt3A_857 = arith.cmpi slt, %add3A_852, %lt3A_856 : i32
      %convert_element_type3A_858 = arith.extui %lt3A_857 : i1 to i32
      %cond3A_859 = arith.constant 0 : i32
      %cond3A_860 = arith.cmpi ne, %convert_element_type3A_858, %cond3A_859 : i32
      scf.if %cond3A_860 {
        %add3A_1040 = arith.constant 4 : i32
        %add3A_1041 = arith.addi %add3A_852, %add3A_1040 : i32
        %dma_start3A_1042 = arith.constant 4 : i32
        %dma_start3A_1043 = arith.constant 0 : i32
        %dma_start3A_1044 = arith.constant 0 : i32
        %dma_start3A_1045 = tpu.memref_slice %arg8[%dma_start3A_1042, %dma_start3A_1043, %dma_start3A_1044] : memref<5x80x48xf32, #tpu.memory_space<vmem>> -> memref<1x80x48xf32, #tpu.memory_space<vmem>>
        %dma_start3A_1046 = tpu.memref_squeeze %dma_start3A_1045 : memref<1x80x48xf32, #tpu.memory_space<vmem>> -> memref<80x48xf32, #tpu.memory_space<vmem>>
        %dma_start3A_1047 = arith.constant 0 : i32
        %dma_start3A_1048 = tpu.memref_slice %arg6[%add3A_1041, %dma_start3A_1047] : memref<125x80xi32, #tpu.memory_space<vmem>> -> memref<1x80xi32, #tpu.memory_space<vmem>>
        %dma_start3A_1049 = tpu.memref_squeeze %dma_start3A_1048 : memref<1x80xi32, #tpu.memory_space<vmem>> -> memref<80xi32, #tpu.memory_space<vmem>>
        %dma_start3A_1050 = arith.constant 0 : i32
        %dma_start3A_1051 = arith.constant 0 : i32
        %dma_start3A_1052 = tpu.memref_slice %arg2[%dma_start3A_1050, %dma_start3A_1051] : memref<10240x48xf32, #tpu.memory_space<hbm>> -> memref<10240x48xf32, #tpu.memory_space<hbm>>
        tpu.enqueue_indirect_dma source(%dma_start3A_1052 : memref<10240x48xf32, #tpu.memory_space<hbm>>) target(%dma_start3A_1046 : memref<80x48xf32, #tpu.memory_space<vmem>>) offsets(%dma_start3A_1049 : memref<80xi32, #tpu.memory_space<vmem>>) semaphore(%arg15 : memref<!tpu.dma_semaphore, #tpu.memory_space<semaphore_mem>>)
      } else {
      }
      %dma_wait3A_861 = arith.constant 0 : i32
      %dma_wait3A_862 = arith.constant 0 : i32
      %dma_wait3A_863 = arith.constant 0 : i32
      %dma_wait3A_864 = tpu.memref_slice %arg8[%dma_wait3A_861, %dma_wait3A_862, %dma_wait3A_863] : memref<5x80x48xf32, #tpu.memory_space<vmem>> -> memref<1x80x48xf32, #tpu.memory_space<vmem>>
      %dma_wait3A_865 = tpu.memref_squeeze %dma_wait3A_864 : memref<1x80x48xf32, #tpu.memory_space<vmem>> -> memref<80x48xf32, #tpu.memory_space<vmem>>
      %dma_wait3A_866 = arith.constant 0 : i32
      %dma_wait3A_867 = tpu.memref_slice %arg6[%add3A_852, %dma_wait3A_866] : memref<125x80xi32, #tpu.memory_space<vmem>> -> memref<1x80xi32, #tpu.memory_space<vmem>>
      %dma_wait3A_868 = tpu.memref_squeeze %dma_wait3A_867 : memref<1x80xi32, #tpu.memory_space<vmem>> -> memref<80xi32, #tpu.memory_space<vmem>>
      %dma_wait3A_869 = arith.constant 0 : i32
      %dma_wait3A_870 = arith.constant 0 : i32
      %dma_wait3A_871 = tpu.memref_slice %arg2[%dma_wait3A_869, %dma_wait3A_870] : memref<10240x48xf32, #tpu.memory_space<hbm>> -> memref<10240x48xf32, #tpu.memory_space<hbm>>
      tpu.wait_indirect_dma semaphore(%arg11 : memref<!tpu.dma_semaphore, #tpu.memory_space<semaphore_mem>>) src(%dma_wait3A_871 : memref<10240x48xf32, #tpu.memory_space<hbm>>) dst(%dma_wait3A_865 : memref<80x48xf32, #tpu.memory_space<vmem>>)
      %dma_start3A_872 = arith.constant 0 : i32
      %dma_start3A_873 = arith.constant 0 : i32
      %dma_start3A_874 = arith.constant 0 : i32
      %dma_start3A_875 = tpu.memref_slice %arg8[%dma_start3A_872, %dma_start3A_873, %dma_start3A_874] : memref<5x80x48xf32, #tpu.memory_space<vmem>> -> memref<1x80x48xf32, #tpu.memory_space<vmem>>
      %dma_start3A_876 = tpu.memref_squeeze %dma_start3A_875 : memref<1x80x48xf32, #tpu.memory_space<vmem>> -> memref<80x48xf32, #tpu.memory_space<vmem>>
      %dma_start3A_877 = arith.constant 0 : i32
      %dma_start3A_878 = tpu.memref_slice %arg7[%add3A_852, %dma_start3A_877] : memref<125x80xi32, #tpu.memory_space<vmem>> -> memref<1x80xi32, #tpu.memory_space<vmem>>
      %dma_start3A_879 = tpu.memref_squeeze %dma_start3A_878 : memref<1x80xi32, #tpu.memory_space<vmem>> -> memref<80xi32, #tpu.memory_space<vmem>>
      %dma_start3A_880 = arith.constant 0 : i32
      %dma_start3A_881 = arith.constant 0 : i32
      %dma_start3A_882 = tpu.memref_slice %arg10[%dma_start3A_880, %dma_start3A_881] : memref<10240x48xf32, #tpu.memory_space<vmem_shared>> -> memref<10240x48xf32, #tpu.memory_space<vmem_shared>>
      tpu.enqueue_indirect_dma source(%dma_start3A_876 : memref<80x48xf32, #tpu.memory_space<vmem>>) target(%dma_start3A_882 : memref<10240x48xf32, #tpu.memory_space<vmem_shared>>) offsets(%dma_start3A_879 : memref<80xi32, #tpu.memory_space<vmem>>) semaphore(%arg16 : memref<!tpu.dma_semaphore, #tpu.memory_space<semaphore_mem>>) {add = true}
      %mul3A_883 = arith.constant 5 : i32
      %mul3A_884 = arith.muli %scan3A_847, %mul3A_883 : i32
      %add3A_885 = arith.constant 1 : i32
      %add3A_886 = arith.addi %mul3A_884, %add3A_885 : i32
      %ge3A_887 = arith.constant 1 : i32
      %ge3A_888 = arith.cmpi sge, %add3A_886, %ge3A_887 : i32
      %lt3A_889 = arith.constant 121 : i32
      %lt3A_890 = arith.cmpi slt, %add3A_886, %lt3A_889 : i32
      %and3A_891 = arith.andi %ge3A_888, %lt3A_890 : i1
      %convert_element_type3A_892 = arith.extui %and3A_891 : i1 to i32
      %cond3A_893 = arith.constant 0 : i32
      %cond3A_894 = arith.cmpi ne, %convert_element_type3A_892, %cond3A_893 : i32
      scf.if %cond3A_894 {
        %dma_wait3A_1040 = arith.constant 0 : i32
        %dma_wait3A_1041 = arith.constant 0 : i32
        %dma_wait3A_1042 = arith.constant 0 : i32
        %dma_wait3A_1043 = arith.constant 0 : i32
        %dma_wait3A_1044 = tpu.memref_slice %arg8[%dma_wait3A_1040, %dma_wait3A_1042, %dma_wait3A_1043] : memref<5x80x48xf32, #tpu.memory_space<vmem>> -> memref<1x80x48xf32, #tpu.memory_space<vmem>>
        %dma_wait3A_1045 = tpu.memref_squeeze %dma_wait3A_1044 : memref<1x80x48xf32, #tpu.memory_space<vmem>> -> memref<80x48xf32, #tpu.memory_space<vmem>>
        %dma_wait3A_1046 = arith.constant 0 : i32
        %dma_wait3A_1047 = tpu.memref_slice %arg7[%dma_wait3A_1041, %dma_wait3A_1046] : memref<125x80xi32, #tpu.memory_space<vmem>> -> memref<1x80xi32, #tpu.memory_space<vmem>>
        %dma_wait3A_1048 = tpu.memref_squeeze %dma_wait3A_1047 : memref<1x80xi32, #tpu.memory_space<vmem>> -> memref<80xi32, #tpu.memory_space<vmem>>
        %dma_wait3A_1049 = arith.constant 0 : i32
        %dma_wait3A_1050 = arith.constant 0 : i32
        %dma_wait3A_1051 = tpu.memref_slice %arg10[%dma_wait3A_1049, %dma_wait3A_1050] : memref<10240x48xf32, #tpu.memory_space<vmem_shared>> -> memref<10240x48xf32, #tpu.memory_space<vmem_shared>>
        tpu.wait_indirect_dma semaphore(%arg16 : memref<!tpu.dma_semaphore, #tpu.memory_space<semaphore_mem>>) src(%dma_wait3A_1045 : memref<80x48xf32, #tpu.memory_space<vmem>>) dst(%dma_wait3A_1051 : memref<10240x48xf32, #tpu.memory_space<vmem_shared>>)
      } else {
      }
      %lt3A_895 = arith.constant 121 : i32
      %lt3A_896 = arith.cmpi slt, %add3A_886, %lt3A_895 : i32
      %convert_element_type3A_897 = arith.extui %lt3A_896 : i1 to i32
      %cond3A_898 = arith.constant 0 : i32
      %cond3A_899 = arith.cmpi ne, %convert_element_type3A_897, %cond3A_898 : i32
      scf.if %cond3A_899 {
        %add3A_1040 = arith.constant 4 : i32
        %add3A_1041 = arith.addi %add3A_886, %add3A_1040 : i32
        %dma_start3A_1042 = arith.constant 0 : i32
        %dma_start3A_1043 = arith.constant 0 : i32
        %dma_start3A_1044 = arith.constant 0 : i32
        %dma_start3A_1045 = tpu.memref_slice %arg8[%dma_start3A_1042, %dma_start3A_1043, %dma_start3A_1044] : memref<5x80x48xf32, #tpu.memory_space<vmem>> -> memref<1x80x48xf32, #tpu.memory_space<vmem>>
        %dma_start3A_1046 = tpu.memref_squeeze %dma_start3A_1045 : memref<1x80x48xf32, #tpu.memory_space<vmem>> -> memref<80x48xf32, #tpu.memory_space<vmem>>
        %dma_start3A_1047 = arith.constant 0 : i32
        %dma_start3A_1048 = tpu.memref_slice %arg6[%add3A_1041, %dma_start3A_1047] : memref<125x80xi32, #tpu.memory_space<vmem>> -> memref<1x80xi32, #tpu.memory_space<vmem>>
        %dma_start3A_1049 = tpu.memref_squeeze %dma_start3A_1048 : memref<1x80xi32, #tpu.memory_space<vmem>> -> memref<80xi32, #tpu.memory_space<vmem>>
        %dma_start3A_1050 = arith.constant 0 : i32
        %dma_start3A_1051 = arith.constant 0 : i32
        %dma_start3A_1052 = tpu.memref_slice %arg2[%dma_start3A_1050, %dma_start3A_1051] : memref<10240x48xf32, #tpu.memory_space<hbm>> -> memref<10240x48xf32, #tpu.memory_space<hbm>>
        tpu.enqueue_indirect_dma source(%dma_start3A_1052 : memref<10240x48xf32, #tpu.memory_space<hbm>>) target(%dma_start3A_1046 : memref<80x48xf32, #tpu.memory_space<vmem>>) offsets(%dma_start3A_1049 : memref<80xi32, #tpu.memory_space<vmem>>) semaphore(%arg11 : memref<!tpu.dma_semaphore, #tpu.memory_space<semaphore_mem>>)
      } else {
      }
      %dma_wait3A_900 = arith.constant 1 : i32
      %dma_wait3A_901 = arith.constant 0 : i32
      %dma_wait3A_902 = arith.constant 0 : i32
      %dma_wait3A_903 = tpu.memref_slice %arg8[%dma_wait3A_900, %dma_wait3A_901, %dma_wait3A_902] : memref<5x80x48xf32, #tpu.memory_space<vmem>> -> memref<1x80x48xf32, #tpu.memory_space<vmem>>
      %dma_wait3A_904 = tpu.memref_squeeze %dma_wait3A_903 : memref<1x80x48xf32, #tpu.memory_space<vmem>> -> memref<80x48xf32, #tpu.memory_space<vmem>>
      %dma_wait3A_905 = arith.constant 0 : i32
      %dma_wait3A_906 = tpu.memref_slice %arg6[%add3A_886, %dma_wait3A_905] : memref<125x80xi32, #tpu.memory_space<vmem>> -> memref<1x80xi32, #tpu.memory_space<vmem>>
      %dma_wait3A_907 = tpu.memref_squeeze %dma_wait3A_906 : memref<1x80xi32, #tpu.memory_space<vmem>> -> memref<80xi32, #tpu.memory_space<vmem>>
      %dma_wait3A_908 = arith.constant 0 : i32
      %dma_wait3A_909 = arith.constant 0 : i32
      %dma_wait3A_910 = tpu.memref_slice %arg2[%dma_wait3A_908, %dma_wait3A_909] : memref<10240x48xf32, #tpu.memory_space<hbm>> -> memref<10240x48xf32, #tpu.memory_space<hbm>>
      tpu.wait_indirect_dma semaphore(%arg12 : memref<!tpu.dma_semaphore, #tpu.memory_space<semaphore_mem>>) src(%dma_wait3A_910 : memref<10240x48xf32, #tpu.memory_space<hbm>>) dst(%dma_wait3A_904 : memref<80x48xf32, #tpu.memory_space<vmem>>)
      %dma_start3A_911 = arith.constant 1 : i32
      %dma_start3A_912 = arith.constant 0 : i32
      %dma_start3A_913 = arith.constant 0 : i32
      %dma_start3A_914 = tpu.memref_slice %arg8[%dma_start3A_911, %dma_start3A_912, %dma_start3A_913] : memref<5x80x48xf32, #tpu.memory_space<vmem>> -> memref<1x80x48xf32, #tpu.memory_space<vmem>>
      %dma_start3A_915 = tpu.memref_squeeze %dma_start3A_914 : memref<1x80x48xf32, #tpu.memory_space<vmem>> -> memref<80x48xf32, #tpu.memory_space<vmem>>
      %dma_start3A_916 = arith.constant 0 : i32
      %dma_start3A_917 = tpu.memref_slice %arg7[%add3A_886, %dma_start3A_916] : memref<125x80xi32, #tpu.memory_space<vmem>> -> memref<1x80xi32, #tpu.memory_space<vmem>>
      %dma_start3A_918 = tpu.memref_squeeze %dma_start3A_917 : memref<1x80xi32, #tpu.memory_space<vmem>> -> memref<80xi32, #tpu.memory_space<vmem>>
      %dma_start3A_919 = arith.constant 0 : i32
      %dma_start3A_920 = arith.constant 0 : i32
      %dma_start3A_921 = tpu.memref_slice %arg10[%dma_start3A_919, %dma_start3A_920] : memref<10240x48xf32, #tpu.memory_space<vmem_shared>> -> memref<10240x48xf32, #tpu.memory_space<vmem_shared>>
      tpu.enqueue_indirect_dma source(%dma_start3A_915 : memref<80x48xf32, #tpu.memory_space<vmem>>) target(%dma_start3A_921 : memref<10240x48xf32, #tpu.memory_space<vmem_shared>>) offsets(%dma_start3A_918 : memref<80xi32, #tpu.memory_space<vmem>>) semaphore(%arg17 : memref<!tpu.dma_semaphore, #tpu.memory_space<semaphore_mem>>) {add = true}
      %mul3A_922 = arith.constant 5 : i32
      %mul3A_923 = arith.muli %scan3A_847, %mul3A_922 : i32
      %add3A_924 = arith.constant 2 : i32
      %add3A_925 = arith.addi %mul3A_923, %add3A_924 : i32
      %ge3A_926 = arith.constant 1 : i32
      %ge3A_927 = arith.cmpi sge, %add3A_925, %ge3A_926 : i32
      %lt3A_928 = arith.constant 121 : i32
      %lt3A_929 = arith.cmpi slt, %add3A_925, %lt3A_928 : i32
      %and3A_930 = arith.andi %ge3A_927, %lt3A_929 : i1
      %convert_element_type3A_931 = arith.extui %and3A_930 : i1 to i32
      %cond3A_932 = arith.constant 0 : i32
      %cond3A_933 = arith.cmpi ne, %convert_element_type3A_931, %cond3A_932 : i32
      scf.if %cond3A_933 {
        %dma_wait3A_1040 = arith.constant 1 : i32
        %dma_wait3A_1041 = arith.constant 0 : i32
        %dma_wait3A_1042 = arith.constant 0 : i32
        %dma_wait3A_1043 = arith.constant 0 : i32
        %dma_wait3A_1044 = tpu.memref_slice %arg8[%dma_wait3A_1040, %dma_wait3A_1042, %dma_wait3A_1043] : memref<5x80x48xf32, #tpu.memory_space<vmem>> -> memref<1x80x48xf32, #tpu.memory_space<vmem>>
        %dma_wait3A_1045 = tpu.memref_squeeze %dma_wait3A_1044 : memref<1x80x48xf32, #tpu.memory_space<vmem>> -> memref<80x48xf32, #tpu.memory_space<vmem>>
        %dma_wait3A_1046 = arith.constant 0 : i32
        %dma_wait3A_1047 = tpu.memref_slice %arg7[%dma_wait3A_1041, %dma_wait3A_1046] : memref<125x80xi32, #tpu.memory_space<vmem>> -> memref<1x80xi32, #tpu.memory_space<vmem>>
        %dma_wait3A_1048 = tpu.memref_squeeze %dma_wait3A_1047 : memref<1x80xi32, #tpu.memory_space<vmem>> -> memref<80xi32, #tpu.memory_space<vmem>>
        %dma_wait3A_1049 = arith.constant 0 : i32
        %dma_wait3A_1050 = arith.constant 0 : i32
        %dma_wait3A_1051 = tpu.memref_slice %arg10[%dma_wait3A_1049, %dma_wait3A_1050] : memref<10240x48xf32, #tpu.memory_space<vmem_shared>> -> memref<10240x48xf32, #tpu.memory_space<vmem_shared>>
        tpu.wait_indirect_dma semaphore(%arg17 : memref<!tpu.dma_semaphore, #tpu.memory_space<semaphore_mem>>) src(%dma_wait3A_1045 : memref<80x48xf32, #tpu.memory_space<vmem>>) dst(%dma_wait3A_1051 : memref<10240x48xf32, #tpu.memory_space<vmem_shared>>)
      } else {
      }
      %lt3A_934 = arith.constant 121 : i32
      %lt3A_935 = arith.cmpi slt, %add3A_925, %lt3A_934 : i32
      %convert_element_type3A_936 = arith.extui %lt3A_935 : i1 to i32
      %cond3A_937 = arith.constant 0 : i32
      %cond3A_938 = arith.cmpi ne, %convert_element_type3A_936, %cond3A_937 : i32
      scf.if %cond3A_938 {
        %add3A_1040 = arith.constant 4 : i32
        %add3A_1041 = arith.addi %add3A_925, %add3A_1040 : i32
        %dma_start3A_1042 = arith.constant 1 : i32
        %dma_start3A_1043 = arith.constant 0 : i32
        %dma_start3A_1044 = arith.constant 0 : i32
        %dma_start3A_1045 = tpu.memref_slice %arg8[%dma_start3A_1042, %dma_start3A_1043, %dma_start3A_1044] : memref<5x80x48xf32, #tpu.memory_space<vmem>> -> memref<1x80x48xf32, #tpu.memory_space<vmem>>
        %dma_start3A_1046 = tpu.memref_squeeze %dma_start3A_1045 : memref<1x80x48xf32, #tpu.memory_space<vmem>> -> memref<80x48xf32, #tpu.memory_space<vmem>>
        %dma_start3A_1047 = arith.constant 0 : i32
        %dma_start3A_1048 = tpu.memref_slice %arg6[%add3A_1041, %dma_start3A_1047] : memref<125x80xi32, #tpu.memory_space<vmem>> -> memref<1x80xi32, #tpu.memory_space<vmem>>
        %dma_start3A_1049 = tpu.memref_squeeze %dma_start3A_1048 : memref<1x80xi32, #tpu.memory_space<vmem>> -> memref<80xi32, #tpu.memory_space<vmem>>
        %dma_start3A_1050 = arith.constant 0 : i32
        %dma_start3A_1051 = arith.constant 0 : i32
        %dma_start3A_1052 = tpu.memref_slice %arg2[%dma_start3A_1050, %dma_start3A_1051] : memref<10240x48xf32, #tpu.memory_space<hbm>> -> memref<10240x48xf32, #tpu.memory_space<hbm>>
        tpu.enqueue_indirect_dma source(%dma_start3A_1052 : memref<10240x48xf32, #tpu.memory_space<hbm>>) target(%dma_start3A_1046 : memref<80x48xf32, #tpu.memory_space<vmem>>) offsets(%dma_start3A_1049 : memref<80xi32, #tpu.memory_space<vmem>>) semaphore(%arg12 : memref<!tpu.dma_semaphore, #tpu.memory_space<semaphore_mem>>)
      } else {
      }
      %dma_wait3A_939 = arith.constant 2 : i32
      %dma_wait3A_940 = arith.constant 0 : i32
      %dma_wait3A_941 = arith.constant 0 : i32
      %dma_wait3A_942 = tpu.memref_slice %arg8[%dma_wait3A_939, %dma_wait3A_940, %dma_wait3A_941] : memref<5x80x48xf32, #tpu.memory_space<vmem>> -> memref<1x80x48xf32, #tpu.memory_space<vmem>>
      %dma_wait3A_943 = tpu.memref_squeeze %dma_wait3A_942 : memref<1x80x48xf32, #tpu.memory_space<vmem>> -> memref<80x48xf32, #tpu.memory_space<vmem>>
      %dma_wait3A_944 = arith.constant 0 : i32
      %dma_wait3A_945 = tpu.memref_slice %arg6[%add3A_925, %dma_wait3A_944] : memref<125x80xi32, #tpu.memory_space<vmem>> -> memref<1x80xi32, #tpu.memory_space<vmem>>
      %dma_wait3A_946 = tpu.memref_squeeze %dma_wait3A_945 : memref<1x80xi32, #tpu.memory_space<vmem>> -> memref<80xi32, #tpu.memory_space<vmem>>
      %dma_wait3A_947 = arith.constant 0 : i32
      %dma_wait3A_948 = arith.constant 0 : i32
      %dma_wait3A_949 = tpu.memref_slice %arg2[%dma_wait3A_947, %dma_wait3A_948] : memref<10240x48xf32, #tpu.memory_space<hbm>> -> memref<10240x48xf32, #tpu.memory_space<hbm>>
      tpu.wait_indirect_dma semaphore(%arg13 : memref<!tpu.dma_semaphore, #tpu.memory_space<semaphore_mem>>) src(%dma_wait3A_949 : memref<10240x48xf32, #tpu.memory_space<hbm>>) dst(%dma_wait3A_943 : memref<80x48xf32, #tpu.memory_space<vmem>>)
      %dma_start3A_950 = arith.constant 2 : i32
      %dma_start3A_951 = arith.constant 0 : i32
      %dma_start3A_952 = arith.constant 0 : i32
      %dma_start3A_953 = tpu.memref_slice %arg8[%dma_start3A_950, %dma_start3A_951, %dma_start3A_952] : memref<5x80x48xf32, #tpu.memory_space<vmem>> -> memref<1x80x48xf32, #tpu.memory_space<vmem>>
      %dma_start3A_954 = tpu.memref_squeeze %dma_start3A_953 : memref<1x80x48xf32, #tpu.memory_space<vmem>> -> memref<80x48xf32, #tpu.memory_space<vmem>>
      %dma_start3A_955 = arith.constant 0 : i32
      %dma_start3A_956 = tpu.memref_slice %arg7[%add3A_925, %dma_start3A_955] : memref<125x80xi32, #tpu.memory_space<vmem>> -> memref<1x80xi32, #tpu.memory_space<vmem>>
      %dma_start3A_957 = tpu.memref_squeeze %dma_start3A_956 : memref<1x80xi32, #tpu.memory_space<vmem>> -> memref<80xi32, #tpu.memory_space<vmem>>
      %dma_start3A_958 = arith.constant 0 : i32
      %dma_start3A_959 = arith.constant 0 : i32
      %dma_start3A_960 = tpu.memref_slice %arg10[%dma_start3A_958, %dma_start3A_959] : memref<10240x48xf32, #tpu.memory_space<vmem_shared>> -> memref<10240x48xf32, #tpu.memory_space<vmem_shared>>
      tpu.enqueue_indirect_dma source(%dma_start3A_954 : memref<80x48xf32, #tpu.memory_space<vmem>>) target(%dma_start3A_960 : memref<10240x48xf32, #tpu.memory_space<vmem_shared>>) offsets(%dma_start3A_957 : memref<80xi32, #tpu.memory_space<vmem>>) semaphore(%arg18 : memref<!tpu.dma_semaphore, #tpu.memory_space<semaphore_mem>>) {add = true}
      %mul3A_961 = arith.constant 5 : i32
      %mul3A_962 = arith.muli %scan3A_847, %mul3A_961 : i32
      %add3A_963 = arith.constant 3 : i32
      %add3A_964 = arith.addi %mul3A_962, %add3A_963 : i32
      %ge3A_965 = arith.constant 1 : i32
      %ge3A_966 = arith.cmpi sge, %add3A_964, %ge3A_965 : i32
      %lt3A_967 = arith.constant 121 : i32
      %lt3A_968 = arith.cmpi slt, %add3A_964, %lt3A_967 : i32
      %and3A_969 = arith.andi %ge3A_966, %lt3A_968 : i1
      %convert_element_type3A_970 = arith.extui %and3A_969 : i1 to i32
      %cond3A_971 = arith.constant 0 : i32
      %cond3A_972 = arith.cmpi ne, %convert_element_type3A_970, %cond3A_971 : i32
      scf.if %cond3A_972 {
        %dma_wait3A_1040 = arith.constant 2 : i32
        %dma_wait3A_1041 = arith.constant 0 : i32
        %dma_wait3A_1042 = arith.constant 0 : i32
        %dma_wait3A_1043 = arith.constant 0 : i32
        %dma_wait3A_1044 = tpu.memref_slice %arg8[%dma_wait3A_1040, %dma_wait3A_1042, %dma_wait3A_1043] : memref<5x80x48xf32, #tpu.memory_space<vmem>> -> memref<1x80x48xf32, #tpu.memory_space<vmem>>
        %dma_wait3A_1045 = tpu.memref_squeeze %dma_wait3A_1044 : memref<1x80x48xf32, #tpu.memory_space<vmem>> -> memref<80x48xf32, #tpu.memory_space<vmem>>
        %dma_wait3A_1046 = arith.constant 0 : i32
        %dma_wait3A_1047 = tpu.memref_slice %arg7[%dma_wait3A_1041, %dma_wait3A_1046] : memref<125x80xi32, #tpu.memory_space<vmem>> -> memref<1x80xi32, #tpu.memory_space<vmem>>
        %dma_wait3A_1048 = tpu.memref_squeeze %dma_wait3A_1047 : memref<1x80xi32, #tpu.memory_space<vmem>> -> memref<80xi32, #tpu.memory_space<vmem>>
        %dma_wait3A_1049 = arith.constant 0 : i32
        %dma_wait3A_1050 = arith.constant 0 : i32
        %dma_wait3A_1051 = tpu.memref_slice %arg10[%dma_wait3A_1049, %dma_wait3A_1050] : memref<10240x48xf32, #tpu.memory_space<vmem_shared>> -> memref<10240x48xf32, #tpu.memory_space<vmem_shared>>
        tpu.wait_indirect_dma semaphore(%arg18 : memref<!tpu.dma_semaphore, #tpu.memory_space<semaphore_mem>>) src(%dma_wait3A_1045 : memref<80x48xf32, #tpu.memory_space<vmem>>) dst(%dma_wait3A_1051 : memref<10240x48xf32, #tpu.memory_space<vmem_shared>>)
      } else {
      }
      %lt3A_973 = arith.constant 121 : i32
      %lt3A_974 = arith.cmpi slt, %add3A_964, %lt3A_973 : i32
      %convert_element_type3A_975 = arith.extui %lt3A_974 : i1 to i32
      %cond3A_976 = arith.constant 0 : i32
      %cond3A_977 = arith.cmpi ne, %convert_element_type3A_975, %cond3A_976 : i32
      scf.if %cond3A_977 {
        %add3A_1040 = arith.constant 4 : i32
        %add3A_1041 = arith.addi %add3A_964, %add3A_1040 : i32
        %dma_start3A_1042 = arith.constant 2 : i32
        %dma_start3A_1043 = arith.constant 0 : i32
        %dma_start3A_1044 = arith.constant 0 : i32
        %dma_start3A_1045 = tpu.memref_slice %arg8[%dma_start3A_1042, %dma_start3A_1043, %dma_start3A_1044] : memref<5x80x48xf32, #tpu.memory_space<vmem>> -> memref<1x80x48xf32, #tpu.memory_space<vmem>>
        %dma_start3A_1046 = tpu.memref_squeeze %dma_start3A_1045 : memref<1x80x48xf32, #tpu.memory_space<vmem>> -> memref<80x48xf32, #tpu.memory_space<vmem>>
        %dma_start3A_1047 = arith.constant 0 : i32
        %dma_start3A_1048 = tpu.memref_slice %arg6[%add3A_1041, %dma_start3A_1047] : memref<125x80xi32, #tpu.memory_space<vmem>> -> memref<1x80xi32, #tpu.memory_space<vmem>>
        %dma_start3A_1049 = tpu.memref_squeeze %dma_start3A_1048 : memref<1x80xi32, #tpu.memory_space<vmem>> -> memref<80xi32, #tpu.memory_space<vmem>>
        %dma_start3A_1050 = arith.constant 0 : i32
        %dma_start3A_1051 = arith.constant 0 : i32
        %dma_start3A_1052 = tpu.memref_slice %arg2[%dma_start3A_1050, %dma_start3A_1051] : memref<10240x48xf32, #tpu.memory_space<hbm>> -> memref<10240x48xf32, #tpu.memory_space<hbm>>
        tpu.enqueue_indirect_dma source(%dma_start3A_1052 : memref<10240x48xf32, #tpu.memory_space<hbm>>) target(%dma_start3A_1046 : memref<80x48xf32, #tpu.memory_space<vmem>>) offsets(%dma_start3A_1049 : memref<80xi32, #tpu.memory_space<vmem>>) semaphore(%arg13 : memref<!tpu.dma_semaphore, #tpu.memory_space<semaphore_mem>>)
      } else {
      }
      %dma_wait3A_978 = arith.constant 3 : i32
      %dma_wait3A_979 = arith.constant 0 : i32
      %dma_wait3A_980 = arith.constant 0 : i32
      %dma_wait3A_981 = tpu.memref_slice %arg8[%dma_wait3A_978, %dma_wait3A_979, %dma_wait3A_980] : memref<5x80x48xf32, #tpu.memory_space<vmem>> -> memref<1x80x48xf32, #tpu.memory_space<vmem>>
      %dma_wait3A_982 = tpu.memref_squeeze %dma_wait3A_981 : memref<1x80x48xf32, #tpu.memory_space<vmem>> -> memref<80x48xf32, #tpu.memory_space<vmem>>
      %dma_wait3A_983 = arith.constant 0 : i32
      %dma_wait3A_984 = tpu.memref_slice %arg6[%add3A_964, %dma_wait3A_983] : memref<125x80xi32, #tpu.memory_space<vmem>> -> memref<1x80xi32, #tpu.memory_space<vmem>>
      %dma_wait3A_985 = tpu.memref_squeeze %dma_wait3A_984 : memref<1x80xi32, #tpu.memory_space<vmem>> -> memref<80xi32, #tpu.memory_space<vmem>>
      %dma_wait3A_986 = arith.constant 0 : i32
      %dma_wait3A_987 = arith.constant 0 : i32
      %dma_wait3A_988 = tpu.memref_slice %arg2[%dma_wait3A_986, %dma_wait3A_987] : memref<10240x48xf32, #tpu.memory_space<hbm>> -> memref<10240x48xf32, #tpu.memory_space<hbm>>
      tpu.wait_indirect_dma semaphore(%arg14 : memref<!tpu.dma_semaphore, #tpu.memory_space<semaphore_mem>>) src(%dma_wait3A_988 : memref<10240x48xf32, #tpu.memory_space<hbm>>) dst(%dma_wait3A_982 : memref<80x48xf32, #tpu.memory_space<vmem>>)
      %dma_start3A_989 = arith.constant 3 : i32
      %dma_start3A_990 = arith.constant 0 : i32
      %dma_start3A_991 = arith.constant 0 : i32
      %dma_start3A_992 = tpu.memref_slice %arg8[%dma_start3A_989, %dma_start3A_990, %dma_start3A_991] : memref<5x80x48xf32, #tpu.memory_space<vmem>> -> memref<1x80x48xf32, #tpu.memory_space<vmem>>
      %dma_start3A_993 = tpu.memref_squeeze %dma_start3A_992 : memref<1x80x48xf32, #tpu.memory_space<vmem>> -> memref<80x48xf32, #tpu.memory_space<vmem>>
      %dma_start3A_994 = arith.constant 0 : i32
      %dma_start3A_995 = tpu.memref_slice %arg7[%add3A_964, %dma_start3A_994] : memref<125x80xi32, #tpu.memory_space<vmem>> -> memref<1x80xi32, #tpu.memory_space<vmem>>
      %dma_start3A_996 = tpu.memref_squeeze %dma_start3A_995 : memref<1x80xi32, #tpu.memory_space<vmem>> -> memref<80xi32, #tpu.memory_space<vmem>>
      %dma_start3A_997 = arith.constant 0 : i32
      %dma_start3A_998 = arith.constant 0 : i32
      %dma_start3A_999 = tpu.memref_slice %arg10[%dma_start3A_997, %dma_start3A_998] : memref<10240x48xf32, #tpu.memory_space<vmem_shared>> -> memref<10240x48xf32, #tpu.memory_space<vmem_shared>>
      tpu.enqueue_indirect_dma source(%dma_start3A_993 : memref<80x48xf32, #tpu.memory_space<vmem>>) target(%dma_start3A_999 : memref<10240x48xf32, #tpu.memory_space<vmem_shared>>) offsets(%dma_start3A_996 : memref<80xi32, #tpu.memory_space<vmem>>) semaphore(%arg19 : memref<!tpu.dma_semaphore, #tpu.memory_space<semaphore_mem>>) {add = true}
      %mul3A_1000 = arith.constant 5 : i32
      %mul3A_1001 = arith.muli %scan3A_847, %mul3A_1000 : i32
      %add3A_1002 = arith.constant 4 : i32
      %add3A_1003 = arith.addi %mul3A_1001, %add3A_1002 : i32
      %ge3A_1004 = arith.constant 1 : i32
      %ge3A_1005 = arith.cmpi sge, %add3A_1003, %ge3A_1004 : i32
      %lt3A_1006 = arith.constant 121 : i32
      %lt3A_1007 = arith.cmpi slt, %add3A_1003, %lt3A_1006 : i32
      %and3A_1008 = arith.andi %ge3A_1005, %lt3A_1007 : i1
      %convert_element_type3A_1009 = arith.extui %and3A_1008 : i1 to i32
      %cond3A_1010 = arith.constant 0 : i32
      %cond3A_1011 = arith.cmpi ne, %convert_element_type3A_1009, %cond3A_1010 : i32
      scf.if %cond3A_1011 {
        %dma_wait3A_1040 = arith.constant 3 : i32
        %dma_wait3A_1041 = arith.constant 0 : i32
        %dma_wait3A_1042 = arith.constant 0 : i32
        %dma_wait3A_1043 = arith.constant 0 : i32
        %dma_wait3A_1044 = tpu.memref_slice %arg8[%dma_wait3A_1040, %dma_wait3A_1042, %dma_wait3A_1043] : memref<5x80x48xf32, #tpu.memory_space<vmem>> -> memref<1x80x48xf32, #tpu.memory_space<vmem>>
        %dma_wait3A_1045 = tpu.memref_squeeze %dma_wait3A_1044 : memref<1x80x48xf32, #tpu.memory_space<vmem>> -> memref<80x48xf32, #tpu.memory_space<vmem>>
        %dma_wait3A_1046 = arith.constant 0 : i32
        %dma_wait3A_1047 = tpu.memref_slice %arg7[%dma_wait3A_1041, %dma_wait3A_1046] : memref<125x80xi32, #tpu.memory_space<vmem>> -> memref<1x80xi32, #tpu.memory_space<vmem>>
        %dma_wait3A_1048 = tpu.memref_squeeze %dma_wait3A_1047 : memref<1x80xi32, #tpu.memory_space<vmem>> -> memref<80xi32, #tpu.memory_space<vmem>>
        %dma_wait3A_1049 = arith.constant 0 : i32
        %dma_wait3A_1050 = arith.constant 0 : i32
        %dma_wait3A_1051 = tpu.memref_slice %arg10[%dma_wait3A_1049, %dma_wait3A_1050] : memref<10240x48xf32, #tpu.memory_space<vmem_shared>> -> memref<10240x48xf32, #tpu.memory_space<vmem_shared>>
        tpu.wait_indirect_dma semaphore(%arg19 : memref<!tpu.dma_semaphore, #tpu.memory_space<semaphore_mem>>) src(%dma_wait3A_1045 : memref<80x48xf32, #tpu.memory_space<vmem>>) dst(%dma_wait3A_1051 : memref<10240x48xf32, #tpu.memory_space<vmem_shared>>)
      } else {
      }
      %lt3A_1012 = arith.constant 121 : i32
      %lt3A_1013 = arith.cmpi slt, %add3A_1003, %lt3A_1012 : i32
      %convert_element_type3A_1014 = arith.extui %lt3A_1013 : i1 to i32
      %cond3A_1015 = arith.constant 0 : i32
      %cond3A_1016 = arith.cmpi ne, %convert_element_type3A_1014, %cond3A_1015 : i32
      scf.if %cond3A_1016 {
        %add3A_1040 = arith.constant 4 : i32
        %add3A_1041 = arith.addi %add3A_1003, %add3A_1040 : i32
        %dma_start3A_1042 = arith.constant 3 : i32
        %dma_start3A_1043 = arith.constant 0 : i32
        %dma_start3A_1044 = arith.constant 0 : i32
        %dma_start3A_1045 = tpu.memref_slice %arg8[%dma_start3A_1042, %dma_start3A_1043, %dma_start3A_1044] : memref<5x80x48xf32, #tpu.memory_space<vmem>> -> memref<1x80x48xf32, #tpu.memory_space<vmem>>
        %dma_start3A_1046 = tpu.memref_squeeze %dma_start3A_1045 : memref<1x80x48xf32, #tpu.memory_space<vmem>> -> memref<80x48xf32, #tpu.memory_space<vmem>>
        %dma_start3A_1047 = arith.constant 0 : i32
        %dma_start3A_1048 = tpu.memref_slice %arg6[%add3A_1041, %dma_start3A_1047] : memref<125x80xi32, #tpu.memory_space<vmem>> -> memref<1x80xi32, #tpu.memory_space<vmem>>
        %dma_start3A_1049 = tpu.memref_squeeze %dma_start3A_1048 : memref<1x80xi32, #tpu.memory_space<vmem>> -> memref<80xi32, #tpu.memory_space<vmem>>
        %dma_start3A_1050 = arith.constant 0 : i32
        %dma_start3A_1051 = arith.constant 0 : i32
        %dma_start3A_1052 = tpu.memref_slice %arg2[%dma_start3A_1050, %dma_start3A_1051] : memref<10240x48xf32, #tpu.memory_space<hbm>> -> memref<10240x48xf32, #tpu.memory_space<hbm>>
        tpu.enqueue_indirect_dma source(%dma_start3A_1052 : memref<10240x48xf32, #tpu.memory_space<hbm>>) target(%dma_start3A_1046 : memref<80x48xf32, #tpu.memory_space<vmem>>) offsets(%dma_start3A_1049 : memref<80xi32, #tpu.memory_space<vmem>>) semaphore(%arg14 : memref<!tpu.dma_semaphore, #tpu.memory_space<semaphore_mem>>)
      } else {
      }
      %dma_wait3A_1017 = arith.constant 4 : i32
      %dma_wait3A_1018 = arith.constant 0 : i32
      %dma_wait3A_1019 = arith.constant 0 : i32
      %dma_wait3A_1020 = tpu.memref_slice %arg8[%dma_wait3A_1017, %dma_wait3A_1018, %dma_wait3A_1019] : memref<5x80x48xf32, #tpu.memory_space<vmem>> -> memref<1x80x48xf32, #tpu.memory_space<vmem>>
      %dma_wait3A_1021 = tpu.memref_squeeze %dma_wait3A_1020 : memref<1x80x48xf32, #tpu.memory_space<vmem>> -> memref<80x48xf32, #tpu.memory_space<vmem>>
      %dma_wait3A_1022 = arith.constant 0 : i32
      %dma_wait3A_1023 = tpu.memref_slice %arg6[%add3A_1003, %dma_wait3A_1022] : memref<125x80xi32, #tpu.memory_space<vmem>> -> memref<1x80xi32, #tpu.memory_space<vmem>>
      %dma_wait3A_1024 = tpu.memref_squeeze %dma_wait3A_1023 : memref<1x80xi32, #tpu.memory_space<vmem>> -> memref<80xi32, #tpu.memory_space<vmem>>
      %dma_wait3A_1025 = arith.constant 0 : i32
      %dma_wait3A_1026 = arith.constant 0 : i32
      %dma_wait3A_1027 = tpu.memref_slice %arg2[%dma_wait3A_1025, %dma_wait3A_1026] : memref<10240x48xf32, #tpu.memory_space<hbm>> -> memref<10240x48xf32, #tpu.memory_space<hbm>>
      tpu.wait_indirect_dma semaphore(%arg15 : memref<!tpu.dma_semaphore, #tpu.memory_space<semaphore_mem>>) src(%dma_wait3A_1027 : memref<10240x48xf32, #tpu.memory_space<hbm>>) dst(%dma_wait3A_1021 : memref<80x48xf32, #tpu.memory_space<vmem>>)
      %dma_start3A_1028 = arith.constant 4 : i32
      %dma_start3A_1029 = arith.constant 0 : i32
      %dma_start3A_1030 = arith.constant 0 : i32
      %dma_start3A_1031 = tpu.memref_slice %arg8[%dma_start3A_1028, %dma_start3A_1029, %dma_start3A_1030] : memref<5x80x48xf32, #tpu.memory_space<vmem>> -> memref<1x80x48xf32, #tpu.memory_space<vmem>>
      %dma_start3A_1032 = tpu.memref_squeeze %dma_start3A_1031 : memref<1x80x48xf32, #tpu.memory_space<vmem>> -> memref<80x48xf32, #tpu.memory_space<vmem>>
      %dma_start3A_1033 = arith.constant 0 : i32
      %dma_start3A_1034 = tpu.memref_slice %arg7[%add3A_1003, %dma_start3A_1033] : memref<125x80xi32, #tpu.memory_space<vmem>> -> memref<1x80xi32, #tpu.memory_space<vmem>>
      %dma_start3A_1035 = tpu.memref_squeeze %dma_start3A_1034 : memref<1x80xi32, #tpu.memory_space<vmem>> -> memref<80xi32, #tpu.memory_space<vmem>>
      %dma_start3A_1036 = arith.constant 0 : i32
      %dma_start3A_1037 = arith.constant 0 : i32
      %dma_start3A_1038 = tpu.memref_slice %arg10[%dma_start3A_1036, %dma_start3A_1037] : memref<10240x48xf32, #tpu.memory_space<vmem_shared>> -> memref<10240x48xf32, #tpu.memory_space<vmem_shared>>
      tpu.enqueue_indirect_dma source(%dma_start3A_1032 : memref<80x48xf32, #tpu.memory_space<vmem>>) target(%dma_start3A_1038 : memref<10240x48xf32, #tpu.memory_space<vmem_shared>>) offsets(%dma_start3A_1035 : memref<80xi32, #tpu.memory_space<vmem>>) semaphore(%arg20 : memref<!tpu.dma_semaphore, #tpu.memory_space<semaphore_mem>>) {add = true}
      %scan3A_1039 = arith.constant 0 : i32
      scf.yield %scan3A_1039 : i32
    }
    %scan3A_786 = arith.constant 25 : i32
    %dma_wait3A = arith.constant 0 : i32
    %dma_wait3A_787 = arith.constant 0 : i32
    %dma_wait3A_788 = arith.constant 0 : i32
    %dma_wait3A_789 = arith.constant 0 : i32
    %dma_wait3A_790 = tpu.memref_slice %arg8[%dma_wait3A, %dma_wait3A_788, %dma_wait3A_789] : memref<5x80x48xf32, #tpu.memory_space<vmem>> -> memref<1x80x48xf32, #tpu.memory_space<vmem>>
    %dma_wait3A_791 = tpu.memref_squeeze %dma_wait3A_790 : memref<1x80x48xf32, #tpu.memory_space<vmem>> -> memref<80x48xf32, #tpu.memory_space<vmem>>
    %dma_wait3A_792 = arith.constant 0 : i32
    %dma_wait3A_793 = tpu.memref_slice %arg7[%dma_wait3A_787, %dma_wait3A_792] : memref<125x80xi32, #tpu.memory_space<vmem>> -> memref<1x80xi32, #tpu.memory_space<vmem>>
    %dma_wait3A_794 = tpu.memref_squeeze %dma_wait3A_793 : memref<1x80xi32, #tpu.memory_space<vmem>> -> memref<80xi32, #tpu.memory_space<vmem>>
    %dma_wait3A_795 = arith.constant 0 : i32
    %dma_wait3A_796 = arith.constant 0 : i32
    %dma_wait3A_797 = tpu.memref_slice %arg10[%dma_wait3A_795, %dma_wait3A_796] : memref<10240x48xf32, #tpu.memory_space<vmem_shared>> -> memref<10240x48xf32, #tpu.memory_space<vmem_shared>>
    tpu.wait_indirect_dma semaphore(%arg16 : memref<!tpu.dma_semaphore, #tpu.memory_space<semaphore_mem>>) src(%dma_wait3A_791 : memref<80x48xf32, #tpu.memory_space<vmem>>) dst(%dma_wait3A_797 : memref<10240x48xf32, #tpu.memory_space<vmem_shared>>)
    %dma_wait3A_798 = arith.constant 1 : i32
    %dma_wait3A_799 = arith.constant 0 : i32
    %dma_wait3A_800 = arith.constant 0 : i32
    %dma_wait3A_801 = arith.constant 0 : i32
    %dma_wait3A_802 = tpu.memref_slice %arg8[%dma_wait3A_798, %dma_wait3A_800, %dma_wait3A_801] : memref<5x80x48xf32, #tpu.memory_space<vmem>> -> memref<1x80x48xf32, #tpu.memory_space<vmem>>
    %dma_wait3A_803 = tpu.memref_squeeze %dma_wait3A_802 : memref<1x80x48xf32, #tpu.memory_space<vmem>> -> memref<80x48xf32, #tpu.memory_space<vmem>>
    %dma_wait3A_804 = arith.constant 0 : i32
    %dma_wait3A_805 = tpu.memref_slice %arg7[%dma_wait3A_799, %dma_wait3A_804] : memref<125x80xi32, #tpu.memory_space<vmem>> -> memref<1x80xi32, #tpu.memory_space<vmem>>
    %dma_wait3A_806 = tpu.memref_squeeze %dma_wait3A_805 : memref<1x80xi32, #tpu.memory_space<vmem>> -> memref<80xi32, #tpu.memory_space<vmem>>
    %dma_wait3A_807 = arith.constant 0 : i32
    %dma_wait3A_808 = arith.constant 0 : i32
    %dma_wait3A_809 = tpu.memref_slice %arg10[%dma_wait3A_807, %dma_wait3A_808] : memref<10240x48xf32, #tpu.memory_space<vmem_shared>> -> memref<10240x48xf32, #tpu.memory_space<vmem_shared>>
    tpu.wait_indirect_dma semaphore(%arg17 : memref<!tpu.dma_semaphore, #tpu.memory_space<semaphore_mem>>) src(%dma_wait3A_803 : memref<80x48xf32, #tpu.memory_space<vmem>>) dst(%dma_wait3A_809 : memref<10240x48xf32, #tpu.memory_space<vmem_shared>>)
    %dma_wait3A_810 = arith.constant 2 : i32
    %dma_wait3A_811 = arith.constant 0 : i32
    %dma_wait3A_812 = arith.constant 0 : i32
    %dma_wait3A_813 = arith.constant 0 : i32
    %dma_wait3A_814 = tpu.memref_slice %arg8[%dma_wait3A_810, %dma_wait3A_812, %dma_wait3A_813] : memref<5x80x48xf32, #tpu.memory_space<vmem>> -> memref<1x80x48xf32, #tpu.memory_space<vmem>>
    %dma_wait3A_815 = tpu.memref_squeeze %dma_wait3A_814 : memref<1x80x48xf32, #tpu.memory_space<vmem>> -> memref<80x48xf32, #tpu.memory_space<vmem>>
    %dma_wait3A_816 = arith.constant 0 : i32
    %dma_wait3A_817 = tpu.memref_slice %arg7[%dma_wait3A_811, %dma_wait3A_816] : memref<125x80xi32, #tpu.memory_space<vmem>> -> memref<1x80xi32, #tpu.memory_space<vmem>>
    %dma_wait3A_818 = tpu.memref_squeeze %dma_wait3A_817 : memref<1x80xi32, #tpu.memory_space<vmem>> -> memref<80xi32, #tpu.memory_space<vmem>>
    %dma_wait3A_819 = arith.constant 0 : i32
    %dma_wait3A_820 = arith.constant 0 : i32
    %dma_wait3A_821 = tpu.memref_slice %arg10[%dma_wait3A_819, %dma_wait3A_820] : memref<10240x48xf32, #tpu.memory_space<vmem_shared>> -> memref<10240x48xf32, #tpu.memory_space<vmem_shared>>
    tpu.wait_indirect_dma semaphore(%arg18 : memref<!tpu.dma_semaphore, #tpu.memory_space<semaphore_mem>>) src(%dma_wait3A_815 : memref<80x48xf32, #tpu.memory_space<vmem>>) dst(%dma_wait3A_821 : memref<10240x48xf32, #tpu.memory_space<vmem_shared>>)
    %dma_wait3A_822 = arith.constant 3 : i32
    %dma_wait3A_823 = arith.constant 0 : i32
    %dma_wait3A_824 = arith.constant 0 : i32
    %dma_wait3A_825 = arith.constant 0 : i32
    %dma_wait3A_826 = tpu.memref_slice %arg8[%dma_wait3A_822, %dma_wait3A_824, %dma_wait3A_825] : memref<5x80x48xf32, #tpu.memory_space<vmem>> -> memref<1x80x48xf32, #tpu.memory_space<vmem>>
    %dma_wait3A_827 = tpu.memref_squeeze %dma_wait3A_826 : memref<1x80x48xf32, #tpu.memory_space<vmem>> -> memref<80x48xf32, #tpu.memory_space<vmem>>
    %dma_wait3A_828 = arith.constant 0 : i32
    %dma_wait3A_829 = tpu.memref_slice %arg7[%dma_wait3A_823, %dma_wait3A_828] : memref<125x80xi32, #tpu.memory_space<vmem>> -> memref<1x80xi32, #tpu.memory_space<vmem>>
    %dma_wait3A_830 = tpu.memref_squeeze %dma_wait3A_829 : memref<1x80xi32, #tpu.memory_space<vmem>> -> memref<80xi32, #tpu.memory_space<vmem>>
    %dma_wait3A_831 = arith.constant 0 : i32
    %dma_wait3A_832 = arith.constant 0 : i32
    %dma_wait3A_833 = tpu.memref_slice %arg10[%dma_wait3A_831, %dma_wait3A_832] : memref<10240x48xf32, #tpu.memory_space<vmem_shared>> -> memref<10240x48xf32, #tpu.memory_space<vmem_shared>>
    tpu.wait_indirect_dma semaphore(%arg19 : memref<!tpu.dma_semaphore, #tpu.memory_space<semaphore_mem>>) src(%dma_wait3A_827 : memref<80x48xf32, #tpu.memory_space<vmem>>) dst(%dma_wait3A_833 : memref<10240x48xf32, #tpu.memory_space<vmem_shared>>)
    %dma_wait3A_834 = arith.constant 4 : i32
    %dma_wait3A_835 = arith.constant 0 : i32
    %dma_wait3A_836 = arith.constant 0 : i32
    %dma_wait3A_837 = arith.constant 0 : i32
    %dma_wait3A_838 = tpu.memref_slice %arg8[%dma_wait3A_834, %dma_wait3A_836, %dma_wait3A_837] : memref<5x80x48xf32, #tpu.memory_space<vmem>> -> memref<1x80x48xf32, #tpu.memory_space<vmem>>
    %dma_wait3A_839 = tpu.memref_squeeze %dma_wait3A_838 : memref<1x80x48xf32, #tpu.memory_space<vmem>> -> memref<80x48xf32, #tpu.memory_space<vmem>>
    %dma_wait3A_840 = arith.constant 0 : i32
    %dma_wait3A_841 = tpu.memref_slice %arg7[%dma_wait3A_835, %dma_wait3A_840] : memref<125x80xi32, #tpu.memory_space<vmem>> -> memref<1x80xi32, #tpu.memory_space<vmem>>
    %dma_wait3A_842 = tpu.memref_squeeze %dma_wait3A_841 : memref<1x80xi32, #tpu.memory_space<vmem>> -> memref<80xi32, #tpu.memory_space<vmem>>
    %dma_wait3A_843 = arith.constant 0 : i32
    %dma_wait3A_844 = arith.constant 0 : i32
    %dma_wait3A_845 = tpu.memref_slice %arg10[%dma_wait3A_843, %dma_wait3A_844] : memref<10240x48xf32, #tpu.memory_space<vmem_shared>> -> memref<10240x48xf32, #tpu.memory_space<vmem_shared>>
    tpu.wait_indirect_dma semaphore(%arg20 : memref<!tpu.dma_semaphore, #tpu.memory_space<semaphore_mem>>) src(%dma_wait3A_839 : memref<80x48xf32, #tpu.memory_space<vmem>>) dst(%dma_wait3A_845 : memref<10240x48xf32, #tpu.memory_space<vmem_shared>>)
    %barrier3A_846 = arith.constant 0 : index
    tpu.barrier barrier_id(%barrier3A_846)
    "tpu.region"() ({
      %run_scoped3A = tpu.sem_alloc : memref<!tpu.dma_semaphore, #tpu.memory_space<semaphore_mem>>
      %dma_start3A_847 = arith.constant 0 : i32
      %dma_start3A_848 = tpu.memref_slice %arg5[%arg0, %mul3A_726, %dma_start3A_847] : memref<2x10240x48xf32, #tpu.memory_space<hbm>> -> memref<1x640x48xf32, #tpu.memory_space<hbm>>
      %dma_start3A_849 = tpu.memref_squeeze %dma_start3A_848 : memref<1x640x48xf32, #tpu.memory_space<hbm>> -> memref<640x48xf32, #tpu.memory_space<hbm>>
      %dma_start3A_850 = arith.constant 0 : i32
      %dma_start3A_851 = tpu.memref_slice %arg10[%mul3A_726, %dma_start3A_850] : memref<10240x48xf32, #tpu.memory_space<vmem_shared>> -> memref<640x48xf32, #tpu.memory_space<vmem_shared>>
      tpu.enqueue_dma source(%dma_start3A_851 : memref<640x48xf32, #tpu.memory_space<vmem_shared>>) target(%dma_start3A_849 : memref<640x48xf32, #tpu.memory_space<hbm>>) target_semaphore(%run_scoped3A : memref<!tpu.dma_semaphore, #tpu.memory_space<semaphore_mem>>)
      %dma_wait3A_852 = arith.constant 0 : i32
      %dma_wait3A_853 = tpu.memref_slice %arg5[%arg0, %mul3A_726, %dma_wait3A_852] : memref<2x10240x48xf32, #tpu.memory_space<hbm>> -> memref<1x640x48xf32, #tpu.memory_space<hbm>>
      %dma_wait3A_854 = tpu.memref_squeeze %dma_wait3A_853 : memref<1x640x48xf32, #tpu.memory_space<hbm>> -> memref<640x48xf32, #tpu.memory_space<hbm>>
      %dma_wait3A_855 = arith.constant 0 : i32
      %dma_wait3A_856 = tpu.memref_slice %arg10[%mul3A_726, %dma_wait3A_855] : memref<10240x48xf32, #tpu.memory_space<vmem_shared>> -> memref<640x48xf32, #tpu.memory_space<vmem_shared>>
      tpu.wait_dma2 semaphore(%run_scoped3A : memref<!tpu.dma_semaphore, #tpu.memory_space<semaphore_mem>>) src(%dma_wait3A_856 : memref<640x48xf32, #tpu.memory_space<vmem_shared>>) dst(%dma_wait3A_854 : memref<640x48xf32, #tpu.memory_space<hbm>>)
      tpu.yield
    }) : () -> ()
    return
  }
}

#map = affine_map<(d0, d1) -> (0, 0)>
module attributes {stable_mosaic.version = 14 : i64} {
  func.func @body(%arg0: i32, %arg1: i32, %arg2: memref<20000x64xf32, #tpu.memory_space<hbm>>, %arg3: memref<4000x80xi32, #tpu.memory_space<hbm>>, %arg4: memref<4000x80xi32, #tpu.memory_space<hbm>>, %arg5: memref<10240x128xf32, #tpu.memory_space<hbm>>, %arg6: memref<10240x16xf32, #tpu.memory_space<hbm>>, %arg7: memref<250x80xi32, #tpu.memory_space<vmem>>, %arg8: memref<250x80xi32, #tpu.memory_space<vmem>>, %arg9: memref<5x80x64xf32, #tpu.memory_space<vmem>>, %arg10: memref<40x64xf32, #tpu.memory_space<vmem>>, %arg11: memref<80x16xf32, #tpu.memory_space<vmem>>, %arg12: memref<40x16xf32, #tpu.memory_space<vmem>>, %arg13: memref<10240x64xf32, #tpu.memory_space<vmem_shared>>, %arg14: memref<10240x16xf32, #tpu.memory_space<vmem_shared>>, %arg15: memref<!tpu.dma_semaphore, #tpu.memory_space<semaphore_mem>>, %arg16: memref<!tpu.dma_semaphore, #tpu.memory_space<semaphore_mem>>, %arg17: memref<!tpu.dma_semaphore, #tpu.memory_space<semaphore_mem>>, %arg18: memref<!tpu.dma_semaphore, #tpu.memory_space<semaphore_mem>>, %arg19: memref<!tpu.dma_semaphore, #tpu.memory_space<semaphore_mem>>, %arg20: memref<!tpu.dma_semaphore, #tpu.memory_space<semaphore_mem>>, %arg21: memref<!tpu.dma_semaphore, #tpu.memory_space<semaphore_mem>>, %arg22: memref<!tpu.dma_semaphore, #tpu.memory_space<semaphore_mem>>, %arg23: memref<!tpu.dma_semaphore, #tpu.memory_space<semaphore_mem>>, %arg24: memref<!tpu.dma_semaphore, #tpu.memory_space<semaphore_mem>>, %arg25: memref<!tpu.dma_semaphore, #tpu.memory_space<semaphore_mem>>) attributes {dimension_semantics = [#tpu.dimension_semantics<core_parallel>, #tpu.dimension_semantics<subcore_parallel>], iteration_bounds = array<i64: 2, 16>, scalar_prefetch = 0 : i64, scratch_operands = 19 : i64, tpu.core_type = #tpu.core_type<sc_vector_subcore>, window_params = [{transform_indices = #map}, {transform_indices = #map}, {transform_indices = #map}, {transform_indices = #map}, {transform_indices = #map}]} {
    %eq3A = arith.constant 0 : i32
    %eq3A_0 = arith.cmpi eq, %arg0, %eq3A : i32
    %broadcast_in_dim3A = arith.constant 0.000000e+00 : f32
    %broadcast_in_dim3A_1 = vector.broadcast %broadcast_in_dim3A : f32 to vector<16xf32>
    %swap3A = arith.constant 0 : i32
    %swap3A_2 = arith.index_cast %swap3A : i32 to index
    %swap3A_3 = arith.constant 0 : index
    %swap3A_4 = tpu.vector_load %arg10[%swap3A_2, %swap3A_3] {strides = array<i32>} : memref<40x64xf32, #tpu.memory_space<vmem>>, vector<1x16xf32>,
    %swap3A_5 = vector.shape_cast %swap3A_4 : vector<1x16xf32> to vector<16xf32>
    %swap3A_6 = vector.shape_cast %broadcast_in_dim3A_1 : vector<16xf32> to vector<1x16xf32>
    tpu.vector_store %arg10[%swap3A_2, %swap3A_3], %swap3A_6 {strides = array<i32>} : memref<40x64xf32, #tpu.memory_space<vmem>>, vector<1x16xf32>,
    %swap3A_7 = arith.constant 0 : i32
    %swap3A_8 = arith.index_cast %swap3A_7 : i32 to index
    %swap3A_9 = arith.constant 16 : index
    %swap3A_10 = tpu.vector_load %arg10[%swap3A_8, %swap3A_9] {strides = array<i32>} : memref<40x64xf32, #tpu.memory_space<vmem>>, vector<1x16xf32>,
    %swap3A_11 = vector.shape_cast %swap3A_10 : vector<1x16xf32> to vector<16xf32>
    %swap3A_12 = vector.shape_cast %broadcast_in_dim3A_1 : vector<16xf32> to vector<1x16xf32>
    tpu.vector_store %arg10[%swap3A_8, %swap3A_9], %swap3A_12 {strides = array<i32>} : memref<40x64xf32, #tpu.memory_space<vmem>>, vector<1x16xf32>,
    %swap3A_13 = arith.constant 0 : i32
    %swap3A_14 = arith.index_cast %swap3A_13 : i32 to index
    %swap3A_15 = arith.constant 32 : index
    %swap3A_16 = tpu.vector_load %arg10[%swap3A_14, %swap3A_15] {strides = array<i32>} : memref<40x64xf32, #tpu.memory_space<vmem>>, vector<1x16xf32>,
    %swap3A_17 = vector.shape_cast %swap3A_16 : vector<1x16xf32> to vector<16xf32>
    %swap3A_18 = vector.shape_cast %broadcast_in_dim3A_1 : vector<16xf32> to vector<1x16xf32>
    tpu.vector_store %arg10[%swap3A_14, %swap3A_15], %swap3A_18 {strides = array<i32>} : memref<40x64xf32, #tpu.memory_space<vmem>>, vector<1x16xf32>,
    %swap3A_19 = arith.constant 0 : i32
    %swap3A_20 = arith.index_cast %swap3A_19 : i32 to index
    %swap3A_21 = arith.constant 48 : index
    %swap3A_22 = tpu.vector_load %arg10[%swap3A_20, %swap3A_21] {strides = array<i32>} : memref<40x64xf32, #tpu.memory_space<vmem>>, vector<1x16xf32>,
    %swap3A_23 = vector.shape_cast %swap3A_22 : vector<1x16xf32> to vector<16xf32>
    %swap3A_24 = vector.shape_cast %broadcast_in_dim3A_1 : vector<16xf32> to vector<1x16xf32>
    tpu.vector_store %arg10[%swap3A_20, %swap3A_21], %swap3A_24 {strides = array<i32>} : memref<40x64xf32, #tpu.memory_space<vmem>>, vector<1x16xf32>,
    %swap3A_25 = arith.constant 1 : i32
    %swap3A_26 = arith.index_cast %swap3A_25 : i32 to index
    %swap3A_27 = arith.constant 0 : index
    %swap3A_28 = tpu.vector_load %arg10[%swap3A_26, %swap3A_27] {strides = array<i32>} : memref<40x64xf32, #tpu.memory_space<vmem>>, vector<1x16xf32>,
    %swap3A_29 = vector.shape_cast %swap3A_28 : vector<1x16xf32> to vector<16xf32>
    %swap3A_30 = vector.shape_cast %broadcast_in_dim3A_1 : vector<16xf32> to vector<1x16xf32>
    tpu.vector_store %arg10[%swap3A_26, %swap3A_27], %swap3A_30 {strides = array<i32>} : memref<40x64xf32, #tpu.memory_space<vmem>>, vector<1x16xf32>,
    %swap3A_31 = arith.constant 1 : i32
    %swap3A_32 = arith.index_cast %swap3A_31 : i32 to index
    %swap3A_33 = arith.constant 16 : index
    %swap3A_34 = tpu.vector_load %arg10[%swap3A_32, %swap3A_33] {strides = array<i32>} : memref<40x64xf32, #tpu.memory_space<vmem>>, vector<1x16xf32>,
    %swap3A_35 = vector.shape_cast %swap3A_34 : vector<1x16xf32> to vector<16xf32>
    %swap3A_36 = vector.shape_cast %broadcast_in_dim3A_1 : vector<16xf32> to vector<1x16xf32>
    tpu.vector_store %arg10[%swap3A_32, %swap3A_33], %swap3A_36 {strides = array<i32>} : memref<40x64xf32, #tpu.memory_space<vmem>>, vector<1x16xf32>,
    %swap3A_37 = arith.constant 1 : i32
    %swap3A_38 = arith.index_cast %swap3A_37 : i32 to index
    %swap3A_39 = arith.constant 32 : index
    %swap3A_40 = tpu.vector_load %arg10[%swap3A_38, %swap3A_39] {strides = array<i32>} : memref<40x64xf32, #tpu.memory_space<vmem>>, vector<1x16xf32>,
    %swap3A_41 = vector.shape_cast %swap3A_40 : vector<1x16xf32> to vector<16xf32>
    %swap3A_42 = vector.shape_cast %broadcast_in_dim3A_1 : vector<16xf32> to vector<1x16xf32>
    tpu.vector_store %arg10[%swap3A_38, %swap3A_39], %swap3A_42 {strides = array<i32>} : memref<40x64xf32, #tpu.memory_space<vmem>>, vector<1x16xf32>,
    %swap3A_43 = arith.constant 1 : i32
    %swap3A_44 = arith.index_cast %swap3A_43 : i32 to index
    %swap3A_45 = arith.constant 48 : index
    %swap3A_46 = tpu.vector_load %arg10[%swap3A_44, %swap3A_45] {strides = array<i32>} : memref<40x64xf32, #tpu.memory_space<vmem>>, vector<1x16xf32>,
    %swap3A_47 = vector.shape_cast %swap3A_46 : vector<1x16xf32> to vector<16xf32>
    %swap3A_48 = vector.shape_cast %broadcast_in_dim3A_1 : vector<16xf32> to vector<1x16xf32>
    tpu.vector_store %arg10[%swap3A_44, %swap3A_45], %swap3A_48 {strides = array<i32>} : memref<40x64xf32, #tpu.memory_space<vmem>>, vector<1x16xf32>,
    %swap3A_49 = arith.constant 2 : i32
    %swap3A_50 = arith.index_cast %swap3A_49 : i32 to index
    %swap3A_51 = arith.constant 0 : index
    %swap3A_52 = tpu.vector_load %arg10[%swap3A_50, %swap3A_51] {strides = array<i32>} : memref<40x64xf32, #tpu.memory_space<vmem>>, vector<1x16xf32>,
    %swap3A_53 = vector.shape_cast %swap3A_52 : vector<1x16xf32> to vector<16xf32>
    %swap3A_54 = vector.shape_cast %broadcast_in_dim3A_1 : vector<16xf32> to vector<1x16xf32>
    tpu.vector_store %arg10[%swap3A_50, %swap3A_51], %swap3A_54 {strides = array<i32>} : memref<40x64xf32, #tpu.memory_space<vmem>>, vector<1x16xf32>,
    %swap3A_55 = arith.constant 2 : i32
    %swap3A_56 = arith.index_cast %swap3A_55 : i32 to index
    %swap3A_57 = arith.constant 16 : index
    %swap3A_58 = tpu.vector_load %arg10[%swap3A_56, %swap3A_57] {strides = array<i32>} : memref<40x64xf32, #tpu.memory_space<vmem>>, vector<1x16xf32>,
    %swap3A_59 = vector.shape_cast %swap3A_58 : vector<1x16xf32> to vector<16xf32>
    %swap3A_60 = vector.shape_cast %broadcast_in_dim3A_1 : vector<16xf32> to vector<1x16xf32>
    tpu.vector_store %arg10[%swap3A_56, %swap3A_57], %swap3A_60 {strides = array<i32>} : memref<40x64xf32, #tpu.memory_space<vmem>>, vector<1x16xf32>,
    %swap3A_61 = arith.constant 2 : i32
    %swap3A_62 = arith.index_cast %swap3A_61 : i32 to index
    %swap3A_63 = arith.constant 32 : index
    %swap3A_64 = tpu.vector_load %arg10[%swap3A_62, %swap3A_63] {strides = array<i32>} : memref<40x64xf32, #tpu.memory_space<vmem>>, vector<1x16xf32>,
    %swap3A_65 = vector.shape_cast %swap3A_64 : vector<1x16xf32> to vector<16xf32>
    %swap3A_66 = vector.shape_cast %broadcast_in_dim3A_1 : vector<16xf32> to vector<1x16xf32>
    tpu.vector_store %arg10[%swap3A_62, %swap3A_63], %swap3A_66 {strides = array<i32>} : memref<40x64xf32, #tpu.memory_space<vmem>>, vector<1x16xf32>,
    %swap3A_67 = arith.constant 2 : i32
    %swap3A_68 = arith.index_cast %swap3A_67 : i32 to index
    %swap3A_69 = arith.constant 48 : index
    %swap3A_70 = tpu.vector_load %arg10[%swap3A_68, %swap3A_69] {strides = array<i32>} : memref<40x64xf32, #tpu.memory_space<vmem>>, vector<1x16xf32>,
    %swap3A_71 = vector.shape_cast %swap3A_70 : vector<1x16xf32> to vector<16xf32>
    %swap3A_72 = vector.shape_cast %broadcast_in_dim3A_1 : vector<16xf32> to vector<1x16xf32>
    tpu.vector_store %arg10[%swap3A_68, %swap3A_69], %swap3A_72 {strides = array<i32>} : memref<40x64xf32, #tpu.memory_space<vmem>>, vector<1x16xf32>,
    %swap3A_73 = arith.constant 3 : i32
    %swap3A_74 = arith.index_cast %swap3A_73 : i32 to index
    %swap3A_75 = arith.constant 0 : index
    %swap3A_76 = tpu.vector_load %arg10[%swap3A_74, %swap3A_75] {strides = array<i32>} : memref<40x64xf32, #tpu.memory_space<vmem>>, vector<1x16xf32>,
    %swap3A_77 = vector.shape_cast %swap3A_76 : vector<1x16xf32> to vector<16xf32>
    %swap3A_78 = vector.shape_cast %broadcast_in_dim3A_1 : vector<16xf32> to vector<1x16xf32>
    tpu.vector_store %arg10[%swap3A_74, %swap3A_75], %swap3A_78 {strides = array<i32>} : memref<40x64xf32, #tpu.memory_space<vmem>>, vector<1x16xf32>,
    %swap3A_79 = arith.constant 3 : i32
    %swap3A_80 = arith.index_cast %swap3A_79 : i32 to index
    %swap3A_81 = arith.constant 16 : index
    %swap3A_82 = tpu.vector_load %arg10[%swap3A_80, %swap3A_81] {strides = array<i32>} : memref<40x64xf32, #tpu.memory_space<vmem>>, vector<1x16xf32>,
    %swap3A_83 = vector.shape_cast %swap3A_82 : vector<1x16xf32> to vector<16xf32>
    %swap3A_84 = vector.shape_cast %broadcast_in_dim3A_1 : vector<16xf32> to vector<1x16xf32>
    tpu.vector_store %arg10[%swap3A_80, %swap3A_81], %swap3A_84 {strides = array<i32>} : memref<40x64xf32, #tpu.memory_space<vmem>>, vector<1x16xf32>,
    %swap3A_85 = arith.constant 3 : i32
    %swap3A_86 = arith.index_cast %swap3A_85 : i32 to index
    %swap3A_87 = arith.constant 32 : index
    %swap3A_88 = tpu.vector_load %arg10[%swap3A_86, %swap3A_87] {strides = array<i32>} : memref<40x64xf32, #tpu.memory_space<vmem>>, vector<1x16xf32>,
    %swap3A_89 = vector.shape_cast %swap3A_88 : vector<1x16xf32> to vector<16xf32>
    %swap3A_90 = vector.shape_cast %broadcast_in_dim3A_1 : vector<16xf32> to vector<1x16xf32>
    tpu.vector_store %arg10[%swap3A_86, %swap3A_87], %swap3A_90 {strides = array<i32>} : memref<40x64xf32, #tpu.memory_space<vmem>>, vector<1x16xf32>,
    %swap3A_91 = arith.constant 3 : i32
    %swap3A_92 = arith.index_cast %swap3A_91 : i32 to index
    %swap3A_93 = arith.constant 48 : index
    %swap3A_94 = tpu.vector_load %arg10[%swap3A_92, %swap3A_93] {strides = array<i32>} : memref<40x64xf32, #tpu.memory_space<vmem>>, vector<1x16xf32>,
    %swap3A_95 = vector.shape_cast %swap3A_94 : vector<1x16xf32> to vector<16xf32>
    %swap3A_96 = vector.shape_cast %broadcast_in_dim3A_1 : vector<16xf32> to vector<1x16xf32>
    tpu.vector_store %arg10[%swap3A_92, %swap3A_93], %swap3A_96 {strides = array<i32>} : memref<40x64xf32, #tpu.memory_space<vmem>>, vector<1x16xf32>,
    %swap3A_97 = arith.constant 4 : i32
    %swap3A_98 = arith.index_cast %swap3A_97 : i32 to index
    %swap3A_99 = arith.constant 0 : index
    %swap3A_100 = tpu.vector_load %arg10[%swap3A_98, %swap3A_99] {strides = array<i32>} : memref<40x64xf32, #tpu.memory_space<vmem>>, vector<1x16xf32>,
    %swap3A_101 = vector.shape_cast %swap3A_100 : vector<1x16xf32> to vector<16xf32>
    %swap3A_102 = vector.shape_cast %broadcast_in_dim3A_1 : vector<16xf32> to vector<1x16xf32>
    tpu.vector_store %arg10[%swap3A_98, %swap3A_99], %swap3A_102 {strides = array<i32>} : memref<40x64xf32, #tpu.memory_space<vmem>>, vector<1x16xf32>,
    %swap3A_103 = arith.constant 4 : i32
    %swap3A_104 = arith.index_cast %swap3A_103 : i32 to index
    %swap3A_105 = arith.constant 16 : index
    %swap3A_106 = tpu.vector_load %arg10[%swap3A_104, %swap3A_105] {strides = array<i32>} : memref<40x64xf32, #tpu.memory_space<vmem>>, vector<1x16xf32>,
    %swap3A_107 = vector.shape_cast %swap3A_106 : vector<1x16xf32> to vector<16xf32>
    %swap3A_108 = vector.shape_cast %broadcast_in_dim3A_1 : vector<16xf32> to vector<1x16xf32>
    tpu.vector_store %arg10[%swap3A_104, %swap3A_105], %swap3A_108 {strides = array<i32>} : memref<40x64xf32, #tpu.memory_space<vmem>>, vector<1x16xf32>,
    %swap3A_109 = arith.constant 4 : i32
    %swap3A_110 = arith.index_cast %swap3A_109 : i32 to index
    %swap3A_111 = arith.constant 32 : index
    %swap3A_112 = tpu.vector_load %arg10[%swap3A_110, %swap3A_111] {strides = array<i32>} : memref<40x64xf32, #tpu.memory_space<vmem>>, vector<1x16xf32>,
    %swap3A_113 = vector.shape_cast %swap3A_112 : vector<1x16xf32> to vector<16xf32>
    %swap3A_114 = vector.shape_cast %broadcast_in_dim3A_1 : vector<16xf32> to vector<1x16xf32>
    tpu.vector_store %arg10[%swap3A_110, %swap3A_111], %swap3A_114 {strides = array<i32>} : memref<40x64xf32, #tpu.memory_space<vmem>>, vector<1x16xf32>,
    %swap3A_115 = arith.constant 4 : i32
    %swap3A_116 = arith.index_cast %swap3A_115 : i32 to index
    %swap3A_117 = arith.constant 48 : index
    %swap3A_118 = tpu.vector_load %arg10[%swap3A_116, %swap3A_117] {strides = array<i32>} : memref<40x64xf32, #tpu.memory_space<vmem>>, vector<1x16xf32>,
    %swap3A_119 = vector.shape_cast %swap3A_118 : vector<1x16xf32> to vector<16xf32>
    %swap3A_120 = vector.shape_cast %broadcast_in_dim3A_1 : vector<16xf32> to vector<1x16xf32>
    tpu.vector_store %arg10[%swap3A_116, %swap3A_117], %swap3A_120 {strides = array<i32>} : memref<40x64xf32, #tpu.memory_space<vmem>>, vector<1x16xf32>,
    %swap3A_121 = arith.constant 5 : i32
    %swap3A_122 = arith.index_cast %swap3A_121 : i32 to index
    %swap3A_123 = arith.constant 0 : index
    %swap3A_124 = tpu.vector_load %arg10[%swap3A_122, %swap3A_123] {strides = array<i32>} : memref<40x64xf32, #tpu.memory_space<vmem>>, vector<1x16xf32>,
    %swap3A_125 = vector.shape_cast %swap3A_124 : vector<1x16xf32> to vector<16xf32>
    %swap3A_126 = vector.shape_cast %broadcast_in_dim3A_1 : vector<16xf32> to vector<1x16xf32>
    tpu.vector_store %arg10[%swap3A_122, %swap3A_123], %swap3A_126 {strides = array<i32>} : memref<40x64xf32, #tpu.memory_space<vmem>>, vector<1x16xf32>,
    %swap3A_127 = arith.constant 5 : i32
    %swap3A_128 = arith.index_cast %swap3A_127 : i32 to index
    %swap3A_129 = arith.constant 16 : index
    %swap3A_130 = tpu.vector_load %arg10[%swap3A_128, %swap3A_129] {strides = array<i32>} : memref<40x64xf32, #tpu.memory_space<vmem>>, vector<1x16xf32>,
    %swap3A_131 = vector.shape_cast %swap3A_130 : vector<1x16xf32> to vector<16xf32>
    %swap3A_132 = vector.shape_cast %broadcast_in_dim3A_1 : vector<16xf32> to vector<1x16xf32>
    tpu.vector_store %arg10[%swap3A_128, %swap3A_129], %swap3A_132 {strides = array<i32>} : memref<40x64xf32, #tpu.memory_space<vmem>>, vector<1x16xf32>,
    %swap3A_133 = arith.constant 5 : i32
    %swap3A_134 = arith.index_cast %swap3A_133 : i32 to index
    %swap3A_135 = arith.constant 32 : index
    %swap3A_136 = tpu.vector_load %arg10[%swap3A_134, %swap3A_135] {strides = array<i32>} : memref<40x64xf32, #tpu.memory_space<vmem>>, vector<1x16xf32>,
    %swap3A_137 = vector.shape_cast %swap3A_136 : vector<1x16xf32> to vector<16xf32>
    %swap3A_138 = vector.shape_cast %broadcast_in_dim3A_1 : vector<16xf32> to vector<1x16xf32>
    tpu.vector_store %arg10[%swap3A_134, %swap3A_135], %swap3A_138 {strides = array<i32>} : memref<40x64xf32, #tpu.memory_space<vmem>>, vector<1x16xf32>,
    %swap3A_139 = arith.constant 5 : i32
    %swap3A_140 = arith.index_cast %swap3A_139 : i32 to index
    %swap3A_141 = arith.constant 48 : index
    %swap3A_142 = tpu.vector_load %arg10[%swap3A_140, %swap3A_141] {strides = array<i32>} : memref<40x64xf32, #tpu.memory_space<vmem>>, vector<1x16xf32>,
    %swap3A_143 = vector.shape_cast %swap3A_142 : vector<1x16xf32> to vector<16xf32>
    %swap3A_144 = vector.shape_cast %broadcast_in_dim3A_1 : vector<16xf32> to vector<1x16xf32>
    tpu.vector_store %arg10[%swap3A_140, %swap3A_141], %swap3A_144 {strides = array<i32>} : memref<40x64xf32, #tpu.memory_space<vmem>>, vector<1x16xf32>,
    %swap3A_145 = arith.constant 6 : i32
    %swap3A_146 = arith.index_cast %swap3A_145 : i32 to index
    %swap3A_147 = arith.constant 0 : index
    %swap3A_148 = tpu.vector_load %arg10[%swap3A_146, %swap3A_147] {strides = array<i32>} : memref<40x64xf32, #tpu.memory_space<vmem>>, vector<1x16xf32>,
    %swap3A_149 = vector.shape_cast %swap3A_148 : vector<1x16xf32> to vector<16xf32>
    %swap3A_150 = vector.shape_cast %broadcast_in_dim3A_1 : vector<16xf32> to vector<1x16xf32>
    tpu.vector_store %arg10[%swap3A_146, %swap3A_147], %swap3A_150 {strides = array<i32>} : memref<40x64xf32, #tpu.memory_space<vmem>>, vector<1x16xf32>,
    %swap3A_151 = arith.constant 6 : i32
    %swap3A_152 = arith.index_cast %swap3A_151 : i32 to index
    %swap3A_153 = arith.constant 16 : index
    %swap3A_154 = tpu.vector_load %arg10[%swap3A_152, %swap3A_153] {strides = array<i32>} : memref<40x64xf32, #tpu.memory_space<vmem>>, vector<1x16xf32>,
    %swap3A_155 = vector.shape_cast %swap3A_154 : vector<1x16xf32> to vector<16xf32>
    %swap3A_156 = vector.shape_cast %broadcast_in_dim3A_1 : vector<16xf32> to vector<1x16xf32>
    tpu.vector_store %arg10[%swap3A_152, %swap3A_153], %swap3A_156 {strides = array<i32>} : memref<40x64xf32, #tpu.memory_space<vmem>>, vector<1x16xf32>,
    %swap3A_157 = arith.constant 6 : i32
    %swap3A_158 = arith.index_cast %swap3A_157 : i32 to index
    %swap3A_159 = arith.constant 32 : index
    %swap3A_160 = tpu.vector_load %arg10[%swap3A_158, %swap3A_159] {strides = array<i32>} : memref<40x64xf32, #tpu.memory_space<vmem>>, vector<1x16xf32>,
    %swap3A_161 = vector.shape_cast %swap3A_160 : vector<1x16xf32> to vector<16xf32>
    %swap3A_162 = vector.shape_cast %broadcast_in_dim3A_1 : vector<16xf32> to vector<1x16xf32>
    tpu.vector_store %arg10[%swap3A_158, %swap3A_159], %swap3A_162 {strides = array<i32>} : memref<40x64xf32, #tpu.memory_space<vmem>>, vector<1x16xf32>,
    %swap3A_163 = arith.constant 6 : i32
    %swap3A_164 = arith.index_cast %swap3A_163 : i32 to index
    %swap3A_165 = arith.constant 48 : index
    %swap3A_166 = tpu.vector_load %arg10[%swap3A_164, %swap3A_165] {strides = array<i32>} : memref<40x64xf32, #tpu.memory_space<vmem>>, vector<1x16xf32>,
    %swap3A_167 = vector.shape_cast %swap3A_166 : vector<1x16xf32> to vector<16xf32>
    %swap3A_168 = vector.shape_cast %broadcast_in_dim3A_1 : vector<16xf32> to vector<1x16xf32>
    tpu.vector_store %arg10[%swap3A_164, %swap3A_165], %swap3A_168 {strides = array<i32>} : memref<40x64xf32, #tpu.memory_space<vmem>>, vector<1x16xf32>,
    %swap3A_169 = arith.constant 7 : i32
    %swap3A_170 = arith.index_cast %swap3A_169 : i32 to index
    %swap3A_171 = arith.constant 0 : index
    %swap3A_172 = tpu.vector_load %arg10[%swap3A_170, %swap3A_171] {strides = array<i32>} : memref<40x64xf32, #tpu.memory_space<vmem>>, vector<1x16xf32>,
    %swap3A_173 = vector.shape_cast %swap3A_172 : vector<1x16xf32> to vector<16xf32>
    %swap3A_174 = vector.shape_cast %broadcast_in_dim3A_1 : vector<16xf32> to vector<1x16xf32>
    tpu.vector_store %arg10[%swap3A_170, %swap3A_171], %swap3A_174 {strides = array<i32>} : memref<40x64xf32, #tpu.memory_space<vmem>>, vector<1x16xf32>,
    %swap3A_175 = arith.constant 7 : i32
    %swap3A_176 = arith.index_cast %swap3A_175 : i32 to index
    %swap3A_177 = arith.constant 16 : index
    %swap3A_178 = tpu.vector_load %arg10[%swap3A_176, %swap3A_177] {strides = array<i32>} : memref<40x64xf32, #tpu.memory_space<vmem>>, vector<1x16xf32>,
    %swap3A_179 = vector.shape_cast %swap3A_178 : vector<1x16xf32> to vector<16xf32>
    %swap3A_180 = vector.shape_cast %broadcast_in_dim3A_1 : vector<16xf32> to vector<1x16xf32>
    tpu.vector_store %arg10[%swap3A_176, %swap3A_177], %swap3A_180 {strides = array<i32>} : memref<40x64xf32, #tpu.memory_space<vmem>>, vector<1x16xf32>,
    %swap3A_181 = arith.constant 7 : i32
    %swap3A_182 = arith.index_cast %swap3A_181 : i32 to index
    %swap3A_183 = arith.constant 32 : index
    %swap3A_184 = tpu.vector_load %arg10[%swap3A_182, %swap3A_183] {strides = array<i32>} : memref<40x64xf32, #tpu.memory_space<vmem>>, vector<1x16xf32>,
    %swap3A_185 = vector.shape_cast %swap3A_184 : vector<1x16xf32> to vector<16xf32>
    %swap3A_186 = vector.shape_cast %broadcast_in_dim3A_1 : vector<16xf32> to vector<1x16xf32>
    tpu.vector_store %arg10[%swap3A_182, %swap3A_183], %swap3A_186 {strides = array<i32>} : memref<40x64xf32, #tpu.memory_space<vmem>>, vector<1x16xf32>,
    %swap3A_187 = arith.constant 7 : i32
    %swap3A_188 = arith.index_cast %swap3A_187 : i32 to index
    %swap3A_189 = arith.constant 48 : index
    %swap3A_190 = tpu.vector_load %arg10[%swap3A_188, %swap3A_189] {strides = array<i32>} : memref<40x64xf32, #tpu.memory_space<vmem>>, vector<1x16xf32>,
    %swap3A_191 = vector.shape_cast %swap3A_190 : vector<1x16xf32> to vector<16xf32>
    %swap3A_192 = vector.shape_cast %broadcast_in_dim3A_1 : vector<16xf32> to vector<1x16xf32>
    tpu.vector_store %arg10[%swap3A_188, %swap3A_189], %swap3A_192 {strides = array<i32>} : memref<40x64xf32, #tpu.memory_space<vmem>>, vector<1x16xf32>,
    %swap3A_193 = arith.constant 8 : i32
    %swap3A_194 = arith.index_cast %swap3A_193 : i32 to index
    %swap3A_195 = arith.constant 0 : index
    %swap3A_196 = tpu.vector_load %arg10[%swap3A_194, %swap3A_195] {strides = array<i32>} : memref<40x64xf32, #tpu.memory_space<vmem>>, vector<1x16xf32>,
    %swap3A_197 = vector.shape_cast %swap3A_196 : vector<1x16xf32> to vector<16xf32>
    %swap3A_198 = vector.shape_cast %broadcast_in_dim3A_1 : vector<16xf32> to vector<1x16xf32>
    tpu.vector_store %arg10[%swap3A_194, %swap3A_195], %swap3A_198 {strides = array<i32>} : memref<40x64xf32, #tpu.memory_space<vmem>>, vector<1x16xf32>,
    %swap3A_199 = arith.constant 8 : i32
    %swap3A_200 = arith.index_cast %swap3A_199 : i32 to index
    %swap3A_201 = arith.constant 16 : index
    %swap3A_202 = tpu.vector_load %arg10[%swap3A_200, %swap3A_201] {strides = array<i32>} : memref<40x64xf32, #tpu.memory_space<vmem>>, vector<1x16xf32>,
    %swap3A_203 = vector.shape_cast %swap3A_202 : vector<1x16xf32> to vector<16xf32>
    %swap3A_204 = vector.shape_cast %broadcast_in_dim3A_1 : vector<16xf32> to vector<1x16xf32>
    tpu.vector_store %arg10[%swap3A_200, %swap3A_201], %swap3A_204 {strides = array<i32>} : memref<40x64xf32, #tpu.memory_space<vmem>>, vector<1x16xf32>,
    %swap3A_205 = arith.constant 8 : i32
    %swap3A_206 = arith.index_cast %swap3A_205 : i32 to index
    %swap3A_207 = arith.constant 32 : index
    %swap3A_208 = tpu.vector_load %arg10[%swap3A_206, %swap3A_207] {strides = array<i32>} : memref<40x64xf32, #tpu.memory_space<vmem>>, vector<1x16xf32>,
    %swap3A_209 = vector.shape_cast %swap3A_208 : vector<1x16xf32> to vector<16xf32>
    %swap3A_210 = vector.shape_cast %broadcast_in_dim3A_1 : vector<16xf32> to vector<1x16xf32>
    tpu.vector_store %arg10[%swap3A_206, %swap3A_207], %swap3A_210 {strides = array<i32>} : memref<40x64xf32, #tpu.memory_space<vmem>>, vector<1x16xf32>,
    %swap3A_211 = arith.constant 8 : i32
    %swap3A_212 = arith.index_cast %swap3A_211 : i32 to index
    %swap3A_213 = arith.constant 48 : index
    %swap3A_214 = tpu.vector_load %arg10[%swap3A_212, %swap3A_213] {strides = array<i32>} : memref<40x64xf32, #tpu.memory_space<vmem>>, vector<1x16xf32>,
    %swap3A_215 = vector.shape_cast %swap3A_214 : vector<1x16xf32> to vector<16xf32>
    %swap3A_216 = vector.shape_cast %broadcast_in_dim3A_1 : vector<16xf32> to vector<1x16xf32>
    tpu.vector_store %arg10[%swap3A_212, %swap3A_213], %swap3A_216 {strides = array<i32>} : memref<40x64xf32, #tpu.memory_space<vmem>>, vector<1x16xf32>,
    %swap3A_217 = arith.constant 9 : i32
    %swap3A_218 = arith.index_cast %swap3A_217 : i32 to index
    %swap3A_219 = arith.constant 0 : index
    %swap3A_220 = tpu.vector_load %arg10[%swap3A_218, %swap3A_219] {strides = array<i32>} : memref<40x64xf32, #tpu.memory_space<vmem>>, vector<1x16xf32>,
    %swap3A_221 = vector.shape_cast %swap3A_220 : vector<1x16xf32> to vector<16xf32>
    %swap3A_222 = vector.shape_cast %broadcast_in_dim3A_1 : vector<16xf32> to vector<1x16xf32>
    tpu.vector_store %arg10[%swap3A_218, %swap3A_219], %swap3A_222 {strides = array<i32>} : memref<40x64xf32, #tpu.memory_space<vmem>>, vector<1x16xf32>,
    %swap3A_223 = arith.constant 9 : i32
    %swap3A_224 = arith.index_cast %swap3A_223 : i32 to index
    %swap3A_225 = arith.constant 16 : index
    %swap3A_226 = tpu.vector_load %arg10[%swap3A_224, %swap3A_225] {strides = array<i32>} : memref<40x64xf32, #tpu.memory_space<vmem>>, vector<1x16xf32>,
    %swap3A_227 = vector.shape_cast %swap3A_226 : vector<1x16xf32> to vector<16xf32>
    %swap3A_228 = vector.shape_cast %broadcast_in_dim3A_1 : vector<16xf32> to vector<1x16xf32>
    tpu.vector_store %arg10[%swap3A_224, %swap3A_225], %swap3A_228 {strides = array<i32>} : memref<40x64xf32, #tpu.memory_space<vmem>>, vector<1x16xf32>,
    %swap3A_229 = arith.constant 9 : i32
    %swap3A_230 = arith.index_cast %swap3A_229 : i32 to index
    %swap3A_231 = arith.constant 32 : index
    %swap3A_232 = tpu.vector_load %arg10[%swap3A_230, %swap3A_231] {strides = array<i32>} : memref<40x64xf32, #tpu.memory_space<vmem>>, vector<1x16xf32>,
    %swap3A_233 = vector.shape_cast %swap3A_232 : vector<1x16xf32> to vector<16xf32>
    %swap3A_234 = vector.shape_cast %broadcast_in_dim3A_1 : vector<16xf32> to vector<1x16xf32>
    tpu.vector_store %arg10[%swap3A_230, %swap3A_231], %swap3A_234 {strides = array<i32>} : memref<40x64xf32, #tpu.memory_space<vmem>>, vector<1x16xf32>,
    %swap3A_235 = arith.constant 9 : i32
    %swap3A_236 = arith.index_cast %swap3A_235 : i32 to index
    %swap3A_237 = arith.constant 48 : index
    %swap3A_238 = tpu.vector_load %arg10[%swap3A_236, %swap3A_237] {strides = array<i32>} : memref<40x64xf32, #tpu.memory_space<vmem>>, vector<1x16xf32>,
    %swap3A_239 = vector.shape_cast %swap3A_238 : vector<1x16xf32> to vector<16xf32>
    %swap3A_240 = vector.shape_cast %broadcast_in_dim3A_1 : vector<16xf32> to vector<1x16xf32>
    tpu.vector_store %arg10[%swap3A_236, %swap3A_237], %swap3A_240 {strides = array<i32>} : memref<40x64xf32, #tpu.memory_space<vmem>>, vector<1x16xf32>,
    %swap3A_241 = arith.constant 10 : i32
    %swap3A_242 = arith.index_cast %swap3A_241 : i32 to index
    %swap3A_243 = arith.constant 0 : index
    %swap3A_244 = tpu.vector_load %arg10[%swap3A_242, %swap3A_243] {strides = array<i32>} : memref<40x64xf32, #tpu.memory_space<vmem>>, vector<1x16xf32>,
    %swap3A_245 = vector.shape_cast %swap3A_244 : vector<1x16xf32> to vector<16xf32>
    %swap3A_246 = vector.shape_cast %broadcast_in_dim3A_1 : vector<16xf32> to vector<1x16xf32>
    tpu.vector_store %arg10[%swap3A_242, %swap3A_243], %swap3A_246 {strides = array<i32>} : memref<40x64xf32, #tpu.memory_space<vmem>>, vector<1x16xf32>,
    %swap3A_247 = arith.constant 10 : i32
    %swap3A_248 = arith.index_cast %swap3A_247 : i32 to index
    %swap3A_249 = arith.constant 16 : index
    %swap3A_250 = tpu.vector_load %arg10[%swap3A_248, %swap3A_249] {strides = array<i32>} : memref<40x64xf32, #tpu.memory_space<vmem>>, vector<1x16xf32>,
    %swap3A_251 = vector.shape_cast %swap3A_250 : vector<1x16xf32> to vector<16xf32>
    %swap3A_252 = vector.shape_cast %broadcast_in_dim3A_1 : vector<16xf32> to vector<1x16xf32>
    tpu.vector_store %arg10[%swap3A_248, %swap3A_249], %swap3A_252 {strides = array<i32>} : memref<40x64xf32, #tpu.memory_space<vmem>>, vector<1x16xf32>,
    %swap3A_253 = arith.constant 10 : i32
    %swap3A_254 = arith.index_cast %swap3A_253 : i32 to index
    %swap3A_255 = arith.constant 32 : index
    %swap3A_256 = tpu.vector_load %arg10[%swap3A_254, %swap3A_255] {strides = array<i32>} : memref<40x64xf32, #tpu.memory_space<vmem>>, vector<1x16xf32>,
    %swap3A_257 = vector.shape_cast %swap3A_256 : vector<1x16xf32> to vector<16xf32>
    %swap3A_258 = vector.shape_cast %broadcast_in_dim3A_1 : vector<16xf32> to vector<1x16xf32>
    tpu.vector_store %arg10[%swap3A_254, %swap3A_255], %swap3A_258 {strides = array<i32>} : memref<40x64xf32, #tpu.memory_space<vmem>>, vector<1x16xf32>,
    %swap3A_259 = arith.constant 10 : i32
    %swap3A_260 = arith.index_cast %swap3A_259 : i32 to index
    %swap3A_261 = arith.constant 48 : index
    %swap3A_262 = tpu.vector_load %arg10[%swap3A_260, %swap3A_261] {strides = array<i32>} : memref<40x64xf32, #tpu.memory_space<vmem>>, vector<1x16xf32>,
    %swap3A_263 = vector.shape_cast %swap3A_262 : vector<1x16xf32> to vector<16xf32>
    %swap3A_264 = vector.shape_cast %broadcast_in_dim3A_1 : vector<16xf32> to vector<1x16xf32>
    tpu.vector_store %arg10[%swap3A_260, %swap3A_261], %swap3A_264 {strides = array<i32>} : memref<40x64xf32, #tpu.memory_space<vmem>>, vector<1x16xf32>,
    %swap3A_265 = arith.constant 11 : i32
    %swap3A_266 = arith.index_cast %swap3A_265 : i32 to index
    %swap3A_267 = arith.constant 0 : index
    %swap3A_268 = tpu.vector_load %arg10[%swap3A_266, %swap3A_267] {strides = array<i32>} : memref<40x64xf32, #tpu.memory_space<vmem>>, vector<1x16xf32>,
    %swap3A_269 = vector.shape_cast %swap3A_268 : vector<1x16xf32> to vector<16xf32>
    %swap3A_270 = vector.shape_cast %broadcast_in_dim3A_1 : vector<16xf32> to vector<1x16xf32>
    tpu.vector_store %arg10[%swap3A_266, %swap3A_267], %swap3A_270 {strides = array<i32>} : memref<40x64xf32, #tpu.memory_space<vmem>>, vector<1x16xf32>,
    %swap3A_271 = arith.constant 11 : i32
    %swap3A_272 = arith.index_cast %swap3A_271 : i32 to index
    %swap3A_273 = arith.constant 16 : index
    %swap3A_274 = tpu.vector_load %arg10[%swap3A_272, %swap3A_273] {strides = array<i32>} : memref<40x64xf32, #tpu.memory_space<vmem>>, vector<1x16xf32>,
    %swap3A_275 = vector.shape_cast %swap3A_274 : vector<1x16xf32> to vector<16xf32>
    %swap3A_276 = vector.shape_cast %broadcast_in_dim3A_1 : vector<16xf32> to vector<1x16xf32>
    tpu.vector_store %arg10[%swap3A_272, %swap3A_273], %swap3A_276 {strides = array<i32>} : memref<40x64xf32, #tpu.memory_space<vmem>>, vector<1x16xf32>,
    %swap3A_277 = arith.constant 11 : i32
    %swap3A_278 = arith.index_cast %swap3A_277 : i32 to index
    %swap3A_279 = arith.constant 32 : index
    %swap3A_280 = tpu.vector_load %arg10[%swap3A_278, %swap3A_279] {strides = array<i32>} : memref<40x64xf32, #tpu.memory_space<vmem>>, vector<1x16xf32>,
    %swap3A_281 = vector.shape_cast %swap3A_280 : vector<1x16xf32> to vector<16xf32>
    %swap3A_282 = vector.shape_cast %broadcast_in_dim3A_1 : vector<16xf32> to vector<1x16xf32>
    tpu.vector_store %arg10[%swap3A_278, %swap3A_279], %swap3A_282 {strides = array<i32>} : memref<40x64xf32, #tpu.memory_space<vmem>>, vector<1x16xf32>,
    %swap3A_283 = arith.constant 11 : i32
    %swap3A_284 = arith.index_cast %swap3A_283 : i32 to index
    %swap3A_285 = arith.constant 48 : index
    %swap3A_286 = tpu.vector_load %arg10[%swap3A_284, %swap3A_285] {strides = array<i32>} : memref<40x64xf32, #tpu.memory_space<vmem>>, vector<1x16xf32>,
    %swap3A_287 = vector.shape_cast %swap3A_286 : vector<1x16xf32> to vector<16xf32>
    %swap3A_288 = vector.shape_cast %broadcast_in_dim3A_1 : vector<16xf32> to vector<1x16xf32>
    tpu.vector_store %arg10[%swap3A_284, %swap3A_285], %swap3A_288 {strides = array<i32>} : memref<40x64xf32, #tpu.memory_space<vmem>>, vector<1x16xf32>,
    %swap3A_289 = arith.constant 12 : i32
    %swap3A_290 = arith.index_cast %swap3A_289 : i32 to index
    %swap3A_291 = arith.constant 0 : index
    %swap3A_292 = tpu.vector_load %arg10[%swap3A_290, %swap3A_291] {strides = array<i32>} : memref<40x64xf32, #tpu.memory_space<vmem>>, vector<1x16xf32>,
    %swap3A_293 = vector.shape_cast %swap3A_292 : vector<1x16xf32> to vector<16xf32>
    %swap3A_294 = vector.shape_cast %broadcast_in_dim3A_1 : vector<16xf32> to vector<1x16xf32>
    tpu.vector_store %arg10[%swap3A_290, %swap3A_291], %swap3A_294 {strides = array<i32>} : memref<40x64xf32, #tpu.memory_space<vmem>>, vector<1x16xf32>,
    %swap3A_295 = arith.constant 12 : i32
    %swap3A_296 = arith.index_cast %swap3A_295 : i32 to index
    %swap3A_297 = arith.constant 16 : index
    %swap3A_298 = tpu.vector_load %arg10[%swap3A_296, %swap3A_297] {strides = array<i32>} : memref<40x64xf32, #tpu.memory_space<vmem>>, vector<1x16xf32>,
    %swap3A_299 = vector.shape_cast %swap3A_298 : vector<1x16xf32> to vector<16xf32>
    %swap3A_300 = vector.shape_cast %broadcast_in_dim3A_1 : vector<16xf32> to vector<1x16xf32>
    tpu.vector_store %arg10[%swap3A_296, %swap3A_297], %swap3A_300 {strides = array<i32>} : memref<40x64xf32, #tpu.memory_space<vmem>>, vector<1x16xf32>,
    %swap3A_301 = arith.constant 12 : i32
    %swap3A_302 = arith.index_cast %swap3A_301 : i32 to index
    %swap3A_303 = arith.constant 32 : index
    %swap3A_304 = tpu.vector_load %arg10[%swap3A_302, %swap3A_303] {strides = array<i32>} : memref<40x64xf32, #tpu.memory_space<vmem>>, vector<1x16xf32>,
    %swap3A_305 = vector.shape_cast %swap3A_304 : vector<1x16xf32> to vector<16xf32>
    %swap3A_306 = vector.shape_cast %broadcast_in_dim3A_1 : vector<16xf32> to vector<1x16xf32>
    tpu.vector_store %arg10[%swap3A_302, %swap3A_303], %swap3A_306 {strides = array<i32>} : memref<40x64xf32, #tpu.memory_space<vmem>>, vector<1x16xf32>,
    %swap3A_307 = arith.constant 12 : i32
    %swap3A_308 = arith.index_cast %swap3A_307 : i32 to index
    %swap3A_309 = arith.constant 48 : index
    %swap3A_310 = tpu.vector_load %arg10[%swap3A_308, %swap3A_309] {strides = array<i32>} : memref<40x64xf32, #tpu.memory_space<vmem>>, vector<1x16xf32>,
    %swap3A_311 = vector.shape_cast %swap3A_310 : vector<1x16xf32> to vector<16xf32>
    %swap3A_312 = vector.shape_cast %broadcast_in_dim3A_1 : vector<16xf32> to vector<1x16xf32>
    tpu.vector_store %arg10[%swap3A_308, %swap3A_309], %swap3A_312 {strides = array<i32>} : memref<40x64xf32, #tpu.memory_space<vmem>>, vector<1x16xf32>,
    %swap3A_313 = arith.constant 13 : i32
    %swap3A_314 = arith.index_cast %swap3A_313 : i32 to index
    %swap3A_315 = arith.constant 0 : index
    %swap3A_316 = tpu.vector_load %arg10[%swap3A_314, %swap3A_315] {strides = array<i32>} : memref<40x64xf32, #tpu.memory_space<vmem>>, vector<1x16xf32>,
    %swap3A_317 = vector.shape_cast %swap3A_316 : vector<1x16xf32> to vector<16xf32>
    %swap3A_318 = vector.shape_cast %broadcast_in_dim3A_1 : vector<16xf32> to vector<1x16xf32>
    tpu.vector_store %arg10[%swap3A_314, %swap3A_315], %swap3A_318 {strides = array<i32>} : memref<40x64xf32, #tpu.memory_space<vmem>>, vector<1x16xf32>,
    %swap3A_319 = arith.constant 13 : i32
    %swap3A_320 = arith.index_cast %swap3A_319 : i32 to index
    %swap3A_321 = arith.constant 16 : index
    %swap3A_322 = tpu.vector_load %arg10[%swap3A_320, %swap3A_321] {strides = array<i32>} : memref<40x64xf32, #tpu.memory_space<vmem>>, vector<1x16xf32>,
    %swap3A_323 = vector.shape_cast %swap3A_322 : vector<1x16xf32> to vector<16xf32>
    %swap3A_324 = vector.shape_cast %broadcast_in_dim3A_1 : vector<16xf32> to vector<1x16xf32>
    tpu.vector_store %arg10[%swap3A_320, %swap3A_321], %swap3A_324 {strides = array<i32>} : memref<40x64xf32, #tpu.memory_space<vmem>>, vector<1x16xf32>,
    %swap3A_325 = arith.constant 13 : i32
    %swap3A_326 = arith.index_cast %swap3A_325 : i32 to index
    %swap3A_327 = arith.constant 32 : index
    %swap3A_328 = tpu.vector_load %arg10[%swap3A_326, %swap3A_327] {strides = array<i32>} : memref<40x64xf32, #tpu.memory_space<vmem>>, vector<1x16xf32>,
    %swap3A_329 = vector.shape_cast %swap3A_328 : vector<1x16xf32> to vector<16xf32>
    %swap3A_330 = vector.shape_cast %broadcast_in_dim3A_1 : vector<16xf32> to vector<1x16xf32>
    tpu.vector_store %arg10[%swap3A_326, %swap3A_327], %swap3A_330 {strides = array<i32>} : memref<40x64xf32, #tpu.memory_space<vmem>>, vector<1x16xf32>,
    %swap3A_331 = arith.constant 13 : i32
    %swap3A_332 = arith.index_cast %swap3A_331 : i32 to index
    %swap3A_333 = arith.constant 48 : index
    %swap3A_334 = tpu.vector_load %arg10[%swap3A_332, %swap3A_333] {strides = array<i32>} : memref<40x64xf32, #tpu.memory_space<vmem>>, vector<1x16xf32>,
    %swap3A_335 = vector.shape_cast %swap3A_334 : vector<1x16xf32> to vector<16xf32>
    %swap3A_336 = vector.shape_cast %broadcast_in_dim3A_1 : vector<16xf32> to vector<1x16xf32>
    tpu.vector_store %arg10[%swap3A_332, %swap3A_333], %swap3A_336 {strides = array<i32>} : memref<40x64xf32, #tpu.memory_space<vmem>>, vector<1x16xf32>,
    %swap3A_337 = arith.constant 14 : i32
    %swap3A_338 = arith.index_cast %swap3A_337 : i32 to index
    %swap3A_339 = arith.constant 0 : index
    %swap3A_340 = tpu.vector_load %arg10[%swap3A_338, %swap3A_339] {strides = array<i32>} : memref<40x64xf32, #tpu.memory_space<vmem>>, vector<1x16xf32>,
    %swap3A_341 = vector.shape_cast %swap3A_340 : vector<1x16xf32> to vector<16xf32>
    %swap3A_342 = vector.shape_cast %broadcast_in_dim3A_1 : vector<16xf32> to vector<1x16xf32>
    tpu.vector_store %arg10[%swap3A_338, %swap3A_339], %swap3A_342 {strides = array<i32>} : memref<40x64xf32, #tpu.memory_space<vmem>>, vector<1x16xf32>,
    %swap3A_343 = arith.constant 14 : i32
    %swap3A_344 = arith.index_cast %swap3A_343 : i32 to index
    %swap3A_345 = arith.constant 16 : index
    %swap3A_346 = tpu.vector_load %arg10[%swap3A_344, %swap3A_345] {strides = array<i32>} : memref<40x64xf32, #tpu.memory_space<vmem>>, vector<1x16xf32>,
    %swap3A_347 = vector.shape_cast %swap3A_346 : vector<1x16xf32> to vector<16xf32>
    %swap3A_348 = vector.shape_cast %broadcast_in_dim3A_1 : vector<16xf32> to vector<1x16xf32>
    tpu.vector_store %arg10[%swap3A_344, %swap3A_345], %swap3A_348 {strides = array<i32>} : memref<40x64xf32, #tpu.memory_space<vmem>>, vector<1x16xf32>,
    %swap3A_349 = arith.constant 14 : i32
    %swap3A_350 = arith.index_cast %swap3A_349 : i32 to index
    %swap3A_351 = arith.constant 32 : index
    %swap3A_352 = tpu.vector_load %arg10[%swap3A_350, %swap3A_351] {strides = array<i32>} : memref<40x64xf32, #tpu.memory_space<vmem>>, vector<1x16xf32>,
    %swap3A_353 = vector.shape_cast %swap3A_352 : vector<1x16xf32> to vector<16xf32>
    %swap3A_354 = vector.shape_cast %broadcast_in_dim3A_1 : vector<16xf32> to vector<1x16xf32>
    tpu.vector_store %arg10[%swap3A_350, %swap3A_351], %swap3A_354 {strides = array<i32>} : memref<40x64xf32, #tpu.memory_space<vmem>>, vector<1x16xf32>,
    %swap3A_355 = arith.constant 14 : i32
    %swap3A_356 = arith.index_cast %swap3A_355 : i32 to index
    %swap3A_357 = arith.constant 48 : index
    %swap3A_358 = tpu.vector_load %arg10[%swap3A_356, %swap3A_357] {strides = array<i32>} : memref<40x64xf32, #tpu.memory_space<vmem>>, vector<1x16xf32>,
    %swap3A_359 = vector.shape_cast %swap3A_358 : vector<1x16xf32> to vector<16xf32>
    %swap3A_360 = vector.shape_cast %broadcast_in_dim3A_1 : vector<16xf32> to vector<1x16xf32>
    tpu.vector_store %arg10[%swap3A_356, %swap3A_357], %swap3A_360 {strides = array<i32>} : memref<40x64xf32, #tpu.memory_space<vmem>>, vector<1x16xf32>,
    %swap3A_361 = arith.constant 15 : i32
    %swap3A_362 = arith.index_cast %swap3A_361 : i32 to index
    %swap3A_363 = arith.constant 0 : index
    %swap3A_364 = tpu.vector_load %arg10[%swap3A_362, %swap3A_363] {strides = array<i32>} : memref<40x64xf32, #tpu.memory_space<vmem>>, vector<1x16xf32>,
    %swap3A_365 = vector.shape_cast %swap3A_364 : vector<1x16xf32> to vector<16xf32>
    %swap3A_366 = vector.shape_cast %broadcast_in_dim3A_1 : vector<16xf32> to vector<1x16xf32>
    tpu.vector_store %arg10[%swap3A_362, %swap3A_363], %swap3A_366 {strides = array<i32>} : memref<40x64xf32, #tpu.memory_space<vmem>>, vector<1x16xf32>,
    %swap3A_367 = arith.constant 15 : i32
    %swap3A_368 = arith.index_cast %swap3A_367 : i32 to index
    %swap3A_369 = arith.constant 16 : index
    %swap3A_370 = tpu.vector_load %arg10[%swap3A_368, %swap3A_369] {strides = array<i32>} : memref<40x64xf32, #tpu.memory_space<vmem>>, vector<1x16xf32>,
    %swap3A_371 = vector.shape_cast %swap3A_370 : vector<1x16xf32> to vector<16xf32>
    %swap3A_372 = vector.shape_cast %broadcast_in_dim3A_1 : vector<16xf32> to vector<1x16xf32>
    tpu.vector_store %arg10[%swap3A_368, %swap3A_369], %swap3A_372 {strides = array<i32>} : memref<40x64xf32, #tpu.memory_space<vmem>>, vector<1x16xf32>,
    %swap3A_373 = arith.constant 15 : i32
    %swap3A_374 = arith.index_cast %swap3A_373 : i32 to index
    %swap3A_375 = arith.constant 32 : index
    %swap3A_376 = tpu.vector_load %arg10[%swap3A_374, %swap3A_375] {strides = array<i32>} : memref<40x64xf32, #tpu.memory_space<vmem>>, vector<1x16xf32>,
    %swap3A_377 = vector.shape_cast %swap3A_376 : vector<1x16xf32> to vector<16xf32>
    %swap3A_378 = vector.shape_cast %broadcast_in_dim3A_1 : vector<16xf32> to vector<1x16xf32>
    tpu.vector_store %arg10[%swap3A_374, %swap3A_375], %swap3A_378 {strides = array<i32>} : memref<40x64xf32, #tpu.memory_space<vmem>>, vector<1x16xf32>,
    %swap3A_379 = arith.constant 15 : i32
    %swap3A_380 = arith.index_cast %swap3A_379 : i32 to index
    %swap3A_381 = arith.constant 48 : index
    %swap3A_382 = tpu.vector_load %arg10[%swap3A_380, %swap3A_381] {strides = array<i32>} : memref<40x64xf32, #tpu.memory_space<vmem>>, vector<1x16xf32>,
    %swap3A_383 = vector.shape_cast %swap3A_382 : vector<1x16xf32> to vector<16xf32>
    %swap3A_384 = vector.shape_cast %broadcast_in_dim3A_1 : vector<16xf32> to vector<1x16xf32>
    tpu.vector_store %arg10[%swap3A_380, %swap3A_381], %swap3A_384 {strides = array<i32>} : memref<40x64xf32, #tpu.memory_space<vmem>>, vector<1x16xf32>,
    %swap3A_385 = arith.constant 16 : i32
    %swap3A_386 = arith.index_cast %swap3A_385 : i32 to index
    %swap3A_387 = arith.constant 0 : index
    %swap3A_388 = tpu.vector_load %arg10[%swap3A_386, %swap3A_387] {strides = array<i32>} : memref<40x64xf32, #tpu.memory_space<vmem>>, vector<1x16xf32>,
    %swap3A_389 = vector.shape_cast %swap3A_388 : vector<1x16xf32> to vector<16xf32>
    %swap3A_390 = vector.shape_cast %broadcast_in_dim3A_1 : vector<16xf32> to vector<1x16xf32>
    tpu.vector_store %arg10[%swap3A_386, %swap3A_387], %swap3A_390 {strides = array<i32>} : memref<40x64xf32, #tpu.memory_space<vmem>>, vector<1x16xf32>,
    %swap3A_391 = arith.constant 16 : i32
    %swap3A_392 = arith.index_cast %swap3A_391 : i32 to index
    %swap3A_393 = arith.constant 16 : index
    %swap3A_394 = tpu.vector_load %arg10[%swap3A_392, %swap3A_393] {strides = array<i32>} : memref<40x64xf32, #tpu.memory_space<vmem>>, vector<1x16xf32>,
    %swap3A_395 = vector.shape_cast %swap3A_394 : vector<1x16xf32> to vector<16xf32>
    %swap3A_396 = vector.shape_cast %broadcast_in_dim3A_1 : vector<16xf32> to vector<1x16xf32>
    tpu.vector_store %arg10[%swap3A_392, %swap3A_393], %swap3A_396 {strides = array<i32>} : memref<40x64xf32, #tpu.memory_space<vmem>>, vector<1x16xf32>,
    %swap3A_397 = arith.constant 16 : i32
    %swap3A_398 = arith.index_cast %swap3A_397 : i32 to index
    %swap3A_399 = arith.constant 32 : index
    %swap3A_400 = tpu.vector_load %arg10[%swap3A_398, %swap3A_399] {strides = array<i32>} : memref<40x64xf32, #tpu.memory_space<vmem>>, vector<1x16xf32>,
    %swap3A_401 = vector.shape_cast %swap3A_400 : vector<1x16xf32> to vector<16xf32>
    %swap3A_402 = vector.shape_cast %broadcast_in_dim3A_1 : vector<16xf32> to vector<1x16xf32>
    tpu.vector_store %arg10[%swap3A_398, %swap3A_399], %swap3A_402 {strides = array<i32>} : memref<40x64xf32, #tpu.memory_space<vmem>>, vector<1x16xf32>,
    %swap3A_403 = arith.constant 16 : i32
    %swap3A_404 = arith.index_cast %swap3A_403 : i32 to index
    %swap3A_405 = arith.constant 48 : index
    %swap3A_406 = tpu.vector_load %arg10[%swap3A_404, %swap3A_405] {strides = array<i32>} : memref<40x64xf32, #tpu.memory_space<vmem>>, vector<1x16xf32>,
    %swap3A_407 = vector.shape_cast %swap3A_406 : vector<1x16xf32> to vector<16xf32>
    %swap3A_408 = vector.shape_cast %broadcast_in_dim3A_1 : vector<16xf32> to vector<1x16xf32>
    tpu.vector_store %arg10[%swap3A_404, %swap3A_405], %swap3A_408 {strides = array<i32>} : memref<40x64xf32, #tpu.memory_space<vmem>>, vector<1x16xf32>,
    %swap3A_409 = arith.constant 17 : i32
    %swap3A_410 = arith.index_cast %swap3A_409 : i32 to index
    %swap3A_411 = arith.constant 0 : index
    %swap3A_412 = tpu.vector_load %arg10[%swap3A_410, %swap3A_411] {strides = array<i32>} : memref<40x64xf32, #tpu.memory_space<vmem>>, vector<1x16xf32>,
    %swap3A_413 = vector.shape_cast %swap3A_412 : vector<1x16xf32> to vector<16xf32>
    %swap3A_414 = vector.shape_cast %broadcast_in_dim3A_1 : vector<16xf32> to vector<1x16xf32>
    tpu.vector_store %arg10[%swap3A_410, %swap3A_411], %swap3A_414 {strides = array<i32>} : memref<40x64xf32, #tpu.memory_space<vmem>>, vector<1x16xf32>,
    %swap3A_415 = arith.constant 17 : i32
    %swap3A_416 = arith.index_cast %swap3A_415 : i32 to index
    %swap3A_417 = arith.constant 16 : index
    %swap3A_418 = tpu.vector_load %arg10[%swap3A_416, %swap3A_417] {strides = array<i32>} : memref<40x64xf32, #tpu.memory_space<vmem>>, vector<1x16xf32>,
    %swap3A_419 = vector.shape_cast %swap3A_418 : vector<1x16xf32> to vector<16xf32>
    %swap3A_420 = vector.shape_cast %broadcast_in_dim3A_1 : vector<16xf32> to vector<1x16xf32>
    tpu.vector_store %arg10[%swap3A_416, %swap3A_417], %swap3A_420 {strides = array<i32>} : memref<40x64xf32, #tpu.memory_space<vmem>>, vector<1x16xf32>,
    %swap3A_421 = arith.constant 17 : i32
    %swap3A_422 = arith.index_cast %swap3A_421 : i32 to index
    %swap3A_423 = arith.constant 32 : index
    %swap3A_424 = tpu.vector_load %arg10[%swap3A_422, %swap3A_423] {strides = array<i32>} : memref<40x64xf32, #tpu.memory_space<vmem>>, vector<1x16xf32>,
    %swap3A_425 = vector.shape_cast %swap3A_424 : vector<1x16xf32> to vector<16xf32>
    %swap3A_426 = vector.shape_cast %broadcast_in_dim3A_1 : vector<16xf32> to vector<1x16xf32>
    tpu.vector_store %arg10[%swap3A_422, %swap3A_423], %swap3A_426 {strides = array<i32>} : memref<40x64xf32, #tpu.memory_space<vmem>>, vector<1x16xf32>,
    %swap3A_427 = arith.constant 17 : i32
    %swap3A_428 = arith.index_cast %swap3A_427 : i32 to index
    %swap3A_429 = arith.constant 48 : index
    %swap3A_430 = tpu.vector_load %arg10[%swap3A_428, %swap3A_429] {strides = array<i32>} : memref<40x64xf32, #tpu.memory_space<vmem>>, vector<1x16xf32>,
    %swap3A_431 = vector.shape_cast %swap3A_430 : vector<1x16xf32> to vector<16xf32>
    %swap3A_432 = vector.shape_cast %broadcast_in_dim3A_1 : vector<16xf32> to vector<1x16xf32>
    tpu.vector_store %arg10[%swap3A_428, %swap3A_429], %swap3A_432 {strides = array<i32>} : memref<40x64xf32, #tpu.memory_space<vmem>>, vector<1x16xf32>,
    %swap3A_433 = arith.constant 18 : i32
    %swap3A_434 = arith.index_cast %swap3A_433 : i32 to index
    %swap3A_435 = arith.constant 0 : index
    %swap3A_436 = tpu.vector_load %arg10[%swap3A_434, %swap3A_435] {strides = array<i32>} : memref<40x64xf32, #tpu.memory_space<vmem>>, vector<1x16xf32>,
    %swap3A_437 = vector.shape_cast %swap3A_436 : vector<1x16xf32> to vector<16xf32>
    %swap3A_438 = vector.shape_cast %broadcast_in_dim3A_1 : vector<16xf32> to vector<1x16xf32>
    tpu.vector_store %arg10[%swap3A_434, %swap3A_435], %swap3A_438 {strides = array<i32>} : memref<40x64xf32, #tpu.memory_space<vmem>>, vector<1x16xf32>,
    %swap3A_439 = arith.constant 18 : i32
    %swap3A_440 = arith.index_cast %swap3A_439 : i32 to index
    %swap3A_441 = arith.constant 16 : index
    %swap3A_442 = tpu.vector_load %arg10[%swap3A_440, %swap3A_441] {strides = array<i32>} : memref<40x64xf32, #tpu.memory_space<vmem>>, vector<1x16xf32>,
    %swap3A_443 = vector.shape_cast %swap3A_442 : vector<1x16xf32> to vector<16xf32>
    %swap3A_444 = vector.shape_cast %broadcast_in_dim3A_1 : vector<16xf32> to vector<1x16xf32>
    tpu.vector_store %arg10[%swap3A_440, %swap3A_441], %swap3A_444 {strides = array<i32>} : memref<40x64xf32, #tpu.memory_space<vmem>>, vector<1x16xf32>,
    %swap3A_445 = arith.constant 18 : i32
    %swap3A_446 = arith.index_cast %swap3A_445 : i32 to index
    %swap3A_447 = arith.constant 32 : index
    %swap3A_448 = tpu.vector_load %arg10[%swap3A_446, %swap3A_447] {strides = array<i32>} : memref<40x64xf32, #tpu.memory_space<vmem>>, vector<1x16xf32>,
    %swap3A_449 = vector.shape_cast %swap3A_448 : vector<1x16xf32> to vector<16xf32>
    %swap3A_450 = vector.shape_cast %broadcast_in_dim3A_1 : vector<16xf32> to vector<1x16xf32>
    tpu.vector_store %arg10[%swap3A_446, %swap3A_447], %swap3A_450 {strides = array<i32>} : memref<40x64xf32, #tpu.memory_space<vmem>>, vector<1x16xf32>,
    %swap3A_451 = arith.constant 18 : i32
    %swap3A_452 = arith.index_cast %swap3A_451 : i32 to index
    %swap3A_453 = arith.constant 48 : index
    %swap3A_454 = tpu.vector_load %arg10[%swap3A_452, %swap3A_453] {strides = array<i32>} : memref<40x64xf32, #tpu.memory_space<vmem>>, vector<1x16xf32>,
    %swap3A_455 = vector.shape_cast %swap3A_454 : vector<1x16xf32> to vector<16xf32>
    %swap3A_456 = vector.shape_cast %broadcast_in_dim3A_1 : vector<16xf32> to vector<1x16xf32>
    tpu.vector_store %arg10[%swap3A_452, %swap3A_453], %swap3A_456 {strides = array<i32>} : memref<40x64xf32, #tpu.memory_space<vmem>>, vector<1x16xf32>,
    %swap3A_457 = arith.constant 19 : i32
    %swap3A_458 = arith.index_cast %swap3A_457 : i32 to index
    %swap3A_459 = arith.constant 0 : index
    %swap3A_460 = tpu.vector_load %arg10[%swap3A_458, %swap3A_459] {strides = array<i32>} : memref<40x64xf32, #tpu.memory_space<vmem>>, vector<1x16xf32>,
    %swap3A_461 = vector.shape_cast %swap3A_460 : vector<1x16xf32> to vector<16xf32>
    %swap3A_462 = vector.shape_cast %broadcast_in_dim3A_1 : vector<16xf32> to vector<1x16xf32>
    tpu.vector_store %arg10[%swap3A_458, %swap3A_459], %swap3A_462 {strides = array<i32>} : memref<40x64xf32, #tpu.memory_space<vmem>>, vector<1x16xf32>,
    %swap3A_463 = arith.constant 19 : i32
    %swap3A_464 = arith.index_cast %swap3A_463 : i32 to index
    %swap3A_465 = arith.constant 16 : index
    %swap3A_466 = tpu.vector_load %arg10[%swap3A_464, %swap3A_465] {strides = array<i32>} : memref<40x64xf32, #tpu.memory_space<vmem>>, vector<1x16xf32>,
    %swap3A_467 = vector.shape_cast %swap3A_466 : vector<1x16xf32> to vector<16xf32>
    %swap3A_468 = vector.shape_cast %broadcast_in_dim3A_1 : vector<16xf32> to vector<1x16xf32>
    tpu.vector_store %arg10[%swap3A_464, %swap3A_465], %swap3A_468 {strides = array<i32>} : memref<40x64xf32, #tpu.memory_space<vmem>>, vector<1x16xf32>,
    %swap3A_469 = arith.constant 19 : i32
    %swap3A_470 = arith.index_cast %swap3A_469 : i32 to index
    %swap3A_471 = arith.constant 32 : index
    %swap3A_472 = tpu.vector_load %arg10[%swap3A_470, %swap3A_471] {strides = array<i32>} : memref<40x64xf32, #tpu.memory_space<vmem>>, vector<1x16xf32>,
    %swap3A_473 = vector.shape_cast %swap3A_472 : vector<1x16xf32> to vector<16xf32>
    %swap3A_474 = vector.shape_cast %broadcast_in_dim3A_1 : vector<16xf32> to vector<1x16xf32>
    tpu.vector_store %arg10[%swap3A_470, %swap3A_471], %swap3A_474 {strides = array<i32>} : memref<40x64xf32, #tpu.memory_space<vmem>>, vector<1x16xf32>,
    %swap3A_475 = arith.constant 19 : i32
    %swap3A_476 = arith.index_cast %swap3A_475 : i32 to index
    %swap3A_477 = arith.constant 48 : index
    %swap3A_478 = tpu.vector_load %arg10[%swap3A_476, %swap3A_477] {strides = array<i32>} : memref<40x64xf32, #tpu.memory_space<vmem>>, vector<1x16xf32>,
    %swap3A_479 = vector.shape_cast %swap3A_478 : vector<1x16xf32> to vector<16xf32>
    %swap3A_480 = vector.shape_cast %broadcast_in_dim3A_1 : vector<16xf32> to vector<1x16xf32>
    tpu.vector_store %arg10[%swap3A_476, %swap3A_477], %swap3A_480 {strides = array<i32>} : memref<40x64xf32, #tpu.memory_space<vmem>>, vector<1x16xf32>,
    %swap3A_481 = arith.constant 20 : i32
    %swap3A_482 = arith.index_cast %swap3A_481 : i32 to index
    %swap3A_483 = arith.constant 0 : index
    %swap3A_484 = tpu.vector_load %arg10[%swap3A_482, %swap3A_483] {strides = array<i32>} : memref<40x64xf32, #tpu.memory_space<vmem>>, vector<1x16xf32>,
    %swap3A_485 = vector.shape_cast %swap3A_484 : vector<1x16xf32> to vector<16xf32>
    %swap3A_486 = vector.shape_cast %broadcast_in_dim3A_1 : vector<16xf32> to vector<1x16xf32>
    tpu.vector_store %arg10[%swap3A_482, %swap3A_483], %swap3A_486 {strides = array<i32>} : memref<40x64xf32, #tpu.memory_space<vmem>>, vector<1x16xf32>,
    %swap3A_487 = arith.constant 20 : i32
    %swap3A_488 = arith.index_cast %swap3A_487 : i32 to index
    %swap3A_489 = arith.constant 16 : index
    %swap3A_490 = tpu.vector_load %arg10[%swap3A_488, %swap3A_489] {strides = array<i32>} : memref<40x64xf32, #tpu.memory_space<vmem>>, vector<1x16xf32>,
    %swap3A_491 = vector.shape_cast %swap3A_490 : vector<1x16xf32> to vector<16xf32>
    %swap3A_492 = vector.shape_cast %broadcast_in_dim3A_1 : vector<16xf32> to vector<1x16xf32>
    tpu.vector_store %arg10[%swap3A_488, %swap3A_489], %swap3A_492 {strides = array<i32>} : memref<40x64xf32, #tpu.memory_space<vmem>>, vector<1x16xf32>,
    %swap3A_493 = arith.constant 20 : i32
    %swap3A_494 = arith.index_cast %swap3A_493 : i32 to index
    %swap3A_495 = arith.constant 32 : index
    %swap3A_496 = tpu.vector_load %arg10[%swap3A_494, %swap3A_495] {strides = array<i32>} : memref<40x64xf32, #tpu.memory_space<vmem>>, vector<1x16xf32>,
    %swap3A_497 = vector.shape_cast %swap3A_496 : vector<1x16xf32> to vector<16xf32>
    %swap3A_498 = vector.shape_cast %broadcast_in_dim3A_1 : vector<16xf32> to vector<1x16xf32>
    tpu.vector_store %arg10[%swap3A_494, %swap3A_495], %swap3A_498 {strides = array<i32>} : memref<40x64xf32, #tpu.memory_space<vmem>>, vector<1x16xf32>,
    %swap3A_499 = arith.constant 20 : i32
    %swap3A_500 = arith.index_cast %swap3A_499 : i32 to index
    %swap3A_501 = arith.constant 48 : index
    %swap3A_502 = tpu.vector_load %arg10[%swap3A_500, %swap3A_501] {strides = array<i32>} : memref<40x64xf32, #tpu.memory_space<vmem>>, vector<1x16xf32>,
    %swap3A_503 = vector.shape_cast %swap3A_502 : vector<1x16xf32> to vector<16xf32>
    %swap3A_504 = vector.shape_cast %broadcast_in_dim3A_1 : vector<16xf32> to vector<1x16xf32>
    tpu.vector_store %arg10[%swap3A_500, %swap3A_501], %swap3A_504 {strides = array<i32>} : memref<40x64xf32, #tpu.memory_space<vmem>>, vector<1x16xf32>,
    %swap3A_505 = arith.constant 21 : i32
    %swap3A_506 = arith.index_cast %swap3A_505 : i32 to index
    %swap3A_507 = arith.constant 0 : index
    %swap3A_508 = tpu.vector_load %arg10[%swap3A_506, %swap3A_507] {strides = array<i32>} : memref<40x64xf32, #tpu.memory_space<vmem>>, vector<1x16xf32>,
    %swap3A_509 = vector.shape_cast %swap3A_508 : vector<1x16xf32> to vector<16xf32>
    %swap3A_510 = vector.shape_cast %broadcast_in_dim3A_1 : vector<16xf32> to vector<1x16xf32>
    tpu.vector_store %arg10[%swap3A_506, %swap3A_507], %swap3A_510 {strides = array<i32>} : memref<40x64xf32, #tpu.memory_space<vmem>>, vector<1x16xf32>,
    %swap3A_511 = arith.constant 21 : i32
    %swap3A_512 = arith.index_cast %swap3A_511 : i32 to index
    %swap3A_513 = arith.constant 16 : index
    %swap3A_514 = tpu.vector_load %arg10[%swap3A_512, %swap3A_513] {strides = array<i32>} : memref<40x64xf32, #tpu.memory_space<vmem>>, vector<1x16xf32>,
    %swap3A_515 = vector.shape_cast %swap3A_514 : vector<1x16xf32> to vector<16xf32>
    %swap3A_516 = vector.shape_cast %broadcast_in_dim3A_1 : vector<16xf32> to vector<1x16xf32>
    tpu.vector_store %arg10[%swap3A_512, %swap3A_513], %swap3A_516 {strides = array<i32>} : memref<40x64xf32, #tpu.memory_space<vmem>>, vector<1x16xf32>,
    %swap3A_517 = arith.constant 21 : i32
    %swap3A_518 = arith.index_cast %swap3A_517 : i32 to index
    %swap3A_519 = arith.constant 32 : index
    %swap3A_520 = tpu.vector_load %arg10[%swap3A_518, %swap3A_519] {strides = array<i32>} : memref<40x64xf32, #tpu.memory_space<vmem>>, vector<1x16xf32>,
    %swap3A_521 = vector.shape_cast %swap3A_520 : vector<1x16xf32> to vector<16xf32>
    %swap3A_522 = vector.shape_cast %broadcast_in_dim3A_1 : vector<16xf32> to vector<1x16xf32>
    tpu.vector_store %arg10[%swap3A_518, %swap3A_519], %swap3A_522 {strides = array<i32>} : memref<40x64xf32, #tpu.memory_space<vmem>>, vector<1x16xf32>,
    %swap3A_523 = arith.constant 21 : i32
    %swap3A_524 = arith.index_cast %swap3A_523 : i32 to index
    %swap3A_525 = arith.constant 48 : index
    %swap3A_526 = tpu.vector_load %arg10[%swap3A_524, %swap3A_525] {strides = array<i32>} : memref<40x64xf32, #tpu.memory_space<vmem>>, vector<1x16xf32>,
    %swap3A_527 = vector.shape_cast %swap3A_526 : vector<1x16xf32> to vector<16xf32>
    %swap3A_528 = vector.shape_cast %broadcast_in_dim3A_1 : vector<16xf32> to vector<1x16xf32>
    tpu.vector_store %arg10[%swap3A_524, %swap3A_525], %swap3A_528 {strides = array<i32>} : memref<40x64xf32, #tpu.memory_space<vmem>>, vector<1x16xf32>,
    %swap3A_529 = arith.constant 22 : i32
    %swap3A_530 = arith.index_cast %swap3A_529 : i32 to index
    %swap3A_531 = arith.constant 0 : index
    %swap3A_532 = tpu.vector_load %arg10[%swap3A_530, %swap3A_531] {strides = array<i32>} : memref<40x64xf32, #tpu.memory_space<vmem>>, vector<1x16xf32>,
    %swap3A_533 = vector.shape_cast %swap3A_532 : vector<1x16xf32> to vector<16xf32>
    %swap3A_534 = vector.shape_cast %broadcast_in_dim3A_1 : vector<16xf32> to vector<1x16xf32>
    tpu.vector_store %arg10[%swap3A_530, %swap3A_531], %swap3A_534 {strides = array<i32>} : memref<40x64xf32, #tpu.memory_space<vmem>>, vector<1x16xf32>,
    %swap3A_535 = arith.constant 22 : i32
    %swap3A_536 = arith.index_cast %swap3A_535 : i32 to index
    %swap3A_537 = arith.constant 16 : index
    %swap3A_538 = tpu.vector_load %arg10[%swap3A_536, %swap3A_537] {strides = array<i32>} : memref<40x64xf32, #tpu.memory_space<vmem>>, vector<1x16xf32>,
    %swap3A_539 = vector.shape_cast %swap3A_538 : vector<1x16xf32> to vector<16xf32>
    %swap3A_540 = vector.shape_cast %broadcast_in_dim3A_1 : vector<16xf32> to vector<1x16xf32>
    tpu.vector_store %arg10[%swap3A_536, %swap3A_537], %swap3A_540 {strides = array<i32>} : memref<40x64xf32, #tpu.memory_space<vmem>>, vector<1x16xf32>,
    %swap3A_541 = arith.constant 22 : i32
    %swap3A_542 = arith.index_cast %swap3A_541 : i32 to index
    %swap3A_543 = arith.constant 32 : index
    %swap3A_544 = tpu.vector_load %arg10[%swap3A_542, %swap3A_543] {strides = array<i32>} : memref<40x64xf32, #tpu.memory_space<vmem>>, vector<1x16xf32>,
    %swap3A_545 = vector.shape_cast %swap3A_544 : vector<1x16xf32> to vector<16xf32>
    %swap3A_546 = vector.shape_cast %broadcast_in_dim3A_1 : vector<16xf32> to vector<1x16xf32>
    tpu.vector_store %arg10[%swap3A_542, %swap3A_543], %swap3A_546 {strides = array<i32>} : memref<40x64xf32, #tpu.memory_space<vmem>>, vector<1x16xf32>,
    %swap3A_547 = arith.constant 22 : i32
    %swap3A_548 = arith.index_cast %swap3A_547 : i32 to index
    %swap3A_549 = arith.constant 48 : index
    %swap3A_550 = tpu.vector_load %arg10[%swap3A_548, %swap3A_549] {strides = array<i32>} : memref<40x64xf32, #tpu.memory_space<vmem>>, vector<1x16xf32>,
    %swap3A_551 = vector.shape_cast %swap3A_550 : vector<1x16xf32> to vector<16xf32>
    %swap3A_552 = vector.shape_cast %broadcast_in_dim3A_1 : vector<16xf32> to vector<1x16xf32>
    tpu.vector_store %arg10[%swap3A_548, %swap3A_549], %swap3A_552 {strides = array<i32>} : memref<40x64xf32, #tpu.memory_space<vmem>>, vector<1x16xf32>,
    %swap3A_553 = arith.constant 23 : i32
    %swap3A_554 = arith.index_cast %swap3A_553 : i32 to index
    %swap3A_555 = arith.constant 0 : index
    %swap3A_556 = tpu.vector_load %arg10[%swap3A_554, %swap3A_555] {strides = array<i32>} : memref<40x64xf32, #tpu.memory_space<vmem>>, vector<1x16xf32>,
    %swap3A_557 = vector.shape_cast %swap3A_556 : vector<1x16xf32> to vector<16xf32>
    %swap3A_558 = vector.shape_cast %broadcast_in_dim3A_1 : vector<16xf32> to vector<1x16xf32>
    tpu.vector_store %arg10[%swap3A_554, %swap3A_555], %swap3A_558 {strides = array<i32>} : memref<40x64xf32, #tpu.memory_space<vmem>>, vector<1x16xf32>,
    %swap3A_559 = arith.constant 23 : i32
    %swap3A_560 = arith.index_cast %swap3A_559 : i32 to index
    %swap3A_561 = arith.constant 16 : index
    %swap3A_562 = tpu.vector_load %arg10[%swap3A_560, %swap3A_561] {strides = array<i32>} : memref<40x64xf32, #tpu.memory_space<vmem>>, vector<1x16xf32>,
    %swap3A_563 = vector.shape_cast %swap3A_562 : vector<1x16xf32> to vector<16xf32>
    %swap3A_564 = vector.shape_cast %broadcast_in_dim3A_1 : vector<16xf32> to vector<1x16xf32>
    tpu.vector_store %arg10[%swap3A_560, %swap3A_561], %swap3A_564 {strides = array<i32>} : memref<40x64xf32, #tpu.memory_space<vmem>>, vector<1x16xf32>,
    %swap3A_565 = arith.constant 23 : i32
    %swap3A_566 = arith.index_cast %swap3A_565 : i32 to index
    %swap3A_567 = arith.constant 32 : index
    %swap3A_568 = tpu.vector_load %arg10[%swap3A_566, %swap3A_567] {strides = array<i32>} : memref<40x64xf32, #tpu.memory_space<vmem>>, vector<1x16xf32>,
    %swap3A_569 = vector.shape_cast %swap3A_568 : vector<1x16xf32> to vector<16xf32>
    %swap3A_570 = vector.shape_cast %broadcast_in_dim3A_1 : vector<16xf32> to vector<1x16xf32>
    tpu.vector_store %arg10[%swap3A_566, %swap3A_567], %swap3A_570 {strides = array<i32>} : memref<40x64xf32, #tpu.memory_space<vmem>>, vector<1x16xf32>,
    %swap3A_571 = arith.constant 23 : i32
    %swap3A_572 = arith.index_cast %swap3A_571 : i32 to index
    %swap3A_573 = arith.constant 48 : index
    %swap3A_574 = tpu.vector_load %arg10[%swap3A_572, %swap3A_573] {strides = array<i32>} : memref<40x64xf32, #tpu.memory_space<vmem>>, vector<1x16xf32>,
    %swap3A_575 = vector.shape_cast %swap3A_574 : vector<1x16xf32> to vector<16xf32>
    %swap3A_576 = vector.shape_cast %broadcast_in_dim3A_1 : vector<16xf32> to vector<1x16xf32>
    tpu.vector_store %arg10[%swap3A_572, %swap3A_573], %swap3A_576 {strides = array<i32>} : memref<40x64xf32, #tpu.memory_space<vmem>>, vector<1x16xf32>,
    %swap3A_577 = arith.constant 24 : i32
    %swap3A_578 = arith.index_cast %swap3A_577 : i32 to index
    %swap3A_579 = arith.constant 0 : index
    %swap3A_580 = tpu.vector_load %arg10[%swap3A_578, %swap3A_579] {strides = array<i32>} : memref<40x64xf32, #tpu.memory_space<vmem>>, vector<1x16xf32>,
    %swap3A_581 = vector.shape_cast %swap3A_580 : vector<1x16xf32> to vector<16xf32>
    %swap3A_582 = vector.shape_cast %broadcast_in_dim3A_1 : vector<16xf32> to vector<1x16xf32>
    tpu.vector_store %arg10[%swap3A_578, %swap3A_579], %swap3A_582 {strides = array<i32>} : memref<40x64xf32, #tpu.memory_space<vmem>>, vector<1x16xf32>,
    %swap3A_583 = arith.constant 24 : i32
    %swap3A_584 = arith.index_cast %swap3A_583 : i32 to index
    %swap3A_585 = arith.constant 16 : index
    %swap3A_586 = tpu.vector_load %arg10[%swap3A_584, %swap3A_585] {strides = array<i32>} : memref<40x64xf32, #tpu.memory_space<vmem>>, vector<1x16xf32>,
    %swap3A_587 = vector.shape_cast %swap3A_586 : vector<1x16xf32> to vector<16xf32>
    %swap3A_588 = vector.shape_cast %broadcast_in_dim3A_1 : vector<16xf32> to vector<1x16xf32>
    tpu.vector_store %arg10[%swap3A_584, %swap3A_585], %swap3A_588 {strides = array<i32>} : memref<40x64xf32, #tpu.memory_space<vmem>>, vector<1x16xf32>,
    %swap3A_589 = arith.constant 24 : i32
    %swap3A_590 = arith.index_cast %swap3A_589 : i32 to index
    %swap3A_591 = arith.constant 32 : index
    %swap3A_592 = tpu.vector_load %arg10[%swap3A_590, %swap3A_591] {strides = array<i32>} : memref<40x64xf32, #tpu.memory_space<vmem>>, vector<1x16xf32>,
    %swap3A_593 = vector.shape_cast %swap3A_592 : vector<1x16xf32> to vector<16xf32>
    %swap3A_594 = vector.shape_cast %broadcast_in_dim3A_1 : vector<16xf32> to vector<1x16xf32>
    tpu.vector_store %arg10[%swap3A_590, %swap3A_591], %swap3A_594 {strides = array<i32>} : memref<40x64xf32, #tpu.memory_space<vmem>>, vector<1x16xf32>,
    %swap3A_595 = arith.constant 24 : i32
    %swap3A_596 = arith.index_cast %swap3A_595 : i32 to index
    %swap3A_597 = arith.constant 48 : index
    %swap3A_598 = tpu.vector_load %arg10[%swap3A_596, %swap3A_597] {strides = array<i32>} : memref<40x64xf32, #tpu.memory_space<vmem>>, vector<1x16xf32>,
    %swap3A_599 = vector.shape_cast %swap3A_598 : vector<1x16xf32> to vector<16xf32>
    %swap3A_600 = vector.shape_cast %broadcast_in_dim3A_1 : vector<16xf32> to vector<1x16xf32>
    tpu.vector_store %arg10[%swap3A_596, %swap3A_597], %swap3A_600 {strides = array<i32>} : memref<40x64xf32, #tpu.memory_space<vmem>>, vector<1x16xf32>,
    %swap3A_601 = arith.constant 25 : i32
    %swap3A_602 = arith.index_cast %swap3A_601 : i32 to index
    %swap3A_603 = arith.constant 0 : index
    %swap3A_604 = tpu.vector_load %arg10[%swap3A_602, %swap3A_603] {strides = array<i32>} : memref<40x64xf32, #tpu.memory_space<vmem>>, vector<1x16xf32>,
    %swap3A_605 = vector.shape_cast %swap3A_604 : vector<1x16xf32> to vector<16xf32>
    %swap3A_606 = vector.shape_cast %broadcast_in_dim3A_1 : vector<16xf32> to vector<1x16xf32>
    tpu.vector_store %arg10[%swap3A_602, %swap3A_603], %swap3A_606 {strides = array<i32>} : memref<40x64xf32, #tpu.memory_space<vmem>>, vector<1x16xf32>,
    %swap3A_607 = arith.constant 25 : i32
    %swap3A_608 = arith.index_cast %swap3A_607 : i32 to index
    %swap3A_609 = arith.constant 16 : index
    %swap3A_610 = tpu.vector_load %arg10[%swap3A_608, %swap3A_609] {strides = array<i32>} : memref<40x64xf32, #tpu.memory_space<vmem>>, vector<1x16xf32>,
    %swap3A_611 = vector.shape_cast %swap3A_610 : vector<1x16xf32> to vector<16xf32>
    %swap3A_612 = vector.shape_cast %broadcast_in_dim3A_1 : vector<16xf32> to vector<1x16xf32>
    tpu.vector_store %arg10[%swap3A_608, %swap3A_609], %swap3A_612 {strides = array<i32>} : memref<40x64xf32, #tpu.memory_space<vmem>>, vector<1x16xf32>,
    %swap3A_613 = arith.constant 25 : i32
    %swap3A_614 = arith.index_cast %swap3A_613 : i32 to index
    %swap3A_615 = arith.constant 32 : index
    %swap3A_616 = tpu.vector_load %arg10[%swap3A_614, %swap3A_615] {strides = array<i32>} : memref<40x64xf32, #tpu.memory_space<vmem>>, vector<1x16xf32>,
    %swap3A_617 = vector.shape_cast %swap3A_616 : vector<1x16xf32> to vector<16xf32>
    %swap3A_618 = vector.shape_cast %broadcast_in_dim3A_1 : vector<16xf32> to vector<1x16xf32>
    tpu.vector_store %arg10[%swap3A_614, %swap3A_615], %swap3A_618 {strides = array<i32>} : memref<40x64xf32, #tpu.memory_space<vmem>>, vector<1x16xf32>,
    %swap3A_619 = arith.constant 25 : i32
    %swap3A_620 = arith.index_cast %swap3A_619 : i32 to index
    %swap3A_621 = arith.constant 48 : index
    %swap3A_622 = tpu.vector_load %arg10[%swap3A_620, %swap3A_621] {strides = array<i32>} : memref<40x64xf32, #tpu.memory_space<vmem>>, vector<1x16xf32>,
    %swap3A_623 = vector.shape_cast %swap3A_622 : vector<1x16xf32> to vector<16xf32>
    %swap3A_624 = vector.shape_cast %broadcast_in_dim3A_1 : vector<16xf32> to vector<1x16xf32>
    tpu.vector_store %arg10[%swap3A_620, %swap3A_621], %swap3A_624 {strides = array<i32>} : memref<40x64xf32, #tpu.memory_space<vmem>>, vector<1x16xf32>,
    %swap3A_625 = arith.constant 26 : i32
    %swap3A_626 = arith.index_cast %swap3A_625 : i32 to index
    %swap3A_627 = arith.constant 0 : index
    %swap3A_628 = tpu.vector_load %arg10[%swap3A_626, %swap3A_627] {strides = array<i32>} : memref<40x64xf32, #tpu.memory_space<vmem>>, vector<1x16xf32>,
    %swap3A_629 = vector.shape_cast %swap3A_628 : vector<1x16xf32> to vector<16xf32>
    %swap3A_630 = vector.shape_cast %broadcast_in_dim3A_1 : vector<16xf32> to vector<1x16xf32>
    tpu.vector_store %arg10[%swap3A_626, %swap3A_627], %swap3A_630 {strides = array<i32>} : memref<40x64xf32, #tpu.memory_space<vmem>>, vector<1x16xf32>,
    %swap3A_631 = arith.constant 26 : i32
    %swap3A_632 = arith.index_cast %swap3A_631 : i32 to index
    %swap3A_633 = arith.constant 16 : index
    %swap3A_634 = tpu.vector_load %arg10[%swap3A_632, %swap3A_633] {strides = array<i32>} : memref<40x64xf32, #tpu.memory_space<vmem>>, vector<1x16xf32>,
    %swap3A_635 = vector.shape_cast %swap3A_634 : vector<1x16xf32> to vector<16xf32>
    %swap3A_636 = vector.shape_cast %broadcast_in_dim3A_1 : vector<16xf32> to vector<1x16xf32>
    tpu.vector_store %arg10[%swap3A_632, %swap3A_633], %swap3A_636 {strides = array<i32>} : memref<40x64xf32, #tpu.memory_space<vmem>>, vector<1x16xf32>,
    %swap3A_637 = arith.constant 26 : i32
    %swap3A_638 = arith.index_cast %swap3A_637 : i32 to index
    %swap3A_639 = arith.constant 32 : index
    %swap3A_640 = tpu.vector_load %arg10[%swap3A_638, %swap3A_639] {strides = array<i32>} : memref<40x64xf32, #tpu.memory_space<vmem>>, vector<1x16xf32>,
    %swap3A_641 = vector.shape_cast %swap3A_640 : vector<1x16xf32> to vector<16xf32>
    %swap3A_642 = vector.shape_cast %broadcast_in_dim3A_1 : vector<16xf32> to vector<1x16xf32>
    tpu.vector_store %arg10[%swap3A_638, %swap3A_639], %swap3A_642 {strides = array<i32>} : memref<40x64xf32, #tpu.memory_space<vmem>>, vector<1x16xf32>,
    %swap3A_643 = arith.constant 26 : i32
    %swap3A_644 = arith.index_cast %swap3A_643 : i32 to index
    %swap3A_645 = arith.constant 48 : index
    %swap3A_646 = tpu.vector_load %arg10[%swap3A_644, %swap3A_645] {strides = array<i32>} : memref<40x64xf32, #tpu.memory_space<vmem>>, vector<1x16xf32>,
    %swap3A_647 = vector.shape_cast %swap3A_646 : vector<1x16xf32> to vector<16xf32>
    %swap3A_648 = vector.shape_cast %broadcast_in_dim3A_1 : vector<16xf32> to vector<1x16xf32>
    tpu.vector_store %arg10[%swap3A_644, %swap3A_645], %swap3A_648 {strides = array<i32>} : memref<40x64xf32, #tpu.memory_space<vmem>>, vector<1x16xf32>,
    %swap3A_649 = arith.constant 27 : i32
    %swap3A_650 = arith.index_cast %swap3A_649 : i32 to index
    %swap3A_651 = arith.constant 0 : index
    %swap3A_652 = tpu.vector_load %arg10[%swap3A_650, %swap3A_651] {strides = array<i32>} : memref<40x64xf32, #tpu.memory_space<vmem>>, vector<1x16xf32>,
    %swap3A_653 = vector.shape_cast %swap3A_652 : vector<1x16xf32> to vector<16xf32>
    %swap3A_654 = vector.shape_cast %broadcast_in_dim3A_1 : vector<16xf32> to vector<1x16xf32>
    tpu.vector_store %arg10[%swap3A_650, %swap3A_651], %swap3A_654 {strides = array<i32>} : memref<40x64xf32, #tpu.memory_space<vmem>>, vector<1x16xf32>,
    %swap3A_655 = arith.constant 27 : i32
    %swap3A_656 = arith.index_cast %swap3A_655 : i32 to index
    %swap3A_657 = arith.constant 16 : index
    %swap3A_658 = tpu.vector_load %arg10[%swap3A_656, %swap3A_657] {strides = array<i32>} : memref<40x64xf32, #tpu.memory_space<vmem>>, vector<1x16xf32>,
    %swap3A_659 = vector.shape_cast %swap3A_658 : vector<1x16xf32> to vector<16xf32>
    %swap3A_660 = vector.shape_cast %broadcast_in_dim3A_1 : vector<16xf32> to vector<1x16xf32>
    tpu.vector_store %arg10[%swap3A_656, %swap3A_657], %swap3A_660 {strides = array<i32>} : memref<40x64xf32, #tpu.memory_space<vmem>>, vector<1x16xf32>,
    %swap3A_661 = arith.constant 27 : i32
    %swap3A_662 = arith.index_cast %swap3A_661 : i32 to index
    %swap3A_663 = arith.constant 32 : index
    %swap3A_664 = tpu.vector_load %arg10[%swap3A_662, %swap3A_663] {strides = array<i32>} : memref<40x64xf32, #tpu.memory_space<vmem>>, vector<1x16xf32>,
    %swap3A_665 = vector.shape_cast %swap3A_664 : vector<1x16xf32> to vector<16xf32>
    %swap3A_666 = vector.shape_cast %broadcast_in_dim3A_1 : vector<16xf32> to vector<1x16xf32>
    tpu.vector_store %arg10[%swap3A_662, %swap3A_663], %swap3A_666 {strides = array<i32>} : memref<40x64xf32, #tpu.memory_space<vmem>>, vector<1x16xf32>,
    %swap3A_667 = arith.constant 27 : i32
    %swap3A_668 = arith.index_cast %swap3A_667 : i32 to index
    %swap3A_669 = arith.constant 48 : index
    %swap3A_670 = tpu.vector_load %arg10[%swap3A_668, %swap3A_669] {strides = array<i32>} : memref<40x64xf32, #tpu.memory_space<vmem>>, vector<1x16xf32>,
    %swap3A_671 = vector.shape_cast %swap3A_670 : vector<1x16xf32> to vector<16xf32>
    %swap3A_672 = vector.shape_cast %broadcast_in_dim3A_1 : vector<16xf32> to vector<1x16xf32>
    tpu.vector_store %arg10[%swap3A_668, %swap3A_669], %swap3A_672 {strides = array<i32>} : memref<40x64xf32, #tpu.memory_space<vmem>>, vector<1x16xf32>,
    %swap3A_673 = arith.constant 28 : i32
    %swap3A_674 = arith.index_cast %swap3A_673 : i32 to index
    %swap3A_675 = arith.constant 0 : index
    %swap3A_676 = tpu.vector_load %arg10[%swap3A_674, %swap3A_675] {strides = array<i32>} : memref<40x64xf32, #tpu.memory_space<vmem>>, vector<1x16xf32>,
    %swap3A_677 = vector.shape_cast %swap3A_676 : vector<1x16xf32> to vector<16xf32>
    %swap3A_678 = vector.shape_cast %broadcast_in_dim3A_1 : vector<16xf32> to vector<1x16xf32>
    tpu.vector_store %arg10[%swap3A_674, %swap3A_675], %swap3A_678 {strides = array<i32>} : memref<40x64xf32, #tpu.memory_space<vmem>>, vector<1x16xf32>,
    %swap3A_679 = arith.constant 28 : i32
    %swap3A_680 = arith.index_cast %swap3A_679 : i32 to index
    %swap3A_681 = arith.constant 16 : index
    %swap3A_682 = tpu.vector_load %arg10[%swap3A_680, %swap3A_681] {strides = array<i32>} : memref<40x64xf32, #tpu.memory_space<vmem>>, vector<1x16xf32>,
    %swap3A_683 = vector.shape_cast %swap3A_682 : vector<1x16xf32> to vector<16xf32>
    %swap3A_684 = vector.shape_cast %broadcast_in_dim3A_1 : vector<16xf32> to vector<1x16xf32>
    tpu.vector_store %arg10[%swap3A_680, %swap3A_681], %swap3A_684 {strides = array<i32>} : memref<40x64xf32, #tpu.memory_space<vmem>>, vector<1x16xf32>,
    %swap3A_685 = arith.constant 28 : i32
    %swap3A_686 = arith.index_cast %swap3A_685 : i32 to index
    %swap3A_687 = arith.constant 32 : index
    %swap3A_688 = tpu.vector_load %arg10[%swap3A_686, %swap3A_687] {strides = array<i32>} : memref<40x64xf32, #tpu.memory_space<vmem>>, vector<1x16xf32>,
    %swap3A_689 = vector.shape_cast %swap3A_688 : vector<1x16xf32> to vector<16xf32>
    %swap3A_690 = vector.shape_cast %broadcast_in_dim3A_1 : vector<16xf32> to vector<1x16xf32>
    tpu.vector_store %arg10[%swap3A_686, %swap3A_687], %swap3A_690 {strides = array<i32>} : memref<40x64xf32, #tpu.memory_space<vmem>>, vector<1x16xf32>,
    %swap3A_691 = arith.constant 28 : i32
    %swap3A_692 = arith.index_cast %swap3A_691 : i32 to index
    %swap3A_693 = arith.constant 48 : index
    %swap3A_694 = tpu.vector_load %arg10[%swap3A_692, %swap3A_693] {strides = array<i32>} : memref<40x64xf32, #tpu.memory_space<vmem>>, vector<1x16xf32>,
    %swap3A_695 = vector.shape_cast %swap3A_694 : vector<1x16xf32> to vector<16xf32>
    %swap3A_696 = vector.shape_cast %broadcast_in_dim3A_1 : vector<16xf32> to vector<1x16xf32>
    tpu.vector_store %arg10[%swap3A_692, %swap3A_693], %swap3A_696 {strides = array<i32>} : memref<40x64xf32, #tpu.memory_space<vmem>>, vector<1x16xf32>,
    %swap3A_697 = arith.constant 29 : i32
    %swap3A_698 = arith.index_cast %swap3A_697 : i32 to index
    %swap3A_699 = arith.constant 0 : index
    %swap3A_700 = tpu.vector_load %arg10[%swap3A_698, %swap3A_699] {strides = array<i32>} : memref<40x64xf32, #tpu.memory_space<vmem>>, vector<1x16xf32>,
    %swap3A_701 = vector.shape_cast %swap3A_700 : vector<1x16xf32> to vector<16xf32>
    %swap3A_702 = vector.shape_cast %broadcast_in_dim3A_1 : vector<16xf32> to vector<1x16xf32>
    tpu.vector_store %arg10[%swap3A_698, %swap3A_699], %swap3A_702 {strides = array<i32>} : memref<40x64xf32, #tpu.memory_space<vmem>>, vector<1x16xf32>,
    %swap3A_703 = arith.constant 29 : i32
    %swap3A_704 = arith.index_cast %swap3A_703 : i32 to index
    %swap3A_705 = arith.constant 16 : index
    %swap3A_706 = tpu.vector_load %arg10[%swap3A_704, %swap3A_705] {strides = array<i32>} : memref<40x64xf32, #tpu.memory_space<vmem>>, vector<1x16xf32>,
    %swap3A_707 = vector.shape_cast %swap3A_706 : vector<1x16xf32> to vector<16xf32>
    %swap3A_708 = vector.shape_cast %broadcast_in_dim3A_1 : vector<16xf32> to vector<1x16xf32>
    tpu.vector_store %arg10[%swap3A_704, %swap3A_705], %swap3A_708 {strides = array<i32>} : memref<40x64xf32, #tpu.memory_space<vmem>>, vector<1x16xf32>,
    %swap3A_709 = arith.constant 29 : i32
    %swap3A_710 = arith.index_cast %swap3A_709 : i32 to index
    %swap3A_711 = arith.constant 32 : index
    %swap3A_712 = tpu.vector_load %arg10[%swap3A_710, %swap3A_711] {strides = array<i32>} : memref<40x64xf32, #tpu.memory_space<vmem>>, vector<1x16xf32>,
    %swap3A_713 = vector.shape_cast %swap3A_712 : vector<1x16xf32> to vector<16xf32>
    %swap3A_714 = vector.shape_cast %broadcast_in_dim3A_1 : vector<16xf32> to vector<1x16xf32>
    tpu.vector_store %arg10[%swap3A_710, %swap3A_711], %swap3A_714 {strides = array<i32>} : memref<40x64xf32, #tpu.memory_space<vmem>>, vector<1x16xf32>,
    %swap3A_715 = arith.constant 29 : i32
    %swap3A_716 = arith.index_cast %swap3A_715 : i32 to index
    %swap3A_717 = arith.constant 48 : index
    %swap3A_718 = tpu.vector_load %arg10[%swap3A_716, %swap3A_717] {strides = array<i32>} : memref<40x64xf32, #tpu.memory_space<vmem>>, vector<1x16xf32>,
    %swap3A_719 = vector.shape_cast %swap3A_718 : vector<1x16xf32> to vector<16xf32>
    %swap3A_720 = vector.shape_cast %broadcast_in_dim3A_1 : vector<16xf32> to vector<1x16xf32>
    tpu.vector_store %arg10[%swap3A_716, %swap3A_717], %swap3A_720 {strides = array<i32>} : memref<40x64xf32, #tpu.memory_space<vmem>>, vector<1x16xf32>,
    %swap3A_721 = arith.constant 30 : i32
    %swap3A_722 = arith.index_cast %swap3A_721 : i32 to index
    %swap3A_723 = arith.constant 0 : index
    %swap3A_724 = tpu.vector_load %arg10[%swap3A_722, %swap3A_723] {strides = array<i32>} : memref<40x64xf32, #tpu.memory_space<vmem>>, vector<1x16xf32>,
    %swap3A_725 = vector.shape_cast %swap3A_724 : vector<1x16xf32> to vector<16xf32>
    %swap3A_726 = vector.shape_cast %broadcast_in_dim3A_1 : vector<16xf32> to vector<1x16xf32>
    tpu.vector_store %arg10[%swap3A_722, %swap3A_723], %swap3A_726 {strides = array<i32>} : memref<40x64xf32, #tpu.memory_space<vmem>>, vector<1x16xf32>,
    %swap3A_727 = arith.constant 30 : i32
    %swap3A_728 = arith.index_cast %swap3A_727 : i32 to index
    %swap3A_729 = arith.constant 16 : index
    %swap3A_730 = tpu.vector_load %arg10[%swap3A_728, %swap3A_729] {strides = array<i32>} : memref<40x64xf32, #tpu.memory_space<vmem>>, vector<1x16xf32>,
    %swap3A_731 = vector.shape_cast %swap3A_730 : vector<1x16xf32> to vector<16xf32>
    %swap3A_732 = vector.shape_cast %broadcast_in_dim3A_1 : vector<16xf32> to vector<1x16xf32>
    tpu.vector_store %arg10[%swap3A_728, %swap3A_729], %swap3A_732 {strides = array<i32>} : memref<40x64xf32, #tpu.memory_space<vmem>>, vector<1x16xf32>,
    %swap3A_733 = arith.constant 30 : i32
    %swap3A_734 = arith.index_cast %swap3A_733 : i32 to index
    %swap3A_735 = arith.constant 32 : index
    %swap3A_736 = tpu.vector_load %arg10[%swap3A_734, %swap3A_735] {strides = array<i32>} : memref<40x64xf32, #tpu.memory_space<vmem>>, vector<1x16xf32>,
    %swap3A_737 = vector.shape_cast %swap3A_736 : vector<1x16xf32> to vector<16xf32>
    %swap3A_738 = vector.shape_cast %broadcast_in_dim3A_1 : vector<16xf32> to vector<1x16xf32>
    tpu.vector_store %arg10[%swap3A_734, %swap3A_735], %swap3A_738 {strides = array<i32>} : memref<40x64xf32, #tpu.memory_space<vmem>>, vector<1x16xf32>,
    %swap3A_739 = arith.constant 30 : i32
    %swap3A_740 = arith.index_cast %swap3A_739 : i32 to index
    %swap3A_741 = arith.constant 48 : index
    %swap3A_742 = tpu.vector_load %arg10[%swap3A_740, %swap3A_741] {strides = array<i32>} : memref<40x64xf32, #tpu.memory_space<vmem>>, vector<1x16xf32>,
    %swap3A_743 = vector.shape_cast %swap3A_742 : vector<1x16xf32> to vector<16xf32>
    %swap3A_744 = vector.shape_cast %broadcast_in_dim3A_1 : vector<16xf32> to vector<1x16xf32>
    tpu.vector_store %arg10[%swap3A_740, %swap3A_741], %swap3A_744 {strides = array<i32>} : memref<40x64xf32, #tpu.memory_space<vmem>>, vector<1x16xf32>,
    %swap3A_745 = arith.constant 31 : i32
    %swap3A_746 = arith.index_cast %swap3A_745 : i32 to index
    %swap3A_747 = arith.constant 0 : index
    %swap3A_748 = tpu.vector_load %arg10[%swap3A_746, %swap3A_747] {strides = array<i32>} : memref<40x64xf32, #tpu.memory_space<vmem>>, vector<1x16xf32>,
    %swap3A_749 = vector.shape_cast %swap3A_748 : vector<1x16xf32> to vector<16xf32>
    %swap3A_750 = vector.shape_cast %broadcast_in_dim3A_1 : vector<16xf32> to vector<1x16xf32>
    tpu.vector_store %arg10[%swap3A_746, %swap3A_747], %swap3A_750 {strides = array<i32>} : memref<40x64xf32, #tpu.memory_space<vmem>>, vector<1x16xf32>,
    %swap3A_751 = arith.constant 31 : i32
    %swap3A_752 = arith.index_cast %swap3A_751 : i32 to index
    %swap3A_753 = arith.constant 16 : index
    %swap3A_754 = tpu.vector_load %arg10[%swap3A_752, %swap3A_753] {strides = array<i32>} : memref<40x64xf32, #tpu.memory_space<vmem>>, vector<1x16xf32>,
    %swap3A_755 = vector.shape_cast %swap3A_754 : vector<1x16xf32> to vector<16xf32>
    %swap3A_756 = vector.shape_cast %broadcast_in_dim3A_1 : vector<16xf32> to vector<1x16xf32>
    tpu.vector_store %arg10[%swap3A_752, %swap3A_753], %swap3A_756 {strides = array<i32>} : memref<40x64xf32, #tpu.memory_space<vmem>>, vector<1x16xf32>,
    %swap3A_757 = arith.constant 31 : i32
    %swap3A_758 = arith.index_cast %swap3A_757 : i32 to index
    %swap3A_759 = arith.constant 32 : index
    %swap3A_760 = tpu.vector_load %arg10[%swap3A_758, %swap3A_759] {strides = array<i32>} : memref<40x64xf32, #tpu.memory_space<vmem>>, vector<1x16xf32>,
    %swap3A_761 = vector.shape_cast %swap3A_760 : vector<1x16xf32> to vector<16xf32>
    %swap3A_762 = vector.shape_cast %broadcast_in_dim3A_1 : vector<16xf32> to vector<1x16xf32>
    tpu.vector_store %arg10[%swap3A_758, %swap3A_759], %swap3A_762 {strides = array<i32>} : memref<40x64xf32, #tpu.memory_space<vmem>>, vector<1x16xf32>,
    %swap3A_763 = arith.constant 31 : i32
    %swap3A_764 = arith.index_cast %swap3A_763 : i32 to index
    %swap3A_765 = arith.constant 48 : index
    %swap3A_766 = tpu.vector_load %arg10[%swap3A_764, %swap3A_765] {strides = array<i32>} : memref<40x64xf32, #tpu.memory_space<vmem>>, vector<1x16xf32>,
    %swap3A_767 = vector.shape_cast %swap3A_766 : vector<1x16xf32> to vector<16xf32>
    %swap3A_768 = vector.shape_cast %broadcast_in_dim3A_1 : vector<16xf32> to vector<1x16xf32>
    tpu.vector_store %arg10[%swap3A_764, %swap3A_765], %swap3A_768 {strides = array<i32>} : memref<40x64xf32, #tpu.memory_space<vmem>>, vector<1x16xf32>,
    %swap3A_769 = arith.constant 32 : i32
    %swap3A_770 = arith.index_cast %swap3A_769 : i32 to index
    %swap3A_771 = arith.constant 0 : index
    %swap3A_772 = tpu.vector_load %arg10[%swap3A_770, %swap3A_771] {strides = array<i32>} : memref<40x64xf32, #tpu.memory_space<vmem>>, vector<1x16xf32>,
    %swap3A_773 = vector.shape_cast %swap3A_772 : vector<1x16xf32> to vector<16xf32>
    %swap3A_774 = vector.shape_cast %broadcast_in_dim3A_1 : vector<16xf32> to vector<1x16xf32>
    tpu.vector_store %arg10[%swap3A_770, %swap3A_771], %swap3A_774 {strides = array<i32>} : memref<40x64xf32, #tpu.memory_space<vmem>>, vector<1x16xf32>,
    %swap3A_775 = arith.constant 32 : i32
    %swap3A_776 = arith.index_cast %swap3A_775 : i32 to index
    %swap3A_777 = arith.constant 16 : index
    %swap3A_778 = tpu.vector_load %arg10[%swap3A_776, %swap3A_777] {strides = array<i32>} : memref<40x64xf32, #tpu.memory_space<vmem>>, vector<1x16xf32>,
    %swap3A_779 = vector.shape_cast %swap3A_778 : vector<1x16xf32> to vector<16xf32>
    %swap3A_780 = vector.shape_cast %broadcast_in_dim3A_1 : vector<16xf32> to vector<1x16xf32>
    tpu.vector_store %arg10[%swap3A_776, %swap3A_777], %swap3A_780 {strides = array<i32>} : memref<40x64xf32, #tpu.memory_space<vmem>>, vector<1x16xf32>,
    %swap3A_781 = arith.constant 32 : i32
    %swap3A_782 = arith.index_cast %swap3A_781 : i32 to index
    %swap3A_783 = arith.constant 32 : index
    %swap3A_784 = tpu.vector_load %arg10[%swap3A_782, %swap3A_783] {strides = array<i32>} : memref<40x64xf32, #tpu.memory_space<vmem>>, vector<1x16xf32>,
    %swap3A_785 = vector.shape_cast %swap3A_784 : vector<1x16xf32> to vector<16xf32>
    %swap3A_786 = vector.shape_cast %broadcast_in_dim3A_1 : vector<16xf32> to vector<1x16xf32>
    tpu.vector_store %arg10[%swap3A_782, %swap3A_783], %swap3A_786 {strides = array<i32>} : memref<40x64xf32, #tpu.memory_space<vmem>>, vector<1x16xf32>,
    %swap3A_787 = arith.constant 32 : i32
    %swap3A_788 = arith.index_cast %swap3A_787 : i32 to index
    %swap3A_789 = arith.constant 48 : index
    %swap3A_790 = tpu.vector_load %arg10[%swap3A_788, %swap3A_789] {strides = array<i32>} : memref<40x64xf32, #tpu.memory_space<vmem>>, vector<1x16xf32>,
    %swap3A_791 = vector.shape_cast %swap3A_790 : vector<1x16xf32> to vector<16xf32>
    %swap3A_792 = vector.shape_cast %broadcast_in_dim3A_1 : vector<16xf32> to vector<1x16xf32>
    tpu.vector_store %arg10[%swap3A_788, %swap3A_789], %swap3A_792 {strides = array<i32>} : memref<40x64xf32, #tpu.memory_space<vmem>>, vector<1x16xf32>,
    %swap3A_793 = arith.constant 33 : i32
    %swap3A_794 = arith.index_cast %swap3A_793 : i32 to index
    %swap3A_795 = arith.constant 0 : index
    %swap3A_796 = tpu.vector_load %arg10[%swap3A_794, %swap3A_795] {strides = array<i32>} : memref<40x64xf32, #tpu.memory_space<vmem>>, vector<1x16xf32>,
    %swap3A_797 = vector.shape_cast %swap3A_796 : vector<1x16xf32> to vector<16xf32>
    %swap3A_798 = vector.shape_cast %broadcast_in_dim3A_1 : vector<16xf32> to vector<1x16xf32>
    tpu.vector_store %arg10[%swap3A_794, %swap3A_795], %swap3A_798 {strides = array<i32>} : memref<40x64xf32, #tpu.memory_space<vmem>>, vector<1x16xf32>,
    %swap3A_799 = arith.constant 33 : i32
    %swap3A_800 = arith.index_cast %swap3A_799 : i32 to index
    %swap3A_801 = arith.constant 16 : index
    %swap3A_802 = tpu.vector_load %arg10[%swap3A_800, %swap3A_801] {strides = array<i32>} : memref<40x64xf32, #tpu.memory_space<vmem>>, vector<1x16xf32>,
    %swap3A_803 = vector.shape_cast %swap3A_802 : vector<1x16xf32> to vector<16xf32>
    %swap3A_804 = vector.shape_cast %broadcast_in_dim3A_1 : vector<16xf32> to vector<1x16xf32>
    tpu.vector_store %arg10[%swap3A_800, %swap3A_801], %swap3A_804 {strides = array<i32>} : memref<40x64xf32, #tpu.memory_space<vmem>>, vector<1x16xf32>,
    %swap3A_805 = arith.constant 33 : i32
    %swap3A_806 = arith.index_cast %swap3A_805 : i32 to index
    %swap3A_807 = arith.constant 32 : index
    %swap3A_808 = tpu.vector_load %arg10[%swap3A_806, %swap3A_807] {strides = array<i32>} : memref<40x64xf32, #tpu.memory_space<vmem>>, vector<1x16xf32>,
    %swap3A_809 = vector.shape_cast %swap3A_808 : vector<1x16xf32> to vector<16xf32>
    %swap3A_810 = vector.shape_cast %broadcast_in_dim3A_1 : vector<16xf32> to vector<1x16xf32>
    tpu.vector_store %arg10[%swap3A_806, %swap3A_807], %swap3A_810 {strides = array<i32>} : memref<40x64xf32, #tpu.memory_space<vmem>>, vector<1x16xf32>,
    %swap3A_811 = arith.constant 33 : i32
    %swap3A_812 = arith.index_cast %swap3A_811 : i32 to index
    %swap3A_813 = arith.constant 48 : index
    %swap3A_814 = tpu.vector_load %arg10[%swap3A_812, %swap3A_813] {strides = array<i32>} : memref<40x64xf32, #tpu.memory_space<vmem>>, vector<1x16xf32>,
    %swap3A_815 = vector.shape_cast %swap3A_814 : vector<1x16xf32> to vector<16xf32>
    %swap3A_816 = vector.shape_cast %broadcast_in_dim3A_1 : vector<16xf32> to vector<1x16xf32>
    tpu.vector_store %arg10[%swap3A_812, %swap3A_813], %swap3A_816 {strides = array<i32>} : memref<40x64xf32, #tpu.memory_space<vmem>>, vector<1x16xf32>,
    %swap3A_817 = arith.constant 34 : i32
    %swap3A_818 = arith.index_cast %swap3A_817 : i32 to index
    %swap3A_819 = arith.constant 0 : index
    %swap3A_820 = tpu.vector_load %arg10[%swap3A_818, %swap3A_819] {strides = array<i32>} : memref<40x64xf32, #tpu.memory_space<vmem>>, vector<1x16xf32>,
    %swap3A_821 = vector.shape_cast %swap3A_820 : vector<1x16xf32> to vector<16xf32>
    %swap3A_822 = vector.shape_cast %broadcast_in_dim3A_1 : vector<16xf32> to vector<1x16xf32>
    tpu.vector_store %arg10[%swap3A_818, %swap3A_819], %swap3A_822 {strides = array<i32>} : memref<40x64xf32, #tpu.memory_space<vmem>>, vector<1x16xf32>,
    %swap3A_823 = arith.constant 34 : i32
    %swap3A_824 = arith.index_cast %swap3A_823 : i32 to index
    %swap3A_825 = arith.constant 16 : index
    %swap3A_826 = tpu.vector_load %arg10[%swap3A_824, %swap3A_825] {strides = array<i32>} : memref<40x64xf32, #tpu.memory_space<vmem>>, vector<1x16xf32>,
    %swap3A_827 = vector.shape_cast %swap3A_826 : vector<1x16xf32> to vector<16xf32>
    %swap3A_828 = vector.shape_cast %broadcast_in_dim3A_1 : vector<16xf32> to vector<1x16xf32>
    tpu.vector_store %arg10[%swap3A_824, %swap3A_825], %swap3A_828 {strides = array<i32>} : memref<40x64xf32, #tpu.memory_space<vmem>>, vector<1x16xf32>,
    %swap3A_829 = arith.constant 34 : i32
    %swap3A_830 = arith.index_cast %swap3A_829 : i32 to index
    %swap3A_831 = arith.constant 32 : index
    %swap3A_832 = tpu.vector_load %arg10[%swap3A_830, %swap3A_831] {strides = array<i32>} : memref<40x64xf32, #tpu.memory_space<vmem>>, vector<1x16xf32>,
    %swap3A_833 = vector.shape_cast %swap3A_832 : vector<1x16xf32> to vector<16xf32>
    %swap3A_834 = vector.shape_cast %broadcast_in_dim3A_1 : vector<16xf32> to vector<1x16xf32>
    tpu.vector_store %arg10[%swap3A_830, %swap3A_831], %swap3A_834 {strides = array<i32>} : memref<40x64xf32, #tpu.memory_space<vmem>>, vector<1x16xf32>,
    %swap3A_835 = arith.constant 34 : i32
    %swap3A_836 = arith.index_cast %swap3A_835 : i32 to index
    %swap3A_837 = arith.constant 48 : index
    %swap3A_838 = tpu.vector_load %arg10[%swap3A_836, %swap3A_837] {strides = array<i32>} : memref<40x64xf32, #tpu.memory_space<vmem>>, vector<1x16xf32>,
    %swap3A_839 = vector.shape_cast %swap3A_838 : vector<1x16xf32> to vector<16xf32>
    %swap3A_840 = vector.shape_cast %broadcast_in_dim3A_1 : vector<16xf32> to vector<1x16xf32>
    tpu.vector_store %arg10[%swap3A_836, %swap3A_837], %swap3A_840 {strides = array<i32>} : memref<40x64xf32, #tpu.memory_space<vmem>>, vector<1x16xf32>,
    %swap3A_841 = arith.constant 35 : i32
    %swap3A_842 = arith.index_cast %swap3A_841 : i32 to index
    %swap3A_843 = arith.constant 0 : index
    %swap3A_844 = tpu.vector_load %arg10[%swap3A_842, %swap3A_843] {strides = array<i32>} : memref<40x64xf32, #tpu.memory_space<vmem>>, vector<1x16xf32>,
    %swap3A_845 = vector.shape_cast %swap3A_844 : vector<1x16xf32> to vector<16xf32>
    %swap3A_846 = vector.shape_cast %broadcast_in_dim3A_1 : vector<16xf32> to vector<1x16xf32>
    tpu.vector_store %arg10[%swap3A_842, %swap3A_843], %swap3A_846 {strides = array<i32>} : memref<40x64xf32, #tpu.memory_space<vmem>>, vector<1x16xf32>,
    %swap3A_847 = arith.constant 35 : i32
    %swap3A_848 = arith.index_cast %swap3A_847 : i32 to index
    %swap3A_849 = arith.constant 16 : index
    %swap3A_850 = tpu.vector_load %arg10[%swap3A_848, %swap3A_849] {strides = array<i32>} : memref<40x64xf32, #tpu.memory_space<vmem>>, vector<1x16xf32>,
    %swap3A_851 = vector.shape_cast %swap3A_850 : vector<1x16xf32> to vector<16xf32>
    %swap3A_852 = vector.shape_cast %broadcast_in_dim3A_1 : vector<16xf32> to vector<1x16xf32>
    tpu.vector_store %arg10[%swap3A_848, %swap3A_849], %swap3A_852 {strides = array<i32>} : memref<40x64xf32, #tpu.memory_space<vmem>>, vector<1x16xf32>,
    %swap3A_853 = arith.constant 35 : i32
    %swap3A_854 = arith.index_cast %swap3A_853 : i32 to index
    %swap3A_855 = arith.constant 32 : index
    %swap3A_856 = tpu.vector_load %arg10[%swap3A_854, %swap3A_855] {strides = array<i32>} : memref<40x64xf32, #tpu.memory_space<vmem>>, vector<1x16xf32>,
    %swap3A_857 = vector.shape_cast %swap3A_856 : vector<1x16xf32> to vector<16xf32>
    %swap3A_858 = vector.shape_cast %broadcast_in_dim3A_1 : vector<16xf32> to vector<1x16xf32>
    tpu.vector_store %arg10[%swap3A_854, %swap3A_855], %swap3A_858 {strides = array<i32>} : memref<40x64xf32, #tpu.memory_space<vmem>>, vector<1x16xf32>,
    %swap3A_859 = arith.constant 35 : i32
    %swap3A_860 = arith.index_cast %swap3A_859 : i32 to index
    %swap3A_861 = arith.constant 48 : index
    %swap3A_862 = tpu.vector_load %arg10[%swap3A_860, %swap3A_861] {strides = array<i32>} : memref<40x64xf32, #tpu.memory_space<vmem>>, vector<1x16xf32>,
    %swap3A_863 = vector.shape_cast %swap3A_862 : vector<1x16xf32> to vector<16xf32>
    %swap3A_864 = vector.shape_cast %broadcast_in_dim3A_1 : vector<16xf32> to vector<1x16xf32>
    tpu.vector_store %arg10[%swap3A_860, %swap3A_861], %swap3A_864 {strides = array<i32>} : memref<40x64xf32, #tpu.memory_space<vmem>>, vector<1x16xf32>,
    %swap3A_865 = arith.constant 36 : i32
    %swap3A_866 = arith.index_cast %swap3A_865 : i32 to index
    %swap3A_867 = arith.constant 0 : index
    %swap3A_868 = tpu.vector_load %arg10[%swap3A_866, %swap3A_867] {strides = array<i32>} : memref<40x64xf32, #tpu.memory_space<vmem>>, vector<1x16xf32>,
    %swap3A_869 = vector.shape_cast %swap3A_868 : vector<1x16xf32> to vector<16xf32>
    %swap3A_870 = vector.shape_cast %broadcast_in_dim3A_1 : vector<16xf32> to vector<1x16xf32>
    tpu.vector_store %arg10[%swap3A_866, %swap3A_867], %swap3A_870 {strides = array<i32>} : memref<40x64xf32, #tpu.memory_space<vmem>>, vector<1x16xf32>,
    %swap3A_871 = arith.constant 36 : i32
    %swap3A_872 = arith.index_cast %swap3A_871 : i32 to index
    %swap3A_873 = arith.constant 16 : index
    %swap3A_874 = tpu.vector_load %arg10[%swap3A_872, %swap3A_873] {strides = array<i32>} : memref<40x64xf32, #tpu.memory_space<vmem>>, vector<1x16xf32>,
    %swap3A_875 = vector.shape_cast %swap3A_874 : vector<1x16xf32> to vector<16xf32>
    %swap3A_876 = vector.shape_cast %broadcast_in_dim3A_1 : vector<16xf32> to vector<1x16xf32>
    tpu.vector_store %arg10[%swap3A_872, %swap3A_873], %swap3A_876 {strides = array<i32>} : memref<40x64xf32, #tpu.memory_space<vmem>>, vector<1x16xf32>,
    %swap3A_877 = arith.constant 36 : i32
    %swap3A_878 = arith.index_cast %swap3A_877 : i32 to index
    %swap3A_879 = arith.constant 32 : index
    %swap3A_880 = tpu.vector_load %arg10[%swap3A_878, %swap3A_879] {strides = array<i32>} : memref<40x64xf32, #tpu.memory_space<vmem>>, vector<1x16xf32>,
    %swap3A_881 = vector.shape_cast %swap3A_880 : vector<1x16xf32> to vector<16xf32>
    %swap3A_882 = vector.shape_cast %broadcast_in_dim3A_1 : vector<16xf32> to vector<1x16xf32>
    tpu.vector_store %arg10[%swap3A_878, %swap3A_879], %swap3A_882 {strides = array<i32>} : memref<40x64xf32, #tpu.memory_space<vmem>>, vector<1x16xf32>,
    %swap3A_883 = arith.constant 36 : i32
    %swap3A_884 = arith.index_cast %swap3A_883 : i32 to index
    %swap3A_885 = arith.constant 48 : index
    %swap3A_886 = tpu.vector_load %arg10[%swap3A_884, %swap3A_885] {strides = array<i32>} : memref<40x64xf32, #tpu.memory_space<vmem>>, vector<1x16xf32>,
    %swap3A_887 = vector.shape_cast %swap3A_886 : vector<1x16xf32> to vector<16xf32>
    %swap3A_888 = vector.shape_cast %broadcast_in_dim3A_1 : vector<16xf32> to vector<1x16xf32>
    tpu.vector_store %arg10[%swap3A_884, %swap3A_885], %swap3A_888 {strides = array<i32>} : memref<40x64xf32, #tpu.memory_space<vmem>>, vector<1x16xf32>,
    %swap3A_889 = arith.constant 37 : i32
    %swap3A_890 = arith.index_cast %swap3A_889 : i32 to index
    %swap3A_891 = arith.constant 0 : index
    %swap3A_892 = tpu.vector_load %arg10[%swap3A_890, %swap3A_891] {strides = array<i32>} : memref<40x64xf32, #tpu.memory_space<vmem>>, vector<1x16xf32>,
    %swap3A_893 = vector.shape_cast %swap3A_892 : vector<1x16xf32> to vector<16xf32>
    %swap3A_894 = vector.shape_cast %broadcast_in_dim3A_1 : vector<16xf32> to vector<1x16xf32>
    tpu.vector_store %arg10[%swap3A_890, %swap3A_891], %swap3A_894 {strides = array<i32>} : memref<40x64xf32, #tpu.memory_space<vmem>>, vector<1x16xf32>,
    %swap3A_895 = arith.constant 37 : i32
    %swap3A_896 = arith.index_cast %swap3A_895 : i32 to index
    %swap3A_897 = arith.constant 16 : index
    %swap3A_898 = tpu.vector_load %arg10[%swap3A_896, %swap3A_897] {strides = array<i32>} : memref<40x64xf32, #tpu.memory_space<vmem>>, vector<1x16xf32>,
    %swap3A_899 = vector.shape_cast %swap3A_898 : vector<1x16xf32> to vector<16xf32>
    %swap3A_900 = vector.shape_cast %broadcast_in_dim3A_1 : vector<16xf32> to vector<1x16xf32>
    tpu.vector_store %arg10[%swap3A_896, %swap3A_897], %swap3A_900 {strides = array<i32>} : memref<40x64xf32, #tpu.memory_space<vmem>>, vector<1x16xf32>,
    %swap3A_901 = arith.constant 37 : i32
    %swap3A_902 = arith.index_cast %swap3A_901 : i32 to index
    %swap3A_903 = arith.constant 32 : index
    %swap3A_904 = tpu.vector_load %arg10[%swap3A_902, %swap3A_903] {strides = array<i32>} : memref<40x64xf32, #tpu.memory_space<vmem>>, vector<1x16xf32>,
    %swap3A_905 = vector.shape_cast %swap3A_904 : vector<1x16xf32> to vector<16xf32>
    %swap3A_906 = vector.shape_cast %broadcast_in_dim3A_1 : vector<16xf32> to vector<1x16xf32>
    tpu.vector_store %arg10[%swap3A_902, %swap3A_903], %swap3A_906 {strides = array<i32>} : memref<40x64xf32, #tpu.memory_space<vmem>>, vector<1x16xf32>,
    %swap3A_907 = arith.constant 37 : i32
    %swap3A_908 = arith.index_cast %swap3A_907 : i32 to index
    %swap3A_909 = arith.constant 48 : index
    %swap3A_910 = tpu.vector_load %arg10[%swap3A_908, %swap3A_909] {strides = array<i32>} : memref<40x64xf32, #tpu.memory_space<vmem>>, vector<1x16xf32>,
    %swap3A_911 = vector.shape_cast %swap3A_910 : vector<1x16xf32> to vector<16xf32>
    %swap3A_912 = vector.shape_cast %broadcast_in_dim3A_1 : vector<16xf32> to vector<1x16xf32>
    tpu.vector_store %arg10[%swap3A_908, %swap3A_909], %swap3A_912 {strides = array<i32>} : memref<40x64xf32, #tpu.memory_space<vmem>>, vector<1x16xf32>,
    %swap3A_913 = arith.constant 38 : i32
    %swap3A_914 = arith.index_cast %swap3A_913 : i32 to index
    %swap3A_915 = arith.constant 0 : index
    %swap3A_916 = tpu.vector_load %arg10[%swap3A_914, %swap3A_915] {strides = array<i32>} : memref<40x64xf32, #tpu.memory_space<vmem>>, vector<1x16xf32>,
    %swap3A_917 = vector.shape_cast %swap3A_916 : vector<1x16xf32> to vector<16xf32>
    %swap3A_918 = vector.shape_cast %broadcast_in_dim3A_1 : vector<16xf32> to vector<1x16xf32>
    tpu.vector_store %arg10[%swap3A_914, %swap3A_915], %swap3A_918 {strides = array<i32>} : memref<40x64xf32, #tpu.memory_space<vmem>>, vector<1x16xf32>,
    %swap3A_919 = arith.constant 38 : i32
    %swap3A_920 = arith.index_cast %swap3A_919 : i32 to index
    %swap3A_921 = arith.constant 16 : index
    %swap3A_922 = tpu.vector_load %arg10[%swap3A_920, %swap3A_921] {strides = array<i32>} : memref<40x64xf32, #tpu.memory_space<vmem>>, vector<1x16xf32>,
    %swap3A_923 = vector.shape_cast %swap3A_922 : vector<1x16xf32> to vector<16xf32>
    %swap3A_924 = vector.shape_cast %broadcast_in_dim3A_1 : vector<16xf32> to vector<1x16xf32>
    tpu.vector_store %arg10[%swap3A_920, %swap3A_921], %swap3A_924 {strides = array<i32>} : memref<40x64xf32, #tpu.memory_space<vmem>>, vector<1x16xf32>,
    %swap3A_925 = arith.constant 38 : i32
    %swap3A_926 = arith.index_cast %swap3A_925 : i32 to index
    %swap3A_927 = arith.constant 32 : index
    %swap3A_928 = tpu.vector_load %arg10[%swap3A_926, %swap3A_927] {strides = array<i32>} : memref<40x64xf32, #tpu.memory_space<vmem>>, vector<1x16xf32>,
    %swap3A_929 = vector.shape_cast %swap3A_928 : vector<1x16xf32> to vector<16xf32>
    %swap3A_930 = vector.shape_cast %broadcast_in_dim3A_1 : vector<16xf32> to vector<1x16xf32>
    tpu.vector_store %arg10[%swap3A_926, %swap3A_927], %swap3A_930 {strides = array<i32>} : memref<40x64xf32, #tpu.memory_space<vmem>>, vector<1x16xf32>,
    %swap3A_931 = arith.constant 38 : i32
    %swap3A_932 = arith.index_cast %swap3A_931 : i32 to index
    %swap3A_933 = arith.constant 48 : index
    %swap3A_934 = tpu.vector_load %arg10[%swap3A_932, %swap3A_933] {strides = array<i32>} : memref<40x64xf32, #tpu.memory_space<vmem>>, vector<1x16xf32>,
    %swap3A_935 = vector.shape_cast %swap3A_934 : vector<1x16xf32> to vector<16xf32>
    %swap3A_936 = vector.shape_cast %broadcast_in_dim3A_1 : vector<16xf32> to vector<1x16xf32>
    tpu.vector_store %arg10[%swap3A_932, %swap3A_933], %swap3A_936 {strides = array<i32>} : memref<40x64xf32, #tpu.memory_space<vmem>>, vector<1x16xf32>,
    %swap3A_937 = arith.constant 39 : i32
    %swap3A_938 = arith.index_cast %swap3A_937 : i32 to index
    %swap3A_939 = arith.constant 0 : index
    %swap3A_940 = tpu.vector_load %arg10[%swap3A_938, %swap3A_939] {strides = array<i32>} : memref<40x64xf32, #tpu.memory_space<vmem>>, vector<1x16xf32>,
    %swap3A_941 = vector.shape_cast %swap3A_940 : vector<1x16xf32> to vector<16xf32>
    %swap3A_942 = vector.shape_cast %broadcast_in_dim3A_1 : vector<16xf32> to vector<1x16xf32>
    tpu.vector_store %arg10[%swap3A_938, %swap3A_939], %swap3A_942 {strides = array<i32>} : memref<40x64xf32, #tpu.memory_space<vmem>>, vector<1x16xf32>,
    %swap3A_943 = arith.constant 39 : i32
    %swap3A_944 = arith.index_cast %swap3A_943 : i32 to index
    %swap3A_945 = arith.constant 16 : index
    %swap3A_946 = tpu.vector_load %arg10[%swap3A_944, %swap3A_945] {strides = array<i32>} : memref<40x64xf32, #tpu.memory_space<vmem>>, vector<1x16xf32>,
    %swap3A_947 = vector.shape_cast %swap3A_946 : vector<1x16xf32> to vector<16xf32>
    %swap3A_948 = vector.shape_cast %broadcast_in_dim3A_1 : vector<16xf32> to vector<1x16xf32>
    tpu.vector_store %arg10[%swap3A_944, %swap3A_945], %swap3A_948 {strides = array<i32>} : memref<40x64xf32, #tpu.memory_space<vmem>>, vector<1x16xf32>,
    %swap3A_949 = arith.constant 39 : i32
    %swap3A_950 = arith.index_cast %swap3A_949 : i32 to index
    %swap3A_951 = arith.constant 32 : index
    %swap3A_952 = tpu.vector_load %arg10[%swap3A_950, %swap3A_951] {strides = array<i32>} : memref<40x64xf32, #tpu.memory_space<vmem>>, vector<1x16xf32>,
    %swap3A_953 = vector.shape_cast %swap3A_952 : vector<1x16xf32> to vector<16xf32>
    %swap3A_954 = vector.shape_cast %broadcast_in_dim3A_1 : vector<16xf32> to vector<1x16xf32>
    tpu.vector_store %arg10[%swap3A_950, %swap3A_951], %swap3A_954 {strides = array<i32>} : memref<40x64xf32, #tpu.memory_space<vmem>>, vector<1x16xf32>,
    %swap3A_955 = arith.constant 39 : i32
    %swap3A_956 = arith.index_cast %swap3A_955 : i32 to index
    %swap3A_957 = arith.constant 48 : index
    %swap3A_958 = tpu.vector_load %arg10[%swap3A_956, %swap3A_957] {strides = array<i32>} : memref<40x64xf32, #tpu.memory_space<vmem>>, vector<1x16xf32>,
    %swap3A_959 = vector.shape_cast %swap3A_958 : vector<1x16xf32> to vector<16xf32>
    %swap3A_960 = vector.shape_cast %broadcast_in_dim3A_1 : vector<16xf32> to vector<1x16xf32>
    tpu.vector_store %arg10[%swap3A_956, %swap3A_957], %swap3A_960 {strides = array<i32>} : memref<40x64xf32, #tpu.memory_space<vmem>>, vector<1x16xf32>,
    %broadcast_in_dim3A_961 = arith.constant 1.000000e+00 : f32
    %broadcast_in_dim3A_962 = vector.broadcast %broadcast_in_dim3A_961 : f32 to vector<16xf32>
    %swap3A_963 = arith.constant 0 : i32
    %swap3A_964 = arith.index_cast %swap3A_963 : i32 to index
    %swap3A_965 = arith.constant 0 : index
    %swap3A_966 = tpu.vector_load %arg11[%swap3A_964, %swap3A_965] {strides = array<i32>} : memref<80x16xf32, #tpu.memory_space<vmem>>, vector<1x16xf32>,
    %swap3A_967 = vector.shape_cast %swap3A_966 : vector<1x16xf32> to vector<16xf32>
    %swap3A_968 = vector.shape_cast %broadcast_in_dim3A_962 : vector<16xf32> to vector<1x16xf32>
    tpu.vector_store %arg11[%swap3A_964, %swap3A_965], %swap3A_968 {strides = array<i32>} : memref<80x16xf32, #tpu.memory_space<vmem>>, vector<1x16xf32>,
    %swap3A_969 = arith.constant 1 : i32
    %swap3A_970 = arith.index_cast %swap3A_969 : i32 to index
    %swap3A_971 = arith.constant 0 : index
    %swap3A_972 = tpu.vector_load %arg11[%swap3A_970, %swap3A_971] {strides = array<i32>} : memref<80x16xf32, #tpu.memory_space<vmem>>, vector<1x16xf32>,
    %swap3A_973 = vector.shape_cast %swap3A_972 : vector<1x16xf32> to vector<16xf32>
    %swap3A_974 = vector.shape_cast %broadcast_in_dim3A_962 : vector<16xf32> to vector<1x16xf32>
    tpu.vector_store %arg11[%swap3A_970, %swap3A_971], %swap3A_974 {strides = array<i32>} : memref<80x16xf32, #tpu.memory_space<vmem>>, vector<1x16xf32>,
    %swap3A_975 = arith.constant 2 : i32
    %swap3A_976 = arith.index_cast %swap3A_975 : i32 to index
    %swap3A_977 = arith.constant 0 : index
    %swap3A_978 = tpu.vector_load %arg11[%swap3A_976, %swap3A_977] {strides = array<i32>} : memref<80x16xf32, #tpu.memory_space<vmem>>, vector<1x16xf32>,
    %swap3A_979 = vector.shape_cast %swap3A_978 : vector<1x16xf32> to vector<16xf32>
    %swap3A_980 = vector.shape_cast %broadcast_in_dim3A_962 : vector<16xf32> to vector<1x16xf32>
    tpu.vector_store %arg11[%swap3A_976, %swap3A_977], %swap3A_980 {strides = array<i32>} : memref<80x16xf32, #tpu.memory_space<vmem>>, vector<1x16xf32>,
    %swap3A_981 = arith.constant 3 : i32
    %swap3A_982 = arith.index_cast %swap3A_981 : i32 to index
    %swap3A_983 = arith.constant 0 : index
    %swap3A_984 = tpu.vector_load %arg11[%swap3A_982, %swap3A_983] {strides = array<i32>} : memref<80x16xf32, #tpu.memory_space<vmem>>, vector<1x16xf32>,
    %swap3A_985 = vector.shape_cast %swap3A_984 : vector<1x16xf32> to vector<16xf32>
    %swap3A_986 = vector.shape_cast %broadcast_in_dim3A_962 : vector<16xf32> to vector<1x16xf32>
    tpu.vector_store %arg11[%swap3A_982, %swap3A_983], %swap3A_986 {strides = array<i32>} : memref<80x16xf32, #tpu.memory_space<vmem>>, vector<1x16xf32>,
    %swap3A_987 = arith.constant 4 : i32
    %swap3A_988 = arith.index_cast %swap3A_987 : i32 to index
    %swap3A_989 = arith.constant 0 : index
    %swap3A_990 = tpu.vector_load %arg11[%swap3A_988, %swap3A_989] {strides = array<i32>} : memref<80x16xf32, #tpu.memory_space<vmem>>, vector<1x16xf32>,
    %swap3A_991 = vector.shape_cast %swap3A_990 : vector<1x16xf32> to vector<16xf32>
    %swap3A_992 = vector.shape_cast %broadcast_in_dim3A_962 : vector<16xf32> to vector<1x16xf32>
    tpu.vector_store %arg11[%swap3A_988, %swap3A_989], %swap3A_992 {strides = array<i32>} : memref<80x16xf32, #tpu.memory_space<vmem>>, vector<1x16xf32>,
    %swap3A_993 = arith.constant 5 : i32
    %swap3A_994 = arith.index_cast %swap3A_993 : i32 to index
    %swap3A_995 = arith.constant 0 : index
    %swap3A_996 = tpu.vector_load %arg11[%swap3A_994, %swap3A_995] {strides = array<i32>} : memref<80x16xf32, #tpu.memory_space<vmem>>, vector<1x16xf32>,
    %swap3A_997 = vector.shape_cast %swap3A_996 : vector<1x16xf32> to vector<16xf32>
    %swap3A_998 = vector.shape_cast %broadcast_in_dim3A_962 : vector<16xf32> to vector<1x16xf32>
    tpu.vector_store %arg11[%swap3A_994, %swap3A_995], %swap3A_998 {strides = array<i32>} : memref<80x16xf32, #tpu.memory_space<vmem>>, vector<1x16xf32>,
    %swap3A_999 = arith.constant 6 : i32
    %swap3A_1000 = arith.index_cast %swap3A_999 : i32 to index
    %swap3A_1001 = arith.constant 0 : index
    %swap3A_1002 = tpu.vector_load %arg11[%swap3A_1000, %swap3A_1001] {strides = array<i32>} : memref<80x16xf32, #tpu.memory_space<vmem>>, vector<1x16xf32>,
    %swap3A_1003 = vector.shape_cast %swap3A_1002 : vector<1x16xf32> to vector<16xf32>
    %swap3A_1004 = vector.shape_cast %broadcast_in_dim3A_962 : vector<16xf32> to vector<1x16xf32>
    tpu.vector_store %arg11[%swap3A_1000, %swap3A_1001], %swap3A_1004 {strides = array<i32>} : memref<80x16xf32, #tpu.memory_space<vmem>>, vector<1x16xf32>,
    %swap3A_1005 = arith.constant 7 : i32
    %swap3A_1006 = arith.index_cast %swap3A_1005 : i32 to index
    %swap3A_1007 = arith.constant 0 : index
    %swap3A_1008 = tpu.vector_load %arg11[%swap3A_1006, %swap3A_1007] {strides = array<i32>} : memref<80x16xf32, #tpu.memory_space<vmem>>, vector<1x16xf32>,
    %swap3A_1009 = vector.shape_cast %swap3A_1008 : vector<1x16xf32> to vector<16xf32>
    %swap3A_1010 = vector.shape_cast %broadcast_in_dim3A_962 : vector<16xf32> to vector<1x16xf32>
    tpu.vector_store %arg11[%swap3A_1006, %swap3A_1007], %swap3A_1010 {strides = array<i32>} : memref<80x16xf32, #tpu.memory_space<vmem>>, vector<1x16xf32>,
    %swap3A_1011 = arith.constant 8 : i32
    %swap3A_1012 = arith.index_cast %swap3A_1011 : i32 to index
    %swap3A_1013 = arith.constant 0 : index
    %swap3A_1014 = tpu.vector_load %arg11[%swap3A_1012, %swap3A_1013] {strides = array<i32>} : memref<80x16xf32, #tpu.memory_space<vmem>>, vector<1x16xf32>,
    %swap3A_1015 = vector.shape_cast %swap3A_1014 : vector<1x16xf32> to vector<16xf32>
    %swap3A_1016 = vector.shape_cast %broadcast_in_dim3A_962 : vector<16xf32> to vector<1x16xf32>
    tpu.vector_store %arg11[%swap3A_1012, %swap3A_1013], %swap3A_1016 {strides = array<i32>} : memref<80x16xf32, #tpu.memory_space<vmem>>, vector<1x16xf32>,
    %swap3A_1017 = arith.constant 9 : i32
    %swap3A_1018 = arith.index_cast %swap3A_1017 : i32 to index
    %swap3A_1019 = arith.constant 0 : index
    %swap3A_1020 = tpu.vector_load %arg11[%swap3A_1018, %swap3A_1019] {strides = array<i32>} : memref<80x16xf32, #tpu.memory_space<vmem>>, vector<1x16xf32>,
    %swap3A_1021 = vector.shape_cast %swap3A_1020 : vector<1x16xf32> to vector<16xf32>
    %swap3A_1022 = vector.shape_cast %broadcast_in_dim3A_962 : vector<16xf32> to vector<1x16xf32>
    tpu.vector_store %arg11[%swap3A_1018, %swap3A_1019], %swap3A_1022 {strides = array<i32>} : memref<80x16xf32, #tpu.memory_space<vmem>>, vector<1x16xf32>,
    %swap3A_1023 = arith.constant 10 : i32
    %swap3A_1024 = arith.index_cast %swap3A_1023 : i32 to index
    %swap3A_1025 = arith.constant 0 : index
    %swap3A_1026 = tpu.vector_load %arg11[%swap3A_1024, %swap3A_1025] {strides = array<i32>} : memref<80x16xf32, #tpu.memory_space<vmem>>, vector<1x16xf32>,
    %swap3A_1027 = vector.shape_cast %swap3A_1026 : vector<1x16xf32> to vector<16xf32>
    %swap3A_1028 = vector.shape_cast %broadcast_in_dim3A_962 : vector<16xf32> to vector<1x16xf32>
    tpu.vector_store %arg11[%swap3A_1024, %swap3A_1025], %swap3A_1028 {strides = array<i32>} : memref<80x16xf32, #tpu.memory_space<vmem>>, vector<1x16xf32>,
    %swap3A_1029 = arith.constant 11 : i32
    %swap3A_1030 = arith.index_cast %swap3A_1029 : i32 to index
    %swap3A_1031 = arith.constant 0 : index
    %swap3A_1032 = tpu.vector_load %arg11[%swap3A_1030, %swap3A_1031] {strides = array<i32>} : memref<80x16xf32, #tpu.memory_space<vmem>>, vector<1x16xf32>,
    %swap3A_1033 = vector.shape_cast %swap3A_1032 : vector<1x16xf32> to vector<16xf32>
    %swap3A_1034 = vector.shape_cast %broadcast_in_dim3A_962 : vector<16xf32> to vector<1x16xf32>
    tpu.vector_store %arg11[%swap3A_1030, %swap3A_1031], %swap3A_1034 {strides = array<i32>} : memref<80x16xf32, #tpu.memory_space<vmem>>, vector<1x16xf32>,
    %swap3A_1035 = arith.constant 12 : i32
    %swap3A_1036 = arith.index_cast %swap3A_1035 : i32 to index
    %swap3A_1037 = arith.constant 0 : index
    %swap3A_1038 = tpu.vector_load %arg11[%swap3A_1036, %swap3A_1037] {strides = array<i32>} : memref<80x16xf32, #tpu.memory_space<vmem>>, vector<1x16xf32>,
    %swap3A_1039 = vector.shape_cast %swap3A_1038 : vector<1x16xf32> to vector<16xf32>
    %swap3A_1040 = vector.shape_cast %broadcast_in_dim3A_962 : vector<16xf32> to vector<1x16xf32>
    tpu.vector_store %arg11[%swap3A_1036, %swap3A_1037], %swap3A_1040 {strides = array<i32>} : memref<80x16xf32, #tpu.memory_space<vmem>>, vector<1x16xf32>,
    %swap3A_1041 = arith.constant 13 : i32
    %swap3A_1042 = arith.index_cast %swap3A_1041 : i32 to index
    %swap3A_1043 = arith.constant 0 : index
    %swap3A_1044 = tpu.vector_load %arg11[%swap3A_1042, %swap3A_1043] {strides = array<i32>} : memref<80x16xf32, #tpu.memory_space<vmem>>, vector<1x16xf32>,
    %swap3A_1045 = vector.shape_cast %swap3A_1044 : vector<1x16xf32> to vector<16xf32>
    %swap3A_1046 = vector.shape_cast %broadcast_in_dim3A_962 : vector<16xf32> to vector<1x16xf32>
    tpu.vector_store %arg11[%swap3A_1042, %swap3A_1043], %swap3A_1046 {strides = array<i32>} : memref<80x16xf32, #tpu.memory_space<vmem>>, vector<1x16xf32>,
    %swap3A_1047 = arith.constant 14 : i32
    %swap3A_1048 = arith.index_cast %swap3A_1047 : i32 to index
    %swap3A_1049 = arith.constant 0 : index
    %swap3A_1050 = tpu.vector_load %arg11[%swap3A_1048, %swap3A_1049] {strides = array<i32>} : memref<80x16xf32, #tpu.memory_space<vmem>>, vector<1x16xf32>,
    %swap3A_1051 = vector.shape_cast %swap3A_1050 : vector<1x16xf32> to vector<16xf32>
    %swap3A_1052 = vector.shape_cast %broadcast_in_dim3A_962 : vector<16xf32> to vector<1x16xf32>
    tpu.vector_store %arg11[%swap3A_1048, %swap3A_1049], %swap3A_1052 {strides = array<i32>} : memref<80x16xf32, #tpu.memory_space<vmem>>, vector<1x16xf32>,
    %swap3A_1053 = arith.constant 15 : i32
    %swap3A_1054 = arith.index_cast %swap3A_1053 : i32 to index
    %swap3A_1055 = arith.constant 0 : index
    %swap3A_1056 = tpu.vector_load %arg11[%swap3A_1054, %swap3A_1055] {strides = array<i32>} : memref<80x16xf32, #tpu.memory_space<vmem>>, vector<1x16xf32>,
    %swap3A_1057 = vector.shape_cast %swap3A_1056 : vector<1x16xf32> to vector<16xf32>
    %swap3A_1058 = vector.shape_cast %broadcast_in_dim3A_962 : vector<16xf32> to vector<1x16xf32>
    tpu.vector_store %arg11[%swap3A_1054, %swap3A_1055], %swap3A_1058 {strides = array<i32>} : memref<80x16xf32, #tpu.memory_space<vmem>>, vector<1x16xf32>,
    %swap3A_1059 = arith.constant 16 : i32
    %swap3A_1060 = arith.index_cast %swap3A_1059 : i32 to index
    %swap3A_1061 = arith.constant 0 : index
    %swap3A_1062 = tpu.vector_load %arg11[%swap3A_1060, %swap3A_1061] {strides = array<i32>} : memref<80x16xf32, #tpu.memory_space<vmem>>, vector<1x16xf32>,
    %swap3A_1063 = vector.shape_cast %swap3A_1062 : vector<1x16xf32> to vector<16xf32>
    %swap3A_1064 = vector.shape_cast %broadcast_in_dim3A_962 : vector<16xf32> to vector<1x16xf32>
    tpu.vector_store %arg11[%swap3A_1060, %swap3A_1061], %swap3A_1064 {strides = array<i32>} : memref<80x16xf32, #tpu.memory_space<vmem>>, vector<1x16xf32>,
    %swap3A_1065 = arith.constant 17 : i32
    %swap3A_1066 = arith.index_cast %swap3A_1065 : i32 to index
    %swap3A_1067 = arith.constant 0 : index
    %swap3A_1068 = tpu.vector_load %arg11[%swap3A_1066, %swap3A_1067] {strides = array<i32>} : memref<80x16xf32, #tpu.memory_space<vmem>>, vector<1x16xf32>,
    %swap3A_1069 = vector.shape_cast %swap3A_1068 : vector<1x16xf32> to vector<16xf32>
    %swap3A_1070 = vector.shape_cast %broadcast_in_dim3A_962 : vector<16xf32> to vector<1x16xf32>
    tpu.vector_store %arg11[%swap3A_1066, %swap3A_1067], %swap3A_1070 {strides = array<i32>} : memref<80x16xf32, #tpu.memory_space<vmem>>, vector<1x16xf32>,
    %swap3A_1071 = arith.constant 18 : i32
    %swap3A_1072 = arith.index_cast %swap3A_1071 : i32 to index
    %swap3A_1073 = arith.constant 0 : index
    %swap3A_1074 = tpu.vector_load %arg11[%swap3A_1072, %swap3A_1073] {strides = array<i32>} : memref<80x16xf32, #tpu.memory_space<vmem>>, vector<1x16xf32>,
    %swap3A_1075 = vector.shape_cast %swap3A_1074 : vector<1x16xf32> to vector<16xf32>
    %swap3A_1076 = vector.shape_cast %broadcast_in_dim3A_962 : vector<16xf32> to vector<1x16xf32>
    tpu.vector_store %arg11[%swap3A_1072, %swap3A_1073], %swap3A_1076 {strides = array<i32>} : memref<80x16xf32, #tpu.memory_space<vmem>>, vector<1x16xf32>,
    %swap3A_1077 = arith.constant 19 : i32
    %swap3A_1078 = arith.index_cast %swap3A_1077 : i32 to index
    %swap3A_1079 = arith.constant 0 : index
    %swap3A_1080 = tpu.vector_load %arg11[%swap3A_1078, %swap3A_1079] {strides = array<i32>} : memref<80x16xf32, #tpu.memory_space<vmem>>, vector<1x16xf32>,
    %swap3A_1081 = vector.shape_cast %swap3A_1080 : vector<1x16xf32> to vector<16xf32>
    %swap3A_1082 = vector.shape_cast %broadcast_in_dim3A_962 : vector<16xf32> to vector<1x16xf32>
    tpu.vector_store %arg11[%swap3A_1078, %swap3A_1079], %swap3A_1082 {strides = array<i32>} : memref<80x16xf32, #tpu.memory_space<vmem>>, vector<1x16xf32>,
    %swap3A_1083 = arith.constant 20 : i32
    %swap3A_1084 = arith.index_cast %swap3A_1083 : i32 to index
    %swap3A_1085 = arith.constant 0 : index
    %swap3A_1086 = tpu.vector_load %arg11[%swap3A_1084, %swap3A_1085] {strides = array<i32>} : memref<80x16xf32, #tpu.memory_space<vmem>>, vector<1x16xf32>,
    %swap3A_1087 = vector.shape_cast %swap3A_1086 : vector<1x16xf32> to vector<16xf32>
    %swap3A_1088 = vector.shape_cast %broadcast_in_dim3A_962 : vector<16xf32> to vector<1x16xf32>
    tpu.vector_store %arg11[%swap3A_1084, %swap3A_1085], %swap3A_1088 {strides = array<i32>} : memref<80x16xf32, #tpu.memory_space<vmem>>, vector<1x16xf32>,
    %swap3A_1089 = arith.constant 21 : i32
    %swap3A_1090 = arith.index_cast %swap3A_1089 : i32 to index
    %swap3A_1091 = arith.constant 0 : index
    %swap3A_1092 = tpu.vector_load %arg11[%swap3A_1090, %swap3A_1091] {strides = array<i32>} : memref<80x16xf32, #tpu.memory_space<vmem>>, vector<1x16xf32>,
    %swap3A_1093 = vector.shape_cast %swap3A_1092 : vector<1x16xf32> to vector<16xf32>
    %swap3A_1094 = vector.shape_cast %broadcast_in_dim3A_962 : vector<16xf32> to vector<1x16xf32>
    tpu.vector_store %arg11[%swap3A_1090, %swap3A_1091], %swap3A_1094 {strides = array<i32>} : memref<80x16xf32, #tpu.memory_space<vmem>>, vector<1x16xf32>,
    %swap3A_1095 = arith.constant 22 : i32
    %swap3A_1096 = arith.index_cast %swap3A_1095 : i32 to index
    %swap3A_1097 = arith.constant 0 : index
    %swap3A_1098 = tpu.vector_load %arg11[%swap3A_1096, %swap3A_1097] {strides = array<i32>} : memref<80x16xf32, #tpu.memory_space<vmem>>, vector<1x16xf32>,
    %swap3A_1099 = vector.shape_cast %swap3A_1098 : vector<1x16xf32> to vector<16xf32>
    %swap3A_1100 = vector.shape_cast %broadcast_in_dim3A_962 : vector<16xf32> to vector<1x16xf32>
    tpu.vector_store %arg11[%swap3A_1096, %swap3A_1097], %swap3A_1100 {strides = array<i32>} : memref<80x16xf32, #tpu.memory_space<vmem>>, vector<1x16xf32>,
    %swap3A_1101 = arith.constant 23 : i32
    %swap3A_1102 = arith.index_cast %swap3A_1101 : i32 to index
    %swap3A_1103 = arith.constant 0 : index
    %swap3A_1104 = tpu.vector_load %arg11[%swap3A_1102, %swap3A_1103] {strides = array<i32>} : memref<80x16xf32, #tpu.memory_space<vmem>>, vector<1x16xf32>,
    %swap3A_1105 = vector.shape_cast %swap3A_1104 : vector<1x16xf32> to vector<16xf32>
    %swap3A_1106 = vector.shape_cast %broadcast_in_dim3A_962 : vector<16xf32> to vector<1x16xf32>
    tpu.vector_store %arg11[%swap3A_1102, %swap3A_1103], %swap3A_1106 {strides = array<i32>} : memref<80x16xf32, #tpu.memory_space<vmem>>, vector<1x16xf32>,
    %swap3A_1107 = arith.constant 24 : i32
    %swap3A_1108 = arith.index_cast %swap3A_1107 : i32 to index
    %swap3A_1109 = arith.constant 0 : index
    %swap3A_1110 = tpu.vector_load %arg11[%swap3A_1108, %swap3A_1109] {strides = array<i32>} : memref<80x16xf32, #tpu.memory_space<vmem>>, vector<1x16xf32>,
    %swap3A_1111 = vector.shape_cast %swap3A_1110 : vector<1x16xf32> to vector<16xf32>
    %swap3A_1112 = vector.shape_cast %broadcast_in_dim3A_962 : vector<16xf32> to vector<1x16xf32>
    tpu.vector_store %arg11[%swap3A_1108, %swap3A_1109], %swap3A_1112 {strides = array<i32>} : memref<80x16xf32, #tpu.memory_space<vmem>>, vector<1x16xf32>,
    %swap3A_1113 = arith.constant 25 : i32
    %swap3A_1114 = arith.index_cast %swap3A_1113 : i32 to index
    %swap3A_1115 = arith.constant 0 : index
    %swap3A_1116 = tpu.vector_load %arg11[%swap3A_1114, %swap3A_1115] {strides = array<i32>} : memref<80x16xf32, #tpu.memory_space<vmem>>, vector<1x16xf32>,
    %swap3A_1117 = vector.shape_cast %swap3A_1116 : vector<1x16xf32> to vector<16xf32>
    %swap3A_1118 = vector.shape_cast %broadcast_in_dim3A_962 : vector<16xf32> to vector<1x16xf32>
    tpu.vector_store %arg11[%swap3A_1114, %swap3A_1115], %swap3A_1118 {strides = array<i32>} : memref<80x16xf32, #tpu.memory_space<vmem>>, vector<1x16xf32>,
    %swap3A_1119 = arith.constant 26 : i32
    %swap3A_1120 = arith.index_cast %swap3A_1119 : i32 to index
    %swap3A_1121 = arith.constant 0 : index
    %swap3A_1122 = tpu.vector_load %arg11[%swap3A_1120, %swap3A_1121] {strides = array<i32>} : memref<80x16xf32, #tpu.memory_space<vmem>>, vector<1x16xf32>,
    %swap3A_1123 = vector.shape_cast %swap3A_1122 : vector<1x16xf32> to vector<16xf32>
    %swap3A_1124 = vector.shape_cast %broadcast_in_dim3A_962 : vector<16xf32> to vector<1x16xf32>
    tpu.vector_store %arg11[%swap3A_1120, %swap3A_1121], %swap3A_1124 {strides = array<i32>} : memref<80x16xf32, #tpu.memory_space<vmem>>, vector<1x16xf32>,
    %swap3A_1125 = arith.constant 27 : i32
    %swap3A_1126 = arith.index_cast %swap3A_1125 : i32 to index
    %swap3A_1127 = arith.constant 0 : index
    %swap3A_1128 = tpu.vector_load %arg11[%swap3A_1126, %swap3A_1127] {strides = array<i32>} : memref<80x16xf32, #tpu.memory_space<vmem>>, vector<1x16xf32>,
    %swap3A_1129 = vector.shape_cast %swap3A_1128 : vector<1x16xf32> to vector<16xf32>
    %swap3A_1130 = vector.shape_cast %broadcast_in_dim3A_962 : vector<16xf32> to vector<1x16xf32>
    tpu.vector_store %arg11[%swap3A_1126, %swap3A_1127], %swap3A_1130 {strides = array<i32>} : memref<80x16xf32, #tpu.memory_space<vmem>>, vector<1x16xf32>,
    %swap3A_1131 = arith.constant 28 : i32
    %swap3A_1132 = arith.index_cast %swap3A_1131 : i32 to index
    %swap3A_1133 = arith.constant 0 : index
    %swap3A_1134 = tpu.vector_load %arg11[%swap3A_1132, %swap3A_1133] {strides = array<i32>} : memref<80x16xf32, #tpu.memory_space<vmem>>, vector<1x16xf32>,
    %swap3A_1135 = vector.shape_cast %swap3A_1134 : vector<1x16xf32> to vector<16xf32>
    %swap3A_1136 = vector.shape_cast %broadcast_in_dim3A_962 : vector<16xf32> to vector<1x16xf32>
    tpu.vector_store %arg11[%swap3A_1132, %swap3A_1133], %swap3A_1136 {strides = array<i32>} : memref<80x16xf32, #tpu.memory_space<vmem>>, vector<1x16xf32>,
    %swap3A_1137 = arith.constant 29 : i32
    %swap3A_1138 = arith.index_cast %swap3A_1137 : i32 to index
    %swap3A_1139 = arith.constant 0 : index
    %swap3A_1140 = tpu.vector_load %arg11[%swap3A_1138, %swap3A_1139] {strides = array<i32>} : memref<80x16xf32, #tpu.memory_space<vmem>>, vector<1x16xf32>,
    %swap3A_1141 = vector.shape_cast %swap3A_1140 : vector<1x16xf32> to vector<16xf32>
    %swap3A_1142 = vector.shape_cast %broadcast_in_dim3A_962 : vector<16xf32> to vector<1x16xf32>
    tpu.vector_store %arg11[%swap3A_1138, %swap3A_1139], %swap3A_1142 {strides = array<i32>} : memref<80x16xf32, #tpu.memory_space<vmem>>, vector<1x16xf32>,
    %swap3A_1143 = arith.constant 30 : i32
    %swap3A_1144 = arith.index_cast %swap3A_1143 : i32 to index
    %swap3A_1145 = arith.constant 0 : index
    %swap3A_1146 = tpu.vector_load %arg11[%swap3A_1144, %swap3A_1145] {strides = array<i32>} : memref<80x16xf32, #tpu.memory_space<vmem>>, vector<1x16xf32>,
    %swap3A_1147 = vector.shape_cast %swap3A_1146 : vector<1x16xf32> to vector<16xf32>
    %swap3A_1148 = vector.shape_cast %broadcast_in_dim3A_962 : vector<16xf32> to vector<1x16xf32>
    tpu.vector_store %arg11[%swap3A_1144, %swap3A_1145], %swap3A_1148 {strides = array<i32>} : memref<80x16xf32, #tpu.memory_space<vmem>>, vector<1x16xf32>,
    %swap3A_1149 = arith.constant 31 : i32
    %swap3A_1150 = arith.index_cast %swap3A_1149 : i32 to index
    %swap3A_1151 = arith.constant 0 : index
    %swap3A_1152 = tpu.vector_load %arg11[%swap3A_1150, %swap3A_1151] {strides = array<i32>} : memref<80x16xf32, #tpu.memory_space<vmem>>, vector<1x16xf32>,
    %swap3A_1153 = vector.shape_cast %swap3A_1152 : vector<1x16xf32> to vector<16xf32>
    %swap3A_1154 = vector.shape_cast %broadcast_in_dim3A_962 : vector<16xf32> to vector<1x16xf32>
    tpu.vector_store %arg11[%swap3A_1150, %swap3A_1151], %swap3A_1154 {strides = array<i32>} : memref<80x16xf32, #tpu.memory_space<vmem>>, vector<1x16xf32>,
    %swap3A_1155 = arith.constant 32 : i32
    %swap3A_1156 = arith.index_cast %swap3A_1155 : i32 to index
    %swap3A_1157 = arith.constant 0 : index
    %swap3A_1158 = tpu.vector_load %arg11[%swap3A_1156, %swap3A_1157] {strides = array<i32>} : memref<80x16xf32, #tpu.memory_space<vmem>>, vector<1x16xf32>,
    %swap3A_1159 = vector.shape_cast %swap3A_1158 : vector<1x16xf32> to vector<16xf32>
    %swap3A_1160 = vector.shape_cast %broadcast_in_dim3A_962 : vector<16xf32> to vector<1x16xf32>
    tpu.vector_store %arg11[%swap3A_1156, %swap3A_1157], %swap3A_1160 {strides = array<i32>} : memref<80x16xf32, #tpu.memory_space<vmem>>, vector<1x16xf32>,
    %swap3A_1161 = arith.constant 33 : i32
    %swap3A_1162 = arith.index_cast %swap3A_1161 : i32 to index
    %swap3A_1163 = arith.constant 0 : index
    %swap3A_1164 = tpu.vector_load %arg11[%swap3A_1162, %swap3A_1163] {strides = array<i32>} : memref<80x16xf32, #tpu.memory_space<vmem>>, vector<1x16xf32>,
    %swap3A_1165 = vector.shape_cast %swap3A_1164 : vector<1x16xf32> to vector<16xf32>
    %swap3A_1166 = vector.shape_cast %broadcast_in_dim3A_962 : vector<16xf32> to vector<1x16xf32>
    tpu.vector_store %arg11[%swap3A_1162, %swap3A_1163], %swap3A_1166 {strides = array<i32>} : memref<80x16xf32, #tpu.memory_space<vmem>>, vector<1x16xf32>,
    %swap3A_1167 = arith.constant 34 : i32
    %swap3A_1168 = arith.index_cast %swap3A_1167 : i32 to index
    %swap3A_1169 = arith.constant 0 : index
    %swap3A_1170 = tpu.vector_load %arg11[%swap3A_1168, %swap3A_1169] {strides = array<i32>} : memref<80x16xf32, #tpu.memory_space<vmem>>, vector<1x16xf32>,
    %swap3A_1171 = vector.shape_cast %swap3A_1170 : vector<1x16xf32> to vector<16xf32>
    %swap3A_1172 = vector.shape_cast %broadcast_in_dim3A_962 : vector<16xf32> to vector<1x16xf32>
    tpu.vector_store %arg11[%swap3A_1168, %swap3A_1169], %swap3A_1172 {strides = array<i32>} : memref<80x16xf32, #tpu.memory_space<vmem>>, vector<1x16xf32>,
    %swap3A_1173 = arith.constant 35 : i32
    %swap3A_1174 = arith.index_cast %swap3A_1173 : i32 to index
    %swap3A_1175 = arith.constant 0 : index
    %swap3A_1176 = tpu.vector_load %arg11[%swap3A_1174, %swap3A_1175] {strides = array<i32>} : memref<80x16xf32, #tpu.memory_space<vmem>>, vector<1x16xf32>,
    %swap3A_1177 = vector.shape_cast %swap3A_1176 : vector<1x16xf32> to vector<16xf32>
    %swap3A_1178 = vector.shape_cast %broadcast_in_dim3A_962 : vector<16xf32> to vector<1x16xf32>
    tpu.vector_store %arg11[%swap3A_1174, %swap3A_1175], %swap3A_1178 {strides = array<i32>} : memref<80x16xf32, #tpu.memory_space<vmem>>, vector<1x16xf32>,
    %swap3A_1179 = arith.constant 36 : i32
    %swap3A_1180 = arith.index_cast %swap3A_1179 : i32 to index
    %swap3A_1181 = arith.constant 0 : index
    %swap3A_1182 = tpu.vector_load %arg11[%swap3A_1180, %swap3A_1181] {strides = array<i32>} : memref<80x16xf32, #tpu.memory_space<vmem>>, vector<1x16xf32>,
    %swap3A_1183 = vector.shape_cast %swap3A_1182 : vector<1x16xf32> to vector<16xf32>
    %swap3A_1184 = vector.shape_cast %broadcast_in_dim3A_962 : vector<16xf32> to vector<1x16xf32>
    tpu.vector_store %arg11[%swap3A_1180, %swap3A_1181], %swap3A_1184 {strides = array<i32>} : memref<80x16xf32, #tpu.memory_space<vmem>>, vector<1x16xf32>,
    %swap3A_1185 = arith.constant 37 : i32
    %swap3A_1186 = arith.index_cast %swap3A_1185 : i32 to index
    %swap3A_1187 = arith.constant 0 : index
    %swap3A_1188 = tpu.vector_load %arg11[%swap3A_1186, %swap3A_1187] {strides = array<i32>} : memref<80x16xf32, #tpu.memory_space<vmem>>, vector<1x16xf32>,
    %swap3A_1189 = vector.shape_cast %swap3A_1188 : vector<1x16xf32> to vector<16xf32>
    %swap3A_1190 = vector.shape_cast %broadcast_in_dim3A_962 : vector<16xf32> to vector<1x16xf32>
    tpu.vector_store %arg11[%swap3A_1186, %swap3A_1187], %swap3A_1190 {strides = array<i32>} : memref<80x16xf32, #tpu.memory_space<vmem>>, vector<1x16xf32>,
    %swap3A_1191 = arith.constant 38 : i32
    %swap3A_1192 = arith.index_cast %swap3A_1191 : i32 to index
    %swap3A_1193 = arith.constant 0 : index
    %swap3A_1194 = tpu.vector_load %arg11[%swap3A_1192, %swap3A_1193] {strides = array<i32>} : memref<80x16xf32, #tpu.memory_space<vmem>>, vector<1x16xf32>,
    %swap3A_1195 = vector.shape_cast %swap3A_1194 : vector<1x16xf32> to vector<16xf32>
    %swap3A_1196 = vector.shape_cast %broadcast_in_dim3A_962 : vector<16xf32> to vector<1x16xf32>
    tpu.vector_store %arg11[%swap3A_1192, %swap3A_1193], %swap3A_1196 {strides = array<i32>} : memref<80x16xf32, #tpu.memory_space<vmem>>, vector<1x16xf32>,
    %swap3A_1197 = arith.constant 39 : i32
    %swap3A_1198 = arith.index_cast %swap3A_1197 : i32 to index
    %swap3A_1199 = arith.constant 0 : index
    %swap3A_1200 = tpu.vector_load %arg11[%swap3A_1198, %swap3A_1199] {strides = array<i32>} : memref<80x16xf32, #tpu.memory_space<vmem>>, vector<1x16xf32>,
    %swap3A_1201 = vector.shape_cast %swap3A_1200 : vector<1x16xf32> to vector<16xf32>
    %swap3A_1202 = vector.shape_cast %broadcast_in_dim3A_962 : vector<16xf32> to vector<1x16xf32>
    tpu.vector_store %arg11[%swap3A_1198, %swap3A_1199], %swap3A_1202 {strides = array<i32>} : memref<80x16xf32, #tpu.memory_space<vmem>>, vector<1x16xf32>,
    %swap3A_1203 = arith.constant 40 : i32
    %swap3A_1204 = arith.index_cast %swap3A_1203 : i32 to index
    %swap3A_1205 = arith.constant 0 : index
    %swap3A_1206 = tpu.vector_load %arg11[%swap3A_1204, %swap3A_1205] {strides = array<i32>} : memref<80x16xf32, #tpu.memory_space<vmem>>, vector<1x16xf32>,
    %swap3A_1207 = vector.shape_cast %swap3A_1206 : vector<1x16xf32> to vector<16xf32>
    %swap3A_1208 = vector.shape_cast %broadcast_in_dim3A_962 : vector<16xf32> to vector<1x16xf32>
    tpu.vector_store %arg11[%swap3A_1204, %swap3A_1205], %swap3A_1208 {strides = array<i32>} : memref<80x16xf32, #tpu.memory_space<vmem>>, vector<1x16xf32>,
    %swap3A_1209 = arith.constant 41 : i32
    %swap3A_1210 = arith.index_cast %swap3A_1209 : i32 to index
    %swap3A_1211 = arith.constant 0 : index
    %swap3A_1212 = tpu.vector_load %arg11[%swap3A_1210, %swap3A_1211] {strides = array<i32>} : memref<80x16xf32, #tpu.memory_space<vmem>>, vector<1x16xf32>,
    %swap3A_1213 = vector.shape_cast %swap3A_1212 : vector<1x16xf32> to vector<16xf32>
    %swap3A_1214 = vector.shape_cast %broadcast_in_dim3A_962 : vector<16xf32> to vector<1x16xf32>
    tpu.vector_store %arg11[%swap3A_1210, %swap3A_1211], %swap3A_1214 {strides = array<i32>} : memref<80x16xf32, #tpu.memory_space<vmem>>, vector<1x16xf32>,
    %swap3A_1215 = arith.constant 42 : i32
    %swap3A_1216 = arith.index_cast %swap3A_1215 : i32 to index
    %swap3A_1217 = arith.constant 0 : index
    %swap3A_1218 = tpu.vector_load %arg11[%swap3A_1216, %swap3A_1217] {strides = array<i32>} : memref<80x16xf32, #tpu.memory_space<vmem>>, vector<1x16xf32>,
    %swap3A_1219 = vector.shape_cast %swap3A_1218 : vector<1x16xf32> to vector<16xf32>
    %swap3A_1220 = vector.shape_cast %broadcast_in_dim3A_962 : vector<16xf32> to vector<1x16xf32>
    tpu.vector_store %arg11[%swap3A_1216, %swap3A_1217], %swap3A_1220 {strides = array<i32>} : memref<80x16xf32, #tpu.memory_space<vmem>>, vector<1x16xf32>,
    %swap3A_1221 = arith.constant 43 : i32
    %swap3A_1222 = arith.index_cast %swap3A_1221 : i32 to index
    %swap3A_1223 = arith.constant 0 : index
    %swap3A_1224 = tpu.vector_load %arg11[%swap3A_1222, %swap3A_1223] {strides = array<i32>} : memref<80x16xf32, #tpu.memory_space<vmem>>, vector<1x16xf32>,
    %swap3A_1225 = vector.shape_cast %swap3A_1224 : vector<1x16xf32> to vector<16xf32>
    %swap3A_1226 = vector.shape_cast %broadcast_in_dim3A_962 : vector<16xf32> to vector<1x16xf32>
    tpu.vector_store %arg11[%swap3A_1222, %swap3A_1223], %swap3A_1226 {strides = array<i32>} : memref<80x16xf32, #tpu.memory_space<vmem>>, vector<1x16xf32>,
    %swap3A_1227 = arith.constant 44 : i32
    %swap3A_1228 = arith.index_cast %swap3A_1227 : i32 to index
    %swap3A_1229 = arith.constant 0 : index
    %swap3A_1230 = tpu.vector_load %arg11[%swap3A_1228, %swap3A_1229] {strides = array<i32>} : memref<80x16xf32, #tpu.memory_space<vmem>>, vector<1x16xf32>,
    %swap3A_1231 = vector.shape_cast %swap3A_1230 : vector<1x16xf32> to vector<16xf32>
    %swap3A_1232 = vector.shape_cast %broadcast_in_dim3A_962 : vector<16xf32> to vector<1x16xf32>
    tpu.vector_store %arg11[%swap3A_1228, %swap3A_1229], %swap3A_1232 {strides = array<i32>} : memref<80x16xf32, #tpu.memory_space<vmem>>, vector<1x16xf32>,
    %swap3A_1233 = arith.constant 45 : i32
    %swap3A_1234 = arith.index_cast %swap3A_1233 : i32 to index
    %swap3A_1235 = arith.constant 0 : index
    %swap3A_1236 = tpu.vector_load %arg11[%swap3A_1234, %swap3A_1235] {strides = array<i32>} : memref<80x16xf32, #tpu.memory_space<vmem>>, vector<1x16xf32>,
    %swap3A_1237 = vector.shape_cast %swap3A_1236 : vector<1x16xf32> to vector<16xf32>
    %swap3A_1238 = vector.shape_cast %broadcast_in_dim3A_962 : vector<16xf32> to vector<1x16xf32>
    tpu.vector_store %arg11[%swap3A_1234, %swap3A_1235], %swap3A_1238 {strides = array<i32>} : memref<80x16xf32, #tpu.memory_space<vmem>>, vector<1x16xf32>,
    %swap3A_1239 = arith.constant 46 : i32
    %swap3A_1240 = arith.index_cast %swap3A_1239 : i32 to index
    %swap3A_1241 = arith.constant 0 : index
    %swap3A_1242 = tpu.vector_load %arg11[%swap3A_1240, %swap3A_1241] {strides = array<i32>} : memref<80x16xf32, #tpu.memory_space<vmem>>, vector<1x16xf32>,
    %swap3A_1243 = vector.shape_cast %swap3A_1242 : vector<1x16xf32> to vector<16xf32>
    %swap3A_1244 = vector.shape_cast %broadcast_in_dim3A_962 : vector<16xf32> to vector<1x16xf32>
    tpu.vector_store %arg11[%swap3A_1240, %swap3A_1241], %swap3A_1244 {strides = array<i32>} : memref<80x16xf32, #tpu.memory_space<vmem>>, vector<1x16xf32>,
    %swap3A_1245 = arith.constant 47 : i32
    %swap3A_1246 = arith.index_cast %swap3A_1245 : i32 to index
    %swap3A_1247 = arith.constant 0 : index
    %swap3A_1248 = tpu.vector_load %arg11[%swap3A_1246, %swap3A_1247] {strides = array<i32>} : memref<80x16xf32, #tpu.memory_space<vmem>>, vector<1x16xf32>,
    %swap3A_1249 = vector.shape_cast %swap3A_1248 : vector<1x16xf32> to vector<16xf32>
    %swap3A_1250 = vector.shape_cast %broadcast_in_dim3A_962 : vector<16xf32> to vector<1x16xf32>
    tpu.vector_store %arg11[%swap3A_1246, %swap3A_1247], %swap3A_1250 {strides = array<i32>} : memref<80x16xf32, #tpu.memory_space<vmem>>, vector<1x16xf32>,
    %swap3A_1251 = arith.constant 48 : i32
    %swap3A_1252 = arith.index_cast %swap3A_1251 : i32 to index
    %swap3A_1253 = arith.constant 0 : index
    %swap3A_1254 = tpu.vector_load %arg11[%swap3A_1252, %swap3A_1253] {strides = array<i32>} : memref<80x16xf32, #tpu.memory_space<vmem>>, vector<1x16xf32>,
    %swap3A_1255 = vector.shape_cast %swap3A_1254 : vector<1x16xf32> to vector<16xf32>
    %swap3A_1256 = vector.shape_cast %broadcast_in_dim3A_962 : vector<16xf32> to vector<1x16xf32>
    tpu.vector_store %arg11[%swap3A_1252, %swap3A_1253], %swap3A_1256 {strides = array<i32>} : memref<80x16xf32, #tpu.memory_space<vmem>>, vector<1x16xf32>,
    %swap3A_1257 = arith.constant 49 : i32
    %swap3A_1258 = arith.index_cast %swap3A_1257 : i32 to index
    %swap3A_1259 = arith.constant 0 : index
    %swap3A_1260 = tpu.vector_load %arg11[%swap3A_1258, %swap3A_1259] {strides = array<i32>} : memref<80x16xf32, #tpu.memory_space<vmem>>, vector<1x16xf32>,
    %swap3A_1261 = vector.shape_cast %swap3A_1260 : vector<1x16xf32> to vector<16xf32>
    %swap3A_1262 = vector.shape_cast %broadcast_in_dim3A_962 : vector<16xf32> to vector<1x16xf32>
    tpu.vector_store %arg11[%swap3A_1258, %swap3A_1259], %swap3A_1262 {strides = array<i32>} : memref<80x16xf32, #tpu.memory_space<vmem>>, vector<1x16xf32>,
    %swap3A_1263 = arith.constant 50 : i32
    %swap3A_1264 = arith.index_cast %swap3A_1263 : i32 to index
    %swap3A_1265 = arith.constant 0 : index
    %swap3A_1266 = tpu.vector_load %arg11[%swap3A_1264, %swap3A_1265] {strides = array<i32>} : memref<80x16xf32, #tpu.memory_space<vmem>>, vector<1x16xf32>,
    %swap3A_1267 = vector.shape_cast %swap3A_1266 : vector<1x16xf32> to vector<16xf32>
    %swap3A_1268 = vector.shape_cast %broadcast_in_dim3A_962 : vector<16xf32> to vector<1x16xf32>
    tpu.vector_store %arg11[%swap3A_1264, %swap3A_1265], %swap3A_1268 {strides = array<i32>} : memref<80x16xf32, #tpu.memory_space<vmem>>, vector<1x16xf32>,
    %swap3A_1269 = arith.constant 51 : i32
    %swap3A_1270 = arith.index_cast %swap3A_1269 : i32 to index
    %swap3A_1271 = arith.constant 0 : index
    %swap3A_1272 = tpu.vector_load %arg11[%swap3A_1270, %swap3A_1271] {strides = array<i32>} : memref<80x16xf32, #tpu.memory_space<vmem>>, vector<1x16xf32>,
    %swap3A_1273 = vector.shape_cast %swap3A_1272 : vector<1x16xf32> to vector<16xf32>
    %swap3A_1274 = vector.shape_cast %broadcast_in_dim3A_962 : vector<16xf32> to vector<1x16xf32>
    tpu.vector_store %arg11[%swap3A_1270, %swap3A_1271], %swap3A_1274 {strides = array<i32>} : memref<80x16xf32, #tpu.memory_space<vmem>>, vector<1x16xf32>,
    %swap3A_1275 = arith.constant 52 : i32
    %swap3A_1276 = arith.index_cast %swap3A_1275 : i32 to index
    %swap3A_1277 = arith.constant 0 : index
    %swap3A_1278 = tpu.vector_load %arg11[%swap3A_1276, %swap3A_1277] {strides = array<i32>} : memref<80x16xf32, #tpu.memory_space<vmem>>, vector<1x16xf32>,
    %swap3A_1279 = vector.shape_cast %swap3A_1278 : vector<1x16xf32> to vector<16xf32>
    %swap3A_1280 = vector.shape_cast %broadcast_in_dim3A_962 : vector<16xf32> to vector<1x16xf32>
    tpu.vector_store %arg11[%swap3A_1276, %swap3A_1277], %swap3A_1280 {strides = array<i32>} : memref<80x16xf32, #tpu.memory_space<vmem>>, vector<1x16xf32>,
    %swap3A_1281 = arith.constant 53 : i32
    %swap3A_1282 = arith.index_cast %swap3A_1281 : i32 to index
    %swap3A_1283 = arith.constant 0 : index
    %swap3A_1284 = tpu.vector_load %arg11[%swap3A_1282, %swap3A_1283] {strides = array<i32>} : memref<80x16xf32, #tpu.memory_space<vmem>>, vector<1x16xf32>,
    %swap3A_1285 = vector.shape_cast %swap3A_1284 : vector<1x16xf32> to vector<16xf32>
    %swap3A_1286 = vector.shape_cast %broadcast_in_dim3A_962 : vector<16xf32> to vector<1x16xf32>
    tpu.vector_store %arg11[%swap3A_1282, %swap3A_1283], %swap3A_1286 {strides = array<i32>} : memref<80x16xf32, #tpu.memory_space<vmem>>, vector<1x16xf32>,
    %swap3A_1287 = arith.constant 54 : i32
    %swap3A_1288 = arith.index_cast %swap3A_1287 : i32 to index
    %swap3A_1289 = arith.constant 0 : index
    %swap3A_1290 = tpu.vector_load %arg11[%swap3A_1288, %swap3A_1289] {strides = array<i32>} : memref<80x16xf32, #tpu.memory_space<vmem>>, vector<1x16xf32>,
    %swap3A_1291 = vector.shape_cast %swap3A_1290 : vector<1x16xf32> to vector<16xf32>
    %swap3A_1292 = vector.shape_cast %broadcast_in_dim3A_962 : vector<16xf32> to vector<1x16xf32>
    tpu.vector_store %arg11[%swap3A_1288, %swap3A_1289], %swap3A_1292 {strides = array<i32>} : memref<80x16xf32, #tpu.memory_space<vmem>>, vector<1x16xf32>,
    %swap3A_1293 = arith.constant 55 : i32
    %swap3A_1294 = arith.index_cast %swap3A_1293 : i32 to index
    %swap3A_1295 = arith.constant 0 : index
    %swap3A_1296 = tpu.vector_load %arg11[%swap3A_1294, %swap3A_1295] {strides = array<i32>} : memref<80x16xf32, #tpu.memory_space<vmem>>, vector<1x16xf32>,
    %swap3A_1297 = vector.shape_cast %swap3A_1296 : vector<1x16xf32> to vector<16xf32>
    %swap3A_1298 = vector.shape_cast %broadcast_in_dim3A_962 : vector<16xf32> to vector<1x16xf32>
    tpu.vector_store %arg11[%swap3A_1294, %swap3A_1295], %swap3A_1298 {strides = array<i32>} : memref<80x16xf32, #tpu.memory_space<vmem>>, vector<1x16xf32>,
    %swap3A_1299 = arith.constant 56 : i32
    %swap3A_1300 = arith.index_cast %swap3A_1299 : i32 to index
    %swap3A_1301 = arith.constant 0 : index
    %swap3A_1302 = tpu.vector_load %arg11[%swap3A_1300, %swap3A_1301] {strides = array<i32>} : memref<80x16xf32, #tpu.memory_space<vmem>>, vector<1x16xf32>,
    %swap3A_1303 = vector.shape_cast %swap3A_1302 : vector<1x16xf32> to vector<16xf32>
    %swap3A_1304 = vector.shape_cast %broadcast_in_dim3A_962 : vector<16xf32> to vector<1x16xf32>
    tpu.vector_store %arg11[%swap3A_1300, %swap3A_1301], %swap3A_1304 {strides = array<i32>} : memref<80x16xf32, #tpu.memory_space<vmem>>, vector<1x16xf32>,
    %swap3A_1305 = arith.constant 57 : i32
    %swap3A_1306 = arith.index_cast %swap3A_1305 : i32 to index
    %swap3A_1307 = arith.constant 0 : index
    %swap3A_1308 = tpu.vector_load %arg11[%swap3A_1306, %swap3A_1307] {strides = array<i32>} : memref<80x16xf32, #tpu.memory_space<vmem>>, vector<1x16xf32>,
    %swap3A_1309 = vector.shape_cast %swap3A_1308 : vector<1x16xf32> to vector<16xf32>
    %swap3A_1310 = vector.shape_cast %broadcast_in_dim3A_962 : vector<16xf32> to vector<1x16xf32>
    tpu.vector_store %arg11[%swap3A_1306, %swap3A_1307], %swap3A_1310 {strides = array<i32>} : memref<80x16xf32, #tpu.memory_space<vmem>>, vector<1x16xf32>,
    %swap3A_1311 = arith.constant 58 : i32
    %swap3A_1312 = arith.index_cast %swap3A_1311 : i32 to index
    %swap3A_1313 = arith.constant 0 : index
    %swap3A_1314 = tpu.vector_load %arg11[%swap3A_1312, %swap3A_1313] {strides = array<i32>} : memref<80x16xf32, #tpu.memory_space<vmem>>, vector<1x16xf32>,
    %swap3A_1315 = vector.shape_cast %swap3A_1314 : vector<1x16xf32> to vector<16xf32>
    %swap3A_1316 = vector.shape_cast %broadcast_in_dim3A_962 : vector<16xf32> to vector<1x16xf32>
    tpu.vector_store %arg11[%swap3A_1312, %swap3A_1313], %swap3A_1316 {strides = array<i32>} : memref<80x16xf32, #tpu.memory_space<vmem>>, vector<1x16xf32>,
    %swap3A_1317 = arith.constant 59 : i32
    %swap3A_1318 = arith.index_cast %swap3A_1317 : i32 to index
    %swap3A_1319 = arith.constant 0 : index
    %swap3A_1320 = tpu.vector_load %arg11[%swap3A_1318, %swap3A_1319] {strides = array<i32>} : memref<80x16xf32, #tpu.memory_space<vmem>>, vector<1x16xf32>,
    %swap3A_1321 = vector.shape_cast %swap3A_1320 : vector<1x16xf32> to vector<16xf32>
    %swap3A_1322 = vector.shape_cast %broadcast_in_dim3A_962 : vector<16xf32> to vector<1x16xf32>
    tpu.vector_store %arg11[%swap3A_1318, %swap3A_1319], %swap3A_1322 {strides = array<i32>} : memref<80x16xf32, #tpu.memory_space<vmem>>, vector<1x16xf32>,
    %swap3A_1323 = arith.constant 60 : i32
    %swap3A_1324 = arith.index_cast %swap3A_1323 : i32 to index
    %swap3A_1325 = arith.constant 0 : index
    %swap3A_1326 = tpu.vector_load %arg11[%swap3A_1324, %swap3A_1325] {strides = array<i32>} : memref<80x16xf32, #tpu.memory_space<vmem>>, vector<1x16xf32>,
    %swap3A_1327 = vector.shape_cast %swap3A_1326 : vector<1x16xf32> to vector<16xf32>
    %swap3A_1328 = vector.shape_cast %broadcast_in_dim3A_962 : vector<16xf32> to vector<1x16xf32>
    tpu.vector_store %arg11[%swap3A_1324, %swap3A_1325], %swap3A_1328 {strides = array<i32>} : memref<80x16xf32, #tpu.memory_space<vmem>>, vector<1x16xf32>,
    %swap3A_1329 = arith.constant 61 : i32
    %swap3A_1330 = arith.index_cast %swap3A_1329 : i32 to index
    %swap3A_1331 = arith.constant 0 : index
    %swap3A_1332 = tpu.vector_load %arg11[%swap3A_1330, %swap3A_1331] {strides = array<i32>} : memref<80x16xf32, #tpu.memory_space<vmem>>, vector<1x16xf32>,
    %swap3A_1333 = vector.shape_cast %swap3A_1332 : vector<1x16xf32> to vector<16xf32>
    %swap3A_1334 = vector.shape_cast %broadcast_in_dim3A_962 : vector<16xf32> to vector<1x16xf32>
    tpu.vector_store %arg11[%swap3A_1330, %swap3A_1331], %swap3A_1334 {strides = array<i32>} : memref<80x16xf32, #tpu.memory_space<vmem>>, vector<1x16xf32>,
    %swap3A_1335 = arith.constant 62 : i32
    %swap3A_1336 = arith.index_cast %swap3A_1335 : i32 to index
    %swap3A_1337 = arith.constant 0 : index
    %swap3A_1338 = tpu.vector_load %arg11[%swap3A_1336, %swap3A_1337] {strides = array<i32>} : memref<80x16xf32, #tpu.memory_space<vmem>>, vector<1x16xf32>,
    %swap3A_1339 = vector.shape_cast %swap3A_1338 : vector<1x16xf32> to vector<16xf32>
    %swap3A_1340 = vector.shape_cast %broadcast_in_dim3A_962 : vector<16xf32> to vector<1x16xf32>
    tpu.vector_store %arg11[%swap3A_1336, %swap3A_1337], %swap3A_1340 {strides = array<i32>} : memref<80x16xf32, #tpu.memory_space<vmem>>, vector<1x16xf32>,
    %swap3A_1341 = arith.constant 63 : i32
    %swap3A_1342 = arith.index_cast %swap3A_1341 : i32 to index
    %swap3A_1343 = arith.constant 0 : index
    %swap3A_1344 = tpu.vector_load %arg11[%swap3A_1342, %swap3A_1343] {strides = array<i32>} : memref<80x16xf32, #tpu.memory_space<vmem>>, vector<1x16xf32>,
    %swap3A_1345 = vector.shape_cast %swap3A_1344 : vector<1x16xf32> to vector<16xf32>
    %swap3A_1346 = vector.shape_cast %broadcast_in_dim3A_962 : vector<16xf32> to vector<1x16xf32>
    tpu.vector_store %arg11[%swap3A_1342, %swap3A_1343], %swap3A_1346 {strides = array<i32>} : memref<80x16xf32, #tpu.memory_space<vmem>>, vector<1x16xf32>,
    %swap3A_1347 = arith.constant 64 : i32
    %swap3A_1348 = arith.index_cast %swap3A_1347 : i32 to index
    %swap3A_1349 = arith.constant 0 : index
    %swap3A_1350 = tpu.vector_load %arg11[%swap3A_1348, %swap3A_1349] {strides = array<i32>} : memref<80x16xf32, #tpu.memory_space<vmem>>, vector<1x16xf32>,
    %swap3A_1351 = vector.shape_cast %swap3A_1350 : vector<1x16xf32> to vector<16xf32>
    %swap3A_1352 = vector.shape_cast %broadcast_in_dim3A_962 : vector<16xf32> to vector<1x16xf32>
    tpu.vector_store %arg11[%swap3A_1348, %swap3A_1349], %swap3A_1352 {strides = array<i32>} : memref<80x16xf32, #tpu.memory_space<vmem>>, vector<1x16xf32>,
    %swap3A_1353 = arith.constant 65 : i32
    %swap3A_1354 = arith.index_cast %swap3A_1353 : i32 to index
    %swap3A_1355 = arith.constant 0 : index
    %swap3A_1356 = tpu.vector_load %arg11[%swap3A_1354, %swap3A_1355] {strides = array<i32>} : memref<80x16xf32, #tpu.memory_space<vmem>>, vector<1x16xf32>,
    %swap3A_1357 = vector.shape_cast %swap3A_1356 : vector<1x16xf32> to vector<16xf32>
    %swap3A_1358 = vector.shape_cast %broadcast_in_dim3A_962 : vector<16xf32> to vector<1x16xf32>
    tpu.vector_store %arg11[%swap3A_1354, %swap3A_1355], %swap3A_1358 {strides = array<i32>} : memref<80x16xf32, #tpu.memory_space<vmem>>, vector<1x16xf32>,
    %swap3A_1359 = arith.constant 66 : i32
    %swap3A_1360 = arith.index_cast %swap3A_1359 : i32 to index
    %swap3A_1361 = arith.constant 0 : index
    %swap3A_1362 = tpu.vector_load %arg11[%swap3A_1360, %swap3A_1361] {strides = array<i32>} : memref<80x16xf32, #tpu.memory_space<vmem>>, vector<1x16xf32>,
    %swap3A_1363 = vector.shape_cast %swap3A_1362 : vector<1x16xf32> to vector<16xf32>
    %swap3A_1364 = vector.shape_cast %broadcast_in_dim3A_962 : vector<16xf32> to vector<1x16xf32>
    tpu.vector_store %arg11[%swap3A_1360, %swap3A_1361], %swap3A_1364 {strides = array<i32>} : memref<80x16xf32, #tpu.memory_space<vmem>>, vector<1x16xf32>,
    %swap3A_1365 = arith.constant 67 : i32
    %swap3A_1366 = arith.index_cast %swap3A_1365 : i32 to index
    %swap3A_1367 = arith.constant 0 : index
    %swap3A_1368 = tpu.vector_load %arg11[%swap3A_1366, %swap3A_1367] {strides = array<i32>} : memref<80x16xf32, #tpu.memory_space<vmem>>, vector<1x16xf32>,
    %swap3A_1369 = vector.shape_cast %swap3A_1368 : vector<1x16xf32> to vector<16xf32>
    %swap3A_1370 = vector.shape_cast %broadcast_in_dim3A_962 : vector<16xf32> to vector<1x16xf32>
    tpu.vector_store %arg11[%swap3A_1366, %swap3A_1367], %swap3A_1370 {strides = array<i32>} : memref<80x16xf32, #tpu.memory_space<vmem>>, vector<1x16xf32>,
    %swap3A_1371 = arith.constant 68 : i32
    %swap3A_1372 = arith.index_cast %swap3A_1371 : i32 to index
    %swap3A_1373 = arith.constant 0 : index
    %swap3A_1374 = tpu.vector_load %arg11[%swap3A_1372, %swap3A_1373] {strides = array<i32>} : memref<80x16xf32, #tpu.memory_space<vmem>>, vector<1x16xf32>,
    %swap3A_1375 = vector.shape_cast %swap3A_1374 : vector<1x16xf32> to vector<16xf32>
    %swap3A_1376 = vector.shape_cast %broadcast_in_dim3A_962 : vector<16xf32> to vector<1x16xf32>
    tpu.vector_store %arg11[%swap3A_1372, %swap3A_1373], %swap3A_1376 {strides = array<i32>} : memref<80x16xf32, #tpu.memory_space<vmem>>, vector<1x16xf32>,
    %swap3A_1377 = arith.constant 69 : i32
    %swap3A_1378 = arith.index_cast %swap3A_1377 : i32 to index
    %swap3A_1379 = arith.constant 0 : index
    %swap3A_1380 = tpu.vector_load %arg11[%swap3A_1378, %swap3A_1379] {strides = array<i32>} : memref<80x16xf32, #tpu.memory_space<vmem>>, vector<1x16xf32>,
    %swap3A_1381 = vector.shape_cast %swap3A_1380 : vector<1x16xf32> to vector<16xf32>
    %swap3A_1382 = vector.shape_cast %broadcast_in_dim3A_962 : vector<16xf32> to vector<1x16xf32>
    tpu.vector_store %arg11[%swap3A_1378, %swap3A_1379], %swap3A_1382 {strides = array<i32>} : memref<80x16xf32, #tpu.memory_space<vmem>>, vector<1x16xf32>,
    %swap3A_1383 = arith.constant 70 : i32
    %swap3A_1384 = arith.index_cast %swap3A_1383 : i32 to index
    %swap3A_1385 = arith.constant 0 : index
    %swap3A_1386 = tpu.vector_load %arg11[%swap3A_1384, %swap3A_1385] {strides = array<i32>} : memref<80x16xf32, #tpu.memory_space<vmem>>, vector<1x16xf32>,
    %swap3A_1387 = vector.shape_cast %swap3A_1386 : vector<1x16xf32> to vector<16xf32>
    %swap3A_1388 = vector.shape_cast %broadcast_in_dim3A_962 : vector<16xf32> to vector<1x16xf32>
    tpu.vector_store %arg11[%swap3A_1384, %swap3A_1385], %swap3A_1388 {strides = array<i32>} : memref<80x16xf32, #tpu.memory_space<vmem>>, vector<1x16xf32>,
    %swap3A_1389 = arith.constant 71 : i32
    %swap3A_1390 = arith.index_cast %swap3A_1389 : i32 to index
    %swap3A_1391 = arith.constant 0 : index
    %swap3A_1392 = tpu.vector_load %arg11[%swap3A_1390, %swap3A_1391] {strides = array<i32>} : memref<80x16xf32, #tpu.memory_space<vmem>>, vector<1x16xf32>,
    %swap3A_1393 = vector.shape_cast %swap3A_1392 : vector<1x16xf32> to vector<16xf32>
    %swap3A_1394 = vector.shape_cast %broadcast_in_dim3A_962 : vector<16xf32> to vector<1x16xf32>
    tpu.vector_store %arg11[%swap3A_1390, %swap3A_1391], %swap3A_1394 {strides = array<i32>} : memref<80x16xf32, #tpu.memory_space<vmem>>, vector<1x16xf32>,
    %swap3A_1395 = arith.constant 72 : i32
    %swap3A_1396 = arith.index_cast %swap3A_1395 : i32 to index
    %swap3A_1397 = arith.constant 0 : index
    %swap3A_1398 = tpu.vector_load %arg11[%swap3A_1396, %swap3A_1397] {strides = array<i32>} : memref<80x16xf32, #tpu.memory_space<vmem>>, vector<1x16xf32>,
    %swap3A_1399 = vector.shape_cast %swap3A_1398 : vector<1x16xf32> to vector<16xf32>
    %swap3A_1400 = vector.shape_cast %broadcast_in_dim3A_962 : vector<16xf32> to vector<1x16xf32>
    tpu.vector_store %arg11[%swap3A_1396, %swap3A_1397], %swap3A_1400 {strides = array<i32>} : memref<80x16xf32, #tpu.memory_space<vmem>>, vector<1x16xf32>,
    %swap3A_1401 = arith.constant 73 : i32
    %swap3A_1402 = arith.index_cast %swap3A_1401 : i32 to index
    %swap3A_1403 = arith.constant 0 : index
    %swap3A_1404 = tpu.vector_load %arg11[%swap3A_1402, %swap3A_1403] {strides = array<i32>} : memref<80x16xf32, #tpu.memory_space<vmem>>, vector<1x16xf32>,
    %swap3A_1405 = vector.shape_cast %swap3A_1404 : vector<1x16xf32> to vector<16xf32>
    %swap3A_1406 = vector.shape_cast %broadcast_in_dim3A_962 : vector<16xf32> to vector<1x16xf32>
    tpu.vector_store %arg11[%swap3A_1402, %swap3A_1403], %swap3A_1406 {strides = array<i32>} : memref<80x16xf32, #tpu.memory_space<vmem>>, vector<1x16xf32>,
    %swap3A_1407 = arith.constant 74 : i32
    %swap3A_1408 = arith.index_cast %swap3A_1407 : i32 to index
    %swap3A_1409 = arith.constant 0 : index
    %swap3A_1410 = tpu.vector_load %arg11[%swap3A_1408, %swap3A_1409] {strides = array<i32>} : memref<80x16xf32, #tpu.memory_space<vmem>>, vector<1x16xf32>,
    %swap3A_1411 = vector.shape_cast %swap3A_1410 : vector<1x16xf32> to vector<16xf32>
    %swap3A_1412 = vector.shape_cast %broadcast_in_dim3A_962 : vector<16xf32> to vector<1x16xf32>
    tpu.vector_store %arg11[%swap3A_1408, %swap3A_1409], %swap3A_1412 {strides = array<i32>} : memref<80x16xf32, #tpu.memory_space<vmem>>, vector<1x16xf32>,
    %swap3A_1413 = arith.constant 75 : i32
    %swap3A_1414 = arith.index_cast %swap3A_1413 : i32 to index
    %swap3A_1415 = arith.constant 0 : index
    %swap3A_1416 = tpu.vector_load %arg11[%swap3A_1414, %swap3A_1415] {strides = array<i32>} : memref<80x16xf32, #tpu.memory_space<vmem>>, vector<1x16xf32>,
    %swap3A_1417 = vector.shape_cast %swap3A_1416 : vector<1x16xf32> to vector<16xf32>
    %swap3A_1418 = vector.shape_cast %broadcast_in_dim3A_962 : vector<16xf32> to vector<1x16xf32>
    tpu.vector_store %arg11[%swap3A_1414, %swap3A_1415], %swap3A_1418 {strides = array<i32>} : memref<80x16xf32, #tpu.memory_space<vmem>>, vector<1x16xf32>,
    %swap3A_1419 = arith.constant 76 : i32
    %swap3A_1420 = arith.index_cast %swap3A_1419 : i32 to index
    %swap3A_1421 = arith.constant 0 : index
    %swap3A_1422 = tpu.vector_load %arg11[%swap3A_1420, %swap3A_1421] {strides = array<i32>} : memref<80x16xf32, #tpu.memory_space<vmem>>, vector<1x16xf32>,
    %swap3A_1423 = vector.shape_cast %swap3A_1422 : vector<1x16xf32> to vector<16xf32>
    %swap3A_1424 = vector.shape_cast %broadcast_in_dim3A_962 : vector<16xf32> to vector<1x16xf32>
    tpu.vector_store %arg11[%swap3A_1420, %swap3A_1421], %swap3A_1424 {strides = array<i32>} : memref<80x16xf32, #tpu.memory_space<vmem>>, vector<1x16xf32>,
    %swap3A_1425 = arith.constant 77 : i32
    %swap3A_1426 = arith.index_cast %swap3A_1425 : i32 to index
    %swap3A_1427 = arith.constant 0 : index
    %swap3A_1428 = tpu.vector_load %arg11[%swap3A_1426, %swap3A_1427] {strides = array<i32>} : memref<80x16xf32, #tpu.memory_space<vmem>>, vector<1x16xf32>,
    %swap3A_1429 = vector.shape_cast %swap3A_1428 : vector<1x16xf32> to vector<16xf32>
    %swap3A_1430 = vector.shape_cast %broadcast_in_dim3A_962 : vector<16xf32> to vector<1x16xf32>
    tpu.vector_store %arg11[%swap3A_1426, %swap3A_1427], %swap3A_1430 {strides = array<i32>} : memref<80x16xf32, #tpu.memory_space<vmem>>, vector<1x16xf32>,
    %swap3A_1431 = arith.constant 78 : i32
    %swap3A_1432 = arith.index_cast %swap3A_1431 : i32 to index
    %swap3A_1433 = arith.constant 0 : index
    %swap3A_1434 = tpu.vector_load %arg11[%swap3A_1432, %swap3A_1433] {strides = array<i32>} : memref<80x16xf32, #tpu.memory_space<vmem>>, vector<1x16xf32>,
    %swap3A_1435 = vector.shape_cast %swap3A_1434 : vector<1x16xf32> to vector<16xf32>
    %swap3A_1436 = vector.shape_cast %broadcast_in_dim3A_962 : vector<16xf32> to vector<1x16xf32>
    tpu.vector_store %arg11[%swap3A_1432, %swap3A_1433], %swap3A_1436 {strides = array<i32>} : memref<80x16xf32, #tpu.memory_space<vmem>>, vector<1x16xf32>,
    %swap3A_1437 = arith.constant 79 : i32
    %swap3A_1438 = arith.index_cast %swap3A_1437 : i32 to index
    %swap3A_1439 = arith.constant 0 : index
    %swap3A_1440 = tpu.vector_load %arg11[%swap3A_1438, %swap3A_1439] {strides = array<i32>} : memref<80x16xf32, #tpu.memory_space<vmem>>, vector<1x16xf32>,
    %swap3A_1441 = vector.shape_cast %swap3A_1440 : vector<1x16xf32> to vector<16xf32>
    %swap3A_1442 = vector.shape_cast %broadcast_in_dim3A_962 : vector<16xf32> to vector<1x16xf32>
    tpu.vector_store %arg11[%swap3A_1438, %swap3A_1439], %swap3A_1442 {strides = array<i32>} : memref<80x16xf32, #tpu.memory_space<vmem>>, vector<1x16xf32>,
    %broadcast_in_dim3A_1443 = arith.constant 0.000000e+00 : f32
    %broadcast_in_dim3A_1444 = vector.broadcast %broadcast_in_dim3A_1443 : f32 to vector<16xf32>
    %swap3A_1445 = arith.constant 0 : i32
    %swap3A_1446 = arith.index_cast %swap3A_1445 : i32 to index
    %swap3A_1447 = arith.constant 0 : index
    %swap3A_1448 = tpu.vector_load %arg12[%swap3A_1446, %swap3A_1447] {strides = array<i32>} : memref<40x16xf32, #tpu.memory_space<vmem>>, vector<1x16xf32>,
    %swap3A_1449 = vector.shape_cast %swap3A_1448 : vector<1x16xf32> to vector<16xf32>
    %swap3A_1450 = vector.shape_cast %broadcast_in_dim3A_1444 : vector<16xf32> to vector<1x16xf32>
    tpu.vector_store %arg12[%swap3A_1446, %swap3A_1447], %swap3A_1450 {strides = array<i32>} : memref<40x16xf32, #tpu.memory_space<vmem>>, vector<1x16xf32>,
    %swap3A_1451 = arith.constant 1 : i32
    %swap3A_1452 = arith.index_cast %swap3A_1451 : i32 to index
    %swap3A_1453 = arith.constant 0 : index
    %swap3A_1454 = tpu.vector_load %arg12[%swap3A_1452, %swap3A_1453] {strides = array<i32>} : memref<40x16xf32, #tpu.memory_space<vmem>>, vector<1x16xf32>,
    %swap3A_1455 = vector.shape_cast %swap3A_1454 : vector<1x16xf32> to vector<16xf32>
    %swap3A_1456 = vector.shape_cast %broadcast_in_dim3A_1444 : vector<16xf32> to vector<1x16xf32>
    tpu.vector_store %arg12[%swap3A_1452, %swap3A_1453], %swap3A_1456 {strides = array<i32>} : memref<40x16xf32, #tpu.memory_space<vmem>>, vector<1x16xf32>,
    %swap3A_1457 = arith.constant 2 : i32
    %swap3A_1458 = arith.index_cast %swap3A_1457 : i32 to index
    %swap3A_1459 = arith.constant 0 : index
    %swap3A_1460 = tpu.vector_load %arg12[%swap3A_1458, %swap3A_1459] {strides = array<i32>} : memref<40x16xf32, #tpu.memory_space<vmem>>, vector<1x16xf32>,
    %swap3A_1461 = vector.shape_cast %swap3A_1460 : vector<1x16xf32> to vector<16xf32>
    %swap3A_1462 = vector.shape_cast %broadcast_in_dim3A_1444 : vector<16xf32> to vector<1x16xf32>
    tpu.vector_store %arg12[%swap3A_1458, %swap3A_1459], %swap3A_1462 {strides = array<i32>} : memref<40x16xf32, #tpu.memory_space<vmem>>, vector<1x16xf32>,
    %swap3A_1463 = arith.constant 3 : i32
    %swap3A_1464 = arith.index_cast %swap3A_1463 : i32 to index
    %swap3A_1465 = arith.constant 0 : index
    %swap3A_1466 = tpu.vector_load %arg12[%swap3A_1464, %swap3A_1465] {strides = array<i32>} : memref<40x16xf32, #tpu.memory_space<vmem>>, vector<1x16xf32>,
    %swap3A_1467 = vector.shape_cast %swap3A_1466 : vector<1x16xf32> to vector<16xf32>
    %swap3A_1468 = vector.shape_cast %broadcast_in_dim3A_1444 : vector<16xf32> to vector<1x16xf32>
    tpu.vector_store %arg12[%swap3A_1464, %swap3A_1465], %swap3A_1468 {strides = array<i32>} : memref<40x16xf32, #tpu.memory_space<vmem>>, vector<1x16xf32>,
    %swap3A_1469 = arith.constant 4 : i32
    %swap3A_1470 = arith.index_cast %swap3A_1469 : i32 to index
    %swap3A_1471 = arith.constant 0 : index
    %swap3A_1472 = tpu.vector_load %arg12[%swap3A_1470, %swap3A_1471] {strides = array<i32>} : memref<40x16xf32, #tpu.memory_space<vmem>>, vector<1x16xf32>,
    %swap3A_1473 = vector.shape_cast %swap3A_1472 : vector<1x16xf32> to vector<16xf32>
    %swap3A_1474 = vector.shape_cast %broadcast_in_dim3A_1444 : vector<16xf32> to vector<1x16xf32>
    tpu.vector_store %arg12[%swap3A_1470, %swap3A_1471], %swap3A_1474 {strides = array<i32>} : memref<40x16xf32, #tpu.memory_space<vmem>>, vector<1x16xf32>,
    %swap3A_1475 = arith.constant 5 : i32
    %swap3A_1476 = arith.index_cast %swap3A_1475 : i32 to index
    %swap3A_1477 = arith.constant 0 : index
    %swap3A_1478 = tpu.vector_load %arg12[%swap3A_1476, %swap3A_1477] {strides = array<i32>} : memref<40x16xf32, #tpu.memory_space<vmem>>, vector<1x16xf32>,
    %swap3A_1479 = vector.shape_cast %swap3A_1478 : vector<1x16xf32> to vector<16xf32>
    %swap3A_1480 = vector.shape_cast %broadcast_in_dim3A_1444 : vector<16xf32> to vector<1x16xf32>
    tpu.vector_store %arg12[%swap3A_1476, %swap3A_1477], %swap3A_1480 {strides = array<i32>} : memref<40x16xf32, #tpu.memory_space<vmem>>, vector<1x16xf32>,
    %swap3A_1481 = arith.constant 6 : i32
    %swap3A_1482 = arith.index_cast %swap3A_1481 : i32 to index
    %swap3A_1483 = arith.constant 0 : index
    %swap3A_1484 = tpu.vector_load %arg12[%swap3A_1482, %swap3A_1483] {strides = array<i32>} : memref<40x16xf32, #tpu.memory_space<vmem>>, vector<1x16xf32>,
    %swap3A_1485 = vector.shape_cast %swap3A_1484 : vector<1x16xf32> to vector<16xf32>
    %swap3A_1486 = vector.shape_cast %broadcast_in_dim3A_1444 : vector<16xf32> to vector<1x16xf32>
    tpu.vector_store %arg12[%swap3A_1482, %swap3A_1483], %swap3A_1486 {strides = array<i32>} : memref<40x16xf32, #tpu.memory_space<vmem>>, vector<1x16xf32>,
    %swap3A_1487 = arith.constant 7 : i32
    %swap3A_1488 = arith.index_cast %swap3A_1487 : i32 to index
    %swap3A_1489 = arith.constant 0 : index
    %swap3A_1490 = tpu.vector_load %arg12[%swap3A_1488, %swap3A_1489] {strides = array<i32>} : memref<40x16xf32, #tpu.memory_space<vmem>>, vector<1x16xf32>,
    %swap3A_1491 = vector.shape_cast %swap3A_1490 : vector<1x16xf32> to vector<16xf32>
    %swap3A_1492 = vector.shape_cast %broadcast_in_dim3A_1444 : vector<16xf32> to vector<1x16xf32>
    tpu.vector_store %arg12[%swap3A_1488, %swap3A_1489], %swap3A_1492 {strides = array<i32>} : memref<40x16xf32, #tpu.memory_space<vmem>>, vector<1x16xf32>,
    %swap3A_1493 = arith.constant 8 : i32
    %swap3A_1494 = arith.index_cast %swap3A_1493 : i32 to index
    %swap3A_1495 = arith.constant 0 : index
    %swap3A_1496 = tpu.vector_load %arg12[%swap3A_1494, %swap3A_1495] {strides = array<i32>} : memref<40x16xf32, #tpu.memory_space<vmem>>, vector<1x16xf32>,
    %swap3A_1497 = vector.shape_cast %swap3A_1496 : vector<1x16xf32> to vector<16xf32>
    %swap3A_1498 = vector.shape_cast %broadcast_in_dim3A_1444 : vector<16xf32> to vector<1x16xf32>
    tpu.vector_store %arg12[%swap3A_1494, %swap3A_1495], %swap3A_1498 {strides = array<i32>} : memref<40x16xf32, #tpu.memory_space<vmem>>, vector<1x16xf32>,
    %swap3A_1499 = arith.constant 9 : i32
    %swap3A_1500 = arith.index_cast %swap3A_1499 : i32 to index
    %swap3A_1501 = arith.constant 0 : index
    %swap3A_1502 = tpu.vector_load %arg12[%swap3A_1500, %swap3A_1501] {strides = array<i32>} : memref<40x16xf32, #tpu.memory_space<vmem>>, vector<1x16xf32>,
    %swap3A_1503 = vector.shape_cast %swap3A_1502 : vector<1x16xf32> to vector<16xf32>
    %swap3A_1504 = vector.shape_cast %broadcast_in_dim3A_1444 : vector<16xf32> to vector<1x16xf32>
    tpu.vector_store %arg12[%swap3A_1500, %swap3A_1501], %swap3A_1504 {strides = array<i32>} : memref<40x16xf32, #tpu.memory_space<vmem>>, vector<1x16xf32>,
    %swap3A_1505 = arith.constant 10 : i32
    %swap3A_1506 = arith.index_cast %swap3A_1505 : i32 to index
    %swap3A_1507 = arith.constant 0 : index
    %swap3A_1508 = tpu.vector_load %arg12[%swap3A_1506, %swap3A_1507] {strides = array<i32>} : memref<40x16xf32, #tpu.memory_space<vmem>>, vector<1x16xf32>,
    %swap3A_1509 = vector.shape_cast %swap3A_1508 : vector<1x16xf32> to vector<16xf32>
    %swap3A_1510 = vector.shape_cast %broadcast_in_dim3A_1444 : vector<16xf32> to vector<1x16xf32>
    tpu.vector_store %arg12[%swap3A_1506, %swap3A_1507], %swap3A_1510 {strides = array<i32>} : memref<40x16xf32, #tpu.memory_space<vmem>>, vector<1x16xf32>,
    %swap3A_1511 = arith.constant 11 : i32
    %swap3A_1512 = arith.index_cast %swap3A_1511 : i32 to index
    %swap3A_1513 = arith.constant 0 : index
    %swap3A_1514 = tpu.vector_load %arg12[%swap3A_1512, %swap3A_1513] {strides = array<i32>} : memref<40x16xf32, #tpu.memory_space<vmem>>, vector<1x16xf32>,
    %swap3A_1515 = vector.shape_cast %swap3A_1514 : vector<1x16xf32> to vector<16xf32>
    %swap3A_1516 = vector.shape_cast %broadcast_in_dim3A_1444 : vector<16xf32> to vector<1x16xf32>
    tpu.vector_store %arg12[%swap3A_1512, %swap3A_1513], %swap3A_1516 {strides = array<i32>} : memref<40x16xf32, #tpu.memory_space<vmem>>, vector<1x16xf32>,
    %swap3A_1517 = arith.constant 12 : i32
    %swap3A_1518 = arith.index_cast %swap3A_1517 : i32 to index
    %swap3A_1519 = arith.constant 0 : index
    %swap3A_1520 = tpu.vector_load %arg12[%swap3A_1518, %swap3A_1519] {strides = array<i32>} : memref<40x16xf32, #tpu.memory_space<vmem>>, vector<1x16xf32>,
    %swap3A_1521 = vector.shape_cast %swap3A_1520 : vector<1x16xf32> to vector<16xf32>
    %swap3A_1522 = vector.shape_cast %broadcast_in_dim3A_1444 : vector<16xf32> to vector<1x16xf32>
    tpu.vector_store %arg12[%swap3A_1518, %swap3A_1519], %swap3A_1522 {strides = array<i32>} : memref<40x16xf32, #tpu.memory_space<vmem>>, vector<1x16xf32>,
    %swap3A_1523 = arith.constant 13 : i32
    %swap3A_1524 = arith.index_cast %swap3A_1523 : i32 to index
    %swap3A_1525 = arith.constant 0 : index
    %swap3A_1526 = tpu.vector_load %arg12[%swap3A_1524, %swap3A_1525] {strides = array<i32>} : memref<40x16xf32, #tpu.memory_space<vmem>>, vector<1x16xf32>,
    %swap3A_1527 = vector.shape_cast %swap3A_1526 : vector<1x16xf32> to vector<16xf32>
    %swap3A_1528 = vector.shape_cast %broadcast_in_dim3A_1444 : vector<16xf32> to vector<1x16xf32>
    tpu.vector_store %arg12[%swap3A_1524, %swap3A_1525], %swap3A_1528 {strides = array<i32>} : memref<40x16xf32, #tpu.memory_space<vmem>>, vector<1x16xf32>,
    %swap3A_1529 = arith.constant 14 : i32
    %swap3A_1530 = arith.index_cast %swap3A_1529 : i32 to index
    %swap3A_1531 = arith.constant 0 : index
    %swap3A_1532 = tpu.vector_load %arg12[%swap3A_1530, %swap3A_1531] {strides = array<i32>} : memref<40x16xf32, #tpu.memory_space<vmem>>, vector<1x16xf32>,
    %swap3A_1533 = vector.shape_cast %swap3A_1532 : vector<1x16xf32> to vector<16xf32>
    %swap3A_1534 = vector.shape_cast %broadcast_in_dim3A_1444 : vector<16xf32> to vector<1x16xf32>
    tpu.vector_store %arg12[%swap3A_1530, %swap3A_1531], %swap3A_1534 {strides = array<i32>} : memref<40x16xf32, #tpu.memory_space<vmem>>, vector<1x16xf32>,
    %swap3A_1535 = arith.constant 15 : i32
    %swap3A_1536 = arith.index_cast %swap3A_1535 : i32 to index
    %swap3A_1537 = arith.constant 0 : index
    %swap3A_1538 = tpu.vector_load %arg12[%swap3A_1536, %swap3A_1537] {strides = array<i32>} : memref<40x16xf32, #tpu.memory_space<vmem>>, vector<1x16xf32>,
    %swap3A_1539 = vector.shape_cast %swap3A_1538 : vector<1x16xf32> to vector<16xf32>
    %swap3A_1540 = vector.shape_cast %broadcast_in_dim3A_1444 : vector<16xf32> to vector<1x16xf32>
    tpu.vector_store %arg12[%swap3A_1536, %swap3A_1537], %swap3A_1540 {strides = array<i32>} : memref<40x16xf32, #tpu.memory_space<vmem>>, vector<1x16xf32>,
    %swap3A_1541 = arith.constant 16 : i32
    %swap3A_1542 = arith.index_cast %swap3A_1541 : i32 to index
    %swap3A_1543 = arith.constant 0 : index
    %swap3A_1544 = tpu.vector_load %arg12[%swap3A_1542, %swap3A_1543] {strides = array<i32>} : memref<40x16xf32, #tpu.memory_space<vmem>>, vector<1x16xf32>,
    %swap3A_1545 = vector.shape_cast %swap3A_1544 : vector<1x16xf32> to vector<16xf32>
    %swap3A_1546 = vector.shape_cast %broadcast_in_dim3A_1444 : vector<16xf32> to vector<1x16xf32>
    tpu.vector_store %arg12[%swap3A_1542, %swap3A_1543], %swap3A_1546 {strides = array<i32>} : memref<40x16xf32, #tpu.memory_space<vmem>>, vector<1x16xf32>,
    %swap3A_1547 = arith.constant 17 : i32
    %swap3A_1548 = arith.index_cast %swap3A_1547 : i32 to index
    %swap3A_1549 = arith.constant 0 : index
    %swap3A_1550 = tpu.vector_load %arg12[%swap3A_1548, %swap3A_1549] {strides = array<i32>} : memref<40x16xf32, #tpu.memory_space<vmem>>, vector<1x16xf32>,
    %swap3A_1551 = vector.shape_cast %swap3A_1550 : vector<1x16xf32> to vector<16xf32>
    %swap3A_1552 = vector.shape_cast %broadcast_in_dim3A_1444 : vector<16xf32> to vector<1x16xf32>
    tpu.vector_store %arg12[%swap3A_1548, %swap3A_1549], %swap3A_1552 {strides = array<i32>} : memref<40x16xf32, #tpu.memory_space<vmem>>, vector<1x16xf32>,
    %swap3A_1553 = arith.constant 18 : i32
    %swap3A_1554 = arith.index_cast %swap3A_1553 : i32 to index
    %swap3A_1555 = arith.constant 0 : index
    %swap3A_1556 = tpu.vector_load %arg12[%swap3A_1554, %swap3A_1555] {strides = array<i32>} : memref<40x16xf32, #tpu.memory_space<vmem>>, vector<1x16xf32>,
    %swap3A_1557 = vector.shape_cast %swap3A_1556 : vector<1x16xf32> to vector<16xf32>
    %swap3A_1558 = vector.shape_cast %broadcast_in_dim3A_1444 : vector<16xf32> to vector<1x16xf32>
    tpu.vector_store %arg12[%swap3A_1554, %swap3A_1555], %swap3A_1558 {strides = array<i32>} : memref<40x16xf32, #tpu.memory_space<vmem>>, vector<1x16xf32>,
    %swap3A_1559 = arith.constant 19 : i32
    %swap3A_1560 = arith.index_cast %swap3A_1559 : i32 to index
    %swap3A_1561 = arith.constant 0 : index
    %swap3A_1562 = tpu.vector_load %arg12[%swap3A_1560, %swap3A_1561] {strides = array<i32>} : memref<40x16xf32, #tpu.memory_space<vmem>>, vector<1x16xf32>,
    %swap3A_1563 = vector.shape_cast %swap3A_1562 : vector<1x16xf32> to vector<16xf32>
    %swap3A_1564 = vector.shape_cast %broadcast_in_dim3A_1444 : vector<16xf32> to vector<1x16xf32>
    tpu.vector_store %arg12[%swap3A_1560, %swap3A_1561], %swap3A_1564 {strides = array<i32>} : memref<40x16xf32, #tpu.memory_space<vmem>>, vector<1x16xf32>,
    %swap3A_1565 = arith.constant 20 : i32
    %swap3A_1566 = arith.index_cast %swap3A_1565 : i32 to index
    %swap3A_1567 = arith.constant 0 : index
    %swap3A_1568 = tpu.vector_load %arg12[%swap3A_1566, %swap3A_1567] {strides = array<i32>} : memref<40x16xf32, #tpu.memory_space<vmem>>, vector<1x16xf32>,
    %swap3A_1569 = vector.shape_cast %swap3A_1568 : vector<1x16xf32> to vector<16xf32>
    %swap3A_1570 = vector.shape_cast %broadcast_in_dim3A_1444 : vector<16xf32> to vector<1x16xf32>
    tpu.vector_store %arg12[%swap3A_1566, %swap3A_1567], %swap3A_1570 {strides = array<i32>} : memref<40x16xf32, #tpu.memory_space<vmem>>, vector<1x16xf32>,
    %swap3A_1571 = arith.constant 21 : i32
    %swap3A_1572 = arith.index_cast %swap3A_1571 : i32 to index
    %swap3A_1573 = arith.constant 0 : index
    %swap3A_1574 = tpu.vector_load %arg12[%swap3A_1572, %swap3A_1573] {strides = array<i32>} : memref<40x16xf32, #tpu.memory_space<vmem>>, vector<1x16xf32>,
    %swap3A_1575 = vector.shape_cast %swap3A_1574 : vector<1x16xf32> to vector<16xf32>
    %swap3A_1576 = vector.shape_cast %broadcast_in_dim3A_1444 : vector<16xf32> to vector<1x16xf32>
    tpu.vector_store %arg12[%swap3A_1572, %swap3A_1573], %swap3A_1576 {strides = array<i32>} : memref<40x16xf32, #tpu.memory_space<vmem>>, vector<1x16xf32>,
    %swap3A_1577 = arith.constant 22 : i32
    %swap3A_1578 = arith.index_cast %swap3A_1577 : i32 to index
    %swap3A_1579 = arith.constant 0 : index
    %swap3A_1580 = tpu.vector_load %arg12[%swap3A_1578, %swap3A_1579] {strides = array<i32>} : memref<40x16xf32, #tpu.memory_space<vmem>>, vector<1x16xf32>,
    %swap3A_1581 = vector.shape_cast %swap3A_1580 : vector<1x16xf32> to vector<16xf32>
    %swap3A_1582 = vector.shape_cast %broadcast_in_dim3A_1444 : vector<16xf32> to vector<1x16xf32>
    tpu.vector_store %arg12[%swap3A_1578, %swap3A_1579], %swap3A_1582 {strides = array<i32>} : memref<40x16xf32, #tpu.memory_space<vmem>>, vector<1x16xf32>,
    %swap3A_1583 = arith.constant 23 : i32
    %swap3A_1584 = arith.index_cast %swap3A_1583 : i32 to index
    %swap3A_1585 = arith.constant 0 : index
    %swap3A_1586 = tpu.vector_load %arg12[%swap3A_1584, %swap3A_1585] {strides = array<i32>} : memref<40x16xf32, #tpu.memory_space<vmem>>, vector<1x16xf32>,
    %swap3A_1587 = vector.shape_cast %swap3A_1586 : vector<1x16xf32> to vector<16xf32>
    %swap3A_1588 = vector.shape_cast %broadcast_in_dim3A_1444 : vector<16xf32> to vector<1x16xf32>
    tpu.vector_store %arg12[%swap3A_1584, %swap3A_1585], %swap3A_1588 {strides = array<i32>} : memref<40x16xf32, #tpu.memory_space<vmem>>, vector<1x16xf32>,
    %swap3A_1589 = arith.constant 24 : i32
    %swap3A_1590 = arith.index_cast %swap3A_1589 : i32 to index
    %swap3A_1591 = arith.constant 0 : index
    %swap3A_1592 = tpu.vector_load %arg12[%swap3A_1590, %swap3A_1591] {strides = array<i32>} : memref<40x16xf32, #tpu.memory_space<vmem>>, vector<1x16xf32>,
    %swap3A_1593 = vector.shape_cast %swap3A_1592 : vector<1x16xf32> to vector<16xf32>
    %swap3A_1594 = vector.shape_cast %broadcast_in_dim3A_1444 : vector<16xf32> to vector<1x16xf32>
    tpu.vector_store %arg12[%swap3A_1590, %swap3A_1591], %swap3A_1594 {strides = array<i32>} : memref<40x16xf32, #tpu.memory_space<vmem>>, vector<1x16xf32>,
    %swap3A_1595 = arith.constant 25 : i32
    %swap3A_1596 = arith.index_cast %swap3A_1595 : i32 to index
    %swap3A_1597 = arith.constant 0 : index
    %swap3A_1598 = tpu.vector_load %arg12[%swap3A_1596, %swap3A_1597] {strides = array<i32>} : memref<40x16xf32, #tpu.memory_space<vmem>>, vector<1x16xf32>,
    %swap3A_1599 = vector.shape_cast %swap3A_1598 : vector<1x16xf32> to vector<16xf32>
    %swap3A_1600 = vector.shape_cast %broadcast_in_dim3A_1444 : vector<16xf32> to vector<1x16xf32>
    tpu.vector_store %arg12[%swap3A_1596, %swap3A_1597], %swap3A_1600 {strides = array<i32>} : memref<40x16xf32, #tpu.memory_space<vmem>>, vector<1x16xf32>,
    %swap3A_1601 = arith.constant 26 : i32
    %swap3A_1602 = arith.index_cast %swap3A_1601 : i32 to index
    %swap3A_1603 = arith.constant 0 : index
    %swap3A_1604 = tpu.vector_load %arg12[%swap3A_1602, %swap3A_1603] {strides = array<i32>} : memref<40x16xf32, #tpu.memory_space<vmem>>, vector<1x16xf32>,
    %swap3A_1605 = vector.shape_cast %swap3A_1604 : vector<1x16xf32> to vector<16xf32>
    %swap3A_1606 = vector.shape_cast %broadcast_in_dim3A_1444 : vector<16xf32> to vector<1x16xf32>
    tpu.vector_store %arg12[%swap3A_1602, %swap3A_1603], %swap3A_1606 {strides = array<i32>} : memref<40x16xf32, #tpu.memory_space<vmem>>, vector<1x16xf32>,
    %swap3A_1607 = arith.constant 27 : i32
    %swap3A_1608 = arith.index_cast %swap3A_1607 : i32 to index
    %swap3A_1609 = arith.constant 0 : index
    %swap3A_1610 = tpu.vector_load %arg12[%swap3A_1608, %swap3A_1609] {strides = array<i32>} : memref<40x16xf32, #tpu.memory_space<vmem>>, vector<1x16xf32>,
    %swap3A_1611 = vector.shape_cast %swap3A_1610 : vector<1x16xf32> to vector<16xf32>
    %swap3A_1612 = vector.shape_cast %broadcast_in_dim3A_1444 : vector<16xf32> to vector<1x16xf32>
    tpu.vector_store %arg12[%swap3A_1608, %swap3A_1609], %swap3A_1612 {strides = array<i32>} : memref<40x16xf32, #tpu.memory_space<vmem>>, vector<1x16xf32>,
    %swap3A_1613 = arith.constant 28 : i32
    %swap3A_1614 = arith.index_cast %swap3A_1613 : i32 to index
    %swap3A_1615 = arith.constant 0 : index
    %swap3A_1616 = tpu.vector_load %arg12[%swap3A_1614, %swap3A_1615] {strides = array<i32>} : memref<40x16xf32, #tpu.memory_space<vmem>>, vector<1x16xf32>,
    %swap3A_1617 = vector.shape_cast %swap3A_1616 : vector<1x16xf32> to vector<16xf32>
    %swap3A_1618 = vector.shape_cast %broadcast_in_dim3A_1444 : vector<16xf32> to vector<1x16xf32>
    tpu.vector_store %arg12[%swap3A_1614, %swap3A_1615], %swap3A_1618 {strides = array<i32>} : memref<40x16xf32, #tpu.memory_space<vmem>>, vector<1x16xf32>,
    %swap3A_1619 = arith.constant 29 : i32
    %swap3A_1620 = arith.index_cast %swap3A_1619 : i32 to index
    %swap3A_1621 = arith.constant 0 : index
    %swap3A_1622 = tpu.vector_load %arg12[%swap3A_1620, %swap3A_1621] {strides = array<i32>} : memref<40x16xf32, #tpu.memory_space<vmem>>, vector<1x16xf32>,
    %swap3A_1623 = vector.shape_cast %swap3A_1622 : vector<1x16xf32> to vector<16xf32>
    %swap3A_1624 = vector.shape_cast %broadcast_in_dim3A_1444 : vector<16xf32> to vector<1x16xf32>
    tpu.vector_store %arg12[%swap3A_1620, %swap3A_1621], %swap3A_1624 {strides = array<i32>} : memref<40x16xf32, #tpu.memory_space<vmem>>, vector<1x16xf32>,
    %swap3A_1625 = arith.constant 30 : i32
    %swap3A_1626 = arith.index_cast %swap3A_1625 : i32 to index
    %swap3A_1627 = arith.constant 0 : index
    %swap3A_1628 = tpu.vector_load %arg12[%swap3A_1626, %swap3A_1627] {strides = array<i32>} : memref<40x16xf32, #tpu.memory_space<vmem>>, vector<1x16xf32>,
    %swap3A_1629 = vector.shape_cast %swap3A_1628 : vector<1x16xf32> to vector<16xf32>
    %swap3A_1630 = vector.shape_cast %broadcast_in_dim3A_1444 : vector<16xf32> to vector<1x16xf32>
    tpu.vector_store %arg12[%swap3A_1626, %swap3A_1627], %swap3A_1630 {strides = array<i32>} : memref<40x16xf32, #tpu.memory_space<vmem>>, vector<1x16xf32>,
    %swap3A_1631 = arith.constant 31 : i32
    %swap3A_1632 = arith.index_cast %swap3A_1631 : i32 to index
    %swap3A_1633 = arith.constant 0 : index
    %swap3A_1634 = tpu.vector_load %arg12[%swap3A_1632, %swap3A_1633] {strides = array<i32>} : memref<40x16xf32, #tpu.memory_space<vmem>>, vector<1x16xf32>,
    %swap3A_1635 = vector.shape_cast %swap3A_1634 : vector<1x16xf32> to vector<16xf32>
    %swap3A_1636 = vector.shape_cast %broadcast_in_dim3A_1444 : vector<16xf32> to vector<1x16xf32>
    tpu.vector_store %arg12[%swap3A_1632, %swap3A_1633], %swap3A_1636 {strides = array<i32>} : memref<40x16xf32, #tpu.memory_space<vmem>>, vector<1x16xf32>,
    %swap3A_1637 = arith.constant 32 : i32
    %swap3A_1638 = arith.index_cast %swap3A_1637 : i32 to index
    %swap3A_1639 = arith.constant 0 : index
    %swap3A_1640 = tpu.vector_load %arg12[%swap3A_1638, %swap3A_1639] {strides = array<i32>} : memref<40x16xf32, #tpu.memory_space<vmem>>, vector<1x16xf32>,
    %swap3A_1641 = vector.shape_cast %swap3A_1640 : vector<1x16xf32> to vector<16xf32>
    %swap3A_1642 = vector.shape_cast %broadcast_in_dim3A_1444 : vector<16xf32> to vector<1x16xf32>
    tpu.vector_store %arg12[%swap3A_1638, %swap3A_1639], %swap3A_1642 {strides = array<i32>} : memref<40x16xf32, #tpu.memory_space<vmem>>, vector<1x16xf32>,
    %swap3A_1643 = arith.constant 33 : i32
    %swap3A_1644 = arith.index_cast %swap3A_1643 : i32 to index
    %swap3A_1645 = arith.constant 0 : index
    %swap3A_1646 = tpu.vector_load %arg12[%swap3A_1644, %swap3A_1645] {strides = array<i32>} : memref<40x16xf32, #tpu.memory_space<vmem>>, vector<1x16xf32>,
    %swap3A_1647 = vector.shape_cast %swap3A_1646 : vector<1x16xf32> to vector<16xf32>
    %swap3A_1648 = vector.shape_cast %broadcast_in_dim3A_1444 : vector<16xf32> to vector<1x16xf32>
    tpu.vector_store %arg12[%swap3A_1644, %swap3A_1645], %swap3A_1648 {strides = array<i32>} : memref<40x16xf32, #tpu.memory_space<vmem>>, vector<1x16xf32>,
    %swap3A_1649 = arith.constant 34 : i32
    %swap3A_1650 = arith.index_cast %swap3A_1649 : i32 to index
    %swap3A_1651 = arith.constant 0 : index
    %swap3A_1652 = tpu.vector_load %arg12[%swap3A_1650, %swap3A_1651] {strides = array<i32>} : memref<40x16xf32, #tpu.memory_space<vmem>>, vector<1x16xf32>,
    %swap3A_1653 = vector.shape_cast %swap3A_1652 : vector<1x16xf32> to vector<16xf32>
    %swap3A_1654 = vector.shape_cast %broadcast_in_dim3A_1444 : vector<16xf32> to vector<1x16xf32>
    tpu.vector_store %arg12[%swap3A_1650, %swap3A_1651], %swap3A_1654 {strides = array<i32>} : memref<40x16xf32, #tpu.memory_space<vmem>>, vector<1x16xf32>,
    %swap3A_1655 = arith.constant 35 : i32
    %swap3A_1656 = arith.index_cast %swap3A_1655 : i32 to index
    %swap3A_1657 = arith.constant 0 : index
    %swap3A_1658 = tpu.vector_load %arg12[%swap3A_1656, %swap3A_1657] {strides = array<i32>} : memref<40x16xf32, #tpu.memory_space<vmem>>, vector<1x16xf32>,
    %swap3A_1659 = vector.shape_cast %swap3A_1658 : vector<1x16xf32> to vector<16xf32>
    %swap3A_1660 = vector.shape_cast %broadcast_in_dim3A_1444 : vector<16xf32> to vector<1x16xf32>
    tpu.vector_store %arg12[%swap3A_1656, %swap3A_1657], %swap3A_1660 {strides = array<i32>} : memref<40x16xf32, #tpu.memory_space<vmem>>, vector<1x16xf32>,
    %swap3A_1661 = arith.constant 36 : i32
    %swap3A_1662 = arith.index_cast %swap3A_1661 : i32 to index
    %swap3A_1663 = arith.constant 0 : index
    %swap3A_1664 = tpu.vector_load %arg12[%swap3A_1662, %swap3A_1663] {strides = array<i32>} : memref<40x16xf32, #tpu.memory_space<vmem>>, vector<1x16xf32>,
    %swap3A_1665 = vector.shape_cast %swap3A_1664 : vector<1x16xf32> to vector<16xf32>
    %swap3A_1666 = vector.shape_cast %broadcast_in_dim3A_1444 : vector<16xf32> to vector<1x16xf32>
    tpu.vector_store %arg12[%swap3A_1662, %swap3A_1663], %swap3A_1666 {strides = array<i32>} : memref<40x16xf32, #tpu.memory_space<vmem>>, vector<1x16xf32>,
    %swap3A_1667 = arith.constant 37 : i32
    %swap3A_1668 = arith.index_cast %swap3A_1667 : i32 to index
    %swap3A_1669 = arith.constant 0 : index
    %swap3A_1670 = tpu.vector_load %arg12[%swap3A_1668, %swap3A_1669] {strides = array<i32>} : memref<40x16xf32, #tpu.memory_space<vmem>>, vector<1x16xf32>,
    %swap3A_1671 = vector.shape_cast %swap3A_1670 : vector<1x16xf32> to vector<16xf32>
    %swap3A_1672 = vector.shape_cast %broadcast_in_dim3A_1444 : vector<16xf32> to vector<1x16xf32>
    tpu.vector_store %arg12[%swap3A_1668, %swap3A_1669], %swap3A_1672 {strides = array<i32>} : memref<40x16xf32, #tpu.memory_space<vmem>>, vector<1x16xf32>,
    %swap3A_1673 = arith.constant 38 : i32
    %swap3A_1674 = arith.index_cast %swap3A_1673 : i32 to index
    %swap3A_1675 = arith.constant 0 : index
    %swap3A_1676 = tpu.vector_load %arg12[%swap3A_1674, %swap3A_1675] {strides = array<i32>} : memref<40x16xf32, #tpu.memory_space<vmem>>, vector<1x16xf32>,
    %swap3A_1677 = vector.shape_cast %swap3A_1676 : vector<1x16xf32> to vector<16xf32>
    %swap3A_1678 = vector.shape_cast %broadcast_in_dim3A_1444 : vector<16xf32> to vector<1x16xf32>
    tpu.vector_store %arg12[%swap3A_1674, %swap3A_1675], %swap3A_1678 {strides = array<i32>} : memref<40x16xf32, #tpu.memory_space<vmem>>, vector<1x16xf32>,
    %swap3A_1679 = arith.constant 39 : i32
    %swap3A_1680 = arith.index_cast %swap3A_1679 : i32 to index
    %swap3A_1681 = arith.constant 0 : index
    %swap3A_1682 = tpu.vector_load %arg12[%swap3A_1680, %swap3A_1681] {strides = array<i32>} : memref<40x16xf32, #tpu.memory_space<vmem>>, vector<1x16xf32>,
    %swap3A_1683 = vector.shape_cast %swap3A_1682 : vector<1x16xf32> to vector<16xf32>
    %swap3A_1684 = vector.shape_cast %broadcast_in_dim3A_1444 : vector<16xf32> to vector<1x16xf32>
    tpu.vector_store %arg12[%swap3A_1680, %swap3A_1681], %swap3A_1684 {strides = array<i32>} : memref<40x16xf32, #tpu.memory_space<vmem>>, vector<1x16xf32>,
    %mul3A = arith.constant 250 : i32
    %mul3A_1685 = arith.muli %arg1, %mul3A : i32
    "tpu.region"() ({
      %run_scoped3A = tpu.sem_alloc : memref<!tpu.dma_semaphore, #tpu.memory_space<semaphore_mem>>
      %dma_start3A_1823 = arith.constant 0 : i32
      %dma_start3A_1824 = tpu.memref_slice %arg3[%mul3A_1685, %dma_start3A_1823] : memref<4000x80xi32, #tpu.memory_space<hbm>> -> memref<250x80xi32, #tpu.memory_space<hbm>>
      %dma_start3A_1825 = arith.constant 0 : i32
      %dma_start3A_1826 = tpu.memref_slice %arg3[%mul3A_1685, %dma_start3A_1825] : memref<4000x80xi32, #tpu.memory_space<hbm>> -> memref<250x80xi32, #tpu.memory_space<hbm>>
      tpu.enqueue_dma source(%dma_start3A_1826 : memref<250x80xi32, #tpu.memory_space<hbm>>) target(%arg7 : memref<250x80xi32, #tpu.memory_space<vmem>>) target_semaphore(%run_scoped3A : memref<!tpu.dma_semaphore, #tpu.memory_space<semaphore_mem>>)
      %dma_wait3A_1827 = arith.constant 0 : i32
      %dma_wait3A_1828 = tpu.memref_slice %arg3[%mul3A_1685, %dma_wait3A_1827] : memref<4000x80xi32, #tpu.memory_space<hbm>> -> memref<250x80xi32, #tpu.memory_space<hbm>>
      %dma_wait3A_1829 = arith.constant 0 : i32
      %dma_wait3A_1830 = tpu.memref_slice %arg3[%mul3A_1685, %dma_wait3A_1829] : memref<4000x80xi32, #tpu.memory_space<hbm>> -> memref<250x80xi32, #tpu.memory_space<hbm>>
      tpu.wait_dma2 semaphore(%run_scoped3A : memref<!tpu.dma_semaphore, #tpu.memory_space<semaphore_mem>>) src(%dma_wait3A_1830 : memref<250x80xi32, #tpu.memory_space<hbm>>) dst(%arg7 : memref<250x80xi32, #tpu.memory_space<vmem>>)
      tpu.yield
    }) : () -> ()
    %mul3A_1686 = arith.constant 250 : i32
    %mul3A_1687 = arith.muli %arg1, %mul3A_1686 : i32
    "tpu.region"() ({
      %run_scoped3A = tpu.sem_alloc : memref<!tpu.dma_semaphore, #tpu.memory_space<semaphore_mem>>
      %dma_start3A_1823 = arith.constant 0 : i32
      %dma_start3A_1824 = tpu.memref_slice %arg4[%mul3A_1687, %dma_start3A_1823] : memref<4000x80xi32, #tpu.memory_space<hbm>> -> memref<250x80xi32, #tpu.memory_space<hbm>>
      %dma_start3A_1825 = arith.constant 0 : i32
      %dma_start3A_1826 = tpu.memref_slice %arg4[%mul3A_1687, %dma_start3A_1825] : memref<4000x80xi32, #tpu.memory_space<hbm>> -> memref<250x80xi32, #tpu.memory_space<hbm>>
      tpu.enqueue_dma source(%dma_start3A_1826 : memref<250x80xi32, #tpu.memory_space<hbm>>) target(%arg8 : memref<250x80xi32, #tpu.memory_space<vmem>>) target_semaphore(%run_scoped3A : memref<!tpu.dma_semaphore, #tpu.memory_space<semaphore_mem>>)
      %dma_wait3A_1827 = arith.constant 0 : i32
      %dma_wait3A_1828 = tpu.memref_slice %arg4[%mul3A_1687, %dma_wait3A_1827] : memref<4000x80xi32, #tpu.memory_space<hbm>> -> memref<250x80xi32, #tpu.memory_space<hbm>>
      %dma_wait3A_1829 = arith.constant 0 : i32
      %dma_wait3A_1830 = tpu.memref_slice %arg4[%mul3A_1687, %dma_wait3A_1829] : memref<4000x80xi32, #tpu.memory_space<hbm>> -> memref<250x80xi32, #tpu.memory_space<hbm>>
      tpu.wait_dma2 semaphore(%run_scoped3A : memref<!tpu.dma_semaphore, #tpu.memory_space<semaphore_mem>>) src(%dma_wait3A_1830 : memref<250x80xi32, #tpu.memory_space<hbm>>) dst(%arg8 : memref<250x80xi32, #tpu.memory_space<vmem>>)
      tpu.yield
    }) : () -> ()
    %scan3A = arith.constant 0 : i32
    %scan3A_1688 = arith.constant 0 : i32
    %scan3A_1689 = arith.constant 250 : i32
    %scan3A_1690 = arith.addi %scan3A_1688, %scan3A_1689 : i32
    %scan3A_1691 = arith.constant 1 : i32
    %scan3A_1692 = scf.for %scan3A_1823 = %scan3A_1688 to %scan3A_1690 step %scan3A_1691 iter_args(%scan3A_1824 = %scan3A) -> (i32)  : i32 {
      %get3A = arith.index_cast %scan3A_1823 : i32 to index
      %get3A_1825 = arith.constant 0 : index
      %get3A_1826 = tpu.vector_load %arg7[%get3A, %get3A_1825] {strides = array<i32>} : memref<250x80xi32, #tpu.memory_space<vmem>>, vector<1x16xi32>,
      %get3A_1827 = vector.shape_cast %get3A_1826 : vector<1x16xi32> to vector<16xi32>
      %mul3A_1828 = arith.constant 2 : i32
      %mul3A_1829 = vector.broadcast %mul3A_1828 : i32 to vector<16xi32>
      %mul3A_1830 = arith.muli %get3A_1827, %mul3A_1829 : vector<16xi32>
      %add3A = vector.broadcast %arg0 : i32 to vector<16xi32>
      %add3A_1831 = arith.addi %mul3A_1830, %add3A : vector<16xi32>
      %swap3A_1832 = arith.index_cast %scan3A_1823 : i32 to index
      %swap3A_1833 = arith.constant 0 : index
      %swap3A_1834 = tpu.vector_load %arg7[%swap3A_1832, %swap3A_1833] {strides = array<i32>} : memref<250x80xi32, #tpu.memory_space<vmem>>, vector<1x16xi32>,
      %swap3A_1835 = vector.shape_cast %swap3A_1834 : vector<1x16xi32> to vector<16xi32>
      %swap3A_1836 = vector.shape_cast %add3A_1831 : vector<16xi32> to vector<1x16xi32>
      tpu.vector_store %arg7[%swap3A_1832, %swap3A_1833], %swap3A_1836 {strides = array<i32>} : memref<250x80xi32, #tpu.memory_space<vmem>>, vector<1x16xi32>,
      %get3A_1837 = arith.index_cast %scan3A_1823 : i32 to index
      %get3A_1838 = arith.constant 16 : index
      %get3A_1839 = tpu.vector_load %arg7[%get3A_1837, %get3A_1838] {strides = array<i32>} : memref<250x80xi32, #tpu.memory_space<vmem>>, vector<1x16xi32>,
      %get3A_1840 = vector.shape_cast %get3A_1839 : vector<1x16xi32> to vector<16xi32>
      %mul3A_1841 = arith.constant 2 : i32
      %mul3A_1842 = vector.broadcast %mul3A_1841 : i32 to vector<16xi32>
      %mul3A_1843 = arith.muli %get3A_1840, %mul3A_1842 : vector<16xi32>
      %add3A_1844 = vector.broadcast %arg0 : i32 to vector<16xi32>
      %add3A_1845 = arith.addi %mul3A_1843, %add3A_1844 : vector<16xi32>
      %swap3A_1846 = arith.index_cast %scan3A_1823 : i32 to index
      %swap3A_1847 = arith.constant 16 : index
      %swap3A_1848 = tpu.vector_load %arg7[%swap3A_1846, %swap3A_1847] {strides = array<i32>} : memref<250x80xi32, #tpu.memory_space<vmem>>, vector<1x16xi32>,
      %swap3A_1849 = vector.shape_cast %swap3A_1848 : vector<1x16xi32> to vector<16xi32>
      %swap3A_1850 = vector.shape_cast %add3A_1845 : vector<16xi32> to vector<1x16xi32>
      tpu.vector_store %arg7[%swap3A_1846, %swap3A_1847], %swap3A_1850 {strides = array<i32>} : memref<250x80xi32, #tpu.memory_space<vmem>>, vector<1x16xi32>,
      %get3A_1851 = arith.index_cast %scan3A_1823 : i32 to index
      %get3A_1852 = arith.constant 32 : index
      %get3A_1853 = tpu.vector_load %arg7[%get3A_1851, %get3A_1852] {strides = array<i32>} : memref<250x80xi32, #tpu.memory_space<vmem>>, vector<1x16xi32>,
      %get3A_1854 = vector.shape_cast %get3A_1853 : vector<1x16xi32> to vector<16xi32>
      %mul3A_1855 = arith.constant 2 : i32
      %mul3A_1856 = vector.broadcast %mul3A_1855 : i32 to vector<16xi32>
      %mul3A_1857 = arith.muli %get3A_1854, %mul3A_1856 : vector<16xi32>
      %add3A_1858 = vector.broadcast %arg0 : i32 to vector<16xi32>
      %add3A_1859 = arith.addi %mul3A_1857, %add3A_1858 : vector<16xi32>
      %swap3A_1860 = arith.index_cast %scan3A_1823 : i32 to index
      %swap3A_1861 = arith.constant 32 : index
      %swap3A_1862 = tpu.vector_load %arg7[%swap3A_1860, %swap3A_1861] {strides = array<i32>} : memref<250x80xi32, #tpu.memory_space<vmem>>, vector<1x16xi32>,
      %swap3A_1863 = vector.shape_cast %swap3A_1862 : vector<1x16xi32> to vector<16xi32>
      %swap3A_1864 = vector.shape_cast %add3A_1859 : vector<16xi32> to vector<1x16xi32>
      tpu.vector_store %arg7[%swap3A_1860, %swap3A_1861], %swap3A_1864 {strides = array<i32>} : memref<250x80xi32, #tpu.memory_space<vmem>>, vector<1x16xi32>,
      %get3A_1865 = arith.index_cast %scan3A_1823 : i32 to index
      %get3A_1866 = arith.constant 48 : index
      %get3A_1867 = tpu.vector_load %arg7[%get3A_1865, %get3A_1866] {strides = array<i32>} : memref<250x80xi32, #tpu.memory_space<vmem>>, vector<1x16xi32>,
      %get3A_1868 = vector.shape_cast %get3A_1867 : vector<1x16xi32> to vector<16xi32>
      %mul3A_1869 = arith.constant 2 : i32
      %mul3A_1870 = vector.broadcast %mul3A_1869 : i32 to vector<16xi32>
      %mul3A_1871 = arith.muli %get3A_1868, %mul3A_1870 : vector<16xi32>
      %add3A_1872 = vector.broadcast %arg0 : i32 to vector<16xi32>
      %add3A_1873 = arith.addi %mul3A_1871, %add3A_1872 : vector<16xi32>
      %swap3A_1874 = arith.index_cast %scan3A_1823 : i32 to index
      %swap3A_1875 = arith.constant 48 : index
      %swap3A_1876 = tpu.vector_load %arg7[%swap3A_1874, %swap3A_1875] {strides = array<i32>} : memref<250x80xi32, #tpu.memory_space<vmem>>, vector<1x16xi32>,
      %swap3A_1877 = vector.shape_cast %swap3A_1876 : vector<1x16xi32> to vector<16xi32>
      %swap3A_1878 = vector.shape_cast %add3A_1873 : vector<16xi32> to vector<1x16xi32>
      tpu.vector_store %arg7[%swap3A_1874, %swap3A_1875], %swap3A_1878 {strides = array<i32>} : memref<250x80xi32, #tpu.memory_space<vmem>>, vector<1x16xi32>,
      %get3A_1879 = arith.index_cast %scan3A_1823 : i32 to index
      %get3A_1880 = arith.constant 64 : index
      %get3A_1881 = tpu.vector_load %arg7[%get3A_1879, %get3A_1880] {strides = array<i32>} : memref<250x80xi32, #tpu.memory_space<vmem>>, vector<1x16xi32>,
      %get3A_1882 = vector.shape_cast %get3A_1881 : vector<1x16xi32> to vector<16xi32>
      %mul3A_1883 = arith.constant 2 : i32
      %mul3A_1884 = vector.broadcast %mul3A_1883 : i32 to vector<16xi32>
      %mul3A_1885 = arith.muli %get3A_1882, %mul3A_1884 : vector<16xi32>
      %add3A_1886 = vector.broadcast %arg0 : i32 to vector<16xi32>
      %add3A_1887 = arith.addi %mul3A_1885, %add3A_1886 : vector<16xi32>
      %swap3A_1888 = arith.index_cast %scan3A_1823 : i32 to index
      %swap3A_1889 = arith.constant 64 : index
      %swap3A_1890 = tpu.vector_load %arg7[%swap3A_1888, %swap3A_1889] {strides = array<i32>} : memref<250x80xi32, #tpu.memory_space<vmem>>, vector<1x16xi32>,
      %swap3A_1891 = vector.shape_cast %swap3A_1890 : vector<1x16xi32> to vector<16xi32>
      %swap3A_1892 = vector.shape_cast %add3A_1887 : vector<16xi32> to vector<1x16xi32>
      tpu.vector_store %arg7[%swap3A_1888, %swap3A_1889], %swap3A_1892 {strides = array<i32>} : memref<250x80xi32, #tpu.memory_space<vmem>>, vector<1x16xi32>,
      %scan3A_1893 = arith.constant 0 : i32
      scf.yield %scan3A_1893 : i32
    }
    %scan3A_1693 = arith.constant 250 : i32
    %mul3A_1694 = arith.constant 640 : i32
    %mul3A_1695 = arith.muli %arg1, %mul3A_1694 : i32
    %scan3A_1696 = arith.constant 0 : i32
    %scan3A_1697 = arith.constant 0 : i32
    %scan3A_1698 = arith.constant 16 : i32
    %scan3A_1699 = arith.addi %scan3A_1697, %scan3A_1698 : i32
    %scan3A_1700 = arith.constant 1 : i32
    %scan3A_1701 = scf.for %scan3A_1823 = %scan3A_1697 to %scan3A_1699 step %scan3A_1700 iter_args(%scan3A_1824 = %scan3A_1696) -> (i32)  : i32 {
      %mul3A_1825 = arith.constant 40 : i32
      %mul3A_1826 = arith.muli %scan3A_1823, %mul3A_1825 : i32
      %add3A = arith.addi %mul3A_1695, %mul3A_1826 : i32
      "tpu.region"() ({
        %run_scoped3A = tpu.sem_alloc : memref<!tpu.dma_semaphore, #tpu.memory_space<semaphore_mem>>
        %dma_start3A_1831 = arith.constant 0 : i32
        %dma_start3A_1832 = tpu.memref_slice %arg13[%add3A, %dma_start3A_1831] : memref<10240x64xf32, #tpu.memory_space<vmem_shared>> -> memref<40x64xf32, #tpu.memory_space<vmem_shared>>
        %dma_start3A_1833 = arith.constant 0 : i32
        %dma_start3A_1834 = tpu.memref_slice %arg13[%add3A, %dma_start3A_1833] : memref<10240x64xf32, #tpu.memory_space<vmem_shared>> -> memref<40x64xf32, #tpu.memory_space<vmem_shared>>
        tpu.enqueue_dma source(%arg10 : memref<40x64xf32, #tpu.memory_space<vmem>>) target(%dma_start3A_1834 : memref<40x64xf32, #tpu.memory_space<vmem_shared>>) target_semaphore(%run_scoped3A : memref<!tpu.dma_semaphore, #tpu.memory_space<semaphore_mem>>)
        %dma_wait3A_1835 = arith.constant 0 : i32
        %dma_wait3A_1836 = tpu.memref_slice %arg13[%add3A, %dma_wait3A_1835] : memref<10240x64xf32, #tpu.memory_space<vmem_shared>> -> memref<40x64xf32, #tpu.memory_space<vmem_shared>>
        %dma_wait3A_1837 = arith.constant 0 : i32
        %dma_wait3A_1838 = tpu.memref_slice %arg13[%add3A, %dma_wait3A_1837] : memref<10240x64xf32, #tpu.memory_space<vmem_shared>> -> memref<40x64xf32, #tpu.memory_space<vmem_shared>>
        tpu.wait_dma2 semaphore(%run_scoped3A : memref<!tpu.dma_semaphore, #tpu.memory_space<semaphore_mem>>) src(%arg10 : memref<40x64xf32, #tpu.memory_space<vmem>>) dst(%dma_wait3A_1838 : memref<40x64xf32, #tpu.memory_space<vmem_shared>>)
        tpu.yield
      }) : () -> ()
      %convert_element_type3A_1827 = arith.extui %eq3A_0 : i1 to i32
      %cond3A_1828 = arith.constant 0 : i32
      %cond3A_1829 = arith.cmpi ne, %convert_element_type3A_1827, %cond3A_1828 : i32
      scf.if %cond3A_1829 {
        %mul3A_1831 = arith.constant 40 : i32
        %mul3A_1832 = arith.muli %scan3A_1823, %mul3A_1831 : i32
        %add3A_1833 = arith.addi %mul3A_1695, %mul3A_1832 : i32
        "tpu.region"() ({
          %run_scoped3A = tpu.sem_alloc : memref<!tpu.dma_semaphore, #tpu.memory_space<semaphore_mem>>
          %dma_start3A_1834 = arith.constant 0 : i32
          %dma_start3A_1835 = tpu.memref_slice %arg14[%add3A_1833, %dma_start3A_1834] : memref<10240x16xf32, #tpu.memory_space<vmem_shared>> -> memref<40x16xf32, #tpu.memory_space<vmem_shared>>
          %dma_start3A_1836 = arith.constant 0 : i32
          %dma_start3A_1837 = tpu.memref_slice %arg14[%add3A_1833, %dma_start3A_1836] : memref<10240x16xf32, #tpu.memory_space<vmem_shared>> -> memref<40x16xf32, #tpu.memory_space<vmem_shared>>
          tpu.enqueue_dma source(%arg12 : memref<40x16xf32, #tpu.memory_space<vmem>>) target(%dma_start3A_1837 : memref<40x16xf32, #tpu.memory_space<vmem_shared>>) target_semaphore(%run_scoped3A : memref<!tpu.dma_semaphore, #tpu.memory_space<semaphore_mem>>)
          %dma_wait3A_1838 = arith.constant 0 : i32
          %dma_wait3A_1839 = tpu.memref_slice %arg14[%add3A_1833, %dma_wait3A_1838] : memref<10240x16xf32, #tpu.memory_space<vmem_shared>> -> memref<40x16xf32, #tpu.memory_space<vmem_shared>>
          %dma_wait3A_1840 = arith.constant 0 : i32
          %dma_wait3A_1841 = tpu.memref_slice %arg14[%add3A_1833, %dma_wait3A_1840] : memref<10240x16xf32, #tpu.memory_space<vmem_shared>> -> memref<40x16xf32, #tpu.memory_space<vmem_shared>>
          tpu.wait_dma2 semaphore(%run_scoped3A : memref<!tpu.dma_semaphore, #tpu.memory_space<semaphore_mem>>) src(%arg12 : memref<40x16xf32, #tpu.memory_space<vmem>>) dst(%dma_wait3A_1841 : memref<40x16xf32, #tpu.memory_space<vmem_shared>>)
          tpu.yield
        }) : () -> ()
      } else {
      }
      %scan3A_1830 = arith.constant 0 : i32
      scf.yield %scan3A_1830 : i32
    }
    %scan3A_1702 = arith.constant 16 : i32
    %barrier3A = arith.constant 0 : index
    tpu.barrier barrier_id(%barrier3A)
    %dma_start3A = arith.constant 0 : i32
    %dma_start3A_1703 = arith.constant 0 : i32
    %dma_start3A_1704 = arith.constant 0 : i32
    %dma_start3A_1705 = arith.constant 0 : i32
    %dma_start3A_1706 = tpu.memref_slice %arg9[%dma_start3A_1703, %dma_start3A_1704, %dma_start3A_1705] : memref<5x80x64xf32, #tpu.memory_space<vmem>> -> memref<1x80x64xf32, #tpu.memory_space<vmem>>
    %dma_start3A_1707 = tpu.memref_squeeze %dma_start3A_1706 : memref<1x80x64xf32, #tpu.memory_space<vmem>> -> memref<80x64xf32, #tpu.memory_space<vmem>>
    %dma_start3A_1708 = arith.constant 0 : i32
    %dma_start3A_1709 = tpu.memref_slice %arg7[%dma_start3A, %dma_start3A_1708] : memref<250x80xi32, #tpu.memory_space<vmem>> -> memref<1x80xi32, #tpu.memory_space<vmem>>
    %dma_start3A_1710 = tpu.memref_squeeze %dma_start3A_1709 : memref<1x80xi32, #tpu.memory_space<vmem>> -> memref<80xi32, #tpu.memory_space<vmem>>
    %dma_start3A_1711 = arith.constant 0 : i32
    %dma_start3A_1712 = arith.constant 0 : i32
    %dma_start3A_1713 = tpu.memref_slice %arg2[%dma_start3A_1711, %dma_start3A_1712] : memref<20000x64xf32, #tpu.memory_space<hbm>> -> memref<20000x64xf32, #tpu.memory_space<hbm>>
    tpu.enqueue_indirect_dma source(%dma_start3A_1713 : memref<20000x64xf32, #tpu.memory_space<hbm>>) target(%dma_start3A_1707 : memref<80x64xf32, #tpu.memory_space<vmem>>) offsets(%dma_start3A_1710 : memref<80xi32, #tpu.memory_space<vmem>>) semaphore(%arg15 : memref<!tpu.dma_semaphore, #tpu.memory_space<semaphore_mem>>)
    %dma_start3A_1714 = arith.constant 1 : i32
    %dma_start3A_1715 = arith.constant 1 : i32
    %dma_start3A_1716 = arith.constant 0 : i32
    %dma_start3A_1717 = arith.constant 0 : i32
    %dma_start3A_1718 = tpu.memref_slice %arg9[%dma_start3A_1715, %dma_start3A_1716, %dma_start3A_1717] : memref<5x80x64xf32, #tpu.memory_space<vmem>> -> memref<1x80x64xf32, #tpu.memory_space<vmem>>
    %dma_start3A_1719 = tpu.memref_squeeze %dma_start3A_1718 : memref<1x80x64xf32, #tpu.memory_space<vmem>> -> memref<80x64xf32, #tpu.memory_space<vmem>>
    %dma_start3A_1720 = arith.constant 0 : i32
    %dma_start3A_1721 = tpu.memref_slice %arg7[%dma_start3A_1714, %dma_start3A_1720] : memref<250x80xi32, #tpu.memory_space<vmem>> -> memref<1x80xi32, #tpu.memory_space<vmem>>
    %dma_start3A_1722 = tpu.memref_squeeze %dma_start3A_1721 : memref<1x80xi32, #tpu.memory_space<vmem>> -> memref<80xi32, #tpu.memory_space<vmem>>
    %dma_start3A_1723 = arith.constant 0 : i32
    %dma_start3A_1724 = arith.constant 0 : i32
    %dma_start3A_1725 = tpu.memref_slice %arg2[%dma_start3A_1723, %dma_start3A_1724] : memref<20000x64xf32, #tpu.memory_space<hbm>> -> memref<20000x64xf32, #tpu.memory_space<hbm>>
    tpu.enqueue_indirect_dma source(%dma_start3A_1725 : memref<20000x64xf32, #tpu.memory_space<hbm>>) target(%dma_start3A_1719 : memref<80x64xf32, #tpu.memory_space<vmem>>) offsets(%dma_start3A_1722 : memref<80xi32, #tpu.memory_space<vmem>>) semaphore(%arg16 : memref<!tpu.dma_semaphore, #tpu.memory_space<semaphore_mem>>)
    %dma_start3A_1726 = arith.constant 2 : i32
    %dma_start3A_1727 = arith.constant 2 : i32
    %dma_start3A_1728 = arith.constant 0 : i32
    %dma_start3A_1729 = arith.constant 0 : i32
    %dma_start3A_1730 = tpu.memref_slice %arg9[%dma_start3A_1727, %dma_start3A_1728, %dma_start3A_1729] : memref<5x80x64xf32, #tpu.memory_space<vmem>> -> memref<1x80x64xf32, #tpu.memory_space<vmem>>
    %dma_start3A_1731 = tpu.memref_squeeze %dma_start3A_1730 : memref<1x80x64xf32, #tpu.memory_space<vmem>> -> memref<80x64xf32, #tpu.memory_space<vmem>>
    %dma_start3A_1732 = arith.constant 0 : i32
    %dma_start3A_1733 = tpu.memref_slice %arg7[%dma_start3A_1726, %dma_start3A_1732] : memref<250x80xi32, #tpu.memory_space<vmem>> -> memref<1x80xi32, #tpu.memory_space<vmem>>
    %dma_start3A_1734 = tpu.memref_squeeze %dma_start3A_1733 : memref<1x80xi32, #tpu.memory_space<vmem>> -> memref<80xi32, #tpu.memory_space<vmem>>
    %dma_start3A_1735 = arith.constant 0 : i32
    %dma_start3A_1736 = arith.constant 0 : i32
    %dma_start3A_1737 = tpu.memref_slice %arg2[%dma_start3A_1735, %dma_start3A_1736] : memref<20000x64xf32, #tpu.memory_space<hbm>> -> memref<20000x64xf32, #tpu.memory_space<hbm>>
    tpu.enqueue_indirect_dma source(%dma_start3A_1737 : memref<20000x64xf32, #tpu.memory_space<hbm>>) target(%dma_start3A_1731 : memref<80x64xf32, #tpu.memory_space<vmem>>) offsets(%dma_start3A_1734 : memref<80xi32, #tpu.memory_space<vmem>>) semaphore(%arg17 : memref<!tpu.dma_semaphore, #tpu.memory_space<semaphore_mem>>)
    %dma_start3A_1738 = arith.constant 3 : i32
    %dma_start3A_1739 = arith.constant 3 : i32
    %dma_start3A_1740 = arith.constant 0 : i32
    %dma_start3A_1741 = arith.constant 0 : i32
    %dma_start3A_1742 = tpu.memref_slice %arg9[%dma_start3A_1739, %dma_start3A_1740, %dma_start3A_1741] : memref<5x80x64xf32, #tpu.memory_space<vmem>> -> memref<1x80x64xf32, #tpu.memory_space<vmem>>
    %dma_start3A_1743 = tpu.memref_squeeze %dma_start3A_1742 : memref<1x80x64xf32, #tpu.memory_space<vmem>> -> memref<80x64xf32, #tpu.memory_space<vmem>>
    %dma_start3A_1744 = arith.constant 0 : i32
    %dma_start3A_1745 = tpu.memref_slice %arg7[%dma_start3A_1738, %dma_start3A_1744] : memref<250x80xi32, #tpu.memory_space<vmem>> -> memref<1x80xi32, #tpu.memory_space<vmem>>
    %dma_start3A_1746 = tpu.memref_squeeze %dma_start3A_1745 : memref<1x80xi32, #tpu.memory_space<vmem>> -> memref<80xi32, #tpu.memory_space<vmem>>
    %dma_start3A_1747 = arith.constant 0 : i32
    %dma_start3A_1748 = arith.constant 0 : i32
    %dma_start3A_1749 = tpu.memref_slice %arg2[%dma_start3A_1747, %dma_start3A_1748] : memref<20000x64xf32, #tpu.memory_space<hbm>> -> memref<20000x64xf32, #tpu.memory_space<hbm>>
    tpu.enqueue_indirect_dma source(%dma_start3A_1749 : memref<20000x64xf32, #tpu.memory_space<hbm>>) target(%dma_start3A_1743 : memref<80x64xf32, #tpu.memory_space<vmem>>) offsets(%dma_start3A_1746 : memref<80xi32, #tpu.memory_space<vmem>>) semaphore(%arg18 : memref<!tpu.dma_semaphore, #tpu.memory_space<semaphore_mem>>)
    %scan3A_1750 = arith.constant 0 : i32
    %scan3A_1751 = arith.constant 0 : i32
    %scan3A_1752 = arith.constant 50 : i32
    %scan3A_1753 = arith.addi %scan3A_1751, %scan3A_1752 : i32
    %scan3A_1754 = arith.constant 1 : i32
    %scan3A_1755 = scf.for %scan3A_1823 = %scan3A_1751 to %scan3A_1753 step %scan3A_1754 iter_args(%scan3A_1824 = %scan3A_1750) -> (i32)  : i32 {
      %mul3A_1825 = arith.constant 5 : i32
      %mul3A_1826 = arith.muli %scan3A_1823, %mul3A_1825 : i32
      %add3A = arith.constant 0 : i32
      %add3A_1827 = arith.addi %mul3A_1826, %add3A : i32
      %ge3A = arith.constant 1 : i32
      %ge3A_1828 = arith.cmpi sge, %add3A_1827, %ge3A : i32
      %lt3A = arith.constant 246 : i32
      %lt3A_1829 = arith.cmpi slt, %add3A_1827, %lt3A : i32
      %and3A = arith.andi %ge3A_1828, %lt3A_1829 : i1
      %convert_element_type3A_1830 = arith.extui %and3A : i1 to i32
      %cond3A_1831 = arith.constant 0 : i32
      %cond3A_1832 = arith.cmpi ne, %convert_element_type3A_1830, %cond3A_1831 : i32
      scf.if %cond3A_1832 {
        %dma_wait3A_2032 = arith.constant 4 : i32
        %dma_wait3A_2033 = arith.constant 0 : i32
        %dma_wait3A_2034 = arith.constant 0 : i32
        %dma_wait3A_2035 = arith.constant 0 : i32
        %dma_wait3A_2036 = tpu.memref_slice %arg9[%dma_wait3A_2032, %dma_wait3A_2034, %dma_wait3A_2035] : memref<5x80x64xf32, #tpu.memory_space<vmem>> -> memref<1x80x64xf32, #tpu.memory_space<vmem>>
        %dma_wait3A_2037 = tpu.memref_squeeze %dma_wait3A_2036 : memref<1x80x64xf32, #tpu.memory_space<vmem>> -> memref<80x64xf32, #tpu.memory_space<vmem>>
        %dma_wait3A_2038 = arith.constant 0 : i32
        %dma_wait3A_2039 = tpu.memref_slice %arg8[%dma_wait3A_2033, %dma_wait3A_2038] : memref<250x80xi32, #tpu.memory_space<vmem>> -> memref<1x80xi32, #tpu.memory_space<vmem>>
        %dma_wait3A_2040 = tpu.memref_squeeze %dma_wait3A_2039 : memref<1x80xi32, #tpu.memory_space<vmem>> -> memref<80xi32, #tpu.memory_space<vmem>>
        %dma_wait3A_2041 = arith.constant 0 : i32
        %dma_wait3A_2042 = arith.constant 0 : i32
        %dma_wait3A_2043 = tpu.memref_slice %arg13[%dma_wait3A_2041, %dma_wait3A_2042] : memref<10240x64xf32, #tpu.memory_space<vmem_shared>> -> memref<10240x64xf32, #tpu.memory_space<vmem_shared>>
        tpu.wait_indirect_dma semaphore(%arg24 : memref<!tpu.dma_semaphore, #tpu.memory_space<semaphore_mem>>) src(%dma_wait3A_2037 : memref<80x64xf32, #tpu.memory_space<vmem>>) dst(%dma_wait3A_2043 : memref<10240x64xf32, #tpu.memory_space<vmem_shared>>)
      } else {
      }
      %lt3A_1833 = arith.constant 246 : i32
      %lt3A_1834 = arith.cmpi slt, %add3A_1827, %lt3A_1833 : i32
      %convert_element_type3A_1835 = arith.extui %lt3A_1834 : i1 to i32
      %cond3A_1836 = arith.constant 0 : i32
      %cond3A_1837 = arith.cmpi ne, %convert_element_type3A_1835, %cond3A_1836 : i32
      scf.if %cond3A_1837 {
        %add3A_2032 = arith.constant 4 : i32
        %add3A_2033 = arith.addi %add3A_1827, %add3A_2032 : i32
        %dma_start3A_2034 = arith.constant 4 : i32
        %dma_start3A_2035 = arith.constant 0 : i32
        %dma_start3A_2036 = arith.constant 0 : i32
        %dma_start3A_2037 = tpu.memref_slice %arg9[%dma_start3A_2034, %dma_start3A_2035, %dma_start3A_2036] : memref<5x80x64xf32, #tpu.memory_space<vmem>> -> memref<1x80x64xf32, #tpu.memory_space<vmem>>
        %dma_start3A_2038 = tpu.memref_squeeze %dma_start3A_2037 : memref<1x80x64xf32, #tpu.memory_space<vmem>> -> memref<80x64xf32, #tpu.memory_space<vmem>>
        %dma_start3A_2039 = arith.constant 0 : i32
        %dma_start3A_2040 = tpu.memref_slice %arg7[%add3A_2033, %dma_start3A_2039] : memref<250x80xi32, #tpu.memory_space<vmem>> -> memref<1x80xi32, #tpu.memory_space<vmem>>
        %dma_start3A_2041 = tpu.memref_squeeze %dma_start3A_2040 : memref<1x80xi32, #tpu.memory_space<vmem>> -> memref<80xi32, #tpu.memory_space<vmem>>
        %dma_start3A_2042 = arith.constant 0 : i32
        %dma_start3A_2043 = arith.constant 0 : i32
        %dma_start3A_2044 = tpu.memref_slice %arg2[%dma_start3A_2042, %dma_start3A_2043] : memref<20000x64xf32, #tpu.memory_space<hbm>> -> memref<20000x64xf32, #tpu.memory_space<hbm>>
        tpu.enqueue_indirect_dma source(%dma_start3A_2044 : memref<20000x64xf32, #tpu.memory_space<hbm>>) target(%dma_start3A_2038 : memref<80x64xf32, #tpu.memory_space<vmem>>) offsets(%dma_start3A_2041 : memref<80xi32, #tpu.memory_space<vmem>>) semaphore(%arg19 : memref<!tpu.dma_semaphore, #tpu.memory_space<semaphore_mem>>)
      } else {
      }
      %dma_wait3A_1838 = arith.constant 0 : i32
      %dma_wait3A_1839 = arith.constant 0 : i32
      %dma_wait3A_1840 = arith.constant 0 : i32
      %dma_wait3A_1841 = tpu.memref_slice %arg9[%dma_wait3A_1838, %dma_wait3A_1839, %dma_wait3A_1840] : memref<5x80x64xf32, #tpu.memory_space<vmem>> -> memref<1x80x64xf32, #tpu.memory_space<vmem>>
      %dma_wait3A_1842 = tpu.memref_squeeze %dma_wait3A_1841 : memref<1x80x64xf32, #tpu.memory_space<vmem>> -> memref<80x64xf32, #tpu.memory_space<vmem>>
      %dma_wait3A_1843 = arith.constant 0 : i32
      %dma_wait3A_1844 = tpu.memref_slice %arg7[%add3A_1827, %dma_wait3A_1843] : memref<250x80xi32, #tpu.memory_space<vmem>> -> memref<1x80xi32, #tpu.memory_space<vmem>>
      %dma_wait3A_1845 = tpu.memref_squeeze %dma_wait3A_1844 : memref<1x80xi32, #tpu.memory_space<vmem>> -> memref<80xi32, #tpu.memory_space<vmem>>
      %dma_wait3A_1846 = arith.constant 0 : i32
      %dma_wait3A_1847 = arith.constant 0 : i32
      %dma_wait3A_1848 = tpu.memref_slice %arg2[%dma_wait3A_1846, %dma_wait3A_1847] : memref<20000x64xf32, #tpu.memory_space<hbm>> -> memref<20000x64xf32, #tpu.memory_space<hbm>>
      tpu.wait_indirect_dma semaphore(%arg15 : memref<!tpu.dma_semaphore, #tpu.memory_space<semaphore_mem>>) src(%dma_wait3A_1848 : memref<20000x64xf32, #tpu.memory_space<hbm>>) dst(%dma_wait3A_1842 : memref<80x64xf32, #tpu.memory_space<vmem>>)
      %dma_start3A_1849 = arith.constant 0 : i32
      %dma_start3A_1850 = arith.constant 0 : i32
      %dma_start3A_1851 = arith.constant 0 : i32
      %dma_start3A_1852 = tpu.memref_slice %arg9[%dma_start3A_1849, %dma_start3A_1850, %dma_start3A_1851] : memref<5x80x64xf32, #tpu.memory_space<vmem>> -> memref<1x80x64xf32, #tpu.memory_space<vmem>>
      %dma_start3A_1853 = tpu.memref_squeeze %dma_start3A_1852 : memref<1x80x64xf32, #tpu.memory_space<vmem>> -> memref<80x64xf32, #tpu.memory_space<vmem>>
      %dma_start3A_1854 = arith.constant 0 : i32
      %dma_start3A_1855 = tpu.memref_slice %arg8[%add3A_1827, %dma_start3A_1854] : memref<250x80xi32, #tpu.memory_space<vmem>> -> memref<1x80xi32, #tpu.memory_space<vmem>>
      %dma_start3A_1856 = tpu.memref_squeeze %dma_start3A_1855 : memref<1x80xi32, #tpu.memory_space<vmem>> -> memref<80xi32, #tpu.memory_space<vmem>>
      %dma_start3A_1857 = arith.constant 0 : i32
      %dma_start3A_1858 = arith.constant 0 : i32
      %dma_start3A_1859 = tpu.memref_slice %arg13[%dma_start3A_1857, %dma_start3A_1858] : memref<10240x64xf32, #tpu.memory_space<vmem_shared>> -> memref<10240x64xf32, #tpu.memory_space<vmem_shared>>
      tpu.enqueue_indirect_dma source(%dma_start3A_1853 : memref<80x64xf32, #tpu.memory_space<vmem>>) target(%dma_start3A_1859 : memref<10240x64xf32, #tpu.memory_space<vmem_shared>>) offsets(%dma_start3A_1856 : memref<80xi32, #tpu.memory_space<vmem>>) semaphore(%arg20 : memref<!tpu.dma_semaphore, #tpu.memory_space<semaphore_mem>>) {add = true}
      %convert_element_type3A_1860 = arith.extui %eq3A_0 : i1 to i32
      %cond3A_1861 = arith.constant 0 : i32
      %cond3A_1862 = arith.cmpi ne, %convert_element_type3A_1860, %cond3A_1861 : i32
      scf.if %cond3A_1862 {
        %dma_start3A_2032 = arith.constant 0 : i32
        %dma_start3A_2033 = tpu.memref_slice %arg8[%add3A_1827, %dma_start3A_2032] : memref<250x80xi32, #tpu.memory_space<vmem>> -> memref<1x80xi32, #tpu.memory_space<vmem>>
        %dma_start3A_2034 = tpu.memref_squeeze %dma_start3A_2033 : memref<1x80xi32, #tpu.memory_space<vmem>> -> memref<80xi32, #tpu.memory_space<vmem>>
        %dma_start3A_2035 = arith.constant 0 : i32
        %dma_start3A_2036 = arith.constant 0 : i32
        %dma_start3A_2037 = tpu.memref_slice %arg14[%dma_start3A_2035, %dma_start3A_2036] : memref<10240x16xf32, #tpu.memory_space<vmem_shared>> -> memref<10240x16xf32, #tpu.memory_space<vmem_shared>>
        tpu.enqueue_indirect_dma source(%arg11 : memref<80x16xf32, #tpu.memory_space<vmem>>) target(%dma_start3A_2037 : memref<10240x16xf32, #tpu.memory_space<vmem_shared>>) offsets(%dma_start3A_2034 : memref<80xi32, #tpu.memory_space<vmem>>) semaphore(%arg25 : memref<!tpu.dma_semaphore, #tpu.memory_space<semaphore_mem>>) {add = true}
      } else {
      }
      %mul3A_1863 = arith.constant 5 : i32
      %mul3A_1864 = arith.muli %scan3A_1823, %mul3A_1863 : i32
      %add3A_1865 = arith.constant 1 : i32
      %add3A_1866 = arith.addi %mul3A_1864, %add3A_1865 : i32
      %ge3A_1867 = arith.constant 1 : i32
      %ge3A_1868 = arith.cmpi sge, %add3A_1866, %ge3A_1867 : i32
      %lt3A_1869 = arith.constant 246 : i32
      %lt3A_1870 = arith.cmpi slt, %add3A_1866, %lt3A_1869 : i32
      %and3A_1871 = arith.andi %ge3A_1868, %lt3A_1870 : i1
      %convert_element_type3A_1872 = arith.extui %and3A_1871 : i1 to i32
      %cond3A_1873 = arith.constant 0 : i32
      %cond3A_1874 = arith.cmpi ne, %convert_element_type3A_1872, %cond3A_1873 : i32
      scf.if %cond3A_1874 {
        %dma_wait3A_2032 = arith.constant 0 : i32
        %dma_wait3A_2033 = arith.constant 0 : i32
        %dma_wait3A_2034 = arith.constant 0 : i32
        %dma_wait3A_2035 = arith.constant 0 : i32
        %dma_wait3A_2036 = tpu.memref_slice %arg9[%dma_wait3A_2032, %dma_wait3A_2034, %dma_wait3A_2035] : memref<5x80x64xf32, #tpu.memory_space<vmem>> -> memref<1x80x64xf32, #tpu.memory_space<vmem>>
        %dma_wait3A_2037 = tpu.memref_squeeze %dma_wait3A_2036 : memref<1x80x64xf32, #tpu.memory_space<vmem>> -> memref<80x64xf32, #tpu.memory_space<vmem>>
        %dma_wait3A_2038 = arith.constant 0 : i32
        %dma_wait3A_2039 = tpu.memref_slice %arg8[%dma_wait3A_2033, %dma_wait3A_2038] : memref<250x80xi32, #tpu.memory_space<vmem>> -> memref<1x80xi32, #tpu.memory_space<vmem>>
        %dma_wait3A_2040 = tpu.memref_squeeze %dma_wait3A_2039 : memref<1x80xi32, #tpu.memory_space<vmem>> -> memref<80xi32, #tpu.memory_space<vmem>>
        %dma_wait3A_2041 = arith.constant 0 : i32
        %dma_wait3A_2042 = arith.constant 0 : i32
        %dma_wait3A_2043 = tpu.memref_slice %arg13[%dma_wait3A_2041, %dma_wait3A_2042] : memref<10240x64xf32, #tpu.memory_space<vmem_shared>> -> memref<10240x64xf32, #tpu.memory_space<vmem_shared>>
        tpu.wait_indirect_dma semaphore(%arg20 : memref<!tpu.dma_semaphore, #tpu.memory_space<semaphore_mem>>) src(%dma_wait3A_2037 : memref<80x64xf32, #tpu.memory_space<vmem>>) dst(%dma_wait3A_2043 : memref<10240x64xf32, #tpu.memory_space<vmem_shared>>)
      } else {
      }
      %lt3A_1875 = arith.constant 246 : i32
      %lt3A_1876 = arith.cmpi slt, %add3A_1866, %lt3A_1875 : i32
      %convert_element_type3A_1877 = arith.extui %lt3A_1876 : i1 to i32
      %cond3A_1878 = arith.constant 0 : i32
      %cond3A_1879 = arith.cmpi ne, %convert_element_type3A_1877, %cond3A_1878 : i32
      scf.if %cond3A_1879 {
        %add3A_2032 = arith.constant 4 : i32
        %add3A_2033 = arith.addi %add3A_1866, %add3A_2032 : i32
        %dma_start3A_2034 = arith.constant 0 : i32
        %dma_start3A_2035 = arith.constant 0 : i32
        %dma_start3A_2036 = arith.constant 0 : i32
        %dma_start3A_2037 = tpu.memref_slice %arg9[%dma_start3A_2034, %dma_start3A_2035, %dma_start3A_2036] : memref<5x80x64xf32, #tpu.memory_space<vmem>> -> memref<1x80x64xf32, #tpu.memory_space<vmem>>
        %dma_start3A_2038 = tpu.memref_squeeze %dma_start3A_2037 : memref<1x80x64xf32, #tpu.memory_space<vmem>> -> memref<80x64xf32, #tpu.memory_space<vmem>>
        %dma_start3A_2039 = arith.constant 0 : i32
        %dma_start3A_2040 = tpu.memref_slice %arg7[%add3A_2033, %dma_start3A_2039] : memref<250x80xi32, #tpu.memory_space<vmem>> -> memref<1x80xi32, #tpu.memory_space<vmem>>
        %dma_start3A_2041 = tpu.memref_squeeze %dma_start3A_2040 : memref<1x80xi32, #tpu.memory_space<vmem>> -> memref<80xi32, #tpu.memory_space<vmem>>
        %dma_start3A_2042 = arith.constant 0 : i32
        %dma_start3A_2043 = arith.constant 0 : i32
        %dma_start3A_2044 = tpu.memref_slice %arg2[%dma_start3A_2042, %dma_start3A_2043] : memref<20000x64xf32, #tpu.memory_space<hbm>> -> memref<20000x64xf32, #tpu.memory_space<hbm>>
        tpu.enqueue_indirect_dma source(%dma_start3A_2044 : memref<20000x64xf32, #tpu.memory_space<hbm>>) target(%dma_start3A_2038 : memref<80x64xf32, #tpu.memory_space<vmem>>) offsets(%dma_start3A_2041 : memref<80xi32, #tpu.memory_space<vmem>>) semaphore(%arg15 : memref<!tpu.dma_semaphore, #tpu.memory_space<semaphore_mem>>)
      } else {
      }
      %dma_wait3A_1880 = arith.constant 1 : i32
      %dma_wait3A_1881 = arith.constant 0 : i32
      %dma_wait3A_1882 = arith.constant 0 : i32
      %dma_wait3A_1883 = tpu.memref_slice %arg9[%dma_wait3A_1880, %dma_wait3A_1881, %dma_wait3A_1882] : memref<5x80x64xf32, #tpu.memory_space<vmem>> -> memref<1x80x64xf32, #tpu.memory_space<vmem>>
      %dma_wait3A_1884 = tpu.memref_squeeze %dma_wait3A_1883 : memref<1x80x64xf32, #tpu.memory_space<vmem>> -> memref<80x64xf32, #tpu.memory_space<vmem>>
      %dma_wait3A_1885 = arith.constant 0 : i32
      %dma_wait3A_1886 = tpu.memref_slice %arg7[%add3A_1866, %dma_wait3A_1885] : memref<250x80xi32, #tpu.memory_space<vmem>> -> memref<1x80xi32, #tpu.memory_space<vmem>>
      %dma_wait3A_1887 = tpu.memref_squeeze %dma_wait3A_1886 : memref<1x80xi32, #tpu.memory_space<vmem>> -> memref<80xi32, #tpu.memory_space<vmem>>
      %dma_wait3A_1888 = arith.constant 0 : i32
      %dma_wait3A_1889 = arith.constant 0 : i32
      %dma_wait3A_1890 = tpu.memref_slice %arg2[%dma_wait3A_1888, %dma_wait3A_1889] : memref<20000x64xf32, #tpu.memory_space<hbm>> -> memref<20000x64xf32, #tpu.memory_space<hbm>>
      tpu.wait_indirect_dma semaphore(%arg16 : memref<!tpu.dma_semaphore, #tpu.memory_space<semaphore_mem>>) src(%dma_wait3A_1890 : memref<20000x64xf32, #tpu.memory_space<hbm>>) dst(%dma_wait3A_1884 : memref<80x64xf32, #tpu.memory_space<vmem>>)
      %dma_start3A_1891 = arith.constant 1 : i32
      %dma_start3A_1892 = arith.constant 0 : i32
      %dma_start3A_1893 = arith.constant 0 : i32
      %dma_start3A_1894 = tpu.memref_slice %arg9[%dma_start3A_1891, %dma_start3A_1892, %dma_start3A_1893] : memref<5x80x64xf32, #tpu.memory_space<vmem>> -> memref<1x80x64xf32, #tpu.memory_space<vmem>>
      %dma_start3A_1895 = tpu.memref_squeeze %dma_start3A_1894 : memref<1x80x64xf32, #tpu.memory_space<vmem>> -> memref<80x64xf32, #tpu.memory_space<vmem>>
      %dma_start3A_1896 = arith.constant 0 : i32
      %dma_start3A_1897 = tpu.memref_slice %arg8[%add3A_1866, %dma_start3A_1896] : memref<250x80xi32, #tpu.memory_space<vmem>> -> memref<1x80xi32, #tpu.memory_space<vmem>>
      %dma_start3A_1898 = tpu.memref_squeeze %dma_start3A_1897 : memref<1x80xi32, #tpu.memory_space<vmem>> -> memref<80xi32, #tpu.memory_space<vmem>>
      %dma_start3A_1899 = arith.constant 0 : i32
      %dma_start3A_1900 = arith.constant 0 : i32
      %dma_start3A_1901 = tpu.memref_slice %arg13[%dma_start3A_1899, %dma_start3A_1900] : memref<10240x64xf32, #tpu.memory_space<vmem_shared>> -> memref<10240x64xf32, #tpu.memory_space<vmem_shared>>
      tpu.enqueue_indirect_dma source(%dma_start3A_1895 : memref<80x64xf32, #tpu.memory_space<vmem>>) target(%dma_start3A_1901 : memref<10240x64xf32, #tpu.memory_space<vmem_shared>>) offsets(%dma_start3A_1898 : memref<80xi32, #tpu.memory_space<vmem>>) semaphore(%arg21 : memref<!tpu.dma_semaphore, #tpu.memory_space<semaphore_mem>>) {add = true}
      %convert_element_type3A_1902 = arith.extui %eq3A_0 : i1 to i32
      %cond3A_1903 = arith.constant 0 : i32
      %cond3A_1904 = arith.cmpi ne, %convert_element_type3A_1902, %cond3A_1903 : i32
      scf.if %cond3A_1904 {
        %dma_start3A_2032 = arith.constant 0 : i32
        %dma_start3A_2033 = tpu.memref_slice %arg8[%add3A_1866, %dma_start3A_2032] : memref<250x80xi32, #tpu.memory_space<vmem>> -> memref<1x80xi32, #tpu.memory_space<vmem>>
        %dma_start3A_2034 = tpu.memref_squeeze %dma_start3A_2033 : memref<1x80xi32, #tpu.memory_space<vmem>> -> memref<80xi32, #tpu.memory_space<vmem>>
        %dma_start3A_2035 = arith.constant 0 : i32
        %dma_start3A_2036 = arith.constant 0 : i32
        %dma_start3A_2037 = tpu.memref_slice %arg14[%dma_start3A_2035, %dma_start3A_2036] : memref<10240x16xf32, #tpu.memory_space<vmem_shared>> -> memref<10240x16xf32, #tpu.memory_space<vmem_shared>>
        tpu.enqueue_indirect_dma source(%arg11 : memref<80x16xf32, #tpu.memory_space<vmem>>) target(%dma_start3A_2037 : memref<10240x16xf32, #tpu.memory_space<vmem_shared>>) offsets(%dma_start3A_2034 : memref<80xi32, #tpu.memory_space<vmem>>) semaphore(%arg25 : memref<!tpu.dma_semaphore, #tpu.memory_space<semaphore_mem>>) {add = true}
      } else {
      }
      %mul3A_1905 = arith.constant 5 : i32
      %mul3A_1906 = arith.muli %scan3A_1823, %mul3A_1905 : i32
      %add3A_1907 = arith.constant 2 : i32
      %add3A_1908 = arith.addi %mul3A_1906, %add3A_1907 : i32
      %ge3A_1909 = arith.constant 1 : i32
      %ge3A_1910 = arith.cmpi sge, %add3A_1908, %ge3A_1909 : i32
      %lt3A_1911 = arith.constant 246 : i32
      %lt3A_1912 = arith.cmpi slt, %add3A_1908, %lt3A_1911 : i32
      %and3A_1913 = arith.andi %ge3A_1910, %lt3A_1912 : i1
      %convert_element_type3A_1914 = arith.extui %and3A_1913 : i1 to i32
      %cond3A_1915 = arith.constant 0 : i32
      %cond3A_1916 = arith.cmpi ne, %convert_element_type3A_1914, %cond3A_1915 : i32
      scf.if %cond3A_1916 {
        %dma_wait3A_2032 = arith.constant 1 : i32
        %dma_wait3A_2033 = arith.constant 0 : i32
        %dma_wait3A_2034 = arith.constant 0 : i32
        %dma_wait3A_2035 = arith.constant 0 : i32
        %dma_wait3A_2036 = tpu.memref_slice %arg9[%dma_wait3A_2032, %dma_wait3A_2034, %dma_wait3A_2035] : memref<5x80x64xf32, #tpu.memory_space<vmem>> -> memref<1x80x64xf32, #tpu.memory_space<vmem>>
        %dma_wait3A_2037 = tpu.memref_squeeze %dma_wait3A_2036 : memref<1x80x64xf32, #tpu.memory_space<vmem>> -> memref<80x64xf32, #tpu.memory_space<vmem>>
        %dma_wait3A_2038 = arith.constant 0 : i32
        %dma_wait3A_2039 = tpu.memref_slice %arg8[%dma_wait3A_2033, %dma_wait3A_2038] : memref<250x80xi32, #tpu.memory_space<vmem>> -> memref<1x80xi32, #tpu.memory_space<vmem>>
        %dma_wait3A_2040 = tpu.memref_squeeze %dma_wait3A_2039 : memref<1x80xi32, #tpu.memory_space<vmem>> -> memref<80xi32, #tpu.memory_space<vmem>>
        %dma_wait3A_2041 = arith.constant 0 : i32
        %dma_wait3A_2042 = arith.constant 0 : i32
        %dma_wait3A_2043 = tpu.memref_slice %arg13[%dma_wait3A_2041, %dma_wait3A_2042] : memref<10240x64xf32, #tpu.memory_space<vmem_shared>> -> memref<10240x64xf32, #tpu.memory_space<vmem_shared>>
        tpu.wait_indirect_dma semaphore(%arg21 : memref<!tpu.dma_semaphore, #tpu.memory_space<semaphore_mem>>) src(%dma_wait3A_2037 : memref<80x64xf32, #tpu.memory_space<vmem>>) dst(%dma_wait3A_2043 : memref<10240x64xf32, #tpu.memory_space<vmem_shared>>)
      } else {
      }
      %lt3A_1917 = arith.constant 246 : i32
      %lt3A_1918 = arith.cmpi slt, %add3A_1908, %lt3A_1917 : i32
      %convert_element_type3A_1919 = arith.extui %lt3A_1918 : i1 to i32
      %cond3A_1920 = arith.constant 0 : i32
      %cond3A_1921 = arith.cmpi ne, %convert_element_type3A_1919, %cond3A_1920 : i32
      scf.if %cond3A_1921 {
        %add3A_2032 = arith.constant 4 : i32
        %add3A_2033 = arith.addi %add3A_1908, %add3A_2032 : i32
        %dma_start3A_2034 = arith.constant 1 : i32
        %dma_start3A_2035 = arith.constant 0 : i32
        %dma_start3A_2036 = arith.constant 0 : i32
        %dma_start3A_2037 = tpu.memref_slice %arg9[%dma_start3A_2034, %dma_start3A_2035, %dma_start3A_2036] : memref<5x80x64xf32, #tpu.memory_space<vmem>> -> memref<1x80x64xf32, #tpu.memory_space<vmem>>
        %dma_start3A_2038 = tpu.memref_squeeze %dma_start3A_2037 : memref<1x80x64xf32, #tpu.memory_space<vmem>> -> memref<80x64xf32, #tpu.memory_space<vmem>>
        %dma_start3A_2039 = arith.constant 0 : i32
        %dma_start3A_2040 = tpu.memref_slice %arg7[%add3A_2033, %dma_start3A_2039] : memref<250x80xi32, #tpu.memory_space<vmem>> -> memref<1x80xi32, #tpu.memory_space<vmem>>
        %dma_start3A_2041 = tpu.memref_squeeze %dma_start3A_2040 : memref<1x80xi32, #tpu.memory_space<vmem>> -> memref<80xi32, #tpu.memory_space<vmem>>
        %dma_start3A_2042 = arith.constant 0 : i32
        %dma_start3A_2043 = arith.constant 0 : i32
        %dma_start3A_2044 = tpu.memref_slice %arg2[%dma_start3A_2042, %dma_start3A_2043] : memref<20000x64xf32, #tpu.memory_space<hbm>> -> memref<20000x64xf32, #tpu.memory_space<hbm>>
        tpu.enqueue_indirect_dma source(%dma_start3A_2044 : memref<20000x64xf32, #tpu.memory_space<hbm>>) target(%dma_start3A_2038 : memref<80x64xf32, #tpu.memory_space<vmem>>) offsets(%dma_start3A_2041 : memref<80xi32, #tpu.memory_space<vmem>>) semaphore(%arg16 : memref<!tpu.dma_semaphore, #tpu.memory_space<semaphore_mem>>)
      } else {
      }
      %dma_wait3A_1922 = arith.constant 2 : i32
      %dma_wait3A_1923 = arith.constant 0 : i32
      %dma_wait3A_1924 = arith.constant 0 : i32
      %dma_wait3A_1925 = tpu.memref_slice %arg9[%dma_wait3A_1922, %dma_wait3A_1923, %dma_wait3A_1924] : memref<5x80x64xf32, #tpu.memory_space<vmem>> -> memref<1x80x64xf32, #tpu.memory_space<vmem>>
      %dma_wait3A_1926 = tpu.memref_squeeze %dma_wait3A_1925 : memref<1x80x64xf32, #tpu.memory_space<vmem>> -> memref<80x64xf32, #tpu.memory_space<vmem>>
      %dma_wait3A_1927 = arith.constant 0 : i32
      %dma_wait3A_1928 = tpu.memref_slice %arg7[%add3A_1908, %dma_wait3A_1927] : memref<250x80xi32, #tpu.memory_space<vmem>> -> memref<1x80xi32, #tpu.memory_space<vmem>>
      %dma_wait3A_1929 = tpu.memref_squeeze %dma_wait3A_1928 : memref<1x80xi32, #tpu.memory_space<vmem>> -> memref<80xi32, #tpu.memory_space<vmem>>
      %dma_wait3A_1930 = arith.constant 0 : i32
      %dma_wait3A_1931 = arith.constant 0 : i32
      %dma_wait3A_1932 = tpu.memref_slice %arg2[%dma_wait3A_1930, %dma_wait3A_1931] : memref<20000x64xf32, #tpu.memory_space<hbm>> -> memref<20000x64xf32, #tpu.memory_space<hbm>>
      tpu.wait_indirect_dma semaphore(%arg17 : memref<!tpu.dma_semaphore, #tpu.memory_space<semaphore_mem>>) src(%dma_wait3A_1932 : memref<20000x64xf32, #tpu.memory_space<hbm>>) dst(%dma_wait3A_1926 : memref<80x64xf32, #tpu.memory_space<vmem>>)
      %dma_start3A_1933 = arith.constant 2 : i32
      %dma_start3A_1934 = arith.constant 0 : i32
      %dma_start3A_1935 = arith.constant 0 : i32
      %dma_start3A_1936 = tpu.memref_slice %arg9[%dma_start3A_1933, %dma_start3A_1934, %dma_start3A_1935] : memref<5x80x64xf32, #tpu.memory_space<vmem>> -> memref<1x80x64xf32, #tpu.memory_space<vmem>>
      %dma_start3A_1937 = tpu.memref_squeeze %dma_start3A_1936 : memref<1x80x64xf32, #tpu.memory_space<vmem>> -> memref<80x64xf32, #tpu.memory_space<vmem>>
      %dma_start3A_1938 = arith.constant 0 : i32
      %dma_start3A_1939 = tpu.memref_slice %arg8[%add3A_1908, %dma_start3A_1938] : memref<250x80xi32, #tpu.memory_space<vmem>> -> memref<1x80xi32, #tpu.memory_space<vmem>>
      %dma_start3A_1940 = tpu.memref_squeeze %dma_start3A_1939 : memref<1x80xi32, #tpu.memory_space<vmem>> -> memref<80xi32, #tpu.memory_space<vmem>>
      %dma_start3A_1941 = arith.constant 0 : i32
      %dma_start3A_1942 = arith.constant 0 : i32
      %dma_start3A_1943 = tpu.memref_slice %arg13[%dma_start3A_1941, %dma_start3A_1942] : memref<10240x64xf32, #tpu.memory_space<vmem_shared>> -> memref<10240x64xf32, #tpu.memory_space<vmem_shared>>
      tpu.enqueue_indirect_dma source(%dma_start3A_1937 : memref<80x64xf32, #tpu.memory_space<vmem>>) target(%dma_start3A_1943 : memref<10240x64xf32, #tpu.memory_space<vmem_shared>>) offsets(%dma_start3A_1940 : memref<80xi32, #tpu.memory_space<vmem>>) semaphore(%arg22 : memref<!tpu.dma_semaphore, #tpu.memory_space<semaphore_mem>>) {add = true}
      %convert_element_type3A_1944 = arith.extui %eq3A_0 : i1 to i32
      %cond3A_1945 = arith.constant 0 : i32
      %cond3A_1946 = arith.cmpi ne, %convert_element_type3A_1944, %cond3A_1945 : i32
      scf.if %cond3A_1946 {
        %dma_start3A_2032 = arith.constant 0 : i32
        %dma_start3A_2033 = tpu.memref_slice %arg8[%add3A_1908, %dma_start3A_2032] : memref<250x80xi32, #tpu.memory_space<vmem>> -> memref<1x80xi32, #tpu.memory_space<vmem>>
        %dma_start3A_2034 = tpu.memref_squeeze %dma_start3A_2033 : memref<1x80xi32, #tpu.memory_space<vmem>> -> memref<80xi32, #tpu.memory_space<vmem>>
        %dma_start3A_2035 = arith.constant 0 : i32
        %dma_start3A_2036 = arith.constant 0 : i32
        %dma_start3A_2037 = tpu.memref_slice %arg14[%dma_start3A_2035, %dma_start3A_2036] : memref<10240x16xf32, #tpu.memory_space<vmem_shared>> -> memref<10240x16xf32, #tpu.memory_space<vmem_shared>>
        tpu.enqueue_indirect_dma source(%arg11 : memref<80x16xf32, #tpu.memory_space<vmem>>) target(%dma_start3A_2037 : memref<10240x16xf32, #tpu.memory_space<vmem_shared>>) offsets(%dma_start3A_2034 : memref<80xi32, #tpu.memory_space<vmem>>) semaphore(%arg25 : memref<!tpu.dma_semaphore, #tpu.memory_space<semaphore_mem>>) {add = true}
      } else {
      }
      %mul3A_1947 = arith.constant 5 : i32
      %mul3A_1948 = arith.muli %scan3A_1823, %mul3A_1947 : i32
      %add3A_1949 = arith.constant 3 : i32
      %add3A_1950 = arith.addi %mul3A_1948, %add3A_1949 : i32
      %ge3A_1951 = arith.constant 1 : i32
      %ge3A_1952 = arith.cmpi sge, %add3A_1950, %ge3A_1951 : i32
      %lt3A_1953 = arith.constant 246 : i32
      %lt3A_1954 = arith.cmpi slt, %add3A_1950, %lt3A_1953 : i32
      %and3A_1955 = arith.andi %ge3A_1952, %lt3A_1954 : i1
      %convert_element_type3A_1956 = arith.extui %and3A_1955 : i1 to i32
      %cond3A_1957 = arith.constant 0 : i32
      %cond3A_1958 = arith.cmpi ne, %convert_element_type3A_1956, %cond3A_1957 : i32
      scf.if %cond3A_1958 {
        %dma_wait3A_2032 = arith.constant 2 : i32
        %dma_wait3A_2033 = arith.constant 0 : i32
        %dma_wait3A_2034 = arith.constant 0 : i32
        %dma_wait3A_2035 = arith.constant 0 : i32
        %dma_wait3A_2036 = tpu.memref_slice %arg9[%dma_wait3A_2032, %dma_wait3A_2034, %dma_wait3A_2035] : memref<5x80x64xf32, #tpu.memory_space<vmem>> -> memref<1x80x64xf32, #tpu.memory_space<vmem>>
        %dma_wait3A_2037 = tpu.memref_squeeze %dma_wait3A_2036 : memref<1x80x64xf32, #tpu.memory_space<vmem>> -> memref<80x64xf32, #tpu.memory_space<vmem>>
        %dma_wait3A_2038 = arith.constant 0 : i32
        %dma_wait3A_2039 = tpu.memref_slice %arg8[%dma_wait3A_2033, %dma_wait3A_2038] : memref<250x80xi32, #tpu.memory_space<vmem>> -> memref<1x80xi32, #tpu.memory_space<vmem>>
        %dma_wait3A_2040 = tpu.memref_squeeze %dma_wait3A_2039 : memref<1x80xi32, #tpu.memory_space<vmem>> -> memref<80xi32, #tpu.memory_space<vmem>>
        %dma_wait3A_2041 = arith.constant 0 : i32
        %dma_wait3A_2042 = arith.constant 0 : i32
        %dma_wait3A_2043 = tpu.memref_slice %arg13[%dma_wait3A_2041, %dma_wait3A_2042] : memref<10240x64xf32, #tpu.memory_space<vmem_shared>> -> memref<10240x64xf32, #tpu.memory_space<vmem_shared>>
        tpu.wait_indirect_dma semaphore(%arg22 : memref<!tpu.dma_semaphore, #tpu.memory_space<semaphore_mem>>) src(%dma_wait3A_2037 : memref<80x64xf32, #tpu.memory_space<vmem>>) dst(%dma_wait3A_2043 : memref<10240x64xf32, #tpu.memory_space<vmem_shared>>)
      } else {
      }
      %lt3A_1959 = arith.constant 246 : i32
      %lt3A_1960 = arith.cmpi slt, %add3A_1950, %lt3A_1959 : i32
      %convert_element_type3A_1961 = arith.extui %lt3A_1960 : i1 to i32
      %cond3A_1962 = arith.constant 0 : i32
      %cond3A_1963 = arith.cmpi ne, %convert_element_type3A_1961, %cond3A_1962 : i32
      scf.if %cond3A_1963 {
        %add3A_2032 = arith.constant 4 : i32
        %add3A_2033 = arith.addi %add3A_1950, %add3A_2032 : i32
        %dma_start3A_2034 = arith.constant 2 : i32
        %dma_start3A_2035 = arith.constant 0 : i32
        %dma_start3A_2036 = arith.constant 0 : i32
        %dma_start3A_2037 = tpu.memref_slice %arg9[%dma_start3A_2034, %dma_start3A_2035, %dma_start3A_2036] : memref<5x80x64xf32, #tpu.memory_space<vmem>> -> memref<1x80x64xf32, #tpu.memory_space<vmem>>
        %dma_start3A_2038 = tpu.memref_squeeze %dma_start3A_2037 : memref<1x80x64xf32, #tpu.memory_space<vmem>> -> memref<80x64xf32, #tpu.memory_space<vmem>>
        %dma_start3A_2039 = arith.constant 0 : i32
        %dma_start3A_2040 = tpu.memref_slice %arg7[%add3A_2033, %dma_start3A_2039] : memref<250x80xi32, #tpu.memory_space<vmem>> -> memref<1x80xi32, #tpu.memory_space<vmem>>
        %dma_start3A_2041 = tpu.memref_squeeze %dma_start3A_2040 : memref<1x80xi32, #tpu.memory_space<vmem>> -> memref<80xi32, #tpu.memory_space<vmem>>
        %dma_start3A_2042 = arith.constant 0 : i32
        %dma_start3A_2043 = arith.constant 0 : i32
        %dma_start3A_2044 = tpu.memref_slice %arg2[%dma_start3A_2042, %dma_start3A_2043] : memref<20000x64xf32, #tpu.memory_space<hbm>> -> memref<20000x64xf32, #tpu.memory_space<hbm>>
        tpu.enqueue_indirect_dma source(%dma_start3A_2044 : memref<20000x64xf32, #tpu.memory_space<hbm>>) target(%dma_start3A_2038 : memref<80x64xf32, #tpu.memory_space<vmem>>) offsets(%dma_start3A_2041 : memref<80xi32, #tpu.memory_space<vmem>>) semaphore(%arg17 : memref<!tpu.dma_semaphore, #tpu.memory_space<semaphore_mem>>)
      } else {
      }
      %dma_wait3A_1964 = arith.constant 3 : i32
      %dma_wait3A_1965 = arith.constant 0 : i32
      %dma_wait3A_1966 = arith.constant 0 : i32
      %dma_wait3A_1967 = tpu.memref_slice %arg9[%dma_wait3A_1964, %dma_wait3A_1965, %dma_wait3A_1966] : memref<5x80x64xf32, #tpu.memory_space<vmem>> -> memref<1x80x64xf32, #tpu.memory_space<vmem>>
      %dma_wait3A_1968 = tpu.memref_squeeze %dma_wait3A_1967 : memref<1x80x64xf32, #tpu.memory_space<vmem>> -> memref<80x64xf32, #tpu.memory_space<vmem>>
      %dma_wait3A_1969 = arith.constant 0 : i32
      %dma_wait3A_1970 = tpu.memref_slice %arg7[%add3A_1950, %dma_wait3A_1969] : memref<250x80xi32, #tpu.memory_space<vmem>> -> memref<1x80xi32, #tpu.memory_space<vmem>>
      %dma_wait3A_1971 = tpu.memref_squeeze %dma_wait3A_1970 : memref<1x80xi32, #tpu.memory_space<vmem>> -> memref<80xi32, #tpu.memory_space<vmem>>
      %dma_wait3A_1972 = arith.constant 0 : i32
      %dma_wait3A_1973 = arith.constant 0 : i32
      %dma_wait3A_1974 = tpu.memref_slice %arg2[%dma_wait3A_1972, %dma_wait3A_1973] : memref<20000x64xf32, #tpu.memory_space<hbm>> -> memref<20000x64xf32, #tpu.memory_space<hbm>>
      tpu.wait_indirect_dma semaphore(%arg18 : memref<!tpu.dma_semaphore, #tpu.memory_space<semaphore_mem>>) src(%dma_wait3A_1974 : memref<20000x64xf32, #tpu.memory_space<hbm>>) dst(%dma_wait3A_1968 : memref<80x64xf32, #tpu.memory_space<vmem>>)
      %dma_start3A_1975 = arith.constant 3 : i32
      %dma_start3A_1976 = arith.constant 0 : i32
      %dma_start3A_1977 = arith.constant 0 : i32
      %dma_start3A_1978 = tpu.memref_slice %arg9[%dma_start3A_1975, %dma_start3A_1976, %dma_start3A_1977] : memref<5x80x64xf32, #tpu.memory_space<vmem>> -> memref<1x80x64xf32, #tpu.memory_space<vmem>>
      %dma_start3A_1979 = tpu.memref_squeeze %dma_start3A_1978 : memref<1x80x64xf32, #tpu.memory_space<vmem>> -> memref<80x64xf32, #tpu.memory_space<vmem>>
      %dma_start3A_1980 = arith.constant 0 : i32
      %dma_start3A_1981 = tpu.memref_slice %arg8[%add3A_1950, %dma_start3A_1980] : memref<250x80xi32, #tpu.memory_space<vmem>> -> memref<1x80xi32, #tpu.memory_space<vmem>>
      %dma_start3A_1982 = tpu.memref_squeeze %dma_start3A_1981 : memref<1x80xi32, #tpu.memory_space<vmem>> -> memref<80xi32, #tpu.memory_space<vmem>>
      %dma_start3A_1983 = arith.constant 0 : i32
      %dma_start3A_1984 = arith.constant 0 : i32
      %dma_start3A_1985 = tpu.memref_slice %arg13[%dma_start3A_1983, %dma_start3A_1984] : memref<10240x64xf32, #tpu.memory_space<vmem_shared>> -> memref<10240x64xf32, #tpu.memory_space<vmem_shared>>
      tpu.enqueue_indirect_dma source(%dma_start3A_1979 : memref<80x64xf32, #tpu.memory_space<vmem>>) target(%dma_start3A_1985 : memref<10240x64xf32, #tpu.memory_space<vmem_shared>>) offsets(%dma_start3A_1982 : memref<80xi32, #tpu.memory_space<vmem>>) semaphore(%arg23 : memref<!tpu.dma_semaphore, #tpu.memory_space<semaphore_mem>>) {add = true}
      %convert_element_type3A_1986 = arith.extui %eq3A_0 : i1 to i32
      %cond3A_1987 = arith.constant 0 : i32
      %cond3A_1988 = arith.cmpi ne, %convert_element_type3A_1986, %cond3A_1987 : i32
      scf.if %cond3A_1988 {
        %dma_start3A_2032 = arith.constant 0 : i32
        %dma_start3A_2033 = tpu.memref_slice %arg8[%add3A_1950, %dma_start3A_2032] : memref<250x80xi32, #tpu.memory_space<vmem>> -> memref<1x80xi32, #tpu.memory_space<vmem>>
        %dma_start3A_2034 = tpu.memref_squeeze %dma_start3A_2033 : memref<1x80xi32, #tpu.memory_space<vmem>> -> memref<80xi32, #tpu.memory_space<vmem>>
        %dma_start3A_2035 = arith.constant 0 : i32
        %dma_start3A_2036 = arith.constant 0 : i32
        %dma_start3A_2037 = tpu.memref_slice %arg14[%dma_start3A_2035, %dma_start3A_2036] : memref<10240x16xf32, #tpu.memory_space<vmem_shared>> -> memref<10240x16xf32, #tpu.memory_space<vmem_shared>>
        tpu.enqueue_indirect_dma source(%arg11 : memref<80x16xf32, #tpu.memory_space<vmem>>) target(%dma_start3A_2037 : memref<10240x16xf32, #tpu.memory_space<vmem_shared>>) offsets(%dma_start3A_2034 : memref<80xi32, #tpu.memory_space<vmem>>) semaphore(%arg25 : memref<!tpu.dma_semaphore, #tpu.memory_space<semaphore_mem>>) {add = true}
      } else {
      }
      %mul3A_1989 = arith.constant 5 : i32
      %mul3A_1990 = arith.muli %scan3A_1823, %mul3A_1989 : i32
      %add3A_1991 = arith.constant 4 : i32
      %add3A_1992 = arith.addi %mul3A_1990, %add3A_1991 : i32
      %ge3A_1993 = arith.constant 1 : i32
      %ge3A_1994 = arith.cmpi sge, %add3A_1992, %ge3A_1993 : i32
      %lt3A_1995 = arith.constant 246 : i32
      %lt3A_1996 = arith.cmpi slt, %add3A_1992, %lt3A_1995 : i32
      %and3A_1997 = arith.andi %ge3A_1994, %lt3A_1996 : i1
      %convert_element_type3A_1998 = arith.extui %and3A_1997 : i1 to i32
      %cond3A_1999 = arith.constant 0 : i32
      %cond3A_2000 = arith.cmpi ne, %convert_element_type3A_1998, %cond3A_1999 : i32
      scf.if %cond3A_2000 {
        %dma_wait3A_2032 = arith.constant 3 : i32
        %dma_wait3A_2033 = arith.constant 0 : i32
        %dma_wait3A_2034 = arith.constant 0 : i32
        %dma_wait3A_2035 = arith.constant 0 : i32
        %dma_wait3A_2036 = tpu.memref_slice %arg9[%dma_wait3A_2032, %dma_wait3A_2034, %dma_wait3A_2035] : memref<5x80x64xf32, #tpu.memory_space<vmem>> -> memref<1x80x64xf32, #tpu.memory_space<vmem>>
        %dma_wait3A_2037 = tpu.memref_squeeze %dma_wait3A_2036 : memref<1x80x64xf32, #tpu.memory_space<vmem>> -> memref<80x64xf32, #tpu.memory_space<vmem>>
        %dma_wait3A_2038 = arith.constant 0 : i32
        %dma_wait3A_2039 = tpu.memref_slice %arg8[%dma_wait3A_2033, %dma_wait3A_2038] : memref<250x80xi32, #tpu.memory_space<vmem>> -> memref<1x80xi32, #tpu.memory_space<vmem>>
        %dma_wait3A_2040 = tpu.memref_squeeze %dma_wait3A_2039 : memref<1x80xi32, #tpu.memory_space<vmem>> -> memref<80xi32, #tpu.memory_space<vmem>>
        %dma_wait3A_2041 = arith.constant 0 : i32
        %dma_wait3A_2042 = arith.constant 0 : i32
        %dma_wait3A_2043 = tpu.memref_slice %arg13[%dma_wait3A_2041, %dma_wait3A_2042] : memref<10240x64xf32, #tpu.memory_space<vmem_shared>> -> memref<10240x64xf32, #tpu.memory_space<vmem_shared>>
        tpu.wait_indirect_dma semaphore(%arg23 : memref<!tpu.dma_semaphore, #tpu.memory_space<semaphore_mem>>) src(%dma_wait3A_2037 : memref<80x64xf32, #tpu.memory_space<vmem>>) dst(%dma_wait3A_2043 : memref<10240x64xf32, #tpu.memory_space<vmem_shared>>)
      } else {
      }
      %lt3A_2001 = arith.constant 246 : i32
      %lt3A_2002 = arith.cmpi slt, %add3A_1992, %lt3A_2001 : i32
      %convert_element_type3A_2003 = arith.extui %lt3A_2002 : i1 to i32
      %cond3A_2004 = arith.constant 0 : i32
      %cond3A_2005 = arith.cmpi ne, %convert_element_type3A_2003, %cond3A_2004 : i32
      scf.if %cond3A_2005 {
        %add3A_2032 = arith.constant 4 : i32
        %add3A_2033 = arith.addi %add3A_1992, %add3A_2032 : i32
        %dma_start3A_2034 = arith.constant 3 : i32
        %dma_start3A_2035 = arith.constant 0 : i32
        %dma_start3A_2036 = arith.constant 0 : i32
        %dma_start3A_2037 = tpu.memref_slice %arg9[%dma_start3A_2034, %dma_start3A_2035, %dma_start3A_2036] : memref<5x80x64xf32, #tpu.memory_space<vmem>> -> memref<1x80x64xf32, #tpu.memory_space<vmem>>
        %dma_start3A_2038 = tpu.memref_squeeze %dma_start3A_2037 : memref<1x80x64xf32, #tpu.memory_space<vmem>> -> memref<80x64xf32, #tpu.memory_space<vmem>>
        %dma_start3A_2039 = arith.constant 0 : i32
        %dma_start3A_2040 = tpu.memref_slice %arg7[%add3A_2033, %dma_start3A_2039] : memref<250x80xi32, #tpu.memory_space<vmem>> -> memref<1x80xi32, #tpu.memory_space<vmem>>
        %dma_start3A_2041 = tpu.memref_squeeze %dma_start3A_2040 : memref<1x80xi32, #tpu.memory_space<vmem>> -> memref<80xi32, #tpu.memory_space<vmem>>
        %dma_start3A_2042 = arith.constant 0 : i32
        %dma_start3A_2043 = arith.constant 0 : i32
        %dma_start3A_2044 = tpu.memref_slice %arg2[%dma_start3A_2042, %dma_start3A_2043] : memref<20000x64xf32, #tpu.memory_space<hbm>> -> memref<20000x64xf32, #tpu.memory_space<hbm>>
        tpu.enqueue_indirect_dma source(%dma_start3A_2044 : memref<20000x64xf32, #tpu.memory_space<hbm>>) target(%dma_start3A_2038 : memref<80x64xf32, #tpu.memory_space<vmem>>) offsets(%dma_start3A_2041 : memref<80xi32, #tpu.memory_space<vmem>>) semaphore(%arg18 : memref<!tpu.dma_semaphore, #tpu.memory_space<semaphore_mem>>)
      } else {
      }
      %dma_wait3A_2006 = arith.constant 4 : i32
      %dma_wait3A_2007 = arith.constant 0 : i32
      %dma_wait3A_2008 = arith.constant 0 : i32
      %dma_wait3A_2009 = tpu.memref_slice %arg9[%dma_wait3A_2006, %dma_wait3A_2007, %dma_wait3A_2008] : memref<5x80x64xf32, #tpu.memory_space<vmem>> -> memref<1x80x64xf32, #tpu.memory_space<vmem>>
      %dma_wait3A_2010 = tpu.memref_squeeze %dma_wait3A_2009 : memref<1x80x64xf32, #tpu.memory_space<vmem>> -> memref<80x64xf32, #tpu.memory_space<vmem>>
      %dma_wait3A_2011 = arith.constant 0 : i32
      %dma_wait3A_2012 = tpu.memref_slice %arg7[%add3A_1992, %dma_wait3A_2011] : memref<250x80xi32, #tpu.memory_space<vmem>> -> memref<1x80xi32, #tpu.memory_space<vmem>>
      %dma_wait3A_2013 = tpu.memref_squeeze %dma_wait3A_2012 : memref<1x80xi32, #tpu.memory_space<vmem>> -> memref<80xi32, #tpu.memory_space<vmem>>
      %dma_wait3A_2014 = arith.constant 0 : i32
      %dma_wait3A_2015 = arith.constant 0 : i32
      %dma_wait3A_2016 = tpu.memref_slice %arg2[%dma_wait3A_2014, %dma_wait3A_2015] : memref<20000x64xf32, #tpu.memory_space<hbm>> -> memref<20000x64xf32, #tpu.memory_space<hbm>>
      tpu.wait_indirect_dma semaphore(%arg19 : memref<!tpu.dma_semaphore, #tpu.memory_space<semaphore_mem>>) src(%dma_wait3A_2016 : memref<20000x64xf32, #tpu.memory_space<hbm>>) dst(%dma_wait3A_2010 : memref<80x64xf32, #tpu.memory_space<vmem>>)
      %dma_start3A_2017 = arith.constant 4 : i32
      %dma_start3A_2018 = arith.constant 0 : i32
      %dma_start3A_2019 = arith.constant 0 : i32
      %dma_start3A_2020 = tpu.memref_slice %arg9[%dma_start3A_2017, %dma_start3A_2018, %dma_start3A_2019] : memref<5x80x64xf32, #tpu.memory_space<vmem>> -> memref<1x80x64xf32, #tpu.memory_space<vmem>>
      %dma_start3A_2021 = tpu.memref_squeeze %dma_start3A_2020 : memref<1x80x64xf32, #tpu.memory_space<vmem>> -> memref<80x64xf32, #tpu.memory_space<vmem>>
      %dma_start3A_2022 = arith.constant 0 : i32
      %dma_start3A_2023 = tpu.memref_slice %arg8[%add3A_1992, %dma_start3A_2022] : memref<250x80xi32, #tpu.memory_space<vmem>> -> memref<1x80xi32, #tpu.memory_space<vmem>>
      %dma_start3A_2024 = tpu.memref_squeeze %dma_start3A_2023 : memref<1x80xi32, #tpu.memory_space<vmem>> -> memref<80xi32, #tpu.memory_space<vmem>>
      %dma_start3A_2025 = arith.constant 0 : i32
      %dma_start3A_2026 = arith.constant 0 : i32
      %dma_start3A_2027 = tpu.memref_slice %arg13[%dma_start3A_2025, %dma_start3A_2026] : memref<10240x64xf32, #tpu.memory_space<vmem_shared>> -> memref<10240x64xf32, #tpu.memory_space<vmem_shared>>
      tpu.enqueue_indirect_dma source(%dma_start3A_2021 : memref<80x64xf32, #tpu.memory_space<vmem>>) target(%dma_start3A_2027 : memref<10240x64xf32, #tpu.memory_space<vmem_shared>>) offsets(%dma_start3A_2024 : memref<80xi32, #tpu.memory_space<vmem>>) semaphore(%arg24 : memref<!tpu.dma_semaphore, #tpu.memory_space<semaphore_mem>>) {add = true}
      %convert_element_type3A_2028 = arith.extui %eq3A_0 : i1 to i32
      %cond3A_2029 = arith.constant 0 : i32
      %cond3A_2030 = arith.cmpi ne, %convert_element_type3A_2028, %cond3A_2029 : i32
      scf.if %cond3A_2030 {
        %dma_start3A_2032 = arith.constant 0 : i32
        %dma_start3A_2033 = tpu.memref_slice %arg8[%add3A_1992, %dma_start3A_2032] : memref<250x80xi32, #tpu.memory_space<vmem>> -> memref<1x80xi32, #tpu.memory_space<vmem>>
        %dma_start3A_2034 = tpu.memref_squeeze %dma_start3A_2033 : memref<1x80xi32, #tpu.memory_space<vmem>> -> memref<80xi32, #tpu.memory_space<vmem>>
        %dma_start3A_2035 = arith.constant 0 : i32
        %dma_start3A_2036 = arith.constant 0 : i32
        %dma_start3A_2037 = tpu.memref_slice %arg14[%dma_start3A_2035, %dma_start3A_2036] : memref<10240x16xf32, #tpu.memory_space<vmem_shared>> -> memref<10240x16xf32, #tpu.memory_space<vmem_shared>>
        tpu.enqueue_indirect_dma source(%arg11 : memref<80x16xf32, #tpu.memory_space<vmem>>) target(%dma_start3A_2037 : memref<10240x16xf32, #tpu.memory_space<vmem_shared>>) offsets(%dma_start3A_2034 : memref<80xi32, #tpu.memory_space<vmem>>) semaphore(%arg25 : memref<!tpu.dma_semaphore, #tpu.memory_space<semaphore_mem>>) {add = true}
      } else {
      }
      %scan3A_2031 = arith.constant 0 : i32
      scf.yield %scan3A_2031 : i32
    }
    %scan3A_1756 = arith.constant 50 : i32
    %dma_wait3A = arith.constant 0 : i32
    %dma_wait3A_1757 = arith.constant 0 : i32
    %dma_wait3A_1758 = arith.constant 0 : i32
    %dma_wait3A_1759 = arith.constant 0 : i32
    %dma_wait3A_1760 = tpu.memref_slice %arg9[%dma_wait3A, %dma_wait3A_1758, %dma_wait3A_1759] : memref<5x80x64xf32, #tpu.memory_space<vmem>> -> memref<1x80x64xf32, #tpu.memory_space<vmem>>
    %dma_wait3A_1761 = tpu.memref_squeeze %dma_wait3A_1760 : memref<1x80x64xf32, #tpu.memory_space<vmem>> -> memref<80x64xf32, #tpu.memory_space<vmem>>
    %dma_wait3A_1762 = arith.constant 0 : i32
    %dma_wait3A_1763 = tpu.memref_slice %arg8[%dma_wait3A_1757, %dma_wait3A_1762] : memref<250x80xi32, #tpu.memory_space<vmem>> -> memref<1x80xi32, #tpu.memory_space<vmem>>
    %dma_wait3A_1764 = tpu.memref_squeeze %dma_wait3A_1763 : memref<1x80xi32, #tpu.memory_space<vmem>> -> memref<80xi32, #tpu.memory_space<vmem>>
    %dma_wait3A_1765 = arith.constant 0 : i32
    %dma_wait3A_1766 = arith.constant 0 : i32
    %dma_wait3A_1767 = tpu.memref_slice %arg13[%dma_wait3A_1765, %dma_wait3A_1766] : memref<10240x64xf32, #tpu.memory_space<vmem_shared>> -> memref<10240x64xf32, #tpu.memory_space<vmem_shared>>
    tpu.wait_indirect_dma semaphore(%arg20 : memref<!tpu.dma_semaphore, #tpu.memory_space<semaphore_mem>>) src(%dma_wait3A_1761 : memref<80x64xf32, #tpu.memory_space<vmem>>) dst(%dma_wait3A_1767 : memref<10240x64xf32, #tpu.memory_space<vmem_shared>>)
    %dma_wait3A_1768 = arith.constant 1 : i32
    %dma_wait3A_1769 = arith.constant 0 : i32
    %dma_wait3A_1770 = arith.constant 0 : i32
    %dma_wait3A_1771 = arith.constant 0 : i32
    %dma_wait3A_1772 = tpu.memref_slice %arg9[%dma_wait3A_1768, %dma_wait3A_1770, %dma_wait3A_1771] : memref<5x80x64xf32, #tpu.memory_space<vmem>> -> memref<1x80x64xf32, #tpu.memory_space<vmem>>
    %dma_wait3A_1773 = tpu.memref_squeeze %dma_wait3A_1772 : memref<1x80x64xf32, #tpu.memory_space<vmem>> -> memref<80x64xf32, #tpu.memory_space<vmem>>
    %dma_wait3A_1774 = arith.constant 0 : i32
    %dma_wait3A_1775 = tpu.memref_slice %arg8[%dma_wait3A_1769, %dma_wait3A_1774] : memref<250x80xi32, #tpu.memory_space<vmem>> -> memref<1x80xi32, #tpu.memory_space<vmem>>
    %dma_wait3A_1776 = tpu.memref_squeeze %dma_wait3A_1775 : memref<1x80xi32, #tpu.memory_space<vmem>> -> memref<80xi32, #tpu.memory_space<vmem>>
    %dma_wait3A_1777 = arith.constant 0 : i32
    %dma_wait3A_1778 = arith.constant 0 : i32
    %dma_wait3A_1779 = tpu.memref_slice %arg13[%dma_wait3A_1777, %dma_wait3A_1778] : memref<10240x64xf32, #tpu.memory_space<vmem_shared>> -> memref<10240x64xf32, #tpu.memory_space<vmem_shared>>
    tpu.wait_indirect_dma semaphore(%arg21 : memref<!tpu.dma_semaphore, #tpu.memory_space<semaphore_mem>>) src(%dma_wait3A_1773 : memref<80x64xf32, #tpu.memory_space<vmem>>) dst(%dma_wait3A_1779 : memref<10240x64xf32, #tpu.memory_space<vmem_shared>>)
    %dma_wait3A_1780 = arith.constant 2 : i32
    %dma_wait3A_1781 = arith.constant 0 : i32
    %dma_wait3A_1782 = arith.constant 0 : i32
    %dma_wait3A_1783 = arith.constant 0 : i32
    %dma_wait3A_1784 = tpu.memref_slice %arg9[%dma_wait3A_1780, %dma_wait3A_1782, %dma_wait3A_1783] : memref<5x80x64xf32, #tpu.memory_space<vmem>> -> memref<1x80x64xf32, #tpu.memory_space<vmem>>
    %dma_wait3A_1785 = tpu.memref_squeeze %dma_wait3A_1784 : memref<1x80x64xf32, #tpu.memory_space<vmem>> -> memref<80x64xf32, #tpu.memory_space<vmem>>
    %dma_wait3A_1786 = arith.constant 0 : i32
    %dma_wait3A_1787 = tpu.memref_slice %arg8[%dma_wait3A_1781, %dma_wait3A_1786] : memref<250x80xi32, #tpu.memory_space<vmem>> -> memref<1x80xi32, #tpu.memory_space<vmem>>
    %dma_wait3A_1788 = tpu.memref_squeeze %dma_wait3A_1787 : memref<1x80xi32, #tpu.memory_space<vmem>> -> memref<80xi32, #tpu.memory_space<vmem>>
    %dma_wait3A_1789 = arith.constant 0 : i32
    %dma_wait3A_1790 = arith.constant 0 : i32
    %dma_wait3A_1791 = tpu.memref_slice %arg13[%dma_wait3A_1789, %dma_wait3A_1790] : memref<10240x64xf32, #tpu.memory_space<vmem_shared>> -> memref<10240x64xf32, #tpu.memory_space<vmem_shared>>
    tpu.wait_indirect_dma semaphore(%arg22 : memref<!tpu.dma_semaphore, #tpu.memory_space<semaphore_mem>>) src(%dma_wait3A_1785 : memref<80x64xf32, #tpu.memory_space<vmem>>) dst(%dma_wait3A_1791 : memref<10240x64xf32, #tpu.memory_space<vmem_shared>>)
    %dma_wait3A_1792 = arith.constant 3 : i32
    %dma_wait3A_1793 = arith.constant 0 : i32
    %dma_wait3A_1794 = arith.constant 0 : i32
    %dma_wait3A_1795 = arith.constant 0 : i32
    %dma_wait3A_1796 = tpu.memref_slice %arg9[%dma_wait3A_1792, %dma_wait3A_1794, %dma_wait3A_1795] : memref<5x80x64xf32, #tpu.memory_space<vmem>> -> memref<1x80x64xf32, #tpu.memory_space<vmem>>
    %dma_wait3A_1797 = tpu.memref_squeeze %dma_wait3A_1796 : memref<1x80x64xf32, #tpu.memory_space<vmem>> -> memref<80x64xf32, #tpu.memory_space<vmem>>
    %dma_wait3A_1798 = arith.constant 0 : i32
    %dma_wait3A_1799 = tpu.memref_slice %arg8[%dma_wait3A_1793, %dma_wait3A_1798] : memref<250x80xi32, #tpu.memory_space<vmem>> -> memref<1x80xi32, #tpu.memory_space<vmem>>
    %dma_wait3A_1800 = tpu.memref_squeeze %dma_wait3A_1799 : memref<1x80xi32, #tpu.memory_space<vmem>> -> memref<80xi32, #tpu.memory_space<vmem>>
    %dma_wait3A_1801 = arith.constant 0 : i32
    %dma_wait3A_1802 = arith.constant 0 : i32
    %dma_wait3A_1803 = tpu.memref_slice %arg13[%dma_wait3A_1801, %dma_wait3A_1802] : memref<10240x64xf32, #tpu.memory_space<vmem_shared>> -> memref<10240x64xf32, #tpu.memory_space<vmem_shared>>
    tpu.wait_indirect_dma semaphore(%arg23 : memref<!tpu.dma_semaphore, #tpu.memory_space<semaphore_mem>>) src(%dma_wait3A_1797 : memref<80x64xf32, #tpu.memory_space<vmem>>) dst(%dma_wait3A_1803 : memref<10240x64xf32, #tpu.memory_space<vmem_shared>>)
    %dma_wait3A_1804 = arith.constant 4 : i32
    %dma_wait3A_1805 = arith.constant 0 : i32
    %dma_wait3A_1806 = arith.constant 0 : i32
    %dma_wait3A_1807 = arith.constant 0 : i32
    %dma_wait3A_1808 = tpu.memref_slice %arg9[%dma_wait3A_1804, %dma_wait3A_1806, %dma_wait3A_1807] : memref<5x80x64xf32, #tpu.memory_space<vmem>> -> memref<1x80x64xf32, #tpu.memory_space<vmem>>
    %dma_wait3A_1809 = tpu.memref_squeeze %dma_wait3A_1808 : memref<1x80x64xf32, #tpu.memory_space<vmem>> -> memref<80x64xf32, #tpu.memory_space<vmem>>
    %dma_wait3A_1810 = arith.constant 0 : i32
    %dma_wait3A_1811 = tpu.memref_slice %arg8[%dma_wait3A_1805, %dma_wait3A_1810] : memref<250x80xi32, #tpu.memory_space<vmem>> -> memref<1x80xi32, #tpu.memory_space<vmem>>
    %dma_wait3A_1812 = tpu.memref_squeeze %dma_wait3A_1811 : memref<1x80xi32, #tpu.memory_space<vmem>> -> memref<80xi32, #tpu.memory_space<vmem>>
    %dma_wait3A_1813 = arith.constant 0 : i32
    %dma_wait3A_1814 = arith.constant 0 : i32
    %dma_wait3A_1815 = tpu.memref_slice %arg13[%dma_wait3A_1813, %dma_wait3A_1814] : memref<10240x64xf32, #tpu.memory_space<vmem_shared>> -> memref<10240x64xf32, #tpu.memory_space<vmem_shared>>
    tpu.wait_indirect_dma semaphore(%arg24 : memref<!tpu.dma_semaphore, #tpu.memory_space<semaphore_mem>>) src(%dma_wait3A_1809 : memref<80x64xf32, #tpu.memory_space<vmem>>) dst(%dma_wait3A_1815 : memref<10240x64xf32, #tpu.memory_space<vmem_shared>>)
    %convert_element_type3A = arith.extui %eq3A_0 : i1 to i32
    %cond3A = arith.constant 0 : i32
    %cond3A_1816 = arith.cmpi ne, %convert_element_type3A, %cond3A : i32
    scf.if %cond3A_1816 {
      %scan3A_1823 = arith.constant 0 : i32
      %scan3A_1824 = arith.constant 0 : i32
      %scan3A_1825 = arith.constant 250 : i32
      %scan3A_1826 = arith.addi %scan3A_1824, %scan3A_1825 : i32
      %scan3A_1827 = arith.constant 1 : i32
      %scan3A_1828 = scf.for %scan3A_1830 = %scan3A_1824 to %scan3A_1826 step %scan3A_1827 iter_args(%scan3A_1831 = %scan3A_1823) -> (i32)  : i32 {
        %dma_wait3A_1832 = arith.constant 0 : i32
        %dma_wait3A_1833 = arith.constant 0 : i32
        %dma_wait3A_1834 = tpu.memref_slice %arg8[%dma_wait3A_1832, %dma_wait3A_1833] : memref<250x80xi32, #tpu.memory_space<vmem>> -> memref<1x80xi32, #tpu.memory_space<vmem>>
        %dma_wait3A_1835 = tpu.memref_squeeze %dma_wait3A_1834 : memref<1x80xi32, #tpu.memory_space<vmem>> -> memref<80xi32, #tpu.memory_space<vmem>>
        %dma_wait3A_1836 = arith.constant 0 : i32
        %dma_wait3A_1837 = arith.constant 0 : i32
        %dma_wait3A_1838 = tpu.memref_slice %arg14[%dma_wait3A_1836, %dma_wait3A_1837] : memref<10240x16xf32, #tpu.memory_space<vmem_shared>> -> memref<10240x16xf32, #tpu.memory_space<vmem_shared>>
        tpu.wait_indirect_dma semaphore(%arg25 : memref<!tpu.dma_semaphore, #tpu.memory_space<semaphore_mem>>) src(%arg11 : memref<80x16xf32, #tpu.memory_space<vmem>>) dst(%dma_wait3A_1838 : memref<10240x16xf32, #tpu.memory_space<vmem_shared>>)
        %scan3A_1839 = arith.constant 0 : i32
        scf.yield %scan3A_1839 : i32
      }
      %scan3A_1829 = arith.constant 250 : i32
    } else {
    }
    %barrier3A_1817 = arith.constant 0 : index
    tpu.barrier barrier_id(%barrier3A_1817)
    %mul3A_1818 = arith.constant 64 : i32
    %mul3A_1819 = arith.muli %arg0, %mul3A_1818 : i32
    "tpu.region"() ({
      %run_scoped3A = tpu.sem_alloc : memref<!tpu.dma_semaphore, #tpu.memory_space<semaphore_mem>>
      %dma_start3A_1823 = tpu.memref_slice %arg5[%mul3A_1695, %mul3A_1819] : memref<10240x128xf32, #tpu.memory_space<hbm>> -> memref<640x64xf32, #tpu.memory_space<hbm>>
      %dma_start3A_1824 = arith.constant 0 : i32
      %dma_start3A_1825 = tpu.memref_slice %arg13[%mul3A_1695, %dma_start3A_1824] : memref<10240x64xf32, #tpu.memory_space<vmem_shared>> -> memref<640x64xf32, #tpu.memory_space<vmem_shared>>
      tpu.enqueue_dma source(%dma_start3A_1825 : memref<640x64xf32, #tpu.memory_space<vmem_shared>>) target(%dma_start3A_1823 : memref<640x64xf32, #tpu.memory_space<hbm>>) target_semaphore(%run_scoped3A : memref<!tpu.dma_semaphore, #tpu.memory_space<semaphore_mem>>)
      %dma_wait3A_1826 = tpu.memref_slice %arg5[%mul3A_1695, %mul3A_1819] : memref<10240x128xf32, #tpu.memory_space<hbm>> -> memref<640x64xf32, #tpu.memory_space<hbm>>
      %dma_wait3A_1827 = arith.constant 0 : i32
      %dma_wait3A_1828 = tpu.memref_slice %arg13[%mul3A_1695, %dma_wait3A_1827] : memref<10240x64xf32, #tpu.memory_space<vmem_shared>> -> memref<640x64xf32, #tpu.memory_space<vmem_shared>>
      tpu.wait_dma2 semaphore(%run_scoped3A : memref<!tpu.dma_semaphore, #tpu.memory_space<semaphore_mem>>) src(%dma_wait3A_1828 : memref<640x64xf32, #tpu.memory_space<vmem_shared>>) dst(%dma_wait3A_1826 : memref<640x64xf32, #tpu.memory_space<hbm>>)
      tpu.yield
    }) : () -> ()
    %convert_element_type3A_1820 = arith.extui %eq3A_0 : i1 to i32
    %cond3A_1821 = arith.constant 0 : i32
    %cond3A_1822 = arith.cmpi ne, %convert_element_type3A_1820, %cond3A_1821 : i32
    scf.if %cond3A_1822 {
      "tpu.region"() ({
        %run_scoped3A = tpu.sem_alloc : memref<!tpu.dma_semaphore, #tpu.memory_space<semaphore_mem>>
        %dma_start3A_1823 = arith.constant 0 : i32
        %dma_start3A_1824 = tpu.memref_slice %arg6[%mul3A_1695, %dma_start3A_1823] : memref<10240x16xf32, #tpu.memory_space<hbm>> -> memref<640x16xf32, #tpu.memory_space<hbm>>
        %dma_start3A_1825 = arith.constant 0 : i32
        %dma_start3A_1826 = tpu.memref_slice %arg14[%mul3A_1695, %dma_start3A_1825] : memref<10240x16xf32, #tpu.memory_space<vmem_shared>> -> memref<640x16xf32, #tpu.memory_space<vmem_shared>>
        tpu.enqueue_dma source(%dma_start3A_1826 : memref<640x16xf32, #tpu.memory_space<vmem_shared>>) target(%dma_start3A_1824 : memref<640x16xf32, #tpu.memory_space<hbm>>) target_semaphore(%run_scoped3A : memref<!tpu.dma_semaphore, #tpu.memory_space<semaphore_mem>>)
        %dma_wait3A_1827 = arith.constant 0 : i32
        %dma_wait3A_1828 = tpu.memref_slice %arg6[%mul3A_1695, %dma_wait3A_1827] : memref<10240x16xf32, #tpu.memory_space<hbm>> -> memref<640x16xf32, #tpu.memory_space<hbm>>
        %dma_wait3A_1829 = arith.constant 0 : i32
        %dma_wait3A_1830 = tpu.memref_slice %arg14[%mul3A_1695, %dma_wait3A_1829] : memref<10240x16xf32, #tpu.memory_space<vmem_shared>> -> memref<640x16xf32, #tpu.memory_space<vmem_shared>>
        tpu.wait_dma2 semaphore(%run_scoped3A : memref<!tpu.dma_semaphore, #tpu.memory_space<semaphore_mem>>) src(%dma_wait3A_1830 : memref<640x16xf32, #tpu.memory_space<vmem_shared>>) dst(%dma_wait3A_1828 : memref<640x16xf32, #tpu.memory_space<hbm>>)
        tpu.yield
      }) : () -> ()
    } else {
    }
    return
  }
}

module attributes {stable_mosaic.version = 14 : i64} {
  func.func @_dense0_body(%arg0: i32, %arg1: memref<5120x128xf32, #tpu.memory_space<vmem>>, %arg2: memref<5120x16xf32, #tpu.memory_space<vmem>>, %arg3: memref<5120x128xf32, #tpu.memory_space<vmem>>, %arg4: memref<128x128xf32, #tpu.memory_space<vmem>>, %arg5: memref<1x128xf32, #tpu.memory_space<vmem>>, %arg6: memref<128x128xf32, #tpu.memory_space<vmem>>, %arg7: memref<1x128xf32, #tpu.memory_space<vmem>>, %arg8: memref<1x128xf32, #tpu.memory_space<vmem>>, %arg9: memref<128x48xf32, #tpu.memory_space<vmem>>, %arg10: memref<5120x128xf32, #tpu.memory_space<vmem>>, %arg11: memref<5120x48xf32, #tpu.memory_space<vmem>>) attributes {dimension_semantics = [#tpu.dimension_semantics<arbitrary>], iteration_bounds = array<i64: 2>, scalar_prefetch = 0 : i64, scratch_operands = 0 : i64, tpu.core_type = #tpu.core_type<tc>, window_params = [{transform_indices = @transform_0, window_bounds = array<i64: 5120, 128>}, {transform_indices = @transform_1, window_bounds = array<i64: 5120, 16>}, {transform_indices = @transform_2, window_bounds = array<i64: 5120, 128>}, {pipeline_mode = #tpu.pipeline_mode<synchronous>, transform_indices = @transform_3, window_bounds = array<i64: 128, 128>}, {pipeline_mode = #tpu.pipeline_mode<synchronous>, transform_indices = @transform_4, window_bounds = array<i64: 1, 128>}, {pipeline_mode = #tpu.pipeline_mode<synchronous>, transform_indices = @transform_5, window_bounds = array<i64: 128, 128>}, {pipeline_mode = #tpu.pipeline_mode<synchronous>, transform_indices = @transform_6, window_bounds = array<i64: 1, 128>}, {pipeline_mode = #tpu.pipeline_mode<synchronous>, transform_indices = @transform_7, window_bounds = array<i64: 1, 128>}, {pipeline_mode = #tpu.pipeline_mode<synchronous>, transform_indices = @transform_8, window_bounds = array<i64: 128, 48>}, {transform_indices = @transform_9, window_bounds = array<i64: 5120, 128>}, {transform_indices = @transform_10, window_bounds = array<i64: 5120, 48>}]} {
    %get3A = arith.constant 0 : index
    %get3A_0 = arith.constant 0 : index
    %get3A_1 = vector.load %arg2[%get3A, %get3A_0] : memref<5120x16xf32, #tpu.memory_space<vmem>>, vector<5120x1xf32>
    %get3A_2 = arith.constant 0 : index
    %get3A_3 = arith.constant 0 : index
    %get3A_4 = vector.load %arg1[%get3A_2, %get3A_3] : memref<5120x128xf32, #tpu.memory_space<vmem>>, vector<5120x128xf32>
    %max3A = arith.constant 1.000000e+00 : f32
    %max3A_5 = vector.broadcast %max3A : f32 to vector<5120x1xf32>
    %max3A_6 = arith.maximumf %get3A_1, %max3A_5 : vector<5120x1xf32>
    %div3A = vector.broadcast %max3A_6 : vector<5120x1xf32> to vector<5120x128xf32>
    %div3A_7 = arith.divf %get3A_4, %div3A : vector<5120x128xf32>
    %get3A_8 = arith.constant 0 : index
    %get3A_9 = arith.constant 0 : index
    %get3A_10 = vector.load %arg4[%get3A_8, %get3A_9] : memref<128x128xf32, #tpu.memory_space<vmem>>, vector<128x128xf32>
    %convert_element_type3A = arith.truncf %div3A_7 : vector<5120x128xf32> to vector<5120x128xbf16>
    %convert_element_type3A_11 = arith.truncf %get3A_10 : vector<128x128xf32> to vector<128x128xbf16>
    %dot_general3A = arith.constant dense<0.000000e+00> : vector<5120x128xf32>
    %dot_general3A_12 = tpu.matmul %convert_element_type3A, %convert_element_type3A_11, %dot_general3A {dimension_numbers = #tpu.dot_dimension_numbers<[1], [0], [0], [1], [0, 0, 1, 1], [], []>, transpose_lhs_hint = false} : vector<5120x128xbf16>, vector<128x128xbf16>, vector<5120x128xf32> -> vector<5120x128xf32>
    %get3A_13 = arith.constant 0 : index
    %get3A_14 = arith.constant 0 : index
    %get3A_15 = vector.load %arg5[%get3A_13, %get3A_14] : memref<1x128xf32, #tpu.memory_space<vmem>>, vector<1x128xf32>
    %add3A = vector.broadcast %get3A_15 : vector<1x128xf32> to vector<5120x128xf32>
    %add3A_16 = arith.addf %dot_general3A_12, %add3A : vector<5120x128xf32>
    %get3A_17 = arith.constant 0 : index
    %get3A_18 = arith.constant 0 : index
    %get3A_19 = vector.load %arg3[%get3A_17, %get3A_18] : memref<5120x128xf32, #tpu.memory_space<vmem>>, vector<5120x128xf32>
    %get3A_20 = arith.constant 0 : index
    %get3A_21 = arith.constant 0 : index
    %get3A_22 = vector.load %arg6[%get3A_20, %get3A_21] : memref<128x128xf32, #tpu.memory_space<vmem>>, vector<128x128xf32>
    %convert_element_type3A_23 = arith.truncf %get3A_19 : vector<5120x128xf32> to vector<5120x128xbf16>
    %convert_element_type3A_24 = arith.truncf %get3A_22 : vector<128x128xf32> to vector<128x128xbf16>
    %dot_general3A_25 = arith.constant dense<0.000000e+00> : vector<5120x128xf32>
    %dot_general3A_26 = tpu.matmul %convert_element_type3A_23, %convert_element_type3A_24, %dot_general3A_25 {dimension_numbers = #tpu.dot_dimension_numbers<[1], [0], [0], [1], [0, 0, 1, 1], [], []>, transpose_lhs_hint = false} : vector<5120x128xbf16>, vector<128x128xbf16>, vector<5120x128xf32> -> vector<5120x128xf32>
    %add3A_27 = arith.addf %add3A_16, %dot_general3A_26 : vector<5120x128xf32>
    %get3A_28 = arith.constant 0 : index
    %get3A_29 = arith.constant 0 : index
    %get3A_30 = vector.load %arg7[%get3A_28, %get3A_29] : memref<1x128xf32, #tpu.memory_space<vmem>>, vector<1x128xf32>
    %mul3A = vector.broadcast %get3A_30 : vector<1x128xf32> to vector<5120x128xf32>
    %mul3A_31 = arith.mulf %add3A_27, %mul3A : vector<5120x128xf32>
    %get3A_32 = arith.constant 0 : index
    %get3A_33 = arith.constant 0 : index
    %get3A_34 = vector.load %arg8[%get3A_32, %get3A_33] : memref<1x128xf32, #tpu.memory_space<vmem>>, vector<1x128xf32>
    %add3A_35 = vector.broadcast %get3A_34 : vector<1x128xf32> to vector<5120x128xf32>
    %add3A_36 = arith.addf %mul3A_31, %add3A_35 : vector<5120x128xf32>
    %max3A_37 = arith.constant 0.000000e+00 : f32
    %max3A_38 = vector.broadcast %max3A_37 : f32 to vector<5120x128xf32>
    %max3A_39 = arith.maximumf %add3A_36, %max3A_38 : vector<5120x128xf32>
    %swap3A = arith.constant 0 : index
    %swap3A_40 = arith.constant 0 : index
    %swap3A_41 = vector.load %arg10[%swap3A, %swap3A_40] : memref<5120x128xf32, #tpu.memory_space<vmem>>, vector<5120x128xf32>
    tpu.vector_store %arg10[%swap3A, %swap3A_40], %max3A_39 {strides = array<i32>} : memref<5120x128xf32, #tpu.memory_space<vmem>>, vector<5120x128xf32>,
    %get3A_42 = arith.constant 0 : index
    %get3A_43 = arith.constant 0 : index
    %get3A_44 = vector.load %arg9[%get3A_42, %get3A_43] : memref<128x48xf32, #tpu.memory_space<vmem>>, vector<128x48xf32>
    %convert_element_type3A_45 = arith.truncf %max3A_39 : vector<5120x128xf32> to vector<5120x128xbf16>
    %convert_element_type3A_46 = arith.truncf %get3A_44 : vector<128x48xf32> to vector<128x48xbf16>
    %dot_general3A_47 = arith.constant dense<0.000000e+00> : vector<5120x48xf32>
    %dot_general3A_48 = tpu.matmul %convert_element_type3A_45, %convert_element_type3A_46, %dot_general3A_47 {dimension_numbers = #tpu.dot_dimension_numbers<[1], [0], [0], [1], [0, 0, 1, 1], [], []>, transpose_lhs_hint = false} : vector<5120x128xbf16>, vector<128x48xbf16>, vector<5120x48xf32> -> vector<5120x48xf32>
    %swap3A_49 = arith.constant 0 : index
    %swap3A_50 = arith.constant 0 : index
    %swap3A_51 = vector.load %arg11[%swap3A_49, %swap3A_50] : memref<5120x48xf32, #tpu.memory_space<vmem>>, vector<5120x48xf32>
    tpu.vector_store %arg11[%swap3A_49, %swap3A_50], %dot_general3A_48 {strides = array<i32>} : memref<5120x48xf32, #tpu.memory_space<vmem>>, vector<5120x48xf32>,
    return
  }
  func.func @transform_0(%arg0: i32) -> (i32, i32) {
    %c0_i32 = arith.constant 0 : i32
    %c0_i32_0 = arith.constant 0 : i32
    return %arg0, %c0_i32 : i32, i32
  }
  func.func @transform_1(%arg0: i32) -> (i32, i32) {
    %c0_i32 = arith.constant 0 : i32
    %c0_i32_0 = arith.constant 0 : i32
    return %arg0, %c0_i32 : i32, i32
  }
  func.func @transform_2(%arg0: i32) -> (i32, i32) {
    %c0_i32 = arith.constant 0 : i32
    %c0_i32_0 = arith.constant 0 : i32
    return %arg0, %c0_i32 : i32, i32
  }
  func.func @transform_3(%arg0: i32) -> (i32, i32) {
    %c0_i32 = arith.constant 0 : i32
    %c0_i32_0 = arith.constant 0 : i32
    %c0_i32_1 = arith.constant 0 : i32
    return %c0_i32, %c0_i32_0 : i32, i32
  }
  func.func @transform_4(%arg0: i32) -> (i32, i32) {
    %c0_i32 = arith.constant 0 : i32
    %c0_i32_0 = arith.constant 0 : i32
    %c0_i32_1 = arith.constant 0 : i32
    return %c0_i32, %c0_i32_0 : i32, i32
  }
  func.func @transform_5(%arg0: i32) -> (i32, i32) {
    %c0_i32 = arith.constant 0 : i32
    %c0_i32_0 = arith.constant 0 : i32
    %c0_i32_1 = arith.constant 0 : i32
    return %c0_i32, %c0_i32_0 : i32, i32
  }
  func.func @transform_6(%arg0: i32) -> (i32, i32) {
    %c0_i32 = arith.constant 0 : i32
    %c0_i32_0 = arith.constant 0 : i32
    %c0_i32_1 = arith.constant 0 : i32
    return %c0_i32, %c0_i32_0 : i32, i32
  }
  func.func @transform_7(%arg0: i32) -> (i32, i32) {
    %c0_i32 = arith.constant 0 : i32
    %c0_i32_0 = arith.constant 0 : i32
    %c0_i32_1 = arith.constant 0 : i32
    return %c0_i32, %c0_i32_0 : i32, i32
  }
  func.func @transform_8(%arg0: i32) -> (i32, i32) {
    %c0_i32 = arith.constant 0 : i32
    %c0_i32_0 = arith.constant 0 : i32
    %c0_i32_1 = arith.constant 0 : i32
    return %c0_i32, %c0_i32_0 : i32, i32
  }
  func.func @transform_9(%arg0: i32) -> (i32, i32) {
    %c0_i32 = arith.constant 0 : i32
    %c0_i32_0 = arith.constant 0 : i32
    return %arg0, %c0_i32 : i32, i32
  }
  func.func @transform_10(%arg0: i32) -> (i32, i32) {
    %c0_i32 = arith.constant 0 : i32
    %c0_i32_0 = arith.constant 0 : i32
    return %arg0, %c0_i32 : i32, i32
  }
}

module attributes {stable_mosaic.version = 14 : i64} {
  func.func @_dense1_body(%arg0: i32, %arg1: memref<2x5120x48xf32, #tpu.memory_space<vmem>>, %arg2: memref<5120x16xf32, #tpu.memory_space<vmem>>, %arg3: memref<5120x128xf32, #tpu.memory_space<vmem>>, %arg4: memref<128x48xf32, #tpu.memory_space<vmem>>, %arg5: memref<1x48xf32, #tpu.memory_space<vmem>>, %arg6: memref<5120x47xf32, #tpu.memory_space<vmem>>) attributes {dimension_semantics = [#tpu.dimension_semantics<arbitrary>], iteration_bounds = array<i64: 2>, scalar_prefetch = 0 : i64, scratch_operands = 0 : i64, tpu.core_type = #tpu.core_type<tc>, window_params = [{transform_indices = @transform_0, window_bounds = array<i64: 2, 5120, 48>}, {transform_indices = @transform_1, window_bounds = array<i64: 5120, 16>}, {transform_indices = @transform_2, window_bounds = array<i64: 5120, 128>}, {pipeline_mode = #tpu.pipeline_mode<synchronous>, transform_indices = @transform_3, window_bounds = array<i64: 128, 48>}, {pipeline_mode = #tpu.pipeline_mode<synchronous>, transform_indices = @transform_4, window_bounds = array<i64: 1, 48>}, {transform_indices = @transform_5, window_bounds = array<i64: 5120, 47>}]} {
    %get3A = arith.constant 0 : index
    %get3A_0 = arith.constant 0 : index
    %get3A_1 = arith.constant 0 : index
    %get3A_2 = vector.load %arg1[%get3A, %get3A_0, %get3A_1] : memref<2x5120x48xf32, #tpu.memory_space<vmem>>, vector<1x5120x48xf32>
    %get3A_3 = vector.shape_cast %get3A_2 : vector<1x5120x48xf32> to vector<5120x48xf32>
    %get3A_4 = arith.constant 1 : index
    %get3A_5 = arith.constant 0 : index
    %get3A_6 = arith.constant 0 : index
    %get3A_7 = vector.load %arg1[%get3A_4, %get3A_5, %get3A_6] : memref<2x5120x48xf32, #tpu.memory_space<vmem>>, vector<1x5120x48xf32>
    %get3A_8 = vector.shape_cast %get3A_7 : vector<1x5120x48xf32> to vector<5120x48xf32>
    %add3A = arith.addf %get3A_3, %get3A_8 : vector<5120x48xf32>
    %get3A_9 = arith.constant 0 : index
    %get3A_10 = arith.constant 0 : index
    %get3A_11 = vector.load %arg2[%get3A_9, %get3A_10] : memref<5120x16xf32, #tpu.memory_space<vmem>>, vector<5120x1xf32>
    %max3A = arith.constant 1.000000e+00 : f32
    %max3A_12 = vector.broadcast %max3A : f32 to vector<5120x1xf32>
    %max3A_13 = arith.maximumf %get3A_11, %max3A_12 : vector<5120x1xf32>
    %div3A = vector.broadcast %max3A_13 : vector<5120x1xf32> to vector<5120x48xf32>
    %div3A_14 = arith.divf %add3A, %div3A : vector<5120x48xf32>
    %get3A_15 = arith.constant 0 : index
    %get3A_16 = arith.constant 0 : index
    %get3A_17 = vector.load %arg5[%get3A_15, %get3A_16] : memref<1x48xf32, #tpu.memory_space<vmem>>, vector<1x48xf32>
    %add3A_18 = vector.broadcast %get3A_17 : vector<1x48xf32> to vector<5120x48xf32>
    %add3A_19 = arith.addf %div3A_14, %add3A_18 : vector<5120x48xf32>
    %get3A_20 = arith.constant 0 : index
    %get3A_21 = arith.constant 0 : index
    %get3A_22 = vector.load %arg3[%get3A_20, %get3A_21] : memref<5120x128xf32, #tpu.memory_space<vmem>>, vector<5120x128xf32>
    %get3A_23 = arith.constant 0 : index
    %get3A_24 = arith.constant 0 : index
    %get3A_25 = vector.load %arg4[%get3A_23, %get3A_24] : memref<128x48xf32, #tpu.memory_space<vmem>>, vector<128x48xf32>
    %convert_element_type3A = arith.truncf %get3A_22 : vector<5120x128xf32> to vector<5120x128xbf16>
    %convert_element_type3A_26 = arith.truncf %get3A_25 : vector<128x48xf32> to vector<128x48xbf16>
    %dot_general3A = arith.constant dense<0.000000e+00> : vector<5120x48xf32>
    %dot_general3A_27 = tpu.matmul %convert_element_type3A, %convert_element_type3A_26, %dot_general3A {dimension_numbers = #tpu.dot_dimension_numbers<[1], [0], [0], [1], [0, 0, 1, 1], [], []>, transpose_lhs_hint = false} : vector<5120x128xbf16>, vector<128x48xbf16>, vector<5120x48xf32> -> vector<5120x48xf32>
    %add3A_28 = arith.addf %add3A_19, %dot_general3A_27 : vector<5120x48xf32>
    %iota3A = tpu.iota {dimensions = array<i32: 1>} : vector<1x48xi32>
    %lt3A = arith.constant 47 : i32
    %lt3A_29 = vector.broadcast %lt3A : i32 to vector<1x48xi32>
    %lt3A_30 = arith.cmpi slt, %iota3A, %lt3A_29 : vector<1x48xi32>
    %jit3A = arith.constant -1.000000e+30 : f32
    %broadcast_in_dim3A = vector.shape_cast %lt3A_30 : vector<1x48xi1> to vector<1x48xi1>
    %broadcast_in_dim3A_31 = vector.broadcast %broadcast_in_dim3A : vector<1x48xi1> to vector<5120x48xi1>
    %broadcast_in_dim3A_32 = vector.broadcast %jit3A : f32 to vector<5120x48xf32>
    %select_n3A = arith.select %broadcast_in_dim3A_31, %add3A_28, %broadcast_in_dim3A_32 : vector<5120x48xi1>, vector<5120x48xf32>
    %reduce_max3A = arith.constant dense<0xFF800000> : vector<5120xf32>
    %reduce_max3A_33 = vector.multi_reduction <maximumf>, %select_n3A, %reduce_max3A [1] : vector<5120x48xf32> to vector<5120xf32>
    %broadcast_in_dim3A_34 = vector.shape_cast %reduce_max3A_33 : vector<5120xf32> to vector<5120x1xf32>
    %sub3A = vector.broadcast %broadcast_in_dim3A_34 : vector<5120x1xf32> to vector<5120x48xf32>
    %sub3A_35 = arith.subf %select_n3A, %sub3A : vector<5120x48xf32>
    %exp3A = math.exp %sub3A_35 : vector<5120x48xf32>
    %reduce_sum3A = arith.constant dense<0.000000e+00> : vector<5120xf32>
    %reduce_sum3A_36 = vector.multi_reduction <add>, %exp3A, %reduce_sum3A [1] : vector<5120x48xf32> to vector<5120xf32>
    %broadcast_in_dim3A_37 = vector.shape_cast %reduce_sum3A_36 : vector<5120xf32> to vector<5120x1xf32>
    %log3A = math.log %broadcast_in_dim3A_37 : vector<5120x1xf32>
    %sub3A_38 = vector.broadcast %broadcast_in_dim3A_34 : vector<5120x1xf32> to vector<5120x48xf32>
    %sub3A_39 = arith.subf %select_n3A, %sub3A_38 : vector<5120x48xf32>
    %sub3A_40 = vector.broadcast %log3A : vector<5120x1xf32> to vector<5120x48xf32>
    %sub3A_41 = arith.subf %sub3A_39, %sub3A_40 : vector<5120x48xf32>
    %slice3A = vector.extract_strided_slice %sub3A_41 {offsets = [0, 0], sizes = [5120, 47], strides = [1, 1]} : vector<5120x48xf32> to vector<5120x47xf32>
    %swap3A = arith.constant 0 : index
    %swap3A_42 = arith.constant 0 : index
    %swap3A_43 = vector.load %arg6[%swap3A, %swap3A_42] : memref<5120x47xf32, #tpu.memory_space<vmem>>, vector<5120x47xf32>
    tpu.vector_store %arg6[%swap3A, %swap3A_42], %slice3A {strides = array<i32>} : memref<5120x47xf32, #tpu.memory_space<vmem>>, vector<5120x47xf32>,
    return
  }
  func.func @transform_0(%arg0: i32) -> (i32, i32, i32) {
    %c0_i32 = arith.constant 0 : i32
    %c0_i32_0 = arith.constant 0 : i32
    %c0_i32_1 = arith.constant 0 : i32
    return %c0_i32, %arg0, %c0_i32_0 : i32, i32, i32
  }
  func.func @transform_1(%arg0: i32) -> (i32, i32) {
    %c0_i32 = arith.constant 0 : i32
    %c0_i32_0 = arith.constant 0 : i32
    return %arg0, %c0_i32 : i32, i32
  }
  func.func @transform_2(%arg0: i32) -> (i32, i32) {
    %c0_i32 = arith.constant 0 : i32
    %c0_i32_0 = arith.constant 0 : i32
    return %arg0, %c0_i32 : i32, i32
  }
  func.func @transform_3(%arg0: i32) -> (i32, i32) {
    %c0_i32 = arith.constant 0 : i32
    %c0_i32_0 = arith.constant 0 : i32
    %c0_i32_1 = arith.constant 0 : i32
    return %c0_i32, %c0_i32_0 : i32, i32
  }
  func.func @transform_4(%arg0: i32) -> (i32, i32) {
    %c0_i32 = arith.constant 0 : i32
    %c0_i32_0 = arith.constant 0 : i32
    %c0_i32_1 = arith.constant 0 : i32
    return %c0_i32, %c0_i32_0 : i32, i32
  }
  func.func @transform_5(%arg0: i32) -> (i32, i32) {
    %c0_i32 = arith.constant 0 : i32
    %c0_i32_0 = arith.constant 0 : i32
    return %arg0, %c0_i32 : i32, i32
  }
}

</mosaic_0001>

<sc_bundles>
// kernel: kernel.6.cloned.1.call-start
scs
__scs_entry_jumppad:
0x0: {  	(pc) =	sbr.rel $0x88, $3  }
0x1: {  	(tag) =	ssettag $0x0;
	lr =	simm.s32 $0x1  }
0x2: {  	[smem:$0x3F97] =	sst lr;
	_ =	strace $0xD0000000  }
0x3: {  	_ = 	snop  }
0x4: {  	_ = 	snop  }
0x5: {  	_ = 	snop  }
0x6: {  	_ = 	snop  }
0x7: {  	_ = 	snop  }
__scs_overlays_trampoline_lowered:
0x8: {  	[smem:$0x3FA6] =	sst s0  }
0x9: {  	[smem:$0x3FA7] =	sst s1  }
0xa: {  	[smem:$0x3FA8] =	sst s2  }
0xb: {  	[smem:$0x3FA9] =	sst s3  }
0xc: {  	[smem:$0x3FAA] =	sst s4  }
0xd: {  	[smem:$0x3FAB] =	sst s5  }
0xe: {  	[smem:$0x3FAC] =	sst s6  }
0xf: {  	[smem:$0x3FAD] =	sst s7  }
0x10: {  	[smem:$0x3FAE] =	sst s8  }
0x11: {  	[smem:$0x3FAF] =	sst s9;
	s0 =	simm.s32 @!p0 $0x0  }
0x12: {  	s1 =	sld [smem:$0x3F95];
	s0 =	simm.s32 @p0 $0x1  }
0x13: {  	[smem:$0x3FB0] =	sst s0;
	s0 =	simm.s32 @!p1 $0x0  }
0x14: {  	s2 =	sld [smem:$0x3F94];
	s0 =	simm.s32 @p1 $0x1  }
0x15: {  	[smem:$0x3FB1] =	sst s0;
	s0 =	simm.s32 @!p2 $0x0  }
0x16: {  	s3 =	sld [smem:$0x3FDB];
	s0 =	simm.s32 @p2 $0x1  }
0x17: {  	s4 =	simm.s32 $0x1BF5;
	[smem:$0x3FB3] =	sst s0  }
0x18: {  	s0 =	sld [smem:$0x3F96];
	_ =	swait.ge [sflag:s4], $0x0  }
0x19: {  	s7 =	sld [smem:$0x3F97]  }
0x1a: {  	s8 =	sadd.s32 $0xFFFFE003, lr  }
0x1b: {  	s9 =	sadd.s32 $0xFFFFFEF7, lr;
	s5 =	simm.s32 $0xFFFFFFFF;
	p2 =	slt.u32 s8, $0xFFFFF086  }
0x1c: {  	p1 =	slt.u32 s9, $0xF7A;
	s5 =	simm.s32 @!p2 $0x0  }
0x1d: {  	s5 =	simm.s32 @p1 $0x1;
	p0 =	seq.s32 s7, s2  }
0x1e: {  	s7 =	smul.u32 @!p0 $0xF7A, s2;
	p2 =	seq.s32 @!p0 s5, $0x0  }
0x1f: {  	s9 =	smul.u32 $0xF7A, s1;
	s8 =	simm.s32 @!p0 $0x1BF5;
	p2 =	por !p2, p0  }
0x20: {  	[sflag:s8] =	ssyncset.s32 @!p0 $0xFFFFF086;
	s6 =	sadd.s32 @!p0 s3, s7;
	s7 =	simm.s32 @!p0 $0x108  }
0x21: {  	s3 =	sadd.s32 s3, s9;
	s6 =	sadd.s32 @!p0 $0x88, s6;
	s7 =	simm.s32 @p2 $0x1082  }
0x22: {  	[simem:s7], [sflag:s8] =	dma.local @!p0 [hbm:s6], $0xF7A  }
0x23: {  	s9 =	sor.u32 $0xD0000000, s2;
	s6 =	simm.s32 $0x108;
	_ =	swait.ge @!p0 [sflag:s8], $0x0  }
0x24: {  	s3 =	sadd.s32 $0x88, s3;
	s6 =	simm.s32 @!p1 $0x1082;
	[sflag:s4] =	ssyncset.s32 $0xFFFFF086  }
0x25: {  	[simem:s6], [sflag:s4] =	dma.local [hbm:s3], $0xF7A  }
0x26: {  	[smem:$0x3F97] =	sst s1;
	(tag) =	ssettag s2;
	_ =	strace s9  }
0x27: {  	s1 =	sld [smem:$0x3FA7]  }
0x28: {  	s2 =	sld [smem:$0x3FA8]  }
0x29: {  	s4 =	sld [smem:$0x3FAA]  }
0x2a: {  	p0 =	seq.s32 s5, $0x0;
	s5 =	sld [smem:$0x3FAB]  }
0x2b: {  	s6 =	sld [smem:$0x3FAC]  }
0x2c: {  	s7 =	sld [smem:$0x3FAD]  }
0x2d: {  	s3 =	simm.s32 $0x108;
	s8 =	sld [smem:$0x3FAE]  }
0x2e: {  	s3 =	simm.s32 @!p0 $0x1082;
	s9 =	sld [smem:$0x3FAF]  }
0x2f: {  	lr =	sadd.s32 s0, s3;
	s0 =	sld [smem:$0x3FA6]  }
0x30: {  	s3 =	sld [smem:$0x3FA9]  }
0x31: {  	[smem:$0x3FB2] =	sst s10  }
0x32: {  	s10 =	sld [smem:$0x3FB0];
	_ =	sdelay $0x3  }
0x33: {  	p0 =	seq.s32 s10, $0x1;
	s10 =	sld [smem:$0x3FB2];
	_ =	sdelay $0x3  }
0x34: {  	[smem:$0x3FB2] =	sst s10  }
0x35: {  	s10 =	sld [smem:$0x3FB1];
	_ =	sdelay $0x3  }
0x36: {  	p1 =	seq.s32 s10, $0x1;
	s10 =	sld [smem:$0x3FB2];
	_ =	sdelay $0x3  }
0x37: {  	[smem:$0x3FB2] =	sst s10  }
0x38: {  	s10 =	sld [smem:$0x3FB3]  }
0x39: {  	_ = 	snop;
	(pc) =	sbr.ind lr, $3  }
0x3a: {  	_ = 	snop  }
0x3b: {  	_ = 	snop  }
0x3c: {  	p2 =	seq.s32 s10, $0x1;
	s10 =	sld [smem:$0x3FB2]  }
0x3d: {  	_ =	shalt  }
0x3e: {  	_ =	shalt  }
0x3f: {  	_ =	shalt  }
0x40: {  	_ =	shalt  }
0x41: {  	_ =	shalt  }
0x42: {  	_ =	shalt  }
0x43: {  	_ =	shalt  }
0x44: {  	_ =	shalt  }
0x45: {  	_ =	shalt  }
0x46: {  	_ =	shalt  }
0x47: {  	_ =	shalt  }
0x48: {  	_ =	shalt  }
0x49: {  	_ =	shalt  }
0x4a: {  	_ =	shalt  }
0x4b: {  	_ =	shalt  }
0x4c: {  	_ =	shalt  }
0x4d: {  	_ =	shalt  }
0x4e: {  	_ =	shalt  }
0x4f: {  	_ =	shalt  }
0x50: {  	_ =	shalt  }
0x51: {  	_ =	shalt  }
0x52: {  	_ =	shalt  }
0x53: {  	_ =	shalt  }
0x54: {  	_ =	shalt  }
0x55: {  	_ =	shalt  }
0x56: {  	_ =	shalt  }
0x57: {  	_ =	shalt  }
0x58: {  	_ =	shalt  }
0x59: {  	_ =	shalt  }
0x5a: {  	_ =	shalt  }
0x5b: {  	_ =	shalt  }
0x5c: {  	_ =	shalt  }
0x5d: {  	_ =	shalt  }
0x5e: {  	_ =	shalt  }
0x5f: {  	_ =	shalt  }
0x60: {  	_ =	shalt  }
0x61: {  	_ =	shalt  }
0x62: {  	_ =	shalt  }
0x63: {  	_ =	shalt  }
0x64: {  	_ =	shalt  }
0x65: {  	_ =	shalt  }
0x66: {  	_ =	shalt  }
0x67: {  	_ =	shalt  }
0x68: {  	_ =	shalt  }
0x69: {  	_ =	shalt  }
0x6a: {  	_ =	shalt  }
0x6b: {  	_ =	shalt  }
0x6c: {  	_ =	shalt  }
0x6d: {  	_ =	shalt  }
0x6e: {  	_ =	shalt  }
0x6f: {  	_ =	shalt  }
0x70: {  	_ =	shalt  }
0x71: {  	_ =	shalt  }
0x72: {  	_ =	shalt  }
0x73: {  	_ =	shalt  }
0x74: {  	_ =	shalt  }
0x75: {  	_ =	shalt  }
0x76: {  	_ =	shalt  }
0x77: {  	_ =	shalt  }
0x78: {  	_ =	shalt  }
0x79: {  	_ =	shalt  }
0x7a: {  	_ =	shalt  }
0x7b: {  	_ =	shalt  }
0x7c: {  	_ =	shalt  }
0x7d: {  	_ =	shalt  }
0x7e: {  	_ =	shalt  }
0x7f: {  	_ =	shalt  }
0x80: {  	_ =	shalt  }
0x81: {  	_ =	shalt  }
0x82: {  	_ =	shalt  }
0x83: {  	_ =	shalt  }
0x84: {  	_ =	shalt  }
0x85: {  	_ =	shalt  }
0x86: {  	_ =	shalt  }
0x87: {  	_ =	shalt  }
.Lfunc_end0:
.L_simem_size_0:
called_computation_lowered:
.L_overlay_start_0:
0x88: {  	s2 =	sld [smem:$0x3FD9]  }
0x89: {  	s3 =	sld [smem:$0x3FFE];
	_ =	sdelay $0x1  }
0x8a: {  	s1 =	srdreg.scid  }
0x8b: {  	s0 =	sand.u32 $0x1, s1  }
0x8c: {  	s17 =	sshll.u32 s0, $0xA;
	s2 =	sadd.s32 s3, s2  }
0x8d: {  	s2 =	sadd.s32 s2, s17  }
0x8e: {  	[smem:$0x3FBE] =	sst s2  }
0x8f: {  	_ = 	snop  }
0x90: {  	s2 =	sld [smem:$0x3FC9]  }
0x91: {  	s18 =	sld [smem:$0x3FD0];
	(tm) =	ssettm $0x1  }
0x92: {  	s4 =	sld [smem:$0x3FFB];
	_ =	sdelay $0x3  }
0x93: {  	_ =	strace s4  }
0x94: {  	s4 =	sld [smem:$0x3FFC];
	_ =	sdelay $0x3  }
0x95: {  	_ =	strace s4  }
0x96: {  	s4 =	sld [smem:$0x3FFD];
	_ =	sdelay $0x3  }
0x97: {  	_ =	strace s4  }
0x98: {  	_ =	strace $0x8FFFFFFF  }
0x99: {  	s19 =	sld [smem:$0x3FDB];
	_ =	sdelay $0x1  }
0x9a: {  	s5 =	simm.s32 $_scs_section_size  }
0x9b: {  	s6 =	simm.s32 $_size__tile_overlayer_lowered;
	s7 =	simm.s32 $_tile_overlayer_lowered  }
0x9c: {  	s22 =	simm.s32 $0x1BFF;
	s21 =	sshll.u32 s7, $0x1;
	s4 =	sadd.s32 s5, s19  }
0x9d: {  	s8 =	simm.s32 $0x0;
	s20 =	sshll.u32 s6, $0x1;
	s6 =	sadd.s32 s21, s4  }
0x9e: {  	[timem:s8], [sflag:s22] =	dma.local [hbm:s6], s20  }
0x9f: {  	_ =	swait.ge [sflag:s22], s20  }
0xa0: {  	s5 =	ssub.s32 $0x0, s20;
	[sflag:s22] =	ssyncset.done $0x0  }
0xa1: {  	[sflag:s22] =	ssyncadd.s32 s5;
	_ =	sdelay $0x1  }
0xa2: {  	s23 =	simm.s32 $0x1B8B  }
0xa3: {  	_ =	swait.ge [sflag:s23], $0x1  }
0xa4: {  	[sflag:s23] =	ssyncset.done $0x0  }
0xa5: {  	s25 =	simm.s32 $0x1B8E;
	s24 =	sld [smem:$0x3FFE];
	[sflag:s23] =	ssyncadd.s32 $0xFFFFFFFF  }
0xa6: {  	s26 =	simm.s32 $execute0_lowered;
	[smem:$0x3FD2] =	sst s25  }
0xa7: {  	s6 =	sshll.u32 s26, $0x1;
	_ =	strace $0x80000046;
	[dreg:$0x1] =	wrdreg $0xFFFFFFFF  }
0xa8: {  	s28 =	simm.s32 $_size_execute0_lowered;
	s4 =	sadd.s32 s4, s6;
	[dreg:$0x0] =	wrdreg $0x0  }
0xa9: {  	s6 =	sshll.u32 s28, $0x1;
	[dreg:$0x2] =	wrdreg s4  }
0xaa: {  	[dreg:$0x3] =	wrdreg s6  }
0xab: {  	[dreg:$0x4] =	wrdreg $0xC0  }
0xac: {  	_ =	task [dreg:s8], $0x5FFFF  }
0xad: {  	[dreg:$0x1] =	wrdreg $0xFFFFFFFF  }
0xae: {  	[dreg:$0x0] =	wrdreg $0x60  }
0xaf: {  	[dreg:$0x2] =	wrdreg s2  }
0xb0: {  	[dreg:$0x3] =	wrdreg s24  }
0xb1: {  	[dreg:$0x4] =	wrdreg s18  }
0xb2: {  	[dreg:$0x5] =	wrdreg $0x111C00  }
0xb3: {  	[dreg:$0x6] =	wrdreg $0x1B1C00  }
0xb4: {  	[dreg:$0x7] =	wrdreg $0x9  }
0xb5: {  	_ =	task.clear_ibuf [dreg:s8], $0x8FFFF;
	_ =	strace $0x90000046  }
0xb6: {  	s29 =	simm.s32 $0x9;
	_ =	strace $0x80000048  }
0xb7: {  	_ =	swait.ge [sflag:s29], $0x1  }
0xb8: {  	[sflag:s29] =	ssyncadd.s32 $0xFFFFFFFF  }
0xb9: {  	_ =	strace $0x90000048  }
0xba: {  	_ =	sfence  }
0xbb: {  	s30 =	sld [smem:$0x0];
	_ =	sdelay $0x2  }
0xbc: {  	s31 =	sshll.u32 s1, $0xD;
	s1 =	sshrl.u32 s1, $0x2  }
0xbd: {  	s3 =	sand.u32 $0x4000, s31;
	s1 =	sadd.s32 s1, s30  }
0xbe: {  	s0 =	sor.u32 s3, s0;
	s1 =	sshll.u32 s1, $0x11  }
0xbf: {  	s0 =	sor.u32 s1, s0  }
0xc0: {  	s0 =	sadd.s32 $0x8F2B, s0  }
0xc1: {  	[sflag:s0] =	ssyncadd.remote.s32 $0x1  }
0xc2: {  	_ =	sfence.sel $0xFFFF  }
0xc3: {  	[dreg:$0x0] =	wrdreg $0xFFFFFFFF;
	(pc) =	sbr.abs _section_cstart, $3  }
0xc4: {  	[dreg:$0x1] =	wrdreg $0xFFFFFFFF  }
0xc5: {  	_ =	task.clear_ibuf [dreg:s8], $0x2FFFF;
	_ =	strace $0x9FFFFFFF  }
0xc6: {  	(tm) =	ssettm $0x7FFFFFFF  }
0xc7: {  	_ =	shalt  }
tec
execute0_lowered:
.L_overlay_start_1:
0x0: {  	(tag) =	ssettag $0x1  }
0x1: {  	s1 =	rddreg [dreg:$0x0]  }
0x2: {  	s0 =	rddreg [dreg:$0x1]  }
0x3: {  	s2 =	rddreg [dreg:$0x2]  }
0x4: {  	s3 =	rddreg [dreg:$0x3];
	s14 =	stileid.u32  }
0x5: {  	s5 =	srdreg.scid;
	s4 =	rddreg [dreg:$0x4];
	s8 =	simm.s32 $0x0  }
0x6: {  	s17 =	simm.s32 $0x50;
	s31 =	simm.s32 $0x9C40;
	s6 =	smul.u32 $0x14000, s14  }
0x7: {  	s28 =	simm.s32 $0xD840;
	s29 =	simm.s32 $0xEC40;
	s20 =	smul.u32 $0x9C4, s14  }
0x8: {  	s15 =	simm.s32 $0x3;
	s30 =	simm.s32 $0x9;
	s21 =	smul.u32 $0x2800, s14  }
0x9: {  	s18 =	simm.s32 $0x5;
	s5 =	sand.u32 $0x1, s5;
	s13 =	smul.u32 $0x28000, s14  }
0xa: {  	[smem:$0x7FF] =	sst s8;
	s23 =	smul.u32 $0xA000, s14;
	s14 =	simm.s32 $0xC440  }
0xb: {  	s7 =	sshll.u32 s5, $0x6;
	_ =	strace $0x80000047;
	s10 =	ssub.s32 $0x2, s5  }
0xc: {  	p0 =	sne.s32 s5, $0x0;
	s6 =	sor.u32 s7, s6;
	s9 =	sadd.s32 s20, s0  }
0xd: {  	s11 =	sshrl.u32 s21, $0x3;
	s12 =	sshrl.u32 s10, $0x1;
	s2 =	sadd.s32 s2, s20  }
0xe: {  	s22 =	sshrl.u32 s13, $0x2;
	s24 =	sadd.s32 s21, s4;
	s26 =	sshrl.u32 s23, $0x2  }
0xf: {  	s7 =	simm.s32 $0xC;
	s13 =	simm.s32 $0x7;
	s6 =	sshrl.u32 s6, $0x3  }
0x10: {  	s10 =	ssub.s32 s10, s12;
	s9 =	sadd.s32 $0x2000, s9;
	[dreg:$0x7] =	wrdreg s2  }
0x11: {  	s8 =	sadd.s32 s26, s4;
	s6 =	sadd.s32 s6, s0;
	[dreg:$0x6] =	wrdreg s9  }
0x12: {  	s0 =	sadd.s32 s11, s0;
	s25 =	smax.u32 s10, $0x1;
	[dreg:$0xc] =	wrdreg s8  }
.Ltmp0:
0x13: {  	s6 =	sadd.s32 $0x10E00, s6;
	[dreg:$0xb] =	wrdreg s25;
	(pc) =	sbr.rel .LBB2_1-.Ltmp0, $4  }
0x14: {  	s12 =	simm.s32 $0xB040;
	s0 =	sadd.s32 $0xBE00, s0;
	[dreg:$0x8] =	wrdreg s6  }
0x15: {  	s9 =	simm.s32 $0x10040;
	[dreg:$0xa] =	wrdreg s0;
	s0 =	sshrl.u32 s24, $0x3  }
0x16: {  	s10 =	simm.s32 $0xD;
	s6 =	sadd.s32 s22, s3;
	[dreg:$0xd] =	wrdreg s0  }
0x17: {  	v1 =	vimm.f32 $0.0e+00;
	v2 =	vimm.f32 $1.000000000e+00;
	v0 =	vmov s5;
	s11 =	simm.s32 $0x1;
	s0 =	simm.s32 $0x0;
	[dreg:$0x9] =	wrdreg s6  }
.LBB2_11:
0x18: {  	s0 =	stileid.u32;
	[bflag:$0x0] =	sbarrier.arrive $0xFFFF  }
0x19: {  	s7 =	simm.s32 $0x10;
	s0 =	sshll.u32 s0, $0x6;
	s6 =	rddreg [dreg:$0x9]  }
0x1a: {  	s5 =	rddreg [dreg:$0x8];
	s0 =	sor.u32 $0x1C0C, s0;
	s2 =	sshrl.u32 s6, $0x3  }
0x1b: {  	[hbm:s5@s7], [sflag:s0] =	dma.strided [spmem:s2@s16], $0x1400, s11, $0x8   }
0x1c: {  	s7 =	simm.s32 $0xC  }
0x1d: {  	_ =	swait.ge [sflag:s7], $0x1400  }
0x1e: {  	s9 =	simm.s32 $0x10040;
	[sflag:s7] =	ssyncset.done $0x0;
	s8 =	rddreg [dreg:$0xc]  }
0x1f: {  	s10 =	simm.s32 $0xD;
	s2 =	rddreg [dreg:$0xe];
	[sflag:s7] =	ssyncadd.s32 $0xFFFFEC00  }
.LBB2_12:
0x20: {  	s2 =	sadd.s32 $0x1, s2;
	s0 =	rddreg [dreg:$0xb]  }
0x21: {  	p1 =	sne.s32 s2, s0  }
.Ltmp1:
0x22: {  	_ = 	snop;
	(pc) =	sbr.rel @!p1 .LBB2_13-.Ltmp1, $2  }
0x23: {  	_ =	sdelay $0x2  }
0x24: {  	s0 =	smov.u32 s2  }
.LBB2_1:
0x25: {  	[tilespmem:$0x10040] =	vst v1  }
0x26: {  	[tilespmem:$0x10050] =	vst v1  }
0x27: {  	[tilespmem:$0x10060] =	vst v1  }
0x28: {  	[tilespmem:$0x10070] =	vst v1  }
0x29: {  	[tilespmem:$0x10080] =	vst v1  }
0x2a: {  	[tilespmem:$0x10090] =	vst v1  }
0x2b: {  	[tilespmem:$0x100A0] =	vst v1  }
0x2c: {  	[tilespmem:$0x100B0] =	vst v1  }
0x2d: {  	[tilespmem:$0x100C0] =	vst v1  }
0x2e: {  	[tilespmem:$0x100D0] =	vst v1  }
0x2f: {  	[tilespmem:$0x100E0] =	vst v1  }
0x30: {  	[tilespmem:$0x100F0] =	vst v1  }
0x31: {  	[tilespmem:$0x10100] =	vst v1  }
0x32: {  	[tilespmem:$0x10110] =	vst v1  }
0x33: {  	[tilespmem:$0x10120] =	vst v1  }
0x34: {  	[tilespmem:$0x10130] =	vst v1  }
0x35: {  	[tilespmem:$0x10140] =	vst v1  }
0x36: {  	[tilespmem:$0x10150] =	vst v1  }
0x37: {  	[tilespmem:$0x10160] =	vst v1  }
0x38: {  	[tilespmem:$0x10170] =	vst v1  }
0x39: {  	[tilespmem:$0x10180] =	vst v1  }
0x3a: {  	[tilespmem:$0x10190] =	vst v1  }
0x3b: {  	[tilespmem:$0x101A0] =	vst v1  }
0x3c: {  	[tilespmem:$0x101B0] =	vst v1  }
0x3d: {  	[tilespmem:$0x101C0] =	vst v1  }
0x3e: {  	[tilespmem:$0x101D0] =	vst v1  }
0x3f: {  	[tilespmem:$0x101E0] =	vst v1  }
0x40: {  	[tilespmem:$0x101F0] =	vst v1  }
0x41: {  	[tilespmem:$0x10200] =	vst v1  }
0x42: {  	[tilespmem:$0x10210] =	vst v1  }
0x43: {  	[tilespmem:$0x10220] =	vst v1  }
0x44: {  	[tilespmem:$0x10230] =	vst v1  }
0x45: {  	[tilespmem:$0x10240] =	vst v1  }
0x46: {  	[tilespmem:$0x10250] =	vst v1  }
0x47: {  	[tilespmem:$0x10260] =	vst v1  }
0x48: {  	[tilespmem:$0x10270] =	vst v1  }
0x49: {  	[tilespmem:$0x10280] =	vst v1  }
0x4a: {  	[tilespmem:$0x10290] =	vst v1  }
0x4b: {  	[tilespmem:$0x102A0] =	vst v1  }
0x4c: {  	[tilespmem:$0x102B0] =	vst v1  }
0x4d: {  	[tilespmem:$0x102C0] =	vst v1  }
0x4e: {  	[tilespmem:$0x102D0] =	vst v1  }
0x4f: {  	[tilespmem:$0x102E0] =	vst v1  }
0x50: {  	[tilespmem:$0x102F0] =	vst v1  }
0x51: {  	[tilespmem:$0x10300] =	vst v1  }
0x52: {  	[tilespmem:$0x10310] =	vst v1  }
0x53: {  	[tilespmem:$0x10320] =	vst v1  }
0x54: {  	[tilespmem:$0x10330] =	vst v1  }
0x55: {  	[tilespmem:$0x10340] =	vst v1  }
0x56: {  	[tilespmem:$0x10350] =	vst v1  }
0x57: {  	[tilespmem:$0x10360] =	vst v1  }
0x58: {  	[tilespmem:$0x10370] =	vst v1  }
0x59: {  	[tilespmem:$0x10380] =	vst v1  }
0x5a: {  	[tilespmem:$0x10390] =	vst v1  }
0x5b: {  	[tilespmem:$0x103A0] =	vst v1  }
0x5c: {  	[tilespmem:$0x103B0] =	vst v1  }
0x5d: {  	[tilespmem:$0x103C0] =	vst v1  }
0x5e: {  	[tilespmem:$0x103D0] =	vst v1  }
0x5f: {  	[tilespmem:$0x103E0] =	vst v1  }
0x60: {  	[tilespmem:$0x103F0] =	vst v1  }
0x61: {  	[tilespmem:$0x10400] =	vst v1  }
0x62: {  	[tilespmem:$0x10410] =	vst v1  }
0x63: {  	[tilespmem:$0x10420] =	vst v1  }
0x64: {  	[tilespmem:$0x10430] =	vst v1  }
0x65: {  	[tilespmem:$0x10440] =	vst v1  }
0x66: {  	[tilespmem:$0x10450] =	vst v1  }
0x67: {  	[tilespmem:$0x10460] =	vst v1  }
0x68: {  	[tilespmem:$0x10470] =	vst v1  }
0x69: {  	[tilespmem:$0x10480] =	vst v1  }
0x6a: {  	[tilespmem:$0x10490] =	vst v1  }
0x6b: {  	[tilespmem:$0x104A0] =	vst v1  }
0x6c: {  	[tilespmem:$0x104B0] =	vst v1  }
0x6d: {  	[tilespmem:$0x104C0] =	vst v1  }
0x6e: {  	[tilespmem:$0x104D0] =	vst v1  }
0x6f: {  	[tilespmem:$0x104E0] =	vst v1  }
0x70: {  	[tilespmem:$0x104F0] =	vst v1  }
0x71: {  	[tilespmem:$0x10500] =	vst v1  }
0x72: {  	[tilespmem:$0x10510] =	vst v1  }
0x73: {  	[tilespmem:$0x10520] =	vst v1  }
0x74: {  	[tilespmem:$0x10530] =	vst v1  }
0x75: {  	[tilespmem:$0x10540] =	vst v1  }
0x76: {  	[tilespmem:$0x10550] =	vst v1  }
0x77: {  	[tilespmem:$0x10560] =	vst v1  }
0x78: {  	[tilespmem:$0x10570] =	vst v1  }
0x79: {  	[tilespmem:$0x10580] =	vst v1  }
0x7a: {  	[tilespmem:$0x10590] =	vst v1  }
0x7b: {  	[tilespmem:$0x105A0] =	vst v1  }
0x7c: {  	[tilespmem:$0x105B0] =	vst v1  }
0x7d: {  	[tilespmem:$0x105C0] =	vst v1  }
0x7e: {  	[tilespmem:$0x105D0] =	vst v1  }
0x7f: {  	[tilespmem:$0x105E0] =	vst v1  }
0x80: {  	[tilespmem:$0x105F0] =	vst v1  }
0x81: {  	[tilespmem:$0x10600] =	vst v1  }
0x82: {  	[tilespmem:$0x10610] =	vst v1  }
0x83: {  	[tilespmem:$0x10620] =	vst v1  }
0x84: {  	[tilespmem:$0x10630] =	vst v1  }
0x85: {  	[tilespmem:$0x10640] =	vst v1  }
0x86: {  	[tilespmem:$0x10650] =	vst v1  }
0x87: {  	[tilespmem:$0x10660] =	vst v1  }
0x88: {  	[tilespmem:$0x10670] =	vst v1  }
0x89: {  	[tilespmem:$0x10680] =	vst v1  }
0x8a: {  	[tilespmem:$0x10690] =	vst v1  }
0x8b: {  	[tilespmem:$0x106A0] =	vst v1  }
0x8c: {  	[tilespmem:$0x106B0] =	vst v1  }
0x8d: {  	[tilespmem:$0x106C0] =	vst v1  }
0x8e: {  	[tilespmem:$0x106D0] =	vst v1  }
0x8f: {  	[tilespmem:$0x106E0] =	vst v1  }
0x90: {  	[tilespmem:$0x106F0] =	vst v1  }
0x91: {  	[tilespmem:$0x10700] =	vst v1  }
0x92: {  	[tilespmem:$0x10710] =	vst v1  }
0x93: {  	[tilespmem:$0x10720] =	vst v1  }
0x94: {  	[tilespmem:$0x10730] =	vst v1  }
0x95: {  	[tilespmem:$0x10740] =	vst v1  }
0x96: {  	[tilespmem:$0x10750] =	vst v1  }
0x97: {  	[tilespmem:$0x10760] =	vst v1  }
0x98: {  	[tilespmem:$0x10770] =	vst v1  }
0x99: {  	[tilespmem:$0x10780] =	vst v1  }
0x9a: {  	[tilespmem:$0x10790] =	vst v1  }
0x9b: {  	[tilespmem:$0x107A0] =	vst v1  }
0x9c: {  	[tilespmem:$0x107B0] =	vst v1  }
0x9d: {  	[tilespmem:$0x107C0] =	vst v1  }
0x9e: {  	[tilespmem:$0x107D0] =	vst v1  }
0x9f: {  	[tilespmem:$0x107E0] =	vst v1  }
0xa0: {  	[tilespmem:$0x107F0] =	vst v1  }
0xa1: {  	[tilespmem:$0x10800] =	vst v1  }
0xa2: {  	[tilespmem:$0x10810] =	vst v1  }
0xa3: {  	[tilespmem:$0x10820] =	vst v1  }
0xa4: {  	[tilespmem:$0x10830] =	vst v1  }
0xa5: {  	[tilespmem:$0x10840] =	vst v1  }
0xa6: {  	[tilespmem:$0x10850] =	vst v1  }
0xa7: {  	[tilespmem:$0x10860] =	vst v1  }
0xa8: {  	[tilespmem:$0x10870] =	vst v1  }
0xa9: {  	[tilespmem:$0x10880] =	vst v1  }
0xaa: {  	[tilespmem:$0x10890] =	vst v1  }
0xab: {  	[tilespmem:$0x108A0] =	vst v1  }
0xac: {  	[tilespmem:$0x108B0] =	vst v1  }
0xad: {  	[tilespmem:$0x108C0] =	vst v1  }
0xae: {  	[tilespmem:$0x108D0] =	vst v1  }
0xaf: {  	[tilespmem:$0x108E0] =	vst v1  }
0xb0: {  	[tilespmem:$0x108F0] =	vst v1  }
0xb1: {  	[tilespmem:$0x10900] =	vst v1  }
0xb2: {  	[tilespmem:$0x10910] =	vst v1  }
0xb3: {  	[tilespmem:$0x10920] =	vst v1  }
0xb4: {  	[tilespmem:$0x10930] =	vst v1  }
0xb5: {  	[tilespmem:$0x10940] =	vst v1  }
0xb6: {  	[tilespmem:$0x10950] =	vst v1  }
0xb7: {  	[tilespmem:$0x10960] =	vst v1  }
0xb8: {  	[tilespmem:$0x10970] =	vst v1  }
0xb9: {  	[tilespmem:$0x10980] =	vst v1  }
0xba: {  	[tilespmem:$0x10990] =	vst v1  }
0xbb: {  	[tilespmem:$0x109A0] =	vst v1  }
0xbc: {  	[tilespmem:$0x109B0] =	vst v1  }
0xbd: {  	[tilespmem:$0x109C0] =	vst v1  }
0xbe: {  	[tilespmem:$0x109D0] =	vst v1  }
0xbf: {  	[tilespmem:$0x109E0] =	vst v1  }
0xc0: {  	[tilespmem:$0x109F0] =	vst v1  }
0xc1: {  	[tilespmem:$0x10A00] =	vst v1  }
0xc2: {  	[tilespmem:$0x10A10] =	vst v1  }
0xc3: {  	[tilespmem:$0x10A20] =	vst v1  }
0xc4: {  	[tilespmem:$0x10A30] =	vst v1  }
0xc5: {  	[tilespmem:$0x10A40] =	vst v2  }
0xc6: {  	[tilespmem:$0x10A50] =	vst v2  }
0xc7: {  	[tilespmem:$0x10A60] =	vst v2  }
0xc8: {  	[tilespmem:$0x10A70] =	vst v2  }
0xc9: {  	[tilespmem:$0x10A80] =	vst v2  }
0xca: {  	[tilespmem:$0x10A90] =	vst v2  }
0xcb: {  	[tilespmem:$0x10AA0] =	vst v2  }
0xcc: {  	[tilespmem:$0x10AB0] =	vst v2  }
0xcd: {  	[tilespmem:$0x10AC0] =	vst v2  }
0xce: {  	[tilespmem:$0x10AD0] =	vst v2  }
0xcf: {  	[tilespmem:$0x10AE0] =	vst v2  }
0xd0: {  	[tilespmem:$0x10AF0] =	vst v2  }
0xd1: {  	[tilespmem:$0x10B00] =	vst v2  }
0xd2: {  	[tilespmem:$0x10B10] =	vst v2  }
0xd3: {  	[tilespmem:$0x10B20] =	vst v2  }
0xd4: {  	[tilespmem:$0x10B30] =	vst v2  }
0xd5: {  	[tilespmem:$0x10B40] =	vst v2  }
0xd6: {  	[tilespmem:$0x10B50] =	vst v2  }
0xd7: {  	[tilespmem:$0x10B60] =	vst v2  }
0xd8: {  	[tilespmem:$0x10B70] =	vst v2  }
0xd9: {  	[tilespmem:$0x10B80] =	vst v2  }
0xda: {  	[tilespmem:$0x10B90] =	vst v2  }
0xdb: {  	[tilespmem:$0x10BA0] =	vst v2  }
0xdc: {  	[tilespmem:$0x10BB0] =	vst v2  }
0xdd: {  	[tilespmem:$0x10BC0] =	vst v2  }
0xde: {  	[tilespmem:$0x10BD0] =	vst v2  }
0xdf: {  	[tilespmem:$0x10BE0] =	vst v2  }
0xe0: {  	[tilespmem:$0x10BF0] =	vst v2  }
0xe1: {  	[tilespmem:$0x10C00] =	vst v2  }
0xe2: {  	[tilespmem:$0x10C10] =	vst v2  }
0xe3: {  	[tilespmem:$0x10C20] =	vst v2  }
0xe4: {  	[tilespmem:$0x10C30] =	vst v2  }
0xe5: {  	[tilespmem:$0x10C40] =	vst v2  }
0xe6: {  	[tilespmem:$0x10C50] =	vst v2  }
0xe7: {  	[tilespmem:$0x10C60] =	vst v2  }
0xe8: {  	[tilespmem:$0x10C70] =	vst v2  }
0xe9: {  	[tilespmem:$0x10C80] =	vst v2  }
0xea: {  	[tilespmem:$0x10C90] =	vst v2  }
0xeb: {  	[tilespmem:$0x10CA0] =	vst v2  }
0xec: {  	[tilespmem:$0x10CB0] =	vst v2  }
0xed: {  	[tilespmem:$0x10CC0] =	vst v2  }
0xee: {  	[tilespmem:$0x10CD0] =	vst v2  }
0xef: {  	[tilespmem:$0x10CE0] =	vst v2  }
0xf0: {  	[tilespmem:$0x10CF0] =	vst v2  }
0xf1: {  	[tilespmem:$0x10D00] =	vst v2  }
0xf2: {  	[tilespmem:$0x10D10] =	vst v2  }
0xf3: {  	[tilespmem:$0x10D20] =	vst v2  }
0xf4: {  	[tilespmem:$0x10D30] =	vst v2  }
0xf5: {  	[tilespmem:$0x10D40] =	vst v2  }
0xf6: {  	[tilespmem:$0x10D50] =	vst v2  }
0xf7: {  	[tilespmem:$0x10D60] =	vst v2  }
0xf8: {  	[tilespmem:$0x10D70] =	vst v2  }
0xf9: {  	[tilespmem:$0x10D80] =	vst v2  }
0xfa: {  	[tilespmem:$0x10D90] =	vst v2  }
0xfb: {  	[tilespmem:$0x10DA0] =	vst v2  }
0xfc: {  	[tilespmem:$0x10DB0] =	vst v2  }
0xfd: {  	[tilespmem:$0x10DC0] =	vst v2  }
0xfe: {  	[tilespmem:$0x10DD0] =	vst v2  }
0xff: {  	[tilespmem:$0x10DE0] =	vst v2  }
0x100: {  	[tilespmem:$0x10DF0] =	vst v2  }
0x101: {  	[tilespmem:$0x10E00] =	vst v2  }
0x102: {  	[tilespmem:$0x10E10] =	vst v2  }
0x103: {  	[tilespmem:$0x10E20] =	vst v2  }
0x104: {  	[tilespmem:$0x10E30] =	vst v2  }
0x105: {  	[tilespmem:$0x10E40] =	vst v2  }
0x106: {  	[tilespmem:$0x10E50] =	vst v2  }
0x107: {  	[tilespmem:$0x10E60] =	vst v2  }
0x108: {  	[tilespmem:$0x10E70] =	vst v2  }
0x109: {  	[tilespmem:$0x10E80] =	vst v2  }
0x10a: {  	[tilespmem:$0x10E90] =	vst v2  }
0x10b: {  	[tilespmem:$0x10EA0] =	vst v2  }
0x10c: {  	[tilespmem:$0x10EB0] =	vst v2  }
0x10d: {  	[tilespmem:$0x10EC0] =	vst v2  }
0x10e: {  	[tilespmem:$0x10ED0] =	vst v2  }
0x10f: {  	[tilespmem:$0x10EE0] =	vst v2  }
0x110: {  	[tilespmem:$0x10EF0] =	vst v2  }
0x111: {  	[tilespmem:$0x10F00] =	vst v2  }
0x112: {  	[tilespmem:$0x10F10] =	vst v2  }
0x113: {  	[tilespmem:$0x10F20] =	vst v2  }
0x114: {  	[tilespmem:$0x10F30] =	vst v2  }
0x115: {  	[tilespmem:$0x10F40] =	vst v1  }
0x116: {  	[tilespmem:$0x10F50] =	vst v1  }
0x117: {  	[tilespmem:$0x10F60] =	vst v1  }
0x118: {  	[tilespmem:$0x10F70] =	vst v1  }
0x119: {  	[tilespmem:$0x10F80] =	vst v1  }
0x11a: {  	[tilespmem:$0x10F90] =	vst v1  }
0x11b: {  	[tilespmem:$0x10FA0] =	vst v1  }
0x11c: {  	[tilespmem:$0x10FB0] =	vst v1  }
0x11d: {  	[tilespmem:$0x10FC0] =	vst v1  }
0x11e: {  	[tilespmem:$0x10FD0] =	vst v1  }
0x11f: {  	[tilespmem:$0x10FE0] =	vst v1  }
0x120: {  	[tilespmem:$0x10FF0] =	vst v1  }
0x121: {  	[tilespmem:$0x11000] =	vst v1  }
0x122: {  	[tilespmem:$0x11010] =	vst v1  }
0x123: {  	[tilespmem:$0x111A0] =	vst v1  }
0x124: {  	[tilespmem:$0x11170] =	vst v1  }
0x125: {  	[tilespmem:$0x111B0] =	vst v1  }
0x126: {  	[tilespmem:$0x11030] =	vst v1  }
0x127: {  	[tilespmem:$0x11040] =	vst v1  }
0x128: {  	[tilespmem:$0x11050] =	vst v1  }
0x129: {  	[tilespmem:$0x11060] =	vst v1  }
0x12a: {  	[tilespmem:$0x11070] =	vst v1  }
0x12b: {  	[tilespmem:$0x11080] =	vst v1  }
0x12c: {  	[tilespmem:$0x11090] =	vst v1  }
0x12d: {  	[tilespmem:$0x110A0] =	vst v1  }
0x12e: {  	[tilespmem:$0x110B0] =	vst v1  }
0x12f: {  	[tilespmem:$0x110C0] =	vst v1  }
0x130: {  	[tilespmem:$0x110D0] =	vst v1  }
0x131: {  	[tilespmem:$0x110E0] =	vst v1  }
0x132: {  	[tilespmem:$0x110F0] =	vst v1  }
0x133: {  	[tilespmem:$0x11100] =	vst v1  }
0x134: {  	[tilespmem:$0x11110] =	vst v1  }
0x135: {  	[tilespmem:$0x11120] =	vst v1  }
0x136: {  	[tilespmem:$0x11130] =	vst v1  }
0x137: {  	[tilespmem:$0x11140] =	vst v1  }
0x138: {  	[tilespmem:$0x11150] =	vst v1  }
0x139: {  	[tilespmem:$0x11160] =	vst v1  }
0x13a: {  	[tilespmem:$0x11180] =	vst v1  }
0x13b: {  	[dreg:$0xe] =	wrdreg s0;
	[tilespmem:$0x11190] =	vst v1  }
0x13c: {  	s25 =	simm.s32 $0x0;
	[tilespmem:$0x11020] =	vst v1;
	s2 =	rddreg [dreg:$0x6]  }
0x13d: {  	[tilespmem:s25], [sflag:$0xC] =	stream.linear.gather [hbm4b:s2+s25], $0x4E20, $0x38;
	[tilespmem:$0x1D9C0] =	vst v63  }
0x13e: {  	_ =	swait.ge [sflag:s7], $0x4E20  }
0x13f: {  	[sflag:s7] =	ssyncset.done $0x0  }
0x140: {  	s5 =	simm.s32 $0x4E20;
	s26 =	rddreg [dreg:$0x7];
	[sflag:s7] =	ssyncadd.s32 $0xFFFFB1E0  }
0x141: {  	[tilespmem:s5], [sflag:$0xC] =	stream.linear.gather [hbm4b:s26+s25], $0x4E20, $0x38;
	[tilespmem:$0x1D9C0] =	vst v63  }
0x142: {  	_ =	swait.ge [sflag:s7], $0x4E20  }
0x143: {  	[sflag:s7] =	ssyncset.done $0x0  }
0x144: {  	s0 =	simm.s32 $0x0;
	[sflag:s7] =	ssyncadd.s32 $0xFFFFB1E0  }
0x145: {  	v5 =	vld [tilespmem:s0+$0x0]  }
0x146: {  	v6 =	vld [tilespmem:s0+$0x10]  }
0x147: {  	v4 =	vld [tilespmem:s0+$0x20]  }
0x148: {  	s2 =	simm.s32 $0x140;
	v3 =	vld [tilespmem:s0+$0x30]  }
.LBB2_2:
0x149: {  	p1 =	sne.s32 s2, $0x13740;
	v7 =	vld [tilespmem:s0+$0x40]  }
0x14a: {  	v5 =	vshll.u32 v5, $0x1  }
0x14b: {  	v5 =	vor.u32 v0, v5;
	v6 =	vshll.u32 v6, $0x1  }
.Ltmp2:
0x14c: {  	s5 =	sshra.s32 s2, $0x2;
	[tilespmem:s0+$0x0] =	vst v5;
	v6 =	vor.u32 v0, v6;
	v4 =	vshll.u32 v4, $0x1;
	(pc) =	sbr.rel @p1 .LBB2_2-.Ltmp2, $4  }
0x14d: {  	v5 =	vld [tilespmem:s5+$0x0];
	[tilespmem:s0+$0x10] =	vst v6;
	v4 =	vor.u32 v0, v4;
	v3 =	vshll.u32 v3, $0x1  }
0x14e: {  	v6 =	vld [tilespmem:s5+$0x10];
	[tilespmem:s0+$0x20] =	vst v4;
	v3 =	vor.u32 v0, v3;
	v7 =	vshll.u32 v7, $0x1  }
0x14f: {  	v4 =	vld [tilespmem:s5+$0x20];
	[tilespmem:s0+$0x30] =	vst v3;
	v7 =	vor.u32 v0, v7  }
0x150: {  	s2 =	sadd.s32 $0x140, s2;
	v3 =	vld [tilespmem:s5+$0x30];
	[tilespmem:s0+$0x40] =	vst v7;
	s0 =	smov.u32 s5  }
0x151: {  	v7 =	vld [tilespmem:s0+$0x40]  }
0x152: {  	v5 =	vshll.u32 v5, $0x1  }
0x153: {  	v5 =	vor.u32 v0, v5;
	v6 =	vshll.u32 v6, $0x1  }
0x154: {  	[tilespmem:s0+$0x0] =	vst v5;
	v62 =	vor.u32 v0, v6;
	v4 =	vshll.u32 v4, $0x1  }
0x155: {  	[tilespmem:s0+$0x10] =	vst v62;
	v4 =	vor.u32 v0, v4;
	v3 =	vshll.u32 v3, $0x1  }
0x156: {  	[tilespmem:s0+$0x20] =	vst v4;
	v3 =	vor.u32 v0, v3;
	v63 =	vshll.u32 v7, $0x1  }
0x157: {  	[tilespmem:s0+$0x30] =	vst v3;
	v3 =	vor.u32 v0, v63  }
0x158: {  	[tilespmem:s0+$0x40] =	vst v3  }
0x159: {  	[spmem:s6] =	stream.linear.scatter [tilespmem:s9], [sflag:$0xD], $0xA00, $0x38;
	[tilespmem:$0x1D9C0] =	vst v63  }
0x15a: {  	_ =	swait.ge [sflag:s10], $0xA00  }
0x15b: {  	s5 =	sadd.s32 @!p0 $0x0, s8;
	[sflag:s10] =	ssyncset.done $0x0  }
0x15c: {  	s2 =	simm.s32 @!p0 $0x10F40;
	s0 =	simm.s32 @!p0 $0xC;
	[sflag:s10] =	ssyncadd.s32 $0xFFFFF600  }
0x15d: {  	[spmem:s5] =	stream.linear.scatter @!p0 [tilespmem:s2], [sflag:$0xC], $0x280, $0x38;
	[tilespmem:$0x1D9C0] =	vst v63  }
0x15e: {  	_ =	swait.ge @!p0 [sflag:s0], $0x280  }
0x15f: {  	s5 =	simm.s32 $0xA00;
	[sflag:s0] =	ssyncset.done @!p0 $0x0  }
.LBB2_4:
0x160: {  	[sflag:s0] =	ssyncadd.s32 @!p0 $0xFFFFFD80  }
0x161: {  	s6 =	sadd.s32 $0xA00, s6;
	s7 =	smov.u32 s5;
	s5 =	sadd.s32 $0xA00, s5  }
0x162: {  	[spmem:s6] =	stream.linear.scatter [tilespmem:s9], [sflag:$0xD], $0xA00, $0x38;
	[tilespmem:$0x1D9C0] =	vst v63  }
0x163: {  	p1 =	sne.s32 s5, $0xA000;
	_ =	swait.ge [sflag:s10], $0xA00  }
.Ltmp3:
0x164: {  	s7 =	sshra.s32 @!p0 s7, $0x2;
	[sflag:s10] =	ssyncset.done $0x0;
	(pc) =	sbr.rel @p1 .LBB2_4-.Ltmp3, $4  }
0x165: {  	s7 =	sadd.s32 @!p0 s7, s8;
	[sflag:s10] =	ssyncadd.s32 $0xFFFFF600  }
0x166: {  	[spmem:s7] =	stream.linear.scatter @!p0 [tilespmem:s2], [sflag:$0xC], $0x280, $0x38;
	[tilespmem:$0x1D9C0] =	vst v63  }
0x167: {  	_ =	swait.ge @!p0 [sflag:s0], $0x280  }
0x168: {  	[sflag:s0] =	ssyncset.done @!p0 $0x0  }
0x169: {  	[sflag:s0] =	ssyncadd.s32 @!p0 $0xFFFFFD80  }
0x16a: {  	s22 =	simm.s32 $0x0;
	[bflag:$0x0] =	sbarrier.arrive $0xFFFF  }
0x16b: {  	[tilespmem:s31], [sflag:$0x1] =	stream.indirect.gather [hbm4b:s1+s17], $0x40, s22, s17, $0xb8;
	[tilespmem:$0x1D9C0] =	vst v63  }
0x16c: {  	p1 =	por $0x1, $0x1  }
0x16d: {  	[tilespmem:s12], [sflag:$0x2] =	stream.indirect.gather [hbm4b:s1+s17], $0x40, s17, s17, $0xb8;
	[tilespmem:$0x1D9C0] =	vst v63  }
0x16e: {  	s23 =	simm.s32 $0xA0;
	p1 =	por p1, p1  }
0x16f: {  	[tilespmem:s14], [sflag:$0x3] =	stream.indirect.gather [hbm4b:s1+s17], $0x40, s23, s17, $0xb8;
	[tilespmem:$0x1D9C0] =	vst v63  }
0x170: {  	s24 =	simm.s32 $0xF0;
	s0 =	simm.s32 @!p1 $0xA  }
0x171: {  	[tilespmem:s28], [sflag:$0x4] =	stream.indirect.gather [hbm4b:s1+s17], $0x40, s24, s17, $0xb8;
	[tilespmem:$0x1D9C0] =	vst v63  }
0x172: {  	_ =	swait.ge @!p1 [sflag:s0], $0x1400  }
0x173: {  	[sflag:s0] =	ssyncset.done @!p1 $0x0  }
0x174: {  	s25 =	simm.s32 $0x140;
	[sflag:s0] =	ssyncadd.s32 @!p1 $0xFFFFEC00  }
0x175: {  	[tilespmem:s29], [sflag:$0x5] =	stream.indirect.gather [hbm4b:s1+s17], $0x40, s25, s17, $0xb8;
	[tilespmem:$0x1D9C0] =	vst v63  }
0x176: {  	_ =	swait.ge [sflag:s11], $0x1400  }
0x177: {  	[sflag:s11] =	ssyncset.done $0x0  }
0x178: {  	s2 =	simm.s32 $0x4E20;
	s24 =	simm.s32 @p0 $0x6;
	[sflag:s11] =	ssyncadd.s32 $0xFFFFEC00  }
0x179: {  	[spmem:s3] =	stream.indirect.scatter.add.f32 [tilespmem:s31], [sflag:$0x6], $0x40, s2, s17, $0xb8;
	[tilespmem:$0x1D9C0] =	vst v63  }
0x17a: {  	_ =	swait.ge @p0 [sflag:s24], $0x1400  }
0x17b: {  	s5 =	simm.s32 @p0 $0x9C40;
	s7 =	simm.s32 @p0 $0x190;
	[sflag:s24] =	ssyncset.done @p0 $0x0  }
0x17c: {  	s6 =	simm.s32 @p0 $0x50;
	s0 =	simm.s32 @p0 $0x2;
	[sflag:s24] =	ssyncadd.s32 @p0 $0xFFFFEC00  }
0x17d: {  	[tilespmem:s5], [sflag:$0x1] =	stream.indirect.gather @p0 [hbm4b:s1+s6], $0x40, s7, s6, $0xb8;
	[tilespmem:$0x1D9C0] =	vst v63  }
0x17e: {  	_ =	swait.ge @p0 [sflag:s0], $0x1400  }
0x17f: {  	[sflag:s0] =	ssyncset.done @p0 $0x0  }
0x180: {  	s8 =	simm.s32 @p0 $0x4E70;
	s5 =	simm.s32 @p0 $0xB040;
	[sflag:s0] =	ssyncadd.s32 @p0 $0xFFFFEC00  }
0x181: {  	[spmem:s3] =	stream.indirect.scatter.add.f32 @p0 [tilespmem:s5], [sflag:$0x7], $0x40, s8, s6, $0xb8;
	[tilespmem:$0x1D9C0] =	vst v63  }
0x182: {  	s20 =	simm.s32 @!p0 $0x6;
	s11 =	simm.s32 @!p0 $0x10A40;
	s8 =	simm.s32 @!p0 $0x50  }
0x183: {  	[spmem:s4] =	stream.indirect.scatter.add.f32 @!p0 [tilespmem:s11], [sflag:$0xB], $0x10, s2, s8, $0xb8;
	[tilespmem:$0x1D9C0] =	vst v63  }
0x184: {  	_ =	swait.ge @!p0 [sflag:s20], $0x1400  }
0x185: {  	s22 =	simm.s32 @!p0 $0x2;
	[sflag:s20] =	ssyncset.done @!p0 $0x0  }
0x186: {  	s5 =	simm.s32 @!p0 $0x9C40;
	s2 =	simm.s32 @!p0 $0x190;
	[sflag:s20] =	ssyncadd.s32 @!p0 $0xFFFFEC00  }
0x187: {  	[tilespmem:s5], [sflag:$0x1] =	stream.indirect.gather @!p0 [hbm4b:s1+s8], $0x40, s2, s8, $0xb8;
	[tilespmem:$0x1D9C0] =	vst v63  }
0x188: {  	_ =	swait.ge @!p0 [sflag:s22], $0x1400  }
0x189: {  	[sflag:s22] =	ssyncset.done @!p0 $0x0  }
0x18a: {  	s10 =	simm.s32 @!p0 $0x4E70;
	s2 =	simm.s32 @!p0 $0xB040;
	[sflag:s22] =	ssyncadd.s32 @!p0 $0xFFFFEC00  }
0x18b: {  	[spmem:s3] =	stream.indirect.scatter.add.f32 @!p0 [tilespmem:s2], [sflag:$0x7], $0x40, s10, s8, $0xb8;
	[tilespmem:$0x1D9C0] =	vst v63  }
0x18c: {  	_ = 	snop  }
0x18d: {  	[spmem:s4] =	stream.indirect.scatter.add.f32 @!p0 [tilespmem:s11], [sflag:$0xB], $0x10, s10, s8, $0xb8;
	[tilespmem:$0x1D9C0] =	vst v63  }
0x18e: {  	_ =	swait.ge [sflag:s13], $0x1400  }
0x18f: {  	[sflag:s13] =	ssyncset.done $0x0  }
0x190: {  	s26 =	simm.s32 $0x1E0;
	[sflag:s13] =	ssyncadd.s32 $0xFFFFEC00  }
0x191: {  	[tilespmem:s12], [sflag:$0x2] =	stream.indirect.gather [hbm4b:s1+s17], $0x40, s26, s17, $0xb8;
	[tilespmem:$0x1D9C0] =	vst v63  }
0x192: {  	_ =	swait.ge [sflag:s15], $0x1400  }
0x193: {  	[sflag:s15] =	ssyncset.done $0x0  }
0x194: {  	s10 =	simm.s32 $0x4EC0;
	s13 =	simm.s32 @p0 $0x8;
	[sflag:s15] =	ssyncadd.s32 $0xFFFFEC00  }
0x195: {  	[spmem:s3] =	stream.indirect.scatter.add.f32 [tilespmem:s14], [sflag:$0x8], $0x40, s10, s17, $0xb8;
	[tilespmem:$0x1D9C0] =	vst v63  }
0x196: {  	_ =	swait.ge @p0 [sflag:s13], $0x1400  }
0x197: {  	s2 =	simm.s32 @p0 $0xC440;
	[sflag:s13] =	ssyncset.done @p0 $0x0  }
0x198: {  	s12 =	simm.s32 @p0 $0x230;
	s14 =	simm.s32 @p0 $0x4;
	[sflag:s13] =	ssyncadd.s32 @p0 $0xFFFFEC00  }
0x199: {  	[tilespmem:s2], [sflag:$0x3] =	stream.indirect.gather @p0 [hbm4b:s1+s6], $0x40, s12, s6, $0xb8;
	[tilespmem:$0x1D9C0] =	vst v63  }
0x19a: {  	_ =	swait.ge @p0 [sflag:s14], $0x1400  }
0x19b: {  	[sflag:s14] =	ssyncset.done @p0 $0x0  }
0x19c: {  	s7 =	simm.s32 @p0 $0xD840;
	s12 =	simm.s32 @p0 $0x4F10;
	[sflag:s14] =	ssyncadd.s32 @p0 $0xFFFFEC00  }
0x19d: {  	[spmem:s3] =	stream.indirect.scatter.add.f32 @p0 [tilespmem:s7], [sflag:$0x9], $0x40, s12, s6, $0xb8;
	[tilespmem:$0x1D9C0] =	vst v63  }
0x19e: {  	s21 =	simm.s32 @!p0 $0x8  }
0x19f: {  	[spmem:s4] =	stream.indirect.scatter.add.f32 @!p0 [tilespmem:s11], [sflag:$0xB], $0x10, s10, s8, $0xb8;
	[tilespmem:$0x1D9C0] =	vst v63  }
0x1a0: {  	_ =	swait.ge @!p0 [sflag:s21], $0x1400  }
0x1a1: {  	s23 =	simm.s32 @!p0 $0x4;
	[sflag:s21] =	ssyncset.done @!p0 $0x0  }
0x1a2: {  	s12 =	simm.s32 @!p0 $0x230;
	s7 =	simm.s32 @!p0 $0xC440;
	[sflag:s21] =	ssyncadd.s32 @!p0 $0xFFFFEC00  }
0x1a3: {  	[tilespmem:s7], [sflag:$0x3] =	stream.indirect.gather @!p0 [hbm4b:s1+s8], $0x40, s12, s8, $0xb8;
	[tilespmem:$0x1D9C0] =	vst v63  }
0x1a4: {  	_ =	swait.ge @!p0 [sflag:s23], $0x1400  }
0x1a5: {  	[sflag:s23] =	ssyncset.done @!p0 $0x0  }
0x1a6: {  	s16 =	simm.s32 @!p0 $0x4F10;
	s12 =	simm.s32 @!p0 $0xD840;
	[sflag:s23] =	ssyncadd.s32 @!p0 $0xFFFFEC00  }
0x1a7: {  	[spmem:s3] =	stream.indirect.scatter.add.f32 @!p0 [tilespmem:s12], [sflag:$0x9], $0x40, s16, s8, $0xb8;
	[tilespmem:$0x1D9C0] =	vst v63  }
0x1a8: {  	_ = 	snop  }
0x1a9: {  	[spmem:s4] =	stream.indirect.scatter.add.f32 @!p0 [tilespmem:s11], [sflag:$0xB], $0x10, s16, s8, $0xb8;
	[tilespmem:$0x1D9C0] =	vst v63  }
0x1aa: {  	s9 =	simm.s32 $0x7;
	p6 =	por $0x0, $0x0;
	_ =	swait.ge [sflag:s30], $0x1400  }
0x1ab: {  	s19 =	simm.s32 $0x5;
	p1 =	por p6, p6;
	[sflag:s30] =	ssyncset.done $0x0  }
0x1ac: {  	s25 =	simm.s32 $0xC80;
	[sflag:s30] =	ssyncadd.s32 $0xFFFFEC00;
	s30 =	simm.s32 $0x280  }
0x1ad: {  	[tilespmem:s28], [sflag:$0x4] =	stream.indirect.gather [hbm4b:s1+s17], $0x40, s30, s17, $0xb8;
	[tilespmem:$0x1D9C0] =	vst v63  }
0x1ae: {  	s5 =	simm.s32 $0x1;
	s26 =	simm.s32 $0x4F60;
	_ =	swait.ge [sflag:s18], $0x1400  }
0x1af: {  	s15 =	simm.s32 $0xC440;
	s2 =	simm.s32 $0x3;
	[sflag:s18] =	ssyncset.done $0x0  }
0x1b0: {  	s16 =	simm.s32 $0x9;
	[sflag:s18] =	ssyncadd.s32 $0xFFFFEC00;
	s18 =	simm.s32 $0x640  }
0x1b1: {  	[spmem:s3] =	stream.indirect.scatter.add.f32 [tilespmem:s29], [sflag:$0xA], $0x40, s26, s17, $0xb8;
	[tilespmem:$0x1D9C0] =	vst v63  }
.LBB2_6:
0x1b2: {  	[spmem:s4] =	stream.indirect.scatter.add.f32 @!p0 [tilespmem:s11], [sflag:$0xB], $0x10, s26, s8, $0xb8;
	[tilespmem:$0x1D9C0] =	vst v63  }
0x1b3: {  	s30 =	smov.u32 s25;
	p3 =	sgt.u32 s16, $0xF4  }
0x1b4: {  	s25 =	sadd.s32 $0x640, s25;
	s7 =	simm.s32 $0xD840;
	s28 =	simm.s32 @!p1 $0xA  }
0x1b5: {  	p2 =	sne.s32 s25, $0x13240;
	_ =	swait.ge @!p1 [sflag:s28], $0x1400  }
0x1b6: {  	s26 =	sshra.s32 s18, $0x2;
	[sflag:s28] =	ssyncset.done @!p1 $0x0  }
0x1b7: {  	[sflag:s28] =	ssyncadd.s32 @!p1 $0xFFFFEC00;
	s28 =	sadd.s32 $0x140, s26;
	p1 =	por p3, p3  }
0x1b8: {  	[tilespmem:s29], [sflag:$0x5] =	stream.indirect.gather [hbm4b:s1+s17], $0x40, s28, s17, $0xb8;
	[tilespmem:$0x1D9C0] =	vst v63  }
0x1b9: {  	_ =	swait.ge [sflag:s5], $0x1400  }
0x1ba: {  	[sflag:s5] =	ssyncset.done $0x0  }
0x1bb: {  	s29 =	sadd.s32 $0x4E20, s26;
	[sflag:s5] =	ssyncadd.s32 $0xFFFFEC00  }
0x1bc: {  	[spmem:s3] =	stream.indirect.scatter.add.f32 [tilespmem:s31], [sflag:$0x6], $0x40, s29, s17, $0xb8;
	[tilespmem:$0x1D9C0] =	vst v63  }
0x1bd: {  	_ =	swait.ge @p0 [sflag:s24], $0x1400  }
0x1be: {  	s28 =	sshra.s32 @p0 s18, $0x2;
	[sflag:s24] =	ssyncset.done @p0 $0x0  }
0x1bf: {  	s10 =	simm.s32 @p0 $0x9C40;
	s31 =	sadd.s32 @p0 $0x190, s28;
	[sflag:s24] =	ssyncadd.s32 @p0 $0xFFFFEC00  }
0x1c0: {  	[tilespmem:s10], [sflag:$0x1] =	stream.indirect.gather @p0 [hbm4b:s1+s6], $0x40, s31, s6, $0xb8;
	[tilespmem:$0x1D9C0] =	vst v63  }
0x1c1: {  	_ =	swait.ge @p0 [sflag:s0], $0x1400  }
0x1c2: {  	[sflag:s0] =	ssyncset.done @p0 $0x0  }
0x1c3: {  	s31 =	sadd.s32 @p0 $0x4E70, s28;
	s10 =	simm.s32 @p0 $0xB040;
	[sflag:s0] =	ssyncadd.s32 @p0 $0xFFFFEC00  }
0x1c4: {  	[spmem:s3] =	stream.indirect.scatter.add.f32 @p0 [tilespmem:s10], [sflag:$0x7], $0x40, s31, s6, $0xb8;
	[tilespmem:$0x1D9C0] =	vst v63  }
0x1c5: {  	_ = 	snop  }
0x1c6: {  	[spmem:s4] =	stream.indirect.scatter.add.f32 @!p0 [tilespmem:s11], [sflag:$0xB], $0x10, s29, s8, $0xb8;
	[tilespmem:$0x1D9C0] =	vst v63  }
0x1c7: {  	_ =	swait.ge @!p0 [sflag:s20], $0x1400  }
0x1c8: {  	s29 =	sshra.s32 @!p0 s18, $0x2;
	[sflag:s20] =	ssyncset.done @!p0 $0x0  }
0x1c9: {  	s10 =	simm.s32 @!p0 $0x9C40;
	s18 =	sadd.s32 @!p0 $0x190, s29;
	[sflag:s20] =	ssyncadd.s32 @!p0 $0xFFFFEC00  }
0x1ca: {  	[tilespmem:s10], [sflag:$0x1] =	stream.indirect.gather @!p0 [hbm4b:s1+s8], $0x40, s18, s8, $0xb8;
	[tilespmem:$0x1D9C0] =	vst v63  }
0x1cb: {  	s18 =	smov.u32 s30;
	_ =	swait.ge @!p0 [sflag:s22], $0x1400  }
0x1cc: {  	[sflag:s22] =	ssyncset.done @!p0 $0x0  }
0x1cd: {  	s30 =	sadd.s32 @!p0 $0x4E70, s29;
	s10 =	simm.s32 @!p0 $0xB040;
	[sflag:s22] =	ssyncadd.s32 @!p0 $0xFFFFEC00  }
0x1ce: {  	[spmem:s3] =	stream.indirect.scatter.add.f32 @!p0 [tilespmem:s10], [sflag:$0x7], $0x40, s30, s8, $0xb8;
	[tilespmem:$0x1D9C0] =	vst v63  }
0x1cf: {  	_ = 	snop  }
0x1d0: {  	[spmem:s4] =	stream.indirect.scatter.add.f32 @!p0 [tilespmem:s11], [sflag:$0xB], $0x10, s30, s8, $0xb8;
	[tilespmem:$0x1D9C0] =	vst v63  }
0x1d1: {  	_ =	swait.ge [sflag:s9], $0x1400  }
0x1d2: {  	[sflag:s9] =	ssyncset.done $0x0  }
0x1d3: {  	s10 =	simm.s32 $0xB040;
	s30 =	sadd.s32 $0x1E0, s26;
	[sflag:s9] =	ssyncadd.s32 $0xFFFFEC00  }
0x1d4: {  	[tilespmem:s10], [sflag:$0x2] =	stream.indirect.gather [hbm4b:s1+s17], $0x40, s30, s17, $0xb8;
	[tilespmem:$0x1D9C0] =	vst v63  }
0x1d5: {  	_ =	swait.ge [sflag:s2], $0x1400  }
0x1d6: {  	[sflag:s2] =	ssyncset.done $0x0  }
0x1d7: {  	s30 =	sadd.s32 $0x4EC0, s26;
	[sflag:s2] =	ssyncadd.s32 $0xFFFFEC00  }
0x1d8: {  	[spmem:s3] =	stream.indirect.scatter.add.f32 [tilespmem:s15], [sflag:$0x8], $0x40, s30, s17, $0xb8;
	[tilespmem:$0x1D9C0] =	vst v63  }
0x1d9: {  	_ =	swait.ge @p0 [sflag:s13], $0x1400  }
0x1da: {  	[sflag:s13] =	ssyncset.done @p0 $0x0  }
0x1db: {  	s31 =	sadd.s32 @p0 $0x230, s28;
	s10 =	simm.s32 @p0 $0xC440;
	[sflag:s13] =	ssyncadd.s32 @p0 $0xFFFFEC00  }
0x1dc: {  	[tilespmem:s10], [sflag:$0x3] =	stream.indirect.gather @p0 [hbm4b:s1+s6], $0x40, s31, s6, $0xb8;
	[tilespmem:$0x1D9C0] =	vst v63  }
0x1dd: {  	s31 =	simm.s32 $0x9C40  }
0x1de: {  	_ =	swait.ge @p0 [sflag:s14], $0x1400  }
0x1df: {  	[sflag:s14] =	ssyncset.done @p0 $0x0  }
0x1e0: {  	s28 =	sadd.s32 @p0 $0x4F10, s28;
	s10 =	simm.s32 @p0 $0xD840;
	[sflag:s14] =	ssyncadd.s32 @p0 $0xFFFFEC00  }
0x1e1: {  	[spmem:s3] =	stream.indirect.scatter.add.f32 @p0 [tilespmem:s10], [sflag:$0x9], $0x40, s28, s6, $0xb8;
	[tilespmem:$0x1D9C0] =	vst v63  }
0x1e2: {  	_ = 	snop  }
0x1e3: {  	[spmem:s4] =	stream.indirect.scatter.add.f32 @!p0 [tilespmem:s11], [sflag:$0xB], $0x10, s30, s8, $0xb8;
	[tilespmem:$0x1D9C0] =	vst v63  }
0x1e4: {  	s30 =	simm.s32 $0x9  }
0x1e5: {  	_ =	swait.ge @!p0 [sflag:s21], $0x1400  }
0x1e6: {  	[sflag:s21] =	ssyncset.done @!p0 $0x0  }
0x1e7: {  	s28 =	sadd.s32 @!p0 $0x230, s29;
	s10 =	simm.s32 @!p0 $0xC440;
	[sflag:s21] =	ssyncadd.s32 @!p0 $0xFFFFEC00  }
0x1e8: {  	[tilespmem:s10], [sflag:$0x3] =	stream.indirect.gather @!p0 [hbm4b:s1+s8], $0x40, s28, s8, $0xb8;
	[tilespmem:$0x1D9C0] =	vst v63  }
0x1e9: {  	_ =	swait.ge @!p0 [sflag:s23], $0x1400  }
0x1ea: {  	[sflag:s23] =	ssyncset.done @!p0 $0x0  }
0x1eb: {  	s28 =	sadd.s32 @!p0 $0x4F10, s29;
	s29 =	simm.s32 $0xEC40;
	[sflag:s23] =	ssyncadd.s32 @!p0 $0xFFFFEC00  }
0x1ec: {  	[spmem:s3] =	stream.indirect.scatter.add.f32 @!p0 [tilespmem:s12], [sflag:$0x9], $0x40, s28, s8, $0xb8;
	[tilespmem:$0x1D9C0] =	vst v63  }
0x1ed: {  	_ = 	snop  }
0x1ee: {  	[spmem:s4] =	stream.indirect.scatter.add.f32 @!p0 [tilespmem:s11], [sflag:$0xB], $0x10, s28, s8, $0xb8;
	[tilespmem:$0x1D9C0] =	vst v63  }
0x1ef: {  	_ =	swait.ge [sflag:s30], $0x1400  }
0x1f0: {  	[sflag:s30] =	ssyncset.done $0x0  }
0x1f1: {  	s28 =	sadd.s32 $0x280, s26;
	[sflag:s30] =	ssyncadd.s32 $0xFFFFEC00  }
0x1f2: {  	[tilespmem:s7], [sflag:$0x4] =	stream.indirect.gather [hbm4b:s1+s17], $0x40, s28, s17, $0xb8;
	[tilespmem:$0x1D9C0] =	vst v63  }
0x1f3: {  	s28 =	simm.s32 $0xD840  }
.Ltmp4:
0x1f4: {  	_ =	swait.ge [sflag:s19], $0x1400;
	(pc) =	sbr.rel @p2 .LBB2_6-.Ltmp4, $4  }
0x1f5: {  	[sflag:s19] =	ssyncset.done $0x0  }
0x1f6: {  	s26 =	sadd.s32 $0x4F60, s26;
	[sflag:s19] =	ssyncadd.s32 $0xFFFFEC00  }
0x1f7: {  	[spmem:s3] =	stream.indirect.scatter.add.f32 [tilespmem:s29], [sflag:$0xA], $0x40, s26, s17, $0xb8;
	[tilespmem:$0x1D9C0] =	vst v63  }
0x1f8: {  	s16 =	sadd.s32 $0x5, s16  }
0x1f9: {  	[spmem:s4] =	stream.indirect.scatter.add.f32 @!p0 [tilespmem:s11], [sflag:$0xB], $0x10, s26, s8, $0xb8;
	[tilespmem:$0x1D9C0] =	vst v63  }
0x1fa: {  	s0 =	simm.s32 @!p1 $0xA  }
0x1fb: {  	_ =	swait.ge @!p1 [sflag:s0], $0x1400  }
0x1fc: {  	s7 =	sshra.s32 s18, $0x2;
	[sflag:s0] =	ssyncset.done @!p1 $0x0  }
0x1fd: {  	s24 =	sadd.s32 $0x140, s7;
	[sflag:s0] =	ssyncadd.s32 @!p1 $0xFFFFEC00  }
0x1fe: {  	[tilespmem:s29], [sflag:$0x5] =	stream.indirect.gather [hbm4b:s1+s17], $0x40, s24, s17, $0xb8;
	[tilespmem:$0x1D9C0] =	vst v63  }
0x1ff: {  	_ =	swait.ge [sflag:s5], $0x1400  }
0x200: {  	[sflag:s5] =	ssyncset.done $0x0  }
0x201: {  	s12 =	sadd.s32 $0x4E20, s7;
	s0 =	simm.s32 @p0 $0x6;
	[sflag:s5] =	ssyncadd.s32 $0xFFFFEC00  }
0x202: {  	[spmem:s3] =	stream.indirect.scatter.add.f32 [tilespmem:s31], [sflag:$0x6], $0x40, s12, s17, $0xb8;
	[tilespmem:$0x1D9C0] =	vst v63  }
0x203: {  	s6 =	simm.s32 @p0 $0x2;
	_ =	swait.ge @p0 [sflag:s0], $0x1400  }
0x204: {  	s11 =	sshra.s32 @p0 s18, $0x2;
	s8 =	simm.s32 @p0 $0x9C40;
	[sflag:s0] =	ssyncset.done @p0 $0x0  }
0x205: {  	s16 =	simm.s32 @p0 $0x50;
	[sflag:s0] =	ssyncadd.s32 @p0 $0xFFFFEC00;
	s0 =	sadd.s32 @p0 $0x190, s11  }
0x206: {  	[tilespmem:s8], [sflag:$0x1] =	stream.indirect.gather @p0 [hbm4b:s1+s16], $0x40, s0, s16, $0xb8;
	[tilespmem:$0x1D9C0] =	vst v63  }
0x207: {  	_ =	swait.ge @p0 [sflag:s6], $0x1400  }
0x208: {  	[sflag:s6] =	ssyncset.done @p0 $0x0  }
0x209: {  	s0 =	sadd.s32 @p0 $0x4E70, s11;
	s8 =	simm.s32 @p0 $0xB040;
	[sflag:s6] =	ssyncadd.s32 @p0 $0xFFFFEC00  }
0x20a: {  	[spmem:s3] =	stream.indirect.scatter.add.f32 @p0 [tilespmem:s8], [sflag:$0x7], $0x40, s0, s16, $0xb8;
	[tilespmem:$0x1D9C0] =	vst v63  }
0x20b: {  	s20 =	simm.s32 @!p0 $0x10A40;
	s10 =	simm.s32 @!p0 $0x6;
	s0 =	simm.s32 @!p0 $0x50  }
0x20c: {  	[spmem:s4] =	stream.indirect.scatter.add.f32 @!p0 [tilespmem:s20], [sflag:$0xB], $0x10, s12, s0, $0xb8;
	[tilespmem:$0x1D9C0] =	vst v63  }
0x20d: {  	_ =	swait.ge @!p0 [sflag:s10], $0x1400  }
0x20e: {  	s13 =	simm.s32 @!p0 $0x9C40;
	s12 =	sshra.s32 @!p0 s18, $0x2;
	[sflag:s10] =	ssyncset.done @!p0 $0x0  }
0x20f: {  	s18 =	simm.s32 @!p0 $0x2;
	[sflag:s10] =	ssyncadd.s32 @!p0 $0xFFFFEC00;
	s10 =	sadd.s32 @!p0 $0x190, s12  }
0x210: {  	[tilespmem:s13], [sflag:$0x1] =	stream.indirect.gather @!p0 [hbm4b:s1+s0], $0x40, s10, s0, $0xb8;
	[tilespmem:$0x1D9C0] =	vst v63  }
0x211: {  	_ =	swait.ge @!p0 [sflag:s18], $0x1400  }
0x212: {  	[sflag:s18] =	ssyncset.done @!p0 $0x0  }
0x213: {  	s13 =	sadd.s32 @!p0 $0x4E70, s12;
	s10 =	simm.s32 @!p0 $0xB040;
	[sflag:s18] =	ssyncadd.s32 @!p0 $0xFFFFEC00  }
0x214: {  	[spmem:s3] =	stream.indirect.scatter.add.f32 @!p0 [tilespmem:s10], [sflag:$0x7], $0x40, s13, s0, $0xb8;
	[tilespmem:$0x1D9C0] =	vst v63  }
0x215: {  	_ = 	snop  }
0x216: {  	[spmem:s4] =	stream.indirect.scatter.add.f32 @!p0 [tilespmem:s20], [sflag:$0xB], $0x10, s13, s0, $0xb8;
	[tilespmem:$0x1D9C0] =	vst v63  }
0x217: {  	_ =	swait.ge [sflag:s9], $0x1400  }
0x218: {  	[sflag:s9] =	ssyncset.done $0x0  }
0x219: {  	s14 =	simm.s32 $0xB040;
	s25 =	sadd.s32 $0x1E0, s7;
	[sflag:s9] =	ssyncadd.s32 $0xFFFFEC00  }
0x21a: {  	[tilespmem:s14], [sflag:$0x2] =	stream.indirect.gather [hbm4b:s1+s17], $0x40, s25, s17, $0xb8;
	[tilespmem:$0x1D9C0] =	vst v63  }
0x21b: {  	_ =	swait.ge [sflag:s2], $0x1400  }
0x21c: {  	s21 =	simm.s32 $0xC440;
	[sflag:s2] =	ssyncset.done $0x0  }
0x21d: {  	s13 =	sadd.s32 $0x4EC0, s7;
	s14 =	simm.s32 @p0 $0x8;
	[sflag:s2] =	ssyncadd.s32 $0xFFFFEC00  }
0x21e: {  	[spmem:s3] =	stream.indirect.scatter.add.f32 [tilespmem:s21], [sflag:$0x8], $0x40, s13, s17, $0xb8;
	[tilespmem:$0x1D9C0] =	vst v63  }
0x21f: {  	_ =	swait.ge @p0 [sflag:s14], $0x1400  }
0x220: {  	[sflag:s14] =	ssyncset.done @p0 $0x0  }
0x221: {  	s15 =	simm.s32 @p0 $0xC440;
	[sflag:s14] =	ssyncadd.s32 @p0 $0xFFFFEC00;
	s14 =	sadd.s32 @p0 $0x230, s11  }
0x222: {  	[tilespmem:s15], [sflag:$0x3] =	stream.indirect.gather @p0 [hbm4b:s1+s16], $0x40, s14, s16, $0xb8;
	[tilespmem:$0x1D9C0] =	vst v63  }
0x223: {  	s14 =	simm.s32 @p0 $0x4  }
0x224: {  	_ =	swait.ge @p0 [sflag:s14], $0x1400  }
0x225: {  	[sflag:s14] =	ssyncset.done @p0 $0x0  }
0x226: {  	s11 =	sadd.s32 @p0 $0x4F10, s11;
	s15 =	simm.s32 @p0 $0xD840;
	[sflag:s14] =	ssyncadd.s32 @p0 $0xFFFFEC00  }
0x227: {  	[spmem:s3] =	stream.indirect.scatter.add.f32 @p0 [tilespmem:s15], [sflag:$0x9], $0x40, s11, s16, $0xb8;
	[tilespmem:$0x1D9C0] =	vst v63  }
0x228: {  	s11 =	simm.s32 @!p0 $0x8  }
0x229: {  	[spmem:s4] =	stream.indirect.scatter.add.f32 @!p0 [tilespmem:s20], [sflag:$0xB], $0x10, s13, s0, $0xb8;
	[tilespmem:$0x1D9C0] =	vst v63  }
0x22a: {  	_ =	swait.ge @!p0 [sflag:s11], $0x1400  }
0x22b: {  	[sflag:s11] =	ssyncset.done @!p0 $0x0  }
0x22c: {  	s13 =	simm.s32 @!p0 $0xC440;
	[sflag:s11] =	ssyncadd.s32 @!p0 $0xFFFFEC00;
	s11 =	sadd.s32 @!p0 $0x230, s12  }
0x22d: {  	[tilespmem:s13], [sflag:$0x3] =	stream.indirect.gather @!p0 [hbm4b:s1+s0], $0x40, s11, s0, $0xb8;
	[tilespmem:$0x1D9C0] =	vst v63  }
0x22e: {  	s11 =	simm.s32 @!p0 $0x4  }
0x22f: {  	_ =	swait.ge @!p0 [sflag:s11], $0x1400  }
0x230: {  	[sflag:s11] =	ssyncset.done @!p0 $0x0  }
0x231: {  	s12 =	sadd.s32 @!p0 $0x4F10, s12;
	s13 =	simm.s32 @!p0 $0xD840;
	[sflag:s11] =	ssyncadd.s32 @!p0 $0xFFFFEC00  }
0x232: {  	[spmem:s3] =	stream.indirect.scatter.add.f32 @!p0 [tilespmem:s13], [sflag:$0x9], $0x40, s12, s0, $0xb8;
	[tilespmem:$0x1D9C0] =	vst v63  }
0x233: {  	_ = 	snop  }
0x234: {  	[spmem:s4] =	stream.indirect.scatter.add.f32 @!p0 [tilespmem:s20], [sflag:$0xB], $0x10, s12, s0, $0xb8;
	[tilespmem:$0x1D9C0] =	vst v63  }
0x235: {  	_ =	swait.ge [sflag:s30], $0x1400  }
0x236: {  	[sflag:s30] =	ssyncset.done $0x0  }
0x237: {  	s26 =	sadd.s32 $0x280, s7;
	[sflag:s30] =	ssyncadd.s32 $0xFFFFEC00  }
0x238: {  	[tilespmem:s28], [sflag:$0x4] =	stream.indirect.gather [hbm4b:s1+s17], $0x40, s26, s17, $0xb8;
	[tilespmem:$0x1D9C0] =	vst v63  }
0x239: {  	_ =	swait.ge [sflag:s19], $0x1400  }
0x23a: {  	[sflag:s19] =	ssyncset.done $0x0  }
0x23b: {  	s7 =	sadd.s32 $0x4F60, s7;
	[sflag:s19] =	ssyncadd.s32 $0xFFFFEC00  }
0x23c: {  	[spmem:s3] =	stream.indirect.scatter.add.f32 [tilespmem:s29], [sflag:$0xA], $0x40, s7, s17, $0xb8;
	[tilespmem:$0x1D9C0] =	vst v63  }
0x23d: {  	_ = 	snop  }
0x23e: {  	[spmem:s4] =	stream.indirect.scatter.add.f32 @!p0 [tilespmem:s20], [sflag:$0xB], $0x10, s7, s0, $0xb8;
	[tilespmem:$0x1D9C0] =	vst v63  }
0x23f: {  	s7 =	simm.s32 $0xA  }
0x240: {  	_ =	swait.ge [sflag:s7], $0x1400  }
0x241: {  	[sflag:s7] =	ssyncset.done $0x0  }
0x242: {  	s22 =	simm.s32 $0x4DD0;
	[sflag:s7] =	ssyncadd.s32 $0xFFFFEC00  }
0x243: {  	[tilespmem:s29], [sflag:$0x5] =	stream.indirect.gather [hbm4b:s1+s17], $0x40, s22, s17, $0xb8;
	[tilespmem:$0x1D9C0] =	vst v63  }
0x244: {  	_ =	swait.ge [sflag:s5], $0x1400  }
0x245: {  	[sflag:s5] =	ssyncset.done $0x0  }
0x246: {  	s23 =	simm.s32 $0x9AB0;
	[sflag:s5] =	ssyncadd.s32 $0xFFFFEC00  }
0x247: {  	[spmem:s3] =	stream.indirect.scatter.add.f32 [tilespmem:s31], [sflag:$0x6], $0x40, s23, s17, $0xb8;
	[tilespmem:$0x1D9C0] =	vst v63  }
0x248: {  	_ =	swait.ge @p0 [sflag:s6], $0x1400  }
0x249: {  	[sflag:s6] =	ssyncset.done @p0 $0x0  }
0x24a: {  	[sflag:s6] =	ssyncadd.s32 @p0 $0xFFFFEC00;
	s6 =	simm.s32 @p0 $0x9B00  }
0x24b: {  	[spmem:s3] =	stream.indirect.scatter.add.f32 @p0 [tilespmem:s8], [sflag:$0x7], $0x40, s6, s16, $0xb8;
	[tilespmem:$0x1D9C0] =	vst v63  }
0x24c: {  	s6 =	simm.s32 @!p0 $0x9AB0  }
0x24d: {  	[spmem:s4] =	stream.indirect.scatter.add.f32 @!p0 [tilespmem:s20], [sflag:$0xB], $0x10, s6, s0, $0xb8;
	[tilespmem:$0x1D9C0] =	vst v63  }
0x24e: {  	_ =	swait.ge @!p0 [sflag:s18], $0x1400  }
0x24f: {  	[sflag:s18] =	ssyncset.done @!p0 $0x0  }
0x250: {  	s6 =	simm.s32 @!p0 $0x9B00;
	[sflag:s18] =	ssyncadd.s32 @!p0 $0xFFFFEC00  }
0x251: {  	[spmem:s3] =	stream.indirect.scatter.add.f32 @!p0 [tilespmem:s10], [sflag:$0x7], $0x40, s6, s0, $0xb8;
	[tilespmem:$0x1D9C0] =	vst v63  }
0x252: {  	_ = 	snop  }
0x253: {  	[spmem:s4] =	stream.indirect.scatter.add.f32 @!p0 [tilespmem:s20], [sflag:$0xB], $0x10, s6, s0, $0xb8;
	[tilespmem:$0x1D9C0] =	vst v63  }
0x254: {  	_ =	swait.ge [sflag:s2], $0x1400  }
0x255: {  	[sflag:s2] =	ssyncset.done $0x0  }
0x256: {  	s24 =	simm.s32 $0x9B50;
	[sflag:s2] =	ssyncadd.s32 $0xFFFFEC00  }
0x257: {  	[spmem:s3] =	stream.indirect.scatter.add.f32 [tilespmem:s21], [sflag:$0x8], $0x40, s24, s17, $0xb8;
	[tilespmem:$0x1D9C0] =	vst v63  }
0x258: {  	_ =	swait.ge @p0 [sflag:s14], $0x1400  }
0x259: {  	[sflag:s14] =	ssyncset.done @p0 $0x0  }
0x25a: {  	s6 =	simm.s32 @p0 $0x9BA0;
	[sflag:s14] =	ssyncadd.s32 @p0 $0xFFFFEC00  }
0x25b: {  	[spmem:s3] =	stream.indirect.scatter.add.f32 @p0 [tilespmem:s15], [sflag:$0x9], $0x40, s6, s16, $0xb8;
	[tilespmem:$0x1D9C0] =	vst v63  }
0x25c: {  	s5 =	simm.s32 @!p0 $0x9B50  }
0x25d: {  	[spmem:s4] =	stream.indirect.scatter.add.f32 @!p0 [tilespmem:s20], [sflag:$0xB], $0x10, s5, s0, $0xb8;
	[tilespmem:$0x1D9C0] =	vst v63  }
0x25e: {  	_ =	swait.ge @!p0 [sflag:s11], $0x1400  }
0x25f: {  	[sflag:s11] =	ssyncset.done @!p0 $0x0  }
0x260: {  	s5 =	simm.s32 @!p0 $0x9BA0;
	[sflag:s11] =	ssyncadd.s32 @!p0 $0xFFFFEC00  }
0x261: {  	[spmem:s3] =	stream.indirect.scatter.add.f32 @!p0 [tilespmem:s13], [sflag:$0x9], $0x40, s5, s0, $0xb8;
	[tilespmem:$0x1D9C0] =	vst v63  }
0x262: {  	_ = 	snop  }
0x263: {  	[spmem:s4] =	stream.indirect.scatter.add.f32 @!p0 [tilespmem:s20], [sflag:$0xB], $0x10, s5, s0, $0xb8;
	[tilespmem:$0x1D9C0] =	vst v63  }
0x264: {  	_ =	swait.ge [sflag:s19], $0x1400  }
0x265: {  	[sflag:s19] =	ssyncset.done $0x0  }
0x266: {  	s25 =	simm.s32 $0x9BF0;
	[sflag:s19] =	ssyncadd.s32 $0xFFFFEC00  }
0x267: {  	[spmem:s3] =	stream.indirect.scatter.add.f32 [tilespmem:s29], [sflag:$0xA], $0x40, s25, s17, $0xb8;
	[tilespmem:$0x1D9C0] =	vst v63  }
0x268: {  	s26 =	simm.s32 $0x6;
	s5 =	simm.s32 @!p0 $0x9BF0  }
0x269: {  	[spmem:s4] =	stream.indirect.scatter.add.f32 @!p0 [tilespmem:s20], [sflag:$0xB], $0x10, s5, s0, $0xb8;
	[tilespmem:$0x1D9C0] =	vst v63  }
0x26a: {  	_ =	swait.ge [sflag:s26], $0x1400  }
0x26b: {  	[sflag:s26] =	ssyncset.done $0x0  }
0x26c: {  	[sflag:s26] =	ssyncadd.s32 $0xFFFFEC00  }
0x26d: {  	_ =	swait.ge [sflag:s9], $0x1400  }
0x26e: {  	[sflag:s9] =	ssyncset.done $0x0  }
0x26f: {  	s16 =	simm.s32 $0x8;
	[sflag:s9] =	ssyncadd.s32 $0xFFFFEC00  }
0x270: {  	_ =	swait.ge [sflag:s16], $0x1400  }
0x271: {  	[sflag:s16] =	ssyncset.done $0x0  }
0x272: {  	[sflag:s16] =	ssyncadd.s32 $0xFFFFEC00  }
0x273: {  	_ =	swait.ge [sflag:s30], $0x1400  }
.Ltmp5:
0x274: {  	[sflag:s30] =	ssyncset.done $0x0;
	(pc) =	sbr.rel @p0 .LBB2_11-.Ltmp5, $4  }
0x275: {  	s12 =	simm.s32 $0xB040;
	[sflag:s30] =	ssyncadd.s32 $0xFFFFEC00  }
0x276: {  	s18 =	simm.s32 $0x5;
	s14 =	simm.s32 $0xC440;
	_ =	swait.ge [sflag:s7], $0x1400  }
0x277: {  	s15 =	simm.s32 $0x3;
	s11 =	simm.s32 $0x1;
	[sflag:s7] =	ssyncset.done $0x0  }
0x278: {  	s13 =	simm.s32 $0x7;
	s0 =	simm.s32 $0xFA;
	[sflag:s7] =	ssyncadd.s32 $0xFFFFEC00  }
0x279: {  	s2 =	simm.s32 $0xB  }
0x27a: {  	s0 =	sadd.s32 $0xFFFFFFFF, s0;
	_ =	swait.ge [sflag:s2], $0x500  }
0x27b: {  	s7 =	simm.s32 $0xC;
	s9 =	simm.s32 $0x10040;
	s6 =	rddreg [dreg:$0x9]  }
0x27c: {  	s10 =	simm.s32 $0xD;
	[sflag:s2] =	ssyncset.done $0x0;
	s8 =	rddreg [dreg:$0xc]  }
.LBB2_9:
0x27d: {  	p1 =	sne.s32 s0, $0x1;
	s0 =	sadd.s32 $0xFFFFFFFF, s0;
	[sflag:s2] =	ssyncadd.s32 $0xFFFFFB00  }
.Ltmp6:
0x27e: {  	(pc) =	sbr.rel @p1 .LBB2_9-.Ltmp6, $3  }
0x27f: {  	_ =	sdelay $0x1  }
0x280: {  	_ =	swait.ge [sflag:s2], $0x500  }
0x281: {  	[sflag:s2] =	ssyncset.done $0x0  }
0x282: {  	[sflag:s2] =	ssyncadd.s32 $0xFFFFFB00;
	s0 =	stileid.u32  }
0x283: {  	s24 =	sshrl.u32 s6, $0x3;
	s0 =	sshll.u32 s0, $0x6;
	[bflag:$0x0] =	sbarrier.arrive $0xFFFF  }
0x284: {  	s19 =	simm.s32 $0x10;
	s0 =	sor.u32 $0x1C0C, s0;
	s5 =	rddreg [dreg:$0x8]  }
0x285: {  	[hbm:s5@s19], [sflag:s0] =	dma.strided [spmem:s24@s16], $0x1400, s11, $0x8   }
0x286: {  	_ =	swait.ge [sflag:s7], $0x1400  }
0x287: {  	[sflag:s7] =	ssyncset.done $0x0;
	s25 =	rddreg [dreg:$0xa]  }
.Ltmp7:
0x288: {  	s26 =	rddreg [dreg:$0xd];
	[sflag:s7] =	ssyncadd.s32 $0xFFFFEC00;
	(pc) =	sbr.rel .LBB2_12-.Ltmp7, $4  }
0x289: {  	[hbm:s25], [sflag:s0] =	dma.local [spmem:s26], $0x500  }
0x28a: {  	_ =	swait.ge [sflag:s7], $0x500  }
0x28b: {  	[sflag:s7] =	ssyncset.done $0x0  }
0x28c: {  	s2 =	rddreg [dreg:$0xe];
	[sflag:s7] =	ssyncadd.s32 $0xFFFFFB00  }
.LBB2_13:
0x28d: {  	_ =	sfence.sel $0x180000  }
0x28e: {  	[bflag:$0x0] =	sbarrier.arrive $0xFFFF  }
0x28f: {  	_ =	strace $0x90000047  }
0x290: {  	s0 =	stileid.u32;
	[bflag:$0x2] =	sbarrier.arrive $0xFFFF  }
0x291: {  	p0 =	sne.s32 s0, $0x0;
	s0 =	rddreg [dreg:$0x5]  }
0x292: {  	s0 =	sadd.s32 @!p0 $0x100000, s0  }
0x293: {  	[sflag:s0] =	ssyncadd.tile.s32 @!p0 $0x1;
	_ =	shalt  }
.Lfunc_end2:
_tile_overlayer_lowered:
.L_overlay_start_2:
0x294: {  	(tag) =	ssettag $0x2  }
0x295: {  	s0 =	rddreg [dreg:$0x0];
	s2 =	stileid.u32  }
0x296: {  	s1 =	rddreg [dreg:$0x1];
	p0 =	sne.s32 s2, $0x0  }
0x297: {  	s3 =	rddreg [dreg:$0x2];
	[bflag:$0x3] =	sbarrier.arrive $0xFFFF;
	s2 =	simm.s32 @!p0 $0x1C0C  }
0x298: {  	[timem:s3], [sflag:s2] =	dma.local @!p0 [hbm:s0], s1  }
0x299: {  	s0 =	simm.s32 @!p0 $0xC  }
0x29a: {  	_ =	swait.ge @!p0 [sflag:s0], s1  }
0x29b: {  	s1 =	ssub.s32 @!p0 $0x0, s1;
	[sflag:s0] =	ssyncset.done @!p0 $0x0  }
0x29c: {  	[sflag:s0] =	ssyncadd.s32 @!p0 s1  }
0x29d: {  	[bflag:$0x3] =	sbarrier.arrive $0xFFFF  }
0x29e: {  	_ =	shalt  }

// kernel: kernel.9.cloned.1.call-start
scs
__scs_entry_jumppad:
0x0: {  	(pc) =	sbr.rel $0x88, $3  }
0x1: {  	(tag) =	ssettag $0x0;
	lr =	simm.s32 $0x1  }
0x2: {  	[smem:$0x3F97] =	sst lr;
	_ =	strace $0xD0000000  }
0x3: {  	_ = 	snop  }
0x4: {  	_ = 	snop  }
0x5: {  	_ = 	snop  }
0x6: {  	_ = 	snop  }
0x7: {  	_ = 	snop  }
__scs_overlays_trampoline_lowered:
0x8: {  	[smem:$0x3FA6] =	sst s0  }
0x9: {  	[smem:$0x3FA7] =	sst s1  }
0xa: {  	[smem:$0x3FA8] =	sst s2  }
0xb: {  	[smem:$0x3FA9] =	sst s3  }
0xc: {  	[smem:$0x3FAA] =	sst s4  }
0xd: {  	[smem:$0x3FAB] =	sst s5  }
0xe: {  	[smem:$0x3FAC] =	sst s6  }
0xf: {  	[smem:$0x3FAD] =	sst s7  }
0x10: {  	[smem:$0x3FAE] =	sst s8  }
0x11: {  	[smem:$0x3FAF] =	sst s9;
	s0 =	simm.s32 @!p0 $0x0  }
0x12: {  	s1 =	sld [smem:$0x3F95];
	s0 =	simm.s32 @p0 $0x1  }
0x13: {  	[smem:$0x3FB0] =	sst s0;
	s0 =	simm.s32 @!p1 $0x0  }
0x14: {  	s2 =	sld [smem:$0x3F94];
	s0 =	simm.s32 @p1 $0x1  }
0x15: {  	[smem:$0x3FB1] =	sst s0;
	s0 =	simm.s32 @!p2 $0x0  }
0x16: {  	s3 =	sld [smem:$0x3FDB];
	s0 =	simm.s32 @p2 $0x1  }
0x17: {  	s4 =	simm.s32 $0x1BF5;
	[smem:$0x3FB3] =	sst s0  }
0x18: {  	s0 =	sld [smem:$0x3F96];
	_ =	swait.ge [sflag:s4], $0x0  }
0x19: {  	s7 =	sld [smem:$0x3F97]  }
0x1a: {  	s8 =	sadd.s32 $0xFFFFE003, lr  }
0x1b: {  	s9 =	sadd.s32 $0xFFFFFEF7, lr;
	s5 =	simm.s32 $0xFFFFFFFF;
	p2 =	slt.u32 s8, $0xFFFFF086  }
0x1c: {  	p1 =	slt.u32 s9, $0xF7A;
	s5 =	simm.s32 @!p2 $0x0  }
0x1d: {  	s5 =	simm.s32 @p1 $0x1;
	p0 =	seq.s32 s7, s2  }
0x1e: {  	s7 =	smul.u32 @!p0 $0xF7A, s2;
	p2 =	seq.s32 @!p0 s5, $0x0  }
0x1f: {  	s9 =	smul.u32 $0xF7A, s1;
	s8 =	simm.s32 @!p0 $0x1BF5;
	p2 =	por !p2, p0  }
0x20: {  	[sflag:s8] =	ssyncset.s32 @!p0 $0xFFFFF086;
	s6 =	sadd.s32 @!p0 s3, s7;
	s7 =	simm.s32 @!p0 $0x108  }
0x21: {  	s3 =	sadd.s32 s3, s9;
	s6 =	sadd.s32 @!p0 $0x88, s6;
	s7 =	simm.s32 @p2 $0x1082  }
0x22: {  	[simem:s7], [sflag:s8] =	dma.local @!p0 [hbm:s6], $0xF7A  }
0x23: {  	s9 =	sor.u32 $0xD0000000, s2;
	s6 =	simm.s32 $0x108;
	_ =	swait.ge @!p0 [sflag:s8], $0x0  }
0x24: {  	s3 =	sadd.s32 $0x88, s3;
	s6 =	simm.s32 @!p1 $0x1082;
	[sflag:s4] =	ssyncset.s32 $0xFFFFF086  }
0x25: {  	[simem:s6], [sflag:s4] =	dma.local [hbm:s3], $0xF7A  }
0x26: {  	[smem:$0x3F97] =	sst s1;
	(tag) =	ssettag s2;
	_ =	strace s9  }
0x27: {  	s1 =	sld [smem:$0x3FA7]  }
0x28: {  	s2 =	sld [smem:$0x3FA8]  }
0x29: {  	s4 =	sld [smem:$0x3FAA]  }
0x2a: {  	p0 =	seq.s32 s5, $0x0;
	s5 =	sld [smem:$0x3FAB]  }
0x2b: {  	s6 =	sld [smem:$0x3FAC]  }
0x2c: {  	s7 =	sld [smem:$0x3FAD]  }
0x2d: {  	s3 =	simm.s32 $0x108;
	s8 =	sld [smem:$0x3FAE]  }
0x2e: {  	s3 =	simm.s32 @!p0 $0x1082;
	s9 =	sld [smem:$0x3FAF]  }
0x2f: {  	lr =	sadd.s32 s0, s3;
	s0 =	sld [smem:$0x3FA6]  }
0x30: {  	s3 =	sld [smem:$0x3FA9]  }
0x31: {  	[smem:$0x3FB2] =	sst s10  }
0x32: {  	s10 =	sld [smem:$0x3FB0];
	_ =	sdelay $0x3  }
0x33: {  	p0 =	seq.s32 s10, $0x1;
	s10 =	sld [smem:$0x3FB2];
	_ =	sdelay $0x3  }
0x34: {  	[smem:$0x3FB2] =	sst s10  }
0x35: {  	s10 =	sld [smem:$0x3FB1];
	_ =	sdelay $0x3  }
0x36: {  	p1 =	seq.s32 s10, $0x1;
	s10 =	sld [smem:$0x3FB2];
	_ =	sdelay $0x3  }
0x37: {  	[smem:$0x3FB2] =	sst s10  }
0x38: {  	s10 =	sld [smem:$0x3FB3]  }
0x39: {  	_ = 	snop;
	(pc) =	sbr.ind lr, $3  }
0x3a: {  	_ = 	snop  }
0x3b: {  	_ = 	snop  }
0x3c: {  	p2 =	seq.s32 s10, $0x1;
	s10 =	sld [smem:$0x3FB2]  }
0x3d: {  	_ =	shalt  }
0x3e: {  	_ =	shalt  }
0x3f: {  	_ =	shalt  }
0x40: {  	_ =	shalt  }
0x41: {  	_ =	shalt  }
0x42: {  	_ =	shalt  }
0x43: {  	_ =	shalt  }
0x44: {  	_ =	shalt  }
0x45: {  	_ =	shalt  }
0x46: {  	_ =	shalt  }
0x47: {  	_ =	shalt  }
0x48: {  	_ =	shalt  }
0x49: {  	_ =	shalt  }
0x4a: {  	_ =	shalt  }
0x4b: {  	_ =	shalt  }
0x4c: {  	_ =	shalt  }
0x4d: {  	_ =	shalt  }
0x4e: {  	_ =	shalt  }
0x4f: {  	_ =	shalt  }
0x50: {  	_ =	shalt  }
0x51: {  	_ =	shalt  }
0x52: {  	_ =	shalt  }
0x53: {  	_ =	shalt  }
0x54: {  	_ =	shalt  }
0x55: {  	_ =	shalt  }
0x56: {  	_ =	shalt  }
0x57: {  	_ =	shalt  }
0x58: {  	_ =	shalt  }
0x59: {  	_ =	shalt  }
0x5a: {  	_ =	shalt  }
0x5b: {  	_ =	shalt  }
0x5c: {  	_ =	shalt  }
0x5d: {  	_ =	shalt  }
0x5e: {  	_ =	shalt  }
0x5f: {  	_ =	shalt  }
0x60: {  	_ =	shalt  }
0x61: {  	_ =	shalt  }
0x62: {  	_ =	shalt  }
0x63: {  	_ =	shalt  }
0x64: {  	_ =	shalt  }
0x65: {  	_ =	shalt  }
0x66: {  	_ =	shalt  }
0x67: {  	_ =	shalt  }
0x68: {  	_ =	shalt  }
0x69: {  	_ =	shalt  }
0x6a: {  	_ =	shalt  }
0x6b: {  	_ =	shalt  }
0x6c: {  	_ =	shalt  }
0x6d: {  	_ =	shalt  }
0x6e: {  	_ =	shalt  }
0x6f: {  	_ =	shalt  }
0x70: {  	_ =	shalt  }
0x71: {  	_ =	shalt  }
0x72: {  	_ =	shalt  }
0x73: {  	_ =	shalt  }
0x74: {  	_ =	shalt  }
0x75: {  	_ =	shalt  }
0x76: {  	_ =	shalt  }
0x77: {  	_ =	shalt  }
0x78: {  	_ =	shalt  }
0x79: {  	_ =	shalt  }
0x7a: {  	_ =	shalt  }
0x7b: {  	_ =	shalt  }
0x7c: {  	_ =	shalt  }
0x7d: {  	_ =	shalt  }
0x7e: {  	_ =	shalt  }
0x7f: {  	_ =	shalt  }
0x80: {  	_ =	shalt  }
0x81: {  	_ =	shalt  }
0x82: {  	_ =	shalt  }
0x83: {  	_ =	shalt  }
0x84: {  	_ =	shalt  }
0x85: {  	_ =	shalt  }
0x86: {  	_ =	shalt  }
0x87: {  	_ =	shalt  }
.Lfunc_end0:
.L_simem_size_0:
called_computation.1_lowered:
.L_overlay_start_0:
0x88: {  	s2 =	sld [smem:$0x3FD9]  }
0x89: {  	s3 =	sld [smem:$0x3FFE];
	_ =	sdelay $0x1  }
0x8a: {  	s1 =	srdreg.scid  }
0x8b: {  	s0 =	sand.u32 $0x1, s1  }
0x8c: {  	s17 =	sshll.u32 s0, $0xA;
	s2 =	sadd.s32 s3, s2  }
0x8d: {  	s2 =	sadd.s32 s2, s17  }
0x8e: {  	[smem:$0x3FBE] =	sst s2  }
0x8f: {  	_ = 	snop  }
0x90: {  	s2 =	sld [smem:$0x3FD0];
	(tm) =	ssettm $0x1  }
0x91: {  	s18 =	sld [smem:$0x3FFB];
	_ =	sdelay $0x3  }
0x92: {  	_ =	strace s18  }
0x93: {  	s3 =	sld [smem:$0x3FFC];
	_ =	sdelay $0x3  }
0x94: {  	_ =	strace s3  }
0x95: {  	s3 =	sld [smem:$0x3FFD];
	_ =	sdelay $0x3  }
0x96: {  	_ =	strace s3  }
0x97: {  	_ =	strace $0x8FFFFFFF  }
0x98: {  	s19 =	sld [smem:$0x3FDB];
	_ =	sdelay $0x1  }
0x99: {  	s4 =	simm.s32 $_scs_section_size  }
0x9a: {  	s5 =	simm.s32 $_size__tile_overlayer_lowered;
	s6 =	simm.s32 $_tile_overlayer_lowered  }
0x9b: {  	s22 =	simm.s32 $0x1BFF;
	s21 =	sshll.u32 s6, $0x1;
	s3 =	sadd.s32 s4, s19  }
0x9c: {  	s7 =	simm.s32 $0x0;
	s20 =	sshll.u32 s5, $0x1;
	s5 =	sadd.s32 s21, s3  }
0x9d: {  	[timem:s7], [sflag:s22] =	dma.local [hbm:s5], s20  }
0x9e: {  	_ =	swait.ge [sflag:s22], s20  }
0x9f: {  	s4 =	ssub.s32 $0x0, s20;
	[sflag:s22] =	ssyncset.done $0x0  }
0xa0: {  	[sflag:s22] =	ssyncadd.s32 s4;
	_ =	sdelay $0x1  }
0xa1: {  	s23 =	simm.s32 $0x1B8B  }
0xa2: {  	_ =	swait.ge [sflag:s23], $0x1  }
0xa3: {  	[sflag:s23] =	ssyncset.done $0x0  }
0xa4: {  	s25 =	simm.s32 $0x1B8E;
	s24 =	sld [smem:$0x3FFE];
	[sflag:s23] =	ssyncadd.s32 $0xFFFFFFFF  }
0xa5: {  	s26 =	simm.s32 $execute0_lowered;
	[smem:$0x3FD2] =	sst s25  }
0xa6: {  	s5 =	sshll.u32 s26, $0x1;
	_ =	strace $0x80000049;
	[dreg:$0x1] =	wrdreg $0xFFFFFFFF  }
0xa7: {  	s28 =	simm.s32 $_size_execute0_lowered;
	s3 =	sadd.s32 s3, s5;
	[dreg:$0x0] =	wrdreg $0x0  }
0xa8: {  	s5 =	sshll.u32 s28, $0x1;
	[dreg:$0x2] =	wrdreg s3  }
0xa9: {  	[dreg:$0x3] =	wrdreg s5  }
0xaa: {  	[dreg:$0x4] =	wrdreg $0xC0  }
0xab: {  	_ =	task [dreg:s7], $0x5FFFF  }
0xac: {  	[dreg:$0x1] =	wrdreg $0xFFFFFFFF  }
0xad: {  	[dreg:$0x0] =	wrdreg $0x60  }
0xae: {  	[dreg:$0x2] =	wrdreg s24  }
0xaf: {  	[dreg:$0x3] =	wrdreg s2  }
0xb0: {  	[dreg:$0x4] =	wrdreg $0xA0A00  }
0xb1: {  	[dreg:$0x5] =	wrdreg $0x9  }
0xb2: {  	_ =	task.clear_ibuf [dreg:s7], $0x6FFFF;
	_ =	strace $0x90000049  }
0xb3: {  	s29 =	simm.s32 $0x9;
	_ =	strace $0x8000004B  }
0xb4: {  	_ =	swait.ge [sflag:s29], $0x1  }
0xb5: {  	[sflag:s29] =	ssyncadd.s32 $0xFFFFFFFF  }
0xb6: {  	_ =	strace $0x9000004B  }
0xb7: {  	_ =	sfence  }
0xb8: {  	s30 =	sld [smem:$0x0];
	_ =	sdelay $0x2  }
0xb9: {  	s31 =	sshll.u32 s1, $0xD;
	s1 =	sshrl.u32 s1, $0x2  }
0xba: {  	s3 =	sand.u32 $0x4000, s31;
	s1 =	sadd.s32 s1, s30  }
0xbb: {  	s0 =	sor.u32 s3, s0;
	s1 =	sshll.u32 s1, $0x11  }
0xbc: {  	s0 =	sor.u32 s1, s0  }
0xbd: {  	s0 =	sadd.s32 $0x8F2B, s0  }
0xbe: {  	[sflag:s0] =	ssyncadd.remote.s32 $0x1  }
0xbf: {  	_ =	sfence.sel $0xFFFF  }
0xc0: {  	[dreg:$0x0] =	wrdreg $0xFFFFFFFF;
	(pc) =	sbr.abs _section_cstart, $3  }
0xc1: {  	[dreg:$0x1] =	wrdreg $0xFFFFFFFF  }
0xc2: {  	_ =	task.clear_ibuf [dreg:s7], $0x2FFFF;
	_ =	strace $0x9FFFFFFF  }
0xc3: {  	(tm) =	ssettm $0x7FFFFFFF  }
tec
execute0_lowered:
.L_overlay_start_1:
0x0: {  	(tag) =	ssettag $0x1  }
0x1: {  	s0 =	rddreg [dreg:$0x0]  }
0x2: {  	s2 =	rddreg [dreg:$0x1];
	s3 =	srdreg.scid  }
0x3: {  	s1 =	rddreg [dreg:$0x2];
	s10 =	stileid.u32;
	s5 =	sand.u32 $0x1, s3  }
0x4: {  	s3 =	simm.s32 $0x0;
	s8 =	smul.u32 $0x7800, s10;
	s4 =	sadd.s32 $0xBE00, s0  }
0x5: {  	s6 =	smul.u32 $0x78000, s5;
	[smem:$0x7FF] =	sst s3;
	s7 =	sshll.u32 s5, $0x4  }
0x6: {  	s5 =	ssub.s32 $0x2, s5;
	s7 =	sor.u32 s10, s7;
	s10 =	smul.u32 $0x1E000, s10  }
0x7: {  	s9 =	sshrl.u32 s5, $0x1;
	s7 =	smul.u32 $0x4E2, s7;
	s6 =	sadd.s32 s8, s6  }
0x8: {  	_ =	strace $0x8000004A;
	s5 =	ssub.s32 s5, s9;
	s6 =	sshrl.u32 s6, $0x3  }
0x9: {  	s10 =	sshrl.u32 s10, $0x2;
	s12 =	smax.u32 s5, $0x1;
	s11 =	sadd.s32 s7, s0  }
0xa: {  	s0 =	sadd.s32 s6, s0;
	s2 =	sadd.s32 s2, s7;
	[dreg:$0x7] =	wrdreg s12  }
0xb: {  	s9 =	sadd.s32 $0x2000, s11;
	[dreg:$0x5] =	wrdreg s2;
	s0 =	sadd.s32 $0x1AE00, s0  }
0xc: {  	s11 =	sadd.s32 s8, s1;
	s8 =	sadd.s32 s10, s1;
	[dreg:$0x4] =	wrdreg s9  }
0xd: {  	[dreg:$0x6] =	wrdreg s0;
	s13 =	sadd.s32 $0x780, s8  }
0xe: {  	s14 =	sadd.s32 $0xF00, s8;
	[dreg:$0x8] =	wrdreg s13  }
0xf: {  	s15 =	sadd.s32 $0x1680, s8;
	[dreg:$0x9] =	wrdreg s14  }
0x10: {  	s16 =	sadd.s32 $0x1E00, s8;
	[dreg:$0xa] =	wrdreg s15  }
0x11: {  	s29 =	simm.s32 $0x9920;
	s17 =	sadd.s32 $0x2580, s8;
	[dreg:$0xb] =	wrdreg s16  }
0x12: {  	s30 =	simm.s32 $0x50;
	s18 =	sadd.s32 $0x2D00, s8;
	[dreg:$0xc] =	wrdreg s17  }
0x13: {  	s31 =	simm.s32 $0x4E20;
	s19 =	sadd.s32 $0x3480, s8;
	[dreg:$0xd] =	wrdreg s18  }
0x14: {  	s28 =	simm.s32 $0x6C20;
	s20 =	sadd.s32 $0x3C00, s8;
	[dreg:$0xe] =	wrdreg s19  }
0x15: {  	s5 =	simm.s32 $0x8A20;
	s21 =	sadd.s32 $0x4380, s8;
	[dreg:$0xf] =	wrdreg s20  }
0x16: {  	s6 =	simm.s32 $0x1;
	s22 =	sadd.s32 $0x4B00, s8;
	[dreg:$0x10] =	wrdreg s21  }
0x17: {  	s7 =	simm.s32 $0x6;
	s23 =	sadd.s32 $0x5280, s8;
	[dreg:$0x11] =	wrdreg s22  }
0x18: {  	s12 =	simm.s32 $0x8;
	s24 =	sadd.s32 $0x5A00, s8;
	[dreg:$0x12] =	wrdreg s23  }
0x19: {  	s2 =	simm.s32 $0x7B20;
	s25 =	sadd.s32 $0x6180, s8;
	[dreg:$0x13] =	wrdreg s24  }
0x1a: {  	s10 =	simm.s32 $0x7;
	s26 =	sadd.s32 $0x6900, s8;
	[dreg:$0x14] =	wrdreg s25  }
0x1b: {  	s0 =	simm.s32 $0x5D20;
	s9 =	simm.s32 $0x2;
	[dreg:$0x15] =	wrdreg s26  }
0x1c: {  	s24 =	sadd.s32 $0x7080, s8;
	s25 =	sshrl.u32 s11, $0x3;
	s26 =	simm.s32 $0xB  }
0x1d: {  	s11 =	simm.s32 $0x3;
	s13 =	simm.s32 $0x4;
	s14 =	simm.s32 $0x9  }
0x1e: {  	v0 =	vimm.f32 $0.0e+00;
	s15 =	simm.s32 $0x5;
	s16 =	simm.s32 $0xA;
	s17 =	simm.s32 $0x0  }
.LBB2_1:
0x1f: {  	[tilespmem:$0x9920] =	vst v0  }
0x20: {  	[tilespmem:$0x9930] =	vst v0  }
0x21: {  	[tilespmem:$0x9940] =	vst v0  }
0x22: {  	[tilespmem:$0x9950] =	vst v0  }
0x23: {  	[tilespmem:$0x9960] =	vst v0  }
0x24: {  	[tilespmem:$0x9970] =	vst v0  }
0x25: {  	[tilespmem:$0x9980] =	vst v0  }
0x26: {  	[tilespmem:$0x9990] =	vst v0  }
0x27: {  	[tilespmem:$0x99A0] =	vst v0  }
0x28: {  	[tilespmem:$0x99B0] =	vst v0  }
0x29: {  	[tilespmem:$0x99C0] =	vst v0  }
0x2a: {  	[tilespmem:$0x99D0] =	vst v0  }
0x2b: {  	[tilespmem:$0x99E0] =	vst v0  }
0x2c: {  	[tilespmem:$0x99F0] =	vst v0  }
0x2d: {  	[tilespmem:$0x9A00] =	vst v0  }
0x2e: {  	[tilespmem:$0x9A10] =	vst v0  }
0x2f: {  	[tilespmem:$0x9A20] =	vst v0  }
0x30: {  	[tilespmem:$0x9A30] =	vst v0  }
0x31: {  	[tilespmem:$0x9A40] =	vst v0  }
0x32: {  	[tilespmem:$0x9A50] =	vst v0  }
0x33: {  	[tilespmem:$0x9A60] =	vst v0  }
0x34: {  	[tilespmem:$0x9A70] =	vst v0  }
0x35: {  	[tilespmem:$0x9A80] =	vst v0  }
0x36: {  	[tilespmem:$0x9A90] =	vst v0  }
0x37: {  	[tilespmem:$0x9AA0] =	vst v0  }
0x38: {  	[tilespmem:$0x9AB0] =	vst v0  }
0x39: {  	[tilespmem:$0x9AC0] =	vst v0  }
0x3a: {  	[tilespmem:$0x9AD0] =	vst v0  }
0x3b: {  	[tilespmem:$0x9AE0] =	vst v0  }
0x3c: {  	[tilespmem:$0x9AF0] =	vst v0  }
0x3d: {  	[tilespmem:$0x9B00] =	vst v0  }
0x3e: {  	[tilespmem:$0x9B10] =	vst v0  }
0x3f: {  	[tilespmem:$0x9B20] =	vst v0  }
0x40: {  	[tilespmem:$0x9B30] =	vst v0  }
0x41: {  	[tilespmem:$0x9B40] =	vst v0  }
0x42: {  	[tilespmem:$0x9B50] =	vst v0  }
0x43: {  	[tilespmem:$0x9B60] =	vst v0  }
0x44: {  	[tilespmem:$0x9B70] =	vst v0  }
0x45: {  	[tilespmem:$0x9B80] =	vst v0  }
0x46: {  	[tilespmem:$0x9B90] =	vst v0  }
0x47: {  	[tilespmem:$0x9BA0] =	vst v0  }
0x48: {  	[tilespmem:$0x9BB0] =	vst v0  }
0x49: {  	[tilespmem:$0x9BC0] =	vst v0  }
0x4a: {  	[tilespmem:$0x9BD0] =	vst v0  }
0x4b: {  	[tilespmem:$0x9BE0] =	vst v0  }
0x4c: {  	[tilespmem:$0x9BF0] =	vst v0  }
0x4d: {  	[tilespmem:$0x9C00] =	vst v0  }
0x4e: {  	[tilespmem:$0x9C10] =	vst v0  }
0x4f: {  	[tilespmem:$0x9C20] =	vst v0  }
0x50: {  	[tilespmem:$0x9C30] =	vst v0  }
0x51: {  	[tilespmem:$0x9C40] =	vst v0  }
0x52: {  	[tilespmem:$0x9C50] =	vst v0  }
0x53: {  	[tilespmem:$0x9C60] =	vst v0  }
0x54: {  	[tilespmem:$0x9C70] =	vst v0  }
0x55: {  	[tilespmem:$0x9C80] =	vst v0  }
0x56: {  	[tilespmem:$0x9C90] =	vst v0  }
0x57: {  	[tilespmem:$0x9CA0] =	vst v0  }
0x58: {  	[tilespmem:$0x9CB0] =	vst v0  }
0x59: {  	[tilespmem:$0x9CC0] =	vst v0  }
0x5a: {  	[tilespmem:$0x9CD0] =	vst v0  }
0x5b: {  	[tilespmem:$0x9CE0] =	vst v0  }
0x5c: {  	[tilespmem:$0x9CF0] =	vst v0  }
0x5d: {  	[tilespmem:$0x9D00] =	vst v0  }
0x5e: {  	[tilespmem:$0x9D10] =	vst v0  }
0x5f: {  	[tilespmem:$0x9D20] =	vst v0  }
0x60: {  	[tilespmem:$0x9D30] =	vst v0  }
0x61: {  	[tilespmem:$0x9D40] =	vst v0  }
0x62: {  	[tilespmem:$0x9D50] =	vst v0  }
0x63: {  	[tilespmem:$0x9D60] =	vst v0  }
0x64: {  	[tilespmem:$0x9D70] =	vst v0  }
0x65: {  	[tilespmem:$0x9D80] =	vst v0  }
0x66: {  	[tilespmem:$0x9D90] =	vst v0  }
0x67: {  	[tilespmem:$0x9DA0] =	vst v0  }
0x68: {  	[tilespmem:$0x9DB0] =	vst v0  }
0x69: {  	[tilespmem:$0x9DC0] =	vst v0  }
0x6a: {  	[tilespmem:$0x9DD0] =	vst v0  }
0x6b: {  	[tilespmem:$0x9DE0] =	vst v0  }
0x6c: {  	[tilespmem:$0x9DF0] =	vst v0  }
0x6d: {  	[tilespmem:$0x9E00] =	vst v0  }
0x6e: {  	[tilespmem:$0x9E10] =	vst v0  }
0x6f: {  	[tilespmem:$0x9E20] =	vst v0  }
0x70: {  	[tilespmem:$0x9E30] =	vst v0  }
0x71: {  	[tilespmem:$0x9E40] =	vst v0  }
0x72: {  	[tilespmem:$0x9E50] =	vst v0  }
0x73: {  	[tilespmem:$0x9E60] =	vst v0  }
0x74: {  	[tilespmem:$0x9E70] =	vst v0  }
0x75: {  	[tilespmem:$0x9E80] =	vst v0  }
0x76: {  	[tilespmem:$0x9E90] =	vst v0  }
0x77: {  	[tilespmem:$0x9EA0] =	vst v0  }
0x78: {  	[tilespmem:$0x9EB0] =	vst v0  }
0x79: {  	[tilespmem:$0x9EC0] =	vst v0  }
0x7a: {  	[tilespmem:$0x9ED0] =	vst v0  }
0x7b: {  	[tilespmem:$0x9EE0] =	vst v0  }
0x7c: {  	[tilespmem:$0x9EF0] =	vst v0  }
0x7d: {  	[tilespmem:$0x9F00] =	vst v0  }
0x7e: {  	[tilespmem:$0x9F10] =	vst v0  }
0x7f: {  	[tilespmem:$0x9F20] =	vst v0  }
0x80: {  	[tilespmem:$0x9F30] =	vst v0  }
0x81: {  	[tilespmem:$0x9F40] =	vst v0  }
0x82: {  	[tilespmem:$0x9F50] =	vst v0  }
0x83: {  	[tilespmem:$0x9F60] =	vst v0  }
0x84: {  	[tilespmem:$0x9F70] =	vst v0  }
0x85: {  	[tilespmem:$0x9F80] =	vst v0  }
0x86: {  	[tilespmem:$0x9F90] =	vst v0  }
0x87: {  	[tilespmem:$0x9FA0] =	vst v0  }
0x88: {  	[tilespmem:$0x9FB0] =	vst v0  }
0x89: {  	[tilespmem:$0x9FC0] =	vst v0  }
0x8a: {  	[tilespmem:$0x9FD0] =	vst v0  }
0x8b: {  	[tilespmem:$0x9FE0] =	vst v0  }
0x8c: {  	[tilespmem:$0x9FF0] =	vst v0  }
0x8d: {  	[tilespmem:$0xA000] =	vst v0  }
0x8e: {  	[tilespmem:$0xA010] =	vst v0  }
0x8f: {  	[tilespmem:$0xA020] =	vst v0  }
0x90: {  	[tilespmem:$0xA030] =	vst v0  }
0x91: {  	[tilespmem:$0xA040] =	vst v0  }
0x92: {  	[tilespmem:$0xA050] =	vst v0  }
0x93: {  	[tilespmem:$0xA060] =	vst v0  }
0x94: {  	[tilespmem:$0xA070] =	vst v0  }
0x95: {  	[tilespmem:$0xA080] =	vst v0  }
0x96: {  	[tilespmem:$0xA090] =	vst v0;
	s18 =	rddreg [dreg:$0x4]  }
0x97: {  	[tilespmem:s3], [sflag:$0xB] =	stream.linear.gather [hbm4b:s18+s3], $0x2710, $0x38;
	[tilespmem:$0x118A0] =	vst v63  }
0x98: {  	_ =	swait.ge [sflag:s26], $0x2710  }
0x99: {  	[sflag:s26] =	ssyncset.done $0x0  }
0x9a: {  	s19 =	simm.s32 $0x2710;
	s23 =	rddreg [dreg:$0x5];
	[sflag:s26] =	ssyncadd.s32 $0xFFFFD8F0  }
0x9b: {  	[tilespmem:s19], [sflag:$0xB] =	stream.linear.gather [hbm4b:s23+s3], $0x2710, $0x38;
	[tilespmem:$0x118A0] =	vst v63  }
0x9c: {  	_ =	swait.ge [sflag:s26], $0x2710  }
0x9d: {  	[sflag:s26] =	ssyncset.done $0x0  }
0x9e: {  	[sflag:s26] =	ssyncadd.s32 $0xFFFFD8F0  }
0x9f: {  	[spmem:s8] =	stream.linear.scatter [tilespmem:s29], [sflag:$0xB], $0x780, $0x38;
	[tilespmem:$0x118A0] =	vst v63  }
0xa0: {  	_ =	swait.ge [sflag:s26], $0x780  }
0xa1: {  	[sflag:s26] =	ssyncset.done $0x0  }
0xa2: {  	s19 =	rddreg [dreg:$0x8];
	[sflag:s26] =	ssyncadd.s32 $0xFFFFF880  }
0xa3: {  	[spmem:s19] =	stream.linear.scatter [tilespmem:s29], [sflag:$0xB], $0x780, $0x38;
	[tilespmem:$0x118A0] =	vst v63  }
0xa4: {  	_ =	swait.ge [sflag:s26], $0x780  }
0xa5: {  	[sflag:s26] =	ssyncset.done $0x0  }
0xa6: {  	s20 =	rddreg [dreg:$0x9];
	[sflag:s26] =	ssyncadd.s32 $0xFFFFF880  }
0xa7: {  	[spmem:s20] =	stream.linear.scatter [tilespmem:s29], [sflag:$0xB], $0x780, $0x38;
	[tilespmem:$0x118A0] =	vst v63  }
0xa8: {  	_ =	swait.ge [sflag:s26], $0x780  }
0xa9: {  	[sflag:s26] =	ssyncset.done $0x0  }
0xaa: {  	s21 =	rddreg [dreg:$0xa];
	[sflag:s26] =	ssyncadd.s32 $0xFFFFF880  }
0xab: {  	[spmem:s21] =	stream.linear.scatter [tilespmem:s29], [sflag:$0xB], $0x780, $0x38;
	[tilespmem:$0x118A0] =	vst v63  }
0xac: {  	_ =	swait.ge [sflag:s26], $0x780  }
0xad: {  	[sflag:s26] =	ssyncset.done $0x0  }
0xae: {  	s22 =	rddreg [dreg:$0xb];
	[sflag:s26] =	ssyncadd.s32 $0xFFFFF880  }
0xaf: {  	[spmem:s22] =	stream.linear.scatter [tilespmem:s29], [sflag:$0xB], $0x780, $0x38;
	[tilespmem:$0x118A0] =	vst v63  }
0xb0: {  	_ =	swait.ge [sflag:s26], $0x780  }
0xb1: {  	[sflag:s26] =	ssyncset.done $0x0  }
0xb2: {  	s23 =	rddreg [dreg:$0xc];
	[sflag:s26] =	ssyncadd.s32 $0xFFFFF880  }
0xb3: {  	[spmem:s23] =	stream.linear.scatter [tilespmem:s29], [sflag:$0xB], $0x780, $0x38;
	[tilespmem:$0x118A0] =	vst v63  }
0xb4: {  	_ =	swait.ge [sflag:s26], $0x780  }
0xb5: {  	[sflag:s26] =	ssyncset.done $0x0  }
0xb6: {  	s19 =	rddreg [dreg:$0xd];
	[sflag:s26] =	ssyncadd.s32 $0xFFFFF880  }
0xb7: {  	[spmem:s19] =	stream.linear.scatter [tilespmem:s29], [sflag:$0xB], $0x780, $0x38;
	[tilespmem:$0x118A0] =	vst v63  }
0xb8: {  	_ =	swait.ge [sflag:s26], $0x780  }
0xb9: {  	[sflag:s26] =	ssyncset.done $0x0  }
0xba: {  	s20 =	rddreg [dreg:$0xe];
	[sflag:s26] =	ssyncadd.s32 $0xFFFFF880  }
0xbb: {  	[spmem:s20] =	stream.linear.scatter [tilespmem:s29], [sflag:$0xB], $0x780, $0x38;
	[tilespmem:$0x118A0] =	vst v63  }
0xbc: {  	_ =	swait.ge [sflag:s26], $0x780  }
0xbd: {  	[sflag:s26] =	ssyncset.done $0x0  }
0xbe: {  	s21 =	rddreg [dreg:$0xf];
	[sflag:s26] =	ssyncadd.s32 $0xFFFFF880  }
0xbf: {  	[spmem:s21] =	stream.linear.scatter [tilespmem:s29], [sflag:$0xB], $0x780, $0x38;
	[tilespmem:$0x118A0] =	vst v63  }
0xc0: {  	_ =	swait.ge [sflag:s26], $0x780  }
0xc1: {  	[sflag:s26] =	ssyncset.done $0x0  }
0xc2: {  	s22 =	rddreg [dreg:$0x10];
	[sflag:s26] =	ssyncadd.s32 $0xFFFFF880  }
0xc3: {  	[spmem:s22] =	stream.linear.scatter [tilespmem:s29], [sflag:$0xB], $0x780, $0x38;
	[tilespmem:$0x118A0] =	vst v63  }
0xc4: {  	_ =	swait.ge [sflag:s26], $0x780  }
0xc5: {  	[sflag:s26] =	ssyncset.done $0x0  }
0xc6: {  	s23 =	rddreg [dreg:$0x11];
	[sflag:s26] =	ssyncadd.s32 $0xFFFFF880  }
0xc7: {  	[spmem:s23] =	stream.linear.scatter [tilespmem:s29], [sflag:$0xB], $0x780, $0x38;
	[tilespmem:$0x118A0] =	vst v63  }
0xc8: {  	_ =	swait.ge [sflag:s26], $0x780  }
0xc9: {  	[sflag:s26] =	ssyncset.done $0x0  }
0xca: {  	s19 =	rddreg [dreg:$0x12];
	[sflag:s26] =	ssyncadd.s32 $0xFFFFF880  }
0xcb: {  	[spmem:s19] =	stream.linear.scatter [tilespmem:s29], [sflag:$0xB], $0x780, $0x38;
	[tilespmem:$0x118A0] =	vst v63  }
0xcc: {  	_ =	swait.ge [sflag:s26], $0x780  }
0xcd: {  	[sflag:s26] =	ssyncset.done $0x0  }
0xce: {  	s20 =	rddreg [dreg:$0x13];
	[sflag:s26] =	ssyncadd.s32 $0xFFFFF880  }
0xcf: {  	[spmem:s20] =	stream.linear.scatter [tilespmem:s29], [sflag:$0xB], $0x780, $0x38;
	[tilespmem:$0x118A0] =	vst v63  }
0xd0: {  	_ =	swait.ge [sflag:s26], $0x780  }
0xd1: {  	[sflag:s26] =	ssyncset.done $0x0  }
0xd2: {  	s21 =	rddreg [dreg:$0x14];
	[sflag:s26] =	ssyncadd.s32 $0xFFFFF880  }
0xd3: {  	[spmem:s21] =	stream.linear.scatter [tilespmem:s29], [sflag:$0xB], $0x780, $0x38;
	[tilespmem:$0x118A0] =	vst v63  }
0xd4: {  	_ =	swait.ge [sflag:s26], $0x780  }
0xd5: {  	[sflag:s26] =	ssyncset.done $0x0  }
0xd6: {  	s22 =	rddreg [dreg:$0x15];
	[sflag:s26] =	ssyncadd.s32 $0xFFFFF880  }
0xd7: {  	[spmem:s22] =	stream.linear.scatter [tilespmem:s29], [sflag:$0xB], $0x780, $0x38;
	[tilespmem:$0x118A0] =	vst v63  }
0xd8: {  	_ =	swait.ge [sflag:s26], $0x780  }
0xd9: {  	[sflag:s26] =	ssyncset.done $0x0  }
0xda: {  	[sflag:s26] =	ssyncadd.s32 $0xFFFFF880  }
0xdb: {  	[spmem:s24] =	stream.linear.scatter [tilespmem:s29], [sflag:$0xB], $0x780, $0x38;
	[tilespmem:$0x118A0] =	vst v63  }
0xdc: {  	_ =	swait.ge [sflag:s26], $0x780  }
0xdd: {  	[sflag:s26] =	ssyncset.done $0x0  }
0xde: {  	[sflag:s26] =	ssyncadd.s32 $0xFFFFF880  }
0xdf: {  	[bflag:$0x0] =	sbarrier.arrive $0xFFFF  }
0xe0: {  	[tilespmem:s31], [sflag:$0x1] =	stream.indirect.gather [hbm4b:s4+s30], $0x30, s3, s30, $0xb8;
	[tilespmem:$0x118A0] =	vst v63  }
0xe1: {  	_ = 	snop  }
0xe2: {  	[tilespmem:s0], [sflag:$0x2] =	stream.indirect.gather [hbm4b:s4+s30], $0x30, s30, s30, $0xb8;
	[tilespmem:$0x118A0] =	vst v63  }
0xe3: {  	p0 =	por $0x1, $0x1;
	s23 =	simm.s32 $0xA0  }
0xe4: {  	[tilespmem:s28], [sflag:$0x3] =	stream.indirect.gather [hbm4b:s4+s30], $0x30, s23, s30, $0xb8;
	[tilespmem:$0x118A0] =	vst v63  }
0xe5: {  	s18 =	simm.s32 @!p0 $0xA;
	s19 =	simm.s32 $0xF0  }
0xe6: {  	[tilespmem:s2], [sflag:$0x4] =	stream.indirect.gather [hbm4b:s4+s30], $0x30, s19, s30, $0xb8;
	[tilespmem:$0x118A0] =	vst v63  }
0xe7: {  	_ =	swait.ge @!p0 [sflag:s18], $0xF00  }
0xe8: {  	[sflag:s18] =	ssyncset.done @!p0 $0x0  }
0xe9: {  	s20 =	simm.s32 $0x140;
	[sflag:s18] =	ssyncadd.s32 @!p0 $0xFFFFF100  }
0xea: {  	[tilespmem:s5], [sflag:$0x5] =	stream.indirect.gather [hbm4b:s4+s30], $0x30, s20, s30, $0xb8;
	[tilespmem:$0x118A0] =	vst v63  }
0xeb: {  	_ =	swait.ge [sflag:s6], $0xF00  }
0xec: {  	[sflag:s6] =	ssyncset.done $0x0  }
0xed: {  	s21 =	simm.s32 $0x2710;
	[sflag:s6] =	ssyncadd.s32 $0xFFFFF100  }
0xee: {  	[spmem:s1] =	stream.indirect.scatter.add.f32 [tilespmem:s31], [sflag:$0x6], $0x30, s21, s30, $0xb8;
	[tilespmem:$0x118A0] =	vst v63  }
0xef: {  	_ =	swait.ge [sflag:s7], $0xF00  }
0xf0: {  	[sflag:s7] =	ssyncset.done $0x0  }
0xf1: {  	s22 =	simm.s32 $0x190;
	[sflag:s7] =	ssyncadd.s32 $0xFFFFF100  }
0xf2: {  	[tilespmem:s31], [sflag:$0x1] =	stream.indirect.gather [hbm4b:s4+s30], $0x30, s22, s30, $0xb8;
	[tilespmem:$0x118A0] =	vst v63  }
0xf3: {  	_ =	swait.ge [sflag:s9], $0xF00  }
0xf4: {  	[sflag:s9] =	ssyncset.done $0x0  }
0xf5: {  	s23 =	simm.s32 $0x2760;
	[sflag:s9] =	ssyncadd.s32 $0xFFFFF100  }
0xf6: {  	[spmem:s1] =	stream.indirect.scatter.add.f32 [tilespmem:s0], [sflag:$0x7], $0x30, s23, s30, $0xb8;
	[tilespmem:$0x118A0] =	vst v63  }
0xf7: {  	_ =	swait.ge [sflag:s10], $0xF00  }
0xf8: {  	[sflag:s10] =	ssyncset.done $0x0  }
0xf9: {  	s19 =	simm.s32 $0x1E0;
	[sflag:s10] =	ssyncadd.s32 $0xFFFFF100  }
0xfa: {  	[tilespmem:s0], [sflag:$0x2] =	stream.indirect.gather [hbm4b:s4+s30], $0x30, s19, s30, $0xb8;
	[tilespmem:$0x118A0] =	vst v63  }
0xfb: {  	_ =	swait.ge [sflag:s11], $0xF00  }
0xfc: {  	[sflag:s11] =	ssyncset.done $0x0  }
0xfd: {  	s20 =	simm.s32 $0x27B0;
	[sflag:s11] =	ssyncadd.s32 $0xFFFFF100  }
0xfe: {  	[spmem:s1] =	stream.indirect.scatter.add.f32 [tilespmem:s28], [sflag:$0x8], $0x30, s20, s30, $0xb8;
	[tilespmem:$0x118A0] =	vst v63  }
0xff: {  	_ =	swait.ge [sflag:s12], $0xF00  }
0x100: {  	[sflag:s12] =	ssyncset.done $0x0  }
0x101: {  	s21 =	simm.s32 $0x230;
	[sflag:s12] =	ssyncadd.s32 $0xFFFFF100  }
0x102: {  	[tilespmem:s28], [sflag:$0x3] =	stream.indirect.gather [hbm4b:s4+s30], $0x30, s21, s30, $0xb8;
	[tilespmem:$0x118A0] =	vst v63  }
0x103: {  	_ =	swait.ge [sflag:s13], $0xF00  }
0x104: {  	[sflag:s13] =	ssyncset.done $0x0  }
0x105: {  	s22 =	simm.s32 $0x2800;
	[sflag:s13] =	ssyncadd.s32 $0xFFFFF100  }
0x106: {  	[spmem:s1] =	stream.indirect.scatter.add.f32 [tilespmem:s2], [sflag:$0x9], $0x30, s22, s30, $0xb8;
	[tilespmem:$0x118A0] =	vst v63  }
0x107: {  	_ =	swait.ge [sflag:s14], $0xF00  }
0x108: {  	[sflag:s14] =	ssyncset.done $0x0  }
0x109: {  	p1 =	por $0x0, $0x0;
	s23 =	simm.s32 $0x280;
	[sflag:s14] =	ssyncadd.s32 $0xFFFFF100  }
0x10a: {  	[tilespmem:s2], [sflag:$0x4] =	stream.indirect.gather [hbm4b:s4+s30], $0x30, s23, s30, $0xb8;
	[tilespmem:$0x118A0] =	vst v63  }
0x10b: {  	s18 =	simm.s32 $0x640;
	s19 =	simm.s32 $0xC80;
	_ =	swait.ge [sflag:s15], $0xF00  }
0x10c: {  	s20 =	simm.s32 $0x4;
	s21 =	simm.s32 $0x2850;
	[sflag:s15] =	ssyncset.done $0x0  }
.LBB2_2:
0x10d: {  	s22 =	simm.s32 @!p1 $0xA  }
0x10e: {  	[sflag:s15] =	ssyncadd.s32 $0xFFFFF100;
	s23 =	smov.u32 s19;
	s19 =	sadd.s32 $0x640, s19  }
0x10f: {  	[spmem:s1] =	stream.indirect.scatter.add.f32 [tilespmem:s5], [sflag:$0xA], $0x30, s21, s30, $0xb8;
	[tilespmem:$0x118A0] =	vst v63  }
0x110: {  	p0 =	sne.s32 s19, $0x9600;
	_ =	swait.ge @!p1 [sflag:s22], $0xF00  }
0x111: {  	s21 =	sshra.s32 s18, $0x2;
	s18 =	smov.u32 s23;
	[sflag:s22] =	ssyncset.done @!p1 $0x0  }
0x112: {  	[sflag:s22] =	ssyncadd.s32 @!p1 $0xFFFFF100;
	s22 =	sadd.s32 $0x140, s21  }
0x113: {  	[tilespmem:s5], [sflag:$0x5] =	stream.indirect.gather [hbm4b:s4+s30], $0x30, s22, s30, $0xb8;
	[tilespmem:$0x118A0] =	vst v63  }
0x114: {  	_ =	swait.ge [sflag:s6], $0xF00  }
0x115: {  	[sflag:s6] =	ssyncset.done $0x0  }
0x116: {  	s22 =	sadd.s32 $0x2710, s21;
	[sflag:s6] =	ssyncadd.s32 $0xFFFFF100  }
0x117: {  	[spmem:s1] =	stream.indirect.scatter.add.f32 [tilespmem:s31], [sflag:$0x6], $0x30, s22, s30, $0xb8;
	[tilespmem:$0x118A0] =	vst v63  }
0x118: {  	_ =	swait.ge [sflag:s7], $0xF00  }
0x119: {  	[sflag:s7] =	ssyncset.done $0x0  }
0x11a: {  	s22 =	sadd.s32 $0x190, s21;
	[sflag:s7] =	ssyncadd.s32 $0xFFFFF100  }
0x11b: {  	[tilespmem:s31], [sflag:$0x1] =	stream.indirect.gather [hbm4b:s4+s30], $0x30, s22, s30, $0xb8;
	[tilespmem:$0x118A0] =	vst v63  }
0x11c: {  	_ =	swait.ge [sflag:s9], $0xF00  }
0x11d: {  	[sflag:s9] =	ssyncset.done $0x0  }
0x11e: {  	s22 =	sadd.s32 $0x2760, s21;
	[sflag:s9] =	ssyncadd.s32 $0xFFFFF100  }
0x11f: {  	[spmem:s1] =	stream.indirect.scatter.add.f32 [tilespmem:s0], [sflag:$0x7], $0x30, s22, s30, $0xb8;
	[tilespmem:$0x118A0] =	vst v63  }
0x120: {  	_ =	swait.ge [sflag:s10], $0xF00  }
0x121: {  	[sflag:s10] =	ssyncset.done $0x0  }
0x122: {  	s22 =	sadd.s32 $0x1E0, s21;
	[sflag:s10] =	ssyncadd.s32 $0xFFFFF100  }
0x123: {  	[tilespmem:s0], [sflag:$0x2] =	stream.indirect.gather [hbm4b:s4+s30], $0x30, s22, s30, $0xb8;
	[tilespmem:$0x118A0] =	vst v63  }
0x124: {  	_ =	swait.ge [sflag:s11], $0xF00  }
0x125: {  	[sflag:s11] =	ssyncset.done $0x0  }
0x126: {  	s22 =	sadd.s32 $0x27B0, s21;
	[sflag:s11] =	ssyncadd.s32 $0xFFFFF100  }
0x127: {  	[spmem:s1] =	stream.indirect.scatter.add.f32 [tilespmem:s28], [sflag:$0x8], $0x30, s22, s30, $0xb8;
	[tilespmem:$0x118A0] =	vst v63  }
0x128: {  	_ =	swait.ge [sflag:s12], $0xF00  }
0x129: {  	[sflag:s12] =	ssyncset.done $0x0  }
0x12a: {  	s22 =	sadd.s32 $0x230, s21;
	[sflag:s12] =	ssyncadd.s32 $0xFFFFF100  }
0x12b: {  	[tilespmem:s28], [sflag:$0x3] =	stream.indirect.gather [hbm4b:s4+s30], $0x30, s22, s30, $0xb8;
	[tilespmem:$0x118A0] =	vst v63  }
0x12c: {  	_ =	swait.ge [sflag:s13], $0xF00  }
0x12d: {  	[sflag:s13] =	ssyncset.done $0x0  }
0x12e: {  	s22 =	sadd.s32 $0x2800, s21;
	[sflag:s13] =	ssyncadd.s32 $0xFFFFF100  }
0x12f: {  	[spmem:s1] =	stream.indirect.scatter.add.f32 [tilespmem:s2], [sflag:$0x9], $0x30, s22, s30, $0xb8;
	[tilespmem:$0x118A0] =	vst v63  }
0x130: {  	_ =	swait.ge [sflag:s14], $0xF00  }
.Ltmp0:
0x131: {  	[sflag:s14] =	ssyncset.done $0x0;
	(pc) =	sbr.rel @p0 .LBB2_2-.Ltmp0, $4  }
0x132: {  	s22 =	sadd.s32 $0x280, s21;
	[sflag:s14] =	ssyncadd.s32 $0xFFFFF100  }
0x133: {  	[tilespmem:s2], [sflag:$0x4] =	stream.indirect.gather [hbm4b:s4+s30], $0x30, s22, s30, $0xb8;
	[tilespmem:$0x118A0] =	vst v63  }
0x134: {  	s20 =	sadd.s32 $0x5, s20;
	_ =	swait.ge [sflag:s15], $0xF00  }
0x135: {  	p1 =	sgt.u32 s20, $0x77;
	s21 =	sadd.s32 $0x2850, s21;
	[sflag:s15] =	ssyncset.done $0x0  }
0x136: {  	[sflag:s15] =	ssyncadd.s32 $0xFFFFF100;
	s19 =	simm.s32 @!p1 $0xA  }
0x137: {  	[spmem:s1] =	stream.indirect.scatter.add.f32 [tilespmem:s5], [sflag:$0xA], $0x30, s21, s30, $0xb8;
	[tilespmem:$0x118A0] =	vst v63  }
0x138: {  	_ =	swait.ge @!p1 [sflag:s19], $0xF00  }
0x139: {  	s18 =	sshra.s32 s18, $0x2;
	[sflag:s19] =	ssyncset.done @!p1 $0x0  }
0x13a: {  	s23 =	sadd.s32 $0x140, s18;
	[sflag:s19] =	ssyncadd.s32 @!p1 $0xFFFFF100  }
0x13b: {  	[tilespmem:s5], [sflag:$0x5] =	stream.indirect.gather [hbm4b:s4+s30], $0x30, s23, s30, $0xb8;
	[tilespmem:$0x118A0] =	vst v63  }
0x13c: {  	_ =	swait.ge [sflag:s6], $0xF00  }
0x13d: {  	[sflag:s6] =	ssyncset.done $0x0  }
0x13e: {  	s20 =	sadd.s32 $0x2710, s18;
	[sflag:s6] =	ssyncadd.s32 $0xFFFFF100  }
0x13f: {  	[spmem:s1] =	stream.indirect.scatter.add.f32 [tilespmem:s31], [sflag:$0x6], $0x30, s20, s30, $0xb8;
	[tilespmem:$0x118A0] =	vst v63  }
0x140: {  	_ =	swait.ge [sflag:s7], $0xF00  }
0x141: {  	[sflag:s7] =	ssyncset.done $0x0  }
0x142: {  	s21 =	sadd.s32 $0x190, s18;
	[sflag:s7] =	ssyncadd.s32 $0xFFFFF100  }
0x143: {  	[tilespmem:s31], [sflag:$0x1] =	stream.indirect.gather [hbm4b:s4+s30], $0x30, s21, s30, $0xb8;
	[tilespmem:$0x118A0] =	vst v63  }
0x144: {  	_ =	swait.ge [sflag:s9], $0xF00  }
0x145: {  	[sflag:s9] =	ssyncset.done $0x0  }
0x146: {  	s22 =	sadd.s32 $0x2760, s18;
	[sflag:s9] =	ssyncadd.s32 $0xFFFFF100  }
0x147: {  	[spmem:s1] =	stream.indirect.scatter.add.f32 [tilespmem:s0], [sflag:$0x7], $0x30, s22, s30, $0xb8;
	[tilespmem:$0x118A0] =	vst v63  }
0x148: {  	_ =	swait.ge [sflag:s10], $0xF00  }
0x149: {  	[sflag:s10] =	ssyncset.done $0x0  }
0x14a: {  	s23 =	sadd.s32 $0x1E0, s18;
	[sflag:s10] =	ssyncadd.s32 $0xFFFFF100  }
0x14b: {  	[tilespmem:s0], [sflag:$0x2] =	stream.indirect.gather [hbm4b:s4+s30], $0x30, s23, s30, $0xb8;
	[tilespmem:$0x118A0] =	vst v63  }
0x14c: {  	_ =	swait.ge [sflag:s11], $0xF00  }
0x14d: {  	[sflag:s11] =	ssyncset.done $0x0  }
0x14e: {  	s20 =	sadd.s32 $0x27B0, s18;
	[sflag:s11] =	ssyncadd.s32 $0xFFFFF100  }
0x14f: {  	[spmem:s1] =	stream.indirect.scatter.add.f32 [tilespmem:s28], [sflag:$0x8], $0x30, s20, s30, $0xb8;
	[tilespmem:$0x118A0] =	vst v63  }
0x150: {  	_ =	swait.ge [sflag:s12], $0xF00  }
0x151: {  	[sflag:s12] =	ssyncset.done $0x0  }
0x152: {  	s21 =	sadd.s32 $0x230, s18;
	[sflag:s12] =	ssyncadd.s32 $0xFFFFF100  }
0x153: {  	[tilespmem:s28], [sflag:$0x3] =	stream.indirect.gather [hbm4b:s4+s30], $0x30, s21, s30, $0xb8;
	[tilespmem:$0x118A0] =	vst v63  }
0x154: {  	_ =	swait.ge [sflag:s13], $0xF00  }
0x155: {  	[sflag:s13] =	ssyncset.done $0x0  }
0x156: {  	s22 =	sadd.s32 $0x2800, s18;
	[sflag:s13] =	ssyncadd.s32 $0xFFFFF100  }
0x157: {  	[spmem:s1] =	stream.indirect.scatter.add.f32 [tilespmem:s2], [sflag:$0x9], $0x30, s22, s30, $0xb8;
	[tilespmem:$0x118A0] =	vst v63  }
0x158: {  	_ =	swait.ge [sflag:s14], $0xF00  }
0x159: {  	[sflag:s14] =	ssyncset.done $0x0  }
0x15a: {  	s23 =	sadd.s32 $0x280, s18;
	[sflag:s14] =	ssyncadd.s32 $0xFFFFF100  }
0x15b: {  	[tilespmem:s2], [sflag:$0x4] =	stream.indirect.gather [hbm4b:s4+s30], $0x30, s23, s30, $0xb8;
	[tilespmem:$0x118A0] =	vst v63  }
0x15c: {  	_ =	swait.ge [sflag:s15], $0xF00  }
0x15d: {  	[sflag:s15] =	ssyncset.done $0x0  }
0x15e: {  	s18 =	sadd.s32 $0x2850, s18;
	[sflag:s15] =	ssyncadd.s32 $0xFFFFF100  }
0x15f: {  	[spmem:s1] =	stream.indirect.scatter.add.f32 [tilespmem:s5], [sflag:$0xA], $0x30, s18, s30, $0xb8;
	[tilespmem:$0x118A0] =	vst v63  }
0x160: {  	_ =	swait.ge [sflag:s16], $0xF00  }
0x161: {  	[sflag:s16] =	ssyncset.done $0x0  }
0x162: {  	s20 =	simm.s32 $0x26C0;
	[sflag:s16] =	ssyncadd.s32 $0xFFFFF100  }
0x163: {  	[tilespmem:s5], [sflag:$0x5] =	stream.indirect.gather [hbm4b:s4+s30], $0x30, s20, s30, $0xb8;
	[tilespmem:$0x118A0] =	vst v63  }
0x164: {  	_ =	swait.ge [sflag:s6], $0xF00  }
0x165: {  	[sflag:s6] =	ssyncset.done $0x0  }
0x166: {  	s21 =	simm.s32 $0x4C90;
	[sflag:s6] =	ssyncadd.s32 $0xFFFFF100  }
0x167: {  	[spmem:s1] =	stream.indirect.scatter.add.f32 [tilespmem:s31], [sflag:$0x6], $0x30, s21, s30, $0xb8;
	[tilespmem:$0x118A0] =	vst v63  }
0x168: {  	_ =	swait.ge [sflag:s9], $0xF00  }
0x169: {  	[sflag:s9] =	ssyncset.done $0x0  }
0x16a: {  	s22 =	simm.s32 $0x4CE0;
	[sflag:s9] =	ssyncadd.s32 $0xFFFFF100  }
0x16b: {  	[spmem:s1] =	stream.indirect.scatter.add.f32 [tilespmem:s0], [sflag:$0x7], $0x30, s22, s30, $0xb8;
	[tilespmem:$0x118A0] =	vst v63  }
0x16c: {  	_ =	swait.ge [sflag:s11], $0xF00  }
0x16d: {  	[sflag:s11] =	ssyncset.done $0x0  }
0x16e: {  	s23 =	simm.s32 $0x4D30;
	[sflag:s11] =	ssyncadd.s32 $0xFFFFF100  }
0x16f: {  	[spmem:s1] =	stream.indirect.scatter.add.f32 [tilespmem:s28], [sflag:$0x8], $0x30, s23, s30, $0xb8;
	[tilespmem:$0x118A0] =	vst v63  }
0x170: {  	_ =	swait.ge [sflag:s13], $0xF00  }
0x171: {  	[sflag:s13] =	ssyncset.done $0x0  }
0x172: {  	s19 =	simm.s32 $0x4D80;
	[sflag:s13] =	ssyncadd.s32 $0xFFFFF100  }
0x173: {  	[spmem:s1] =	stream.indirect.scatter.add.f32 [tilespmem:s2], [sflag:$0x9], $0x30, s19, s30, $0xb8;
	[tilespmem:$0x118A0] =	vst v63  }
0x174: {  	_ =	swait.ge [sflag:s15], $0xF00  }
0x175: {  	[sflag:s15] =	ssyncset.done $0x0  }
0x176: {  	s20 =	simm.s32 $0x4DD0;
	[sflag:s15] =	ssyncadd.s32 $0xFFFFF100  }
0x177: {  	[spmem:s1] =	stream.indirect.scatter.add.f32 [tilespmem:s5], [sflag:$0xA], $0x30, s20, s30, $0xb8;
	[tilespmem:$0x118A0] =	vst v63  }
0x178: {  	_ =	swait.ge [sflag:s7], $0xF00  }
0x179: {  	[sflag:s7] =	ssyncset.done $0x0  }
0x17a: {  	[sflag:s7] =	ssyncadd.s32 $0xFFFFF100  }
0x17b: {  	_ =	swait.ge [sflag:s10], $0xF00  }
0x17c: {  	[sflag:s10] =	ssyncset.done $0x0  }
0x17d: {  	[sflag:s10] =	ssyncadd.s32 $0xFFFFF100  }
0x17e: {  	_ =	swait.ge [sflag:s12], $0xF00  }
0x17f: {  	[sflag:s12] =	ssyncset.done $0x0  }
0x180: {  	[sflag:s12] =	ssyncadd.s32 $0xFFFFF100  }
0x181: {  	_ =	swait.ge [sflag:s14], $0xF00  }
0x182: {  	[sflag:s14] =	ssyncset.done $0x0  }
0x183: {  	[sflag:s14] =	ssyncadd.s32 $0xFFFFF100  }
0x184: {  	_ =	swait.ge [sflag:s16], $0xF00  }
0x185: {  	[sflag:s16] =	ssyncset.done $0x0  }
0x186: {  	s21 =	stileid.u32;
	[sflag:s16] =	ssyncadd.s32 $0xFFFFF100  }
0x187: {  	s18 =	sshll.u32 s21, $0x6;
	[bflag:$0x0] =	sbarrier.arrive $0xFFFF  }
0x188: {  	s18 =	sor.u32 $0x1C0B, s18;
	s22 =	rddreg [dreg:$0x6]  }
0x189: {  	[hbm:s22], [sflag:s18] =	dma.local [spmem:s25], $0xF00  }
0x18a: {  	_ =	swait.ge [sflag:s26], $0xF00  }
0x18b: {  	s17 =	sadd.s32 $0x1, s17;
	s23 =	rddreg [dreg:$0x7]  }
0x18c: {  	p0 =	sne.s32 s17, s23  }
.Ltmp1:
0x18d: {  	_ = 	snop;
	(pc) =	sbr.rel @p0 .LBB2_1-.Ltmp1, $3  }
0x18e: {  	_ =	sdelay $0x1  }
0x18f: {  	[sflag:s26] =	ssyncset.done $0x0  }
0x190: {  	[sflag:s26] =	ssyncadd.s32 $0xFFFFF100  }
0x191: {  	_ =	sfence.sel $0x180000  }
0x192: {  	[bflag:$0x0] =	sbarrier.arrive $0xFFFF  }
0x193: {  	_ =	strace $0x9000004A  }
0x194: {  	s0 =	stileid.u32;
	[bflag:$0x2] =	sbarrier.arrive $0xFFFF  }
0x195: {  	p0 =	sne.s32 s0, $0x0;
	s0 =	rddreg [dreg:$0x3]  }
0x196: {  	s0 =	sadd.s32 @!p0 $0x100000, s0  }
0x197: {  	[sflag:s0] =	ssyncadd.tile.s32 @!p0 $0x1;
	_ =	shalt  }
.Lfunc_end2:
_tile_overlayer_lowered:
.L_overlay_start_2:
0x198: {  	(tag) =	ssettag $0x2  }
0x199: {  	s0 =	rddreg [dreg:$0x0];
	s2 =	stileid.u32  }
0x19a: {  	s1 =	rddreg [dreg:$0x1];
	p0 =	sne.s32 s2, $0x0  }
0x19b: {  	s3 =	rddreg [dreg:$0x2];
	[bflag:$0x3] =	sbarrier.arrive $0xFFFF;
	s2 =	simm.s32 @!p0 $0x1C0B  }
0x19c: {  	[timem:s3], [sflag:s2] =	dma.local @!p0 [hbm:s0], s1  }
0x19d: {  	s0 =	simm.s32 @!p0 $0xB  }
0x19e: {  	_ =	swait.ge @!p0 [sflag:s0], s1  }
0x19f: {  	s1 =	ssub.s32 @!p0 $0x0, s1;
	[sflag:s0] =	ssyncset.done @!p0 $0x0  }
0x1a0: {  	[sflag:s0] =	ssyncadd.s32 @!p0 s1  }
0x1a1: {  	[bflag:$0x3] =	sbarrier.arrive $0xFFFF  }
0x1a2: {  	_ =	shalt  }

</sc_bundles>
